<compile_context>
chip_gen: v7x
topology: tpu7x:2x2x1
jax: 0.10.2.dev20260603
libtpu: 0.0.44.dev20260713+nightly
codegen_flags: <defaults>
</compile_context>

<pallas_src>
import functools

import jax
import jax.numpy as jnp
from jax import lax
from jax.experimental import pallas as pl
from jax.experimental.pallas import tpu as pltpu
from jax.experimental.pallas import tpu_sc as plsc

N = 10000
E = 320000
NP = 10240
D = 128
BLK = 2048
NT = 32
NSUB = 16
K = 128
NCH = E // K
DH = D // 2
CPT = NCH // NSUB
CREM = NCH - CPT * NSUB
RPS = NP // NSUB
RB = 4
EPT = E // NT



def _feat_segsum_body(yab_hbm, src_hbm, dst_hbm, out_hbm, cnt_hbm,
                      acc, sidx, didx, rows0, rows1, rows2, rows3, cacc,
                      sem_g0, sem_g1, sem_g2, sem_g3,
                      sem_s0, sem_s1, sem_s2, sem_s3):
    cid = lax.axis_index("c")
    sid = lax.axis_index("s")
    ytab = yab_hbm.at[cid]
    c0 = CPT * sid + jnp.minimum(sid, CREM)
    nch = CPT + (sid < CREM).astype(jnp.int32)

    pltpu.sync_copy(src_hbm.at[pl.ds(c0, CPT)], sidx.at[pl.ds(0, CPT)])
    pltpu.sync_copy(dst_hbm.at[pl.ds(c0, CPT)], didx.at[pl.ds(0, CPT)])

    @pl.when(sid < CREM)
    def _():
        pltpu.sync_copy(src_hbm.at[pl.ds(c0 + CPT, 1)], sidx.at[pl.ds(CPT, 1)])
        pltpu.sync_copy(dst_hbm.at[pl.ds(c0 + CPT, 1)], didx.at[pl.ds(CPT, 1)])

    zero = jnp.zeros((16,), jnp.float32)

    @plsc.parallel_loop(0, K, unroll=4)
    def _zrows(i):
        for j in range(DH // 16):
            rows0[i, pl.ds(j * 16, 16)] = zero

    @pl.when(cid == 0)
    def _():
        @plsc.parallel_loop(0, NP // 16, unroll=8)
        def _zcnt(i):
            cacc[pl.ds(i * 16, 16)] = zero

    for r in range(RPS // K):
        pltpu.sync_copy(rows0, acc.at[pl.ds(sid * RPS + r * K, K)])
    plsc.subcore_barrier()

    bufs = (rows0, rows1, rows2, rows3)
    gsems = (sem_g0, sem_g1, sem_g2, sem_g3)
    ssems = (sem_s0, sem_s1, sem_s2, sem_s3)

    def _sc_wait(t, b):
        pltpu.make_async_copy(bufs[b], acc.at[didx.at[t]], ssems[b]).wait()

    for p in range(RB - 1):
        pltpu.make_async_copy(ytab.at[sidx.at[p]], bufs[p], gsems[p]).start()

    def _step(t, b):
        bn = (b + RB - 1) % RB

        @pl.when(t + RB - 1 < nch)
        def _():
            @pl.when(t >= 1)
            def _():
                _sc_wait(t - 1, bn)

            pltpu.make_async_copy(ytab.at[sidx.at[t + RB - 1]], bufs[bn],
                                  gsems[bn]).start()

        pltpu.make_async_copy(ytab.at[sidx.at[t]], bufs[b], gsems[b]).wait()
        pltpu.make_async_copy(bufs[b], acc.at[didx.at[t]],
                              ssems[b]).start(add=True)

    onesv = jnp.full((16,), 1.0, jnp.float32)

    def mbody(t, carry):
        @pl.when(cid == 0)
        def _():
            for g in range(K // 16):
                dv = didx[t, pl.ds(g * 16, 16)]
                plsc.addupdate_scatter(cacc, [dv], onesv)

        for b in range(RB):
            @pl.when(t % RB == b)
            def _(b=b):
                _step(t, b)

        return carry

    lax.fori_loop(0, nch, mbody, 0)

    for r in range(RB):
        @pl.when(nch % RB == r)
        def _(r=r):
            for q in range(RB, 0, -1):
                _sc_wait(nch - q, (r - q) % RB)

    plsc.subcore_barrier()

    pltpu.sync_copy(acc.at[pl.ds(sid * RPS, RPS)],
                    out_hbm.at[cid, pl.ds(sid * RPS, RPS)])

    @pl.when(cid == 0)
    def _():
        pltpu.sync_copy(cacc, cnt_hbm.at[sid])


def _scalar_segsum_body(tab_hbm, src_hbm, dst_hbm, out_hbm, tab, acc, sbuf, dbuf):
    wid = lax.axis_index("s") * 2 + lax.axis_index("c")
    base = wid * EPT
    pltpu.sync_copy(tab_hbm, tab)
    pltpu.sync_copy(src_hbm.at[pl.ds(base, EPT)], sbuf)
    pltpu.sync_copy(dst_hbm.at[pl.ds(base, EPT)], dbuf)

    zero = jnp.zeros((16,), jnp.float32)

    @plsc.parallel_loop(0, NP // 16, unroll=8)
    def _zero(i):
        acc[pl.ds(i * 16, 16)] = zero

    @plsc.parallel_loop(0, EPT // 16, unroll=8)
    def _groups(g):
        sv = sbuf[pl.ds(g * 16, 16)]
        dv = dbuf[pl.ds(g * 16, 16)]
        vals = plsc.load_gather(tab, [sv])
        plsc.addupdate_scatter(acc, [dv], vals)

    pltpu.sync_copy(acc, out_hbm.at[wid])


@functools.cache
def _sc_kernels():
    mesh = plsc.VectorSubcoreMesh(core_axis_name="c", subcore_axis_name="s")
    params = pltpu.CompilerParams(needs_layout_passes=False)
    feat = pl.kernel(
        _feat_segsum_body,
        mesh=mesh,
        compiler_params=pltpu.CompilerParams(
            needs_layout_passes=False, use_tc_tiling_on_sc=False),
        out_type=[jax.ShapeDtypeStruct((2, NP, DH), jnp.float32),
                  jax.ShapeDtypeStruct((NSUB, NP), jnp.float32)],
        scratch_types=[
            pltpu.MemorySpace.VMEM_SHARED((NP, DH), jnp.float32),
            pltpu.VMEM((CPT + 1, K), jnp.int32),
            pltpu.VMEM((CPT + 1, K), jnp.int32),
            pltpu.VMEM((K, DH), jnp.float32),
            pltpu.VMEM((K, DH), jnp.float32),
            pltpu.VMEM((K, DH), jnp.float32),
            pltpu.VMEM((K, DH), jnp.float32),
            pltpu.VMEM((NP,), jnp.float32),
            pltpu.SemaphoreType.DMA,
            pltpu.SemaphoreType.DMA,
            pltpu.SemaphoreType.DMA,
            pltpu.SemaphoreType.DMA,
            pltpu.SemaphoreType.DMA,
            pltpu.SemaphoreType.DMA,
            pltpu.SemaphoreType.DMA,
            pltpu.SemaphoreType.DMA,
        ],
    )
    scalar = pl.kernel(
        _scalar_segsum_body,
        mesh=mesh,
        compiler_params=params,
        out_type=jax.ShapeDtypeStruct((NT, NP), jnp.float32),
        scratch_types=[
            pltpu.VMEM((NP,), jnp.float32),
            pltpu.VMEM((NP,), jnp.float32),
            pltpu.VMEM((EPT,), jnp.int32),
            pltpu.VMEM((EPT,), jnp.int32),
        ],
    )
    return feat, scalar



_DN_T = (((1,), (1,)), ((), ()))


def _split_store(yab_ref, y):
    yab_ref[0] = y[:, :DH]
    yab_ref[1] = y[:, DH:]


def _dinv_row(cnt_ref):
    s = jnp.sum(cnt_ref[...], axis=0, keepdims=True)
    return 1.0 / jnp.maximum(s, 1.0)


def _l1_body(x_ref, wl_ref, wr_ref, b_ref, yab_ref, z_ref):
    xb = x_ref[...]
    _split_store(yab_ref, lax.dot_general(xb, wl_ref[...], _DN_T,
                                          preferred_element_type=jnp.float32))
    z_ref[...] = lax.dot_general(xb, wr_ref[...], _DN_T,
                                 preferred_element_type=jnp.float32) + b_ref[...]


def _mid_body(agg_ref, z_ref, cnt_ref, a_ref, wl_ref, wr_ref,
              b_ref, yab_ref, zo_ref):
    agg = jnp.concatenate([agg_ref[0], agg_ref[1]], axis=1)
    dinv = jnp.transpose(_dinv_row(cnt_ref), (1, 0))
    pre = agg * dinv + z_ref[...]
    h = jnp.where(pre >= 0, pre, a_ref[...] * pre)
    _split_store(yab_ref, lax.dot_general(h, wl_ref[...], _DN_T,
                                          preferred_element_type=jnp.float32))
    zo_ref[...] = lax.dot_general(h, wr_ref[...], _DN_T,
                                  preferred_element_type=jnp.float32) + b_ref[...]


def _head_body(agg_ref, z_ref, cnt_ref, a_ref, uv_ref, st_ref):
    agg = jnp.concatenate([agg_ref[0], agg_ref[1]], axis=1)
    dinv = jnp.transpose(_dinv_row(cnt_ref), (1, 0))
    pre = agg * dinv + z_ref[...]
    h = jnp.where(pre >= 0, pre, a_ref[...] * pre)
    st_ref[...] = lax.dot_general(uv_ref[...], h, _DN_T,
                                  preferred_element_type=jnp.float32)


def _final_body(part_ref, t_ref, cnt_ref, c_ref, out_ref):
    s = jnp.sum(part_ref[...], axis=0, keepdims=True)
    out_ref[...] = s * _dinv_row(cnt_ref) + t_ref[...] + c_ref[...]


def _full(shape):
    return pl.BlockSpec(shape, lambda j: (0,) * len(shape))


def _nblk(shape2):
    return pl.BlockSpec(shape2, lambda j: (j, 0))


_AB_SPEC = pl.BlockSpec((2, BLK, DH), lambda j: (0, j, 0))
_AB_SHAPE = jax.ShapeDtypeStruct((2, NP, DH), jnp.float32)


_CNT_SPEC = pl.BlockSpec((NSUB, BLK), lambda j: (0, j))


def _tc_l1(x, wl, wr, b):
    return pl.pallas_call(
        _l1_body,
        grid=(NP // BLK,),
        in_specs=[_nblk((BLK, D)), _full((D, D)), _full((D, D)), _full((1, D))],
        out_specs=[_AB_SPEC, _nblk((BLK, D))],
        out_shape=[_AB_SHAPE, jax.ShapeDtypeStruct((NP, D), jnp.float32)],
    )(x, wl, wr, b)


def _tc_mid(agg, z, cnt, a, wl, wr, b):
    return pl.pallas_call(
        _mid_body,
        grid=(NP // BLK,),
        in_specs=[_AB_SPEC, _nblk((BLK, D)), _CNT_SPEC,
                  _full((1, 1)), _full((D, D)), _full((D, D)), _full((1, D))],
        out_specs=[_AB_SPEC, _nblk((BLK, D))],
        out_shape=[_AB_SHAPE, jax.ShapeDtypeStruct((NP, D), jnp.float32)],
    )(agg, z, cnt, a, wl, wr, b)


def _tc_head(agg, z, cnt, a, uv):
    return pl.pallas_call(
        _head_body,
        grid=(NP // BLK,),
        in_specs=[_AB_SPEC, _nblk((BLK, D)), _CNT_SPEC,
                  _full((1, 1)), _full((2, D))],
        out_specs=pl.BlockSpec((2, BLK), lambda j: (0, j)),
        out_shape=jax.ShapeDtypeStruct((2, NP), jnp.float32),
    )(agg, z, cnt, a, uv)


def _tc_final(part, t, cnt, c):
    return pl.pallas_call(
        _final_body,
        grid=(NP // BLK,),
        in_specs=[pl.BlockSpec((NT, BLK), lambda j: (0, j)),
                  pl.BlockSpec((1, BLK), lambda j: (0, j)),
                  _CNT_SPEC,
                  _full((1, 1))],
        out_specs=pl.BlockSpec((1, BLK), lambda j: (0, j)),
        out_shape=jax.ShapeDtypeStruct((1, NP), jnp.float32),
    )(part, t, cnt, c)



def kernel(x, edge_index, W1l, b1, W1r, W2l, b2, W2r, W3l, b3, W3r, a, Wp, bp):
    src = edge_index[0]
    dst = edge_index[1]
    src2 = jnp.reshape(src, (NCH, K))
    dst2 = jnp.reshape(dst, (NCH, K))
    xp = jnp.pad(x, ((0, NP - N), (0, 0)))
    a2 = jnp.reshape(a, (1, 1))
    b1r = jnp.reshape(b1, (1, D))
    b2r = jnp.reshape(b2, (1, D))
    uv = jnp.concatenate([Wp @ W3l, Wp @ W3r], axis=0)
    c = jnp.reshape(Wp @ b3 + bp, (1, 1))

    feat_segsum, scalar_segsum = _sc_kernels()
    y1, z1 = _tc_l1(xp, W1l, W1r, b1r)
    agg1, cnt = feat_segsum(y1, src2, dst2)
    y2, z2 = _tc_mid(agg1, z1, cnt, a2, W2l, W2r, b2r)
    agg2, _ = feat_segsum(y2, src2, dst2)
    st = _tc_head(agg2, z2, cnt, a2, uv)
    spart = scalar_segsum(st[0], src, dst)
    out = _tc_final(spart, st[1:2], cnt, c)
    return out[0, :N]

# --- scband reference (transcript-rebuilt; emitter-appended) ---
"""Pipeline reference for scband-level-predictor-26104811225562 (READ-ONLY COPY).

The authoritative reference and input builder live on the scoring server;
editing this copy changes nothing except your own understanding.
"""

import jax, jax.numpy as jnp
import numpy as np

N = 10000
E = 320000
D_IN = 128
D_H = 128
D_OUT = 64


def setup_inputs(seed: int = 0) -> dict:
    key = jax.random.key(seed)
    ks = jax.random.split(key, 16)
    x = jax.random.normal(ks[0], (N, D_IN), dtype=jnp.float32)
    edge_index = jax.random.randint(ks[1], (2, E), 0, N, dtype=jnp.int32)
    s = 0.05
    W1l = jax.random.normal(ks[2], (D_H, D_IN), dtype=jnp.float32) * s
    b1 = jnp.zeros((D_H,), dtype=jnp.float32)
    W1r = jax.random.normal(ks[3], (D_H, D_IN), dtype=jnp.float32) * s
    W2l = jax.random.normal(ks[4], (D_H, D_H), dtype=jnp.float32) * s
    b2 = jnp.zeros((D_H,), dtype=jnp.float32)
    W2r = jax.random.normal(ks[5], (D_H, D_H), dtype=jnp.float32) * s
    W3l = jax.random.normal(ks[6], (D_OUT, D_H), dtype=jnp.float32) * s
    b3 = jnp.zeros((D_OUT,), dtype=jnp.float32)
    W3r = jax.random.normal(ks[7], (D_OUT, D_H), dtype=jnp.float32) * s
    a = jnp.array(0.25, dtype=jnp.float32)  # PReLU single parameter
    Wp = jax.random.normal(ks[8], (1, D_OUT), dtype=jnp.float32) * s
    bp = jnp.zeros((1,), dtype=jnp.float32)
    return {"x": x, "edge_index": edge_index, "W1l": W1l, "b1": b1, "W1r": W1r,
            "W2l": W2l, "b2": b2, "W2r": W2r, "W3l": W3l, "b3": b3, "W3r": W3r,
            "a": a, "Wp": Wp, "bp": bp}


def _sage_conv(x, src, dst, Wl, bl, Wr, num_nodes):
    # SAGEConv with mean aggregation: out = lin_l(mean_j x_j) + lin_r(x)
    msg = jnp.take(x, src, axis=0)
    agg = jax.ops.segment_sum(msg, dst, num_segments=num_nodes)
    deg = jax.ops.segment_sum(jnp.ones((src.shape[0],), dtype=x.dtype), dst, num_segments=num_nodes)
    mean = agg / jnp.maximum(deg, 1.0)[:, None]
    return mean @ Wl.T + bl + x @ Wr.T


def _prelu(h, a):
    return jnp.where(h >= 0, h, a * h)


def reference(x, edge_index, W1l, b1, W1r, W2l, b2, W2r, W3l, b3, W3r, a, Wp, bp):
    src = edge_index[0]
    dst = edge_index[1]
    n = x.shape[0]
    h = _sage_conv(x, src, dst, W1l, b1, W1r, n)
    h = _prelu(h, a)
    # dropout = 0.0 -> no-op
    h = _sage_conv(h, src, dst, W2l, b2, W2r, n)
    h = _prelu(h, a)
    h = _sage_conv(h, src, dst, W3l, b3, W3r, n)
    level_output = (h @ Wp.T + bp).squeeze(-1)
    return level_output

if __name__ == "__main__":
    import jax
    _d = setup_inputs()
    print(jax.jit(kernel)(*tuple(_d.values())))

</pallas_src>

<mosaic_0001>
#map = affine_map<(d0, d1) -> (0)>
#map1 = affine_map<(d0, d1) -> (0, 0)>
module attributes {stable_mosaic.version = 14 : i64} {
  func.func @_scalar_segsum_body(%arg0: i32, %arg1: i32, %arg2: memref<10240xf32, #tpu.memory_space<hbm>>, %arg3: memref<320000xi32, #tpu.memory_space<hbm>>, %arg4: memref<320000xi32, #tpu.memory_space<hbm>>, %arg5: memref<32x10240xf32, #tpu.memory_space<hbm>>, %arg6: memref<10240xf32, #tpu.memory_space<vmem>>, %arg7: memref<10240xf32, #tpu.memory_space<vmem>>, %arg8: memref<10000xi32, #tpu.memory_space<vmem>>, %arg9: memref<10000xi32, #tpu.memory_space<vmem>>) attributes {dimension_semantics = [#tpu.dimension_semantics<core_parallel>, #tpu.dimension_semantics<subcore_parallel>], iteration_bounds = array<i64: 2, 16>, scalar_prefetch = 0 : i64, scratch_operands = 4 : i64, tpu.core_type = #tpu.core_type<sc_vector_subcore>, window_params = [{transform_indices = #map}, {transform_indices = #map}, {transform_indices = #map}, {transform_indices = #map1}]} {
    %mul3A = arith.constant 2 : i32
    %mul3A_0 = arith.muli %arg1, %mul3A : i32
    %add3A = arith.addi %mul3A_0, %arg0 : i32
    %mul3A_1 = arith.constant 10000 : i32
    %mul3A_2 = arith.muli %add3A, %mul3A_1 : i32
    "tpu.region"() ({
      %run_scoped3A = tpu.sem_alloc : memref<!tpu.dma_semaphore, #tpu.memory_space<semaphore_mem>>
      tpu.enqueue_dma source(%arg2 : memref<10240xf32, #tpu.memory_space<hbm>>) target(%arg6 : memref<10240xf32, #tpu.memory_space<vmem>>) target_semaphore(%run_scoped3A : memref<!tpu.dma_semaphore, #tpu.memory_space<semaphore_mem>>)
      tpu.wait_dma2 semaphore(%run_scoped3A : memref<!tpu.dma_semaphore, #tpu.memory_space<semaphore_mem>>) src(%arg2 : memref<10240xf32, #tpu.memory_space<hbm>>) dst(%arg6 : memref<10240xf32, #tpu.memory_space<vmem>>)
      tpu.yield
    }) : () -> ()
    "tpu.region"() ({
      %run_scoped3A = tpu.sem_alloc : memref<!tpu.dma_semaphore, #tpu.memory_space<semaphore_mem>>
      %dma_start3A = tpu.memref_slice %arg3[%mul3A_2] : memref<320000xi32, #tpu.memory_space<hbm>> -> memref<10000xi32, #tpu.memory_space<hbm>>
      %dma_start3A_9 = tpu.memref_slice %arg3[%mul3A_2] : memref<320000xi32, #tpu.memory_space<hbm>> -> memref<10000xi32, #tpu.memory_space<hbm>>
      tpu.enqueue_dma source(%dma_start3A_9 : memref<10000xi32, #tpu.memory_space<hbm>>) target(%arg8 : memref<10000xi32, #tpu.memory_space<vmem>>) target_semaphore(%run_scoped3A : memref<!tpu.dma_semaphore, #tpu.memory_space<semaphore_mem>>)
      %dma_wait3A = tpu.memref_slice %arg3[%mul3A_2] : memref<320000xi32, #tpu.memory_space<hbm>> -> memref<10000xi32, #tpu.memory_space<hbm>>
      %dma_wait3A_10 = tpu.memref_slice %arg3[%mul3A_2] : memref<320000xi32, #tpu.memory_space<hbm>> -> memref<10000xi32, #tpu.memory_space<hbm>>
      tpu.wait_dma2 semaphore(%run_scoped3A : memref<!tpu.dma_semaphore, #tpu.memory_space<semaphore_mem>>) src(%dma_wait3A_10 : memref<10000xi32, #tpu.memory_space<hbm>>) dst(%arg8 : memref<10000xi32, #tpu.memory_space<vmem>>)
      tpu.yield
    }) : () -> ()
    "tpu.region"() ({
      %run_scoped3A = tpu.sem_alloc : memref<!tpu.dma_semaphore, #tpu.memory_space<semaphore_mem>>
      %dma_start3A = tpu.memref_slice %arg4[%mul3A_2] : memref<320000xi32, #tpu.memory_space<hbm>> -> memref<10000xi32, #tpu.memory_space<hbm>>
      %dma_start3A_9 = tpu.memref_slice %arg4[%mul3A_2] : memref<320000xi32, #tpu.memory_space<hbm>> -> memref<10000xi32, #tpu.memory_space<hbm>>
      tpu.enqueue_dma source(%dma_start3A_9 : memref<10000xi32, #tpu.memory_space<hbm>>) target(%arg9 : memref<10000xi32, #tpu.memory_space<vmem>>) target_semaphore(%run_scoped3A : memref<!tpu.dma_semaphore, #tpu.memory_space<semaphore_mem>>)
      %dma_wait3A = tpu.memref_slice %arg4[%mul3A_2] : memref<320000xi32, #tpu.memory_space<hbm>> -> memref<10000xi32, #tpu.memory_space<hbm>>
      %dma_wait3A_10 = tpu.memref_slice %arg4[%mul3A_2] : memref<320000xi32, #tpu.memory_space<hbm>> -> memref<10000xi32, #tpu.memory_space<hbm>>
      tpu.wait_dma2 semaphore(%run_scoped3A : memref<!tpu.dma_semaphore, #tpu.memory_space<semaphore_mem>>) src(%dma_wait3A_10 : memref<10000xi32, #tpu.memory_space<hbm>>) dst(%arg9 : memref<10000xi32, #tpu.memory_space<vmem>>)
      tpu.yield
    }) : () -> ()
    %broadcast_in_dim3A = arith.constant 0.000000e+00 : f32
    %broadcast_in_dim3A_3 = vector.broadcast %broadcast_in_dim3A : f32 to vector<16xf32>
    %parallel_loop3A = arith.constant 0 : i32
    %parallel_loop3A_4 = arith.constant 640 : i32
    %parallel_loop3A_5 = arith.constant 1 : i32
    scf.for %parallel_loop3A_9 = %parallel_loop3A to %parallel_loop3A_4 step %parallel_loop3A_5  : i32 {
      %parallel_loop3A_10 = arith.constant 16 : i32
      %parallel_loop3A_11 = arith.muli %parallel_loop3A_9, %parallel_loop3A_10 : i32
      %parallel_loop3A_12 = arith.index_cast %parallel_loop3A_11 : i32 to index
      %parallel_loop3A_13 = tpu.vector_load %arg7[%parallel_loop3A_12] {strides = array<i32>} : memref<10240xf32, #tpu.memory_space<vmem>>, vector<16xf32>,
      tpu.vector_store %arg7[%parallel_loop3A_12], %broadcast_in_dim3A_3 {strides = array<i32>} : memref<10240xf32, #tpu.memory_space<vmem>>, vector<16xf32>,
    } {sc.loop_unroll_factor = 8 : i64, sc.parallel_access}
    %parallel_loop3A_6 = arith.constant 0 : i32
    %parallel_loop3A_7 = arith.constant 625 : i32
    %parallel_loop3A_8 = arith.constant 1 : i32
    scf.for %parallel_loop3A_9 = %parallel_loop3A_6 to %parallel_loop3A_7 step %parallel_loop3A_8  : i32 {
      %parallel_loop3A_10 = arith.constant 16 : i32
      %parallel_loop3A_11 = arith.muli %parallel_loop3A_9, %parallel_loop3A_10 : i32
      %parallel_loop3A_12 = arith.index_cast %parallel_loop3A_11 : i32 to index
      %parallel_loop3A_13 = tpu.vector_load %arg8[%parallel_loop3A_12] {strides = array<i32>} : memref<10000xi32, #tpu.memory_space<vmem>>, vector<16xi32>,
      %parallel_loop3A_14 = arith.constant 16 : i32
      %parallel_loop3A_15 = arith.muli %parallel_loop3A_9, %parallel_loop3A_14 : i32
      %parallel_loop3A_16 = arith.index_cast %parallel_loop3A_15 : i32 to index
      %parallel_loop3A_17 = tpu.vector_load %arg9[%parallel_loop3A_16] {strides = array<i32>} : memref<10000xi32, #tpu.memory_space<vmem>>, vector<16xi32>,
      %parallel_loop3A_18 = tpu.vector_load_idx %arg6[%parallel_loop3A_13] : memref<10240xf32, #tpu.memory_space<vmem>>[vector<16xi32>], vector<16xf32>,
      tpu.vector_store_idx %arg7[%parallel_loop3A_17], %parallel_loop3A_18 {add = true} : memref<10240xf32, #tpu.memory_space<vmem>>[vector<16xi32>], vector<16xf32>,
    } {sc.loop_unroll_factor = 8 : i64, sc.parallel_access}
    "tpu.region"() ({
      %run_scoped3A = tpu.sem_alloc : memref<!tpu.dma_semaphore, #tpu.memory_space<semaphore_mem>>
      %dma_start3A = arith.constant 0 : i32
      %dma_start3A_9 = tpu.memref_slice %arg5[%add3A, %dma_start3A] : memref<32x10240xf32, #tpu.memory_space<hbm>> -> memref<1x10240xf32, #tpu.memory_space<hbm>>
      %dma_start3A_10 = tpu.memref_squeeze %dma_start3A_9 : memref<1x10240xf32, #tpu.memory_space<hbm>> -> memref<10240xf32, #tpu.memory_space<hbm>>
      %dma_start3A_11 = arith.constant 0 : i32
      %dma_start3A_12 = tpu.memref_slice %arg5[%add3A, %dma_start3A_11] : memref<32x10240xf32, #tpu.memory_space<hbm>> -> memref<1x10240xf32, #tpu.memory_space<hbm>>
      %dma_start3A_13 = tpu.memref_squeeze %dma_start3A_12 : memref<1x10240xf32, #tpu.memory_space<hbm>> -> memref<10240xf32, #tpu.memory_space<hbm>>
      tpu.enqueue_dma source(%arg7 : memref<10240xf32, #tpu.memory_space<vmem>>) target(%dma_start3A_13 : memref<10240xf32, #tpu.memory_space<hbm>>) target_semaphore(%run_scoped3A : memref<!tpu.dma_semaphore, #tpu.memory_space<semaphore_mem>>)
      %dma_wait3A = arith.constant 0 : i32
      %dma_wait3A_14 = tpu.memref_slice %arg5[%add3A, %dma_wait3A] : memref<32x10240xf32, #tpu.memory_space<hbm>> -> memref<1x10240xf32, #tpu.memory_space<hbm>>
      %dma_wait3A_15 = tpu.memref_squeeze %dma_wait3A_14 : memref<1x10240xf32, #tpu.memory_space<hbm>> -> memref<10240xf32, #tpu.memory_space<hbm>>
      %dma_wait3A_16 = arith.constant 0 : i32
      %dma_wait3A_17 = tpu.memref_slice %arg5[%add3A, %dma_wait3A_16] : memref<32x10240xf32, #tpu.memory_space<hbm>> -> memref<1x10240xf32, #tpu.memory_space<hbm>>
      %dma_wait3A_18 = tpu.memref_squeeze %dma_wait3A_17 : memref<1x10240xf32, #tpu.memory_space<hbm>> -> memref<10240xf32, #tpu.memory_space<hbm>>
      tpu.wait_dma2 semaphore(%run_scoped3A : memref<!tpu.dma_semaphore, #tpu.memory_space<semaphore_mem>>) src(%arg7 : memref<10240xf32, #tpu.memory_space<vmem>>) dst(%dma_wait3A_18 : memref<10240xf32, #tpu.memory_space<hbm>>)
      tpu.yield
    }) : () -> ()
    return
  }
}

#map = affine_map<(d0, d1) -> (0, 0, 0)>
#map1 = affine_map<(d0, d1) -> (0, 0)>
module attributes {stable_mosaic.version = 14 : i64} {
  func.func @_feat_segsum_body(%arg0: i32, %arg1: i32, %arg2: memref<2x10240x64xf32, #tpu.memory_space<hbm>>, %arg3: memref<2500x128xi32, #tpu.memory_space<hbm>>, %arg4: memref<2500x128xi32, #tpu.memory_space<hbm>>, %arg5: memref<2x10240x64xf32, #tpu.memory_space<hbm>>, %arg6: memref<16x10240xf32, #tpu.memory_space<hbm>>, %arg7: memref<10240x64xf32, #tpu.memory_space<vmem_shared>>, %arg8: memref<157x128xi32, #tpu.memory_space<vmem>>, %arg9: memref<157x128xi32, #tpu.memory_space<vmem>>, %arg10: memref<128x64xf32, #tpu.memory_space<vmem>>, %arg11: memref<128x64xf32, #tpu.memory_space<vmem>>, %arg12: memref<128x64xf32, #tpu.memory_space<vmem>>, %arg13: memref<128x64xf32, #tpu.memory_space<vmem>>, %arg14: memref<10240xf32, #tpu.memory_space<vmem>>, %arg15: memref<!tpu.dma_semaphore, #tpu.memory_space<semaphore_mem>>, %arg16: memref<!tpu.dma_semaphore, #tpu.memory_space<semaphore_mem>>, %arg17: memref<!tpu.dma_semaphore, #tpu.memory_space<semaphore_mem>>, %arg18: memref<!tpu.dma_semaphore, #tpu.memory_space<semaphore_mem>>, %arg19: memref<!tpu.dma_semaphore, #tpu.memory_space<semaphore_mem>>, %arg20: memref<!tpu.dma_semaphore, #tpu.memory_space<semaphore_mem>>, %arg21: memref<!tpu.dma_semaphore, #tpu.memory_space<semaphore_mem>>, %arg22: memref<!tpu.dma_semaphore, #tpu.memory_space<semaphore_mem>>) attributes {dimension_semantics = [#tpu.dimension_semantics<core_parallel>, #tpu.dimension_semantics<subcore_parallel>], iteration_bounds = array<i64: 2, 16>, scalar_prefetch = 0 : i64, scratch_operands = 16 : i64, tpu.core_type = #tpu.core_type<sc_vector_subcore>, window_params = [{transform_indices = #map}, {transform_indices = #map1}, {transform_indices = #map1}, {transform_indices = #map}, {transform_indices = #map1}]} {
    %mul3A = arith.constant 156 : i32
    %mul3A_0 = arith.muli %mul3A, %arg1 : i32
    %min3A = arith.constant 4 : i32
    %min3A_1 = arith.minsi %arg1, %min3A : i32
    %add3A = arith.addi %mul3A_0, %min3A_1 : i32
    %lt3A = arith.constant 4 : i32
    %lt3A_2 = arith.cmpi slt, %arg1, %lt3A : i32
    %convert_element_type3A = arith.extui %lt3A_2 : i1 to i32
    %add3A_3 = arith.constant 156 : i32
    %add3A_4 = arith.addi %add3A_3, %convert_element_type3A : i32
    "tpu.region"() ({
      %run_scoped3A = tpu.sem_alloc : memref<!tpu.dma_semaphore, #tpu.memory_space<semaphore_mem>>
      %dma_start3A_168 = arith.constant 0 : i32
      %dma_start3A_169 = arith.constant 0 : i32
      %dma_start3A_170 = tpu.memref_slice %arg8[%dma_start3A_168, %dma_start3A_169] : memref<157x128xi32, #tpu.memory_space<vmem>> -> memref<156x128xi32, #tpu.memory_space<vmem>>
      %dma_start3A_171 = arith.constant 0 : i32
      %dma_start3A_172 = tpu.memref_slice %arg3[%add3A, %dma_start3A_171] : memref<2500x128xi32, #tpu.memory_space<hbm>> -> memref<156x128xi32, #tpu.memory_space<hbm>>
      %dma_start3A_173 = arith.constant 0 : i32
      %dma_start3A_174 = arith.constant 0 : i32
      %dma_start3A_175 = tpu.memref_slice %arg8[%dma_start3A_173, %dma_start3A_174] : memref<157x128xi32, #tpu.memory_space<vmem>> -> memref<156x128xi32, #tpu.memory_space<vmem>>
      %dma_start3A_176 = arith.constant 0 : i32
      %dma_start3A_177 = tpu.memref_slice %arg3[%add3A, %dma_start3A_176] : memref<2500x128xi32, #tpu.memory_space<hbm>> -> memref<156x128xi32, #tpu.memory_space<hbm>>
      tpu.enqueue_dma source(%dma_start3A_177 : memref<156x128xi32, #tpu.memory_space<hbm>>) target(%dma_start3A_175 : memref<156x128xi32, #tpu.memory_space<vmem>>) target_semaphore(%run_scoped3A : memref<!tpu.dma_semaphore, #tpu.memory_space<semaphore_mem>>)
      %dma_wait3A = arith.constant 0 : i32
      %dma_wait3A_178 = arith.constant 0 : i32
      %dma_wait3A_179 = tpu.memref_slice %arg8[%dma_wait3A, %dma_wait3A_178] : memref<157x128xi32, #tpu.memory_space<vmem>> -> memref<156x128xi32, #tpu.memory_space<vmem>>
      %dma_wait3A_180 = arith.constant 0 : i32
      %dma_wait3A_181 = tpu.memref_slice %arg3[%add3A, %dma_wait3A_180] : memref<2500x128xi32, #tpu.memory_space<hbm>> -> memref<156x128xi32, #tpu.memory_space<hbm>>
      %dma_wait3A_182 = arith.constant 0 : i32
      %dma_wait3A_183 = arith.constant 0 : i32
      %dma_wait3A_184 = tpu.memref_slice %arg8[%dma_wait3A_182, %dma_wait3A_183] : memref<157x128xi32, #tpu.memory_space<vmem>> -> memref<156x128xi32, #tpu.memory_space<vmem>>
      %dma_wait3A_185 = arith.constant 0 : i32
      %dma_wait3A_186 = tpu.memref_slice %arg3[%add3A, %dma_wait3A_185] : memref<2500x128xi32, #tpu.memory_space<hbm>> -> memref<156x128xi32, #tpu.memory_space<hbm>>
      tpu.wait_dma2 semaphore(%run_scoped3A : memref<!tpu.dma_semaphore, #tpu.memory_space<semaphore_mem>>) src(%dma_wait3A_186 : memref<156x128xi32, #tpu.memory_space<hbm>>) dst(%dma_wait3A_184 : memref<156x128xi32, #tpu.memory_space<vmem>>)
      tpu.yield
    }) : () -> ()
    "tpu.region"() ({
      %run_scoped3A = tpu.sem_alloc : memref<!tpu.dma_semaphore, #tpu.memory_space<semaphore_mem>>
      %dma_start3A_168 = arith.constant 0 : i32
      %dma_start3A_169 = arith.constant 0 : i32
      %dma_start3A_170 = tpu.memref_slice %arg9[%dma_start3A_168, %dma_start3A_169] : memref<157x128xi32, #tpu.memory_space<vmem>> -> memref<156x128xi32, #tpu.memory_space<vmem>>
      %dma_start3A_171 = arith.constant 0 : i32
      %dma_start3A_172 = tpu.memref_slice %arg4[%add3A, %dma_start3A_171] : memref<2500x128xi32, #tpu.memory_space<hbm>> -> memref<156x128xi32, #tpu.memory_space<hbm>>
      %dma_start3A_173 = arith.constant 0 : i32
      %dma_start3A_174 = arith.constant 0 : i32
      %dma_start3A_175 = tpu.memref_slice %arg9[%dma_start3A_173, %dma_start3A_174] : memref<157x128xi32, #tpu.memory_space<vmem>> -> memref<156x128xi32, #tpu.memory_space<vmem>>
      %dma_start3A_176 = arith.constant 0 : i32
      %dma_start3A_177 = tpu.memref_slice %arg4[%add3A, %dma_start3A_176] : memref<2500x128xi32, #tpu.memory_space<hbm>> -> memref<156x128xi32, #tpu.memory_space<hbm>>
      tpu.enqueue_dma source(%dma_start3A_177 : memref<156x128xi32, #tpu.memory_space<hbm>>) target(%dma_start3A_175 : memref<156x128xi32, #tpu.memory_space<vmem>>) target_semaphore(%run_scoped3A : memref<!tpu.dma_semaphore, #tpu.memory_space<semaphore_mem>>)
      %dma_wait3A = arith.constant 0 : i32
      %dma_wait3A_178 = arith.constant 0 : i32
      %dma_wait3A_179 = tpu.memref_slice %arg9[%dma_wait3A, %dma_wait3A_178] : memref<157x128xi32, #tpu.memory_space<vmem>> -> memref<156x128xi32, #tpu.memory_space<vmem>>
      %dma_wait3A_180 = arith.constant 0 : i32
      %dma_wait3A_181 = tpu.memref_slice %arg4[%add3A, %dma_wait3A_180] : memref<2500x128xi32, #tpu.memory_space<hbm>> -> memref<156x128xi32, #tpu.memory_space<hbm>>
      %dma_wait3A_182 = arith.constant 0 : i32
      %dma_wait3A_183 = arith.constant 0 : i32
      %dma_wait3A_184 = tpu.memref_slice %arg9[%dma_wait3A_182, %dma_wait3A_183] : memref<157x128xi32, #tpu.memory_space<vmem>> -> memref<156x128xi32, #tpu.memory_space<vmem>>
      %dma_wait3A_185 = arith.constant 0 : i32
      %dma_wait3A_186 = tpu.memref_slice %arg4[%add3A, %dma_wait3A_185] : memref<2500x128xi32, #tpu.memory_space<hbm>> -> memref<156x128xi32, #tpu.memory_space<hbm>>
      tpu.wait_dma2 semaphore(%run_scoped3A : memref<!tpu.dma_semaphore, #tpu.memory_space<semaphore_mem>>) src(%dma_wait3A_186 : memref<156x128xi32, #tpu.memory_space<hbm>>) dst(%dma_wait3A_184 : memref<156x128xi32, #tpu.memory_space<vmem>>)
      tpu.yield
    }) : () -> ()
    %lt3A_5 = arith.constant 4 : i32
    %lt3A_6 = arith.cmpi slt, %arg1, %lt3A_5 : i32
    %convert_element_type3A_7 = arith.extui %lt3A_6 : i1 to i32
    %cond3A = arith.constant 0 : i32
    %cond3A_8 = arith.cmpi ne, %convert_element_type3A_7, %cond3A : i32
    scf.if %cond3A_8 {
      %add3A_168 = arith.constant 156 : i32
      %add3A_169 = arith.addi %add3A, %add3A_168 : i32
      "tpu.region"() ({
        %run_scoped3A = tpu.sem_alloc : memref<!tpu.dma_semaphore, #tpu.memory_space<semaphore_mem>>
        %dma_start3A_172 = arith.constant 156 : i32
        %dma_start3A_173 = arith.constant 0 : i32
        %dma_start3A_174 = tpu.memref_slice %arg8[%dma_start3A_172, %dma_start3A_173] : memref<157x128xi32, #tpu.memory_space<vmem>> -> memref<1x128xi32, #tpu.memory_space<vmem>>
        %dma_start3A_175 = arith.constant 0 : i32
        %dma_start3A_176 = tpu.memref_slice %arg3[%add3A_169, %dma_start3A_175] : memref<2500x128xi32, #tpu.memory_space<hbm>> -> memref<1x128xi32, #tpu.memory_space<hbm>>
        %dma_start3A_177 = arith.constant 156 : i32
        %dma_start3A_178 = arith.constant 0 : i32
        %dma_start3A_179 = tpu.memref_slice %arg8[%dma_start3A_177, %dma_start3A_178] : memref<157x128xi32, #tpu.memory_space<vmem>> -> memref<1x128xi32, #tpu.memory_space<vmem>>
        %dma_start3A_180 = arith.constant 0 : i32
        %dma_start3A_181 = tpu.memref_slice %arg3[%add3A_169, %dma_start3A_180] : memref<2500x128xi32, #tpu.memory_space<hbm>> -> memref<1x128xi32, #tpu.memory_space<hbm>>
        tpu.enqueue_dma source(%dma_start3A_181 : memref<1x128xi32, #tpu.memory_space<hbm>>) target(%dma_start3A_179 : memref<1x128xi32, #tpu.memory_space<vmem>>) target_semaphore(%run_scoped3A : memref<!tpu.dma_semaphore, #tpu.memory_space<semaphore_mem>>)
        %dma_wait3A = arith.constant 156 : i32
        %dma_wait3A_182 = arith.constant 0 : i32
        %dma_wait3A_183 = tpu.memref_slice %arg8[%dma_wait3A, %dma_wait3A_182] : memref<157x128xi32, #tpu.memory_space<vmem>> -> memref<1x128xi32, #tpu.memory_space<vmem>>
        %dma_wait3A_184 = arith.constant 0 : i32
        %dma_wait3A_185 = tpu.memref_slice %arg3[%add3A_169, %dma_wait3A_184] : memref<2500x128xi32, #tpu.memory_space<hbm>> -> memref<1x128xi32, #tpu.memory_space<hbm>>
        %dma_wait3A_186 = arith.constant 156 : i32
        %dma_wait3A_187 = arith.constant 0 : i32
        %dma_wait3A_188 = tpu.memref_slice %arg8[%dma_wait3A_186, %dma_wait3A_187] : memref<157x128xi32, #tpu.memory_space<vmem>> -> memref<1x128xi32, #tpu.memory_space<vmem>>
        %dma_wait3A_189 = arith.constant 0 : i32
        %dma_wait3A_190 = tpu.memref_slice %arg3[%add3A_169, %dma_wait3A_189] : memref<2500x128xi32, #tpu.memory_space<hbm>> -> memref<1x128xi32, #tpu.memory_space<hbm>>
        tpu.wait_dma2 semaphore(%run_scoped3A : memref<!tpu.dma_semaphore, #tpu.memory_space<semaphore_mem>>) src(%dma_wait3A_190 : memref<1x128xi32, #tpu.memory_space<hbm>>) dst(%dma_wait3A_188 : memref<1x128xi32, #tpu.memory_space<vmem>>)
        tpu.yield
      }) : () -> ()
      %add3A_170 = arith.constant 156 : i32
      %add3A_171 = arith.addi %add3A, %add3A_170 : i32
      "tpu.region"() ({
        %run_scoped3A = tpu.sem_alloc : memref<!tpu.dma_semaphore, #tpu.memory_space<semaphore_mem>>
        %dma_start3A_172 = arith.constant 156 : i32
        %dma_start3A_173 = arith.constant 0 : i32
        %dma_start3A_174 = tpu.memref_slice %arg9[%dma_start3A_172, %dma_start3A_173] : memref<157x128xi32, #tpu.memory_space<vmem>> -> memref<1x128xi32, #tpu.memory_space<vmem>>
        %dma_start3A_175 = arith.constant 0 : i32
        %dma_start3A_176 = tpu.memref_slice %arg4[%add3A_171, %dma_start3A_175] : memref<2500x128xi32, #tpu.memory_space<hbm>> -> memref<1x128xi32, #tpu.memory_space<hbm>>
        %dma_start3A_177 = arith.constant 156 : i32
        %dma_start3A_178 = arith.constant 0 : i32
        %dma_start3A_179 = tpu.memref_slice %arg9[%dma_start3A_177, %dma_start3A_178] : memref<157x128xi32, #tpu.memory_space<vmem>> -> memref<1x128xi32, #tpu.memory_space<vmem>>
        %dma_start3A_180 = arith.constant 0 : i32
        %dma_start3A_181 = tpu.memref_slice %arg4[%add3A_171, %dma_start3A_180] : memref<2500x128xi32, #tpu.memory_space<hbm>> -> memref<1x128xi32, #tpu.memory_space<hbm>>
        tpu.enqueue_dma source(%dma_start3A_181 : memref<1x128xi32, #tpu.memory_space<hbm>>) target(%dma_start3A_179 : memref<1x128xi32, #tpu.memory_space<vmem>>) target_semaphore(%run_scoped3A : memref<!tpu.dma_semaphore, #tpu.memory_space<semaphore_mem>>)
        %dma_wait3A = arith.constant 156 : i32
        %dma_wait3A_182 = arith.constant 0 : i32
        %dma_wait3A_183 = tpu.memref_slice %arg9[%dma_wait3A, %dma_wait3A_182] : memref<157x128xi32, #tpu.memory_space<vmem>> -> memref<1x128xi32, #tpu.memory_space<vmem>>
        %dma_wait3A_184 = arith.constant 0 : i32
        %dma_wait3A_185 = tpu.memref_slice %arg4[%add3A_171, %dma_wait3A_184] : memref<2500x128xi32, #tpu.memory_space<hbm>> -> memref<1x128xi32, #tpu.memory_space<hbm>>
        %dma_wait3A_186 = arith.constant 156 : i32
        %dma_wait3A_187 = arith.constant 0 : i32
        %dma_wait3A_188 = tpu.memref_slice %arg9[%dma_wait3A_186, %dma_wait3A_187] : memref<157x128xi32, #tpu.memory_space<vmem>> -> memref<1x128xi32, #tpu.memory_space<vmem>>
        %dma_wait3A_189 = arith.constant 0 : i32
        %dma_wait3A_190 = tpu.memref_slice %arg4[%add3A_171, %dma_wait3A_189] : memref<2500x128xi32, #tpu.memory_space<hbm>> -> memref<1x128xi32, #tpu.memory_space<hbm>>
        tpu.wait_dma2 semaphore(%run_scoped3A : memref<!tpu.dma_semaphore, #tpu.memory_space<semaphore_mem>>) src(%dma_wait3A_190 : memref<1x128xi32, #tpu.memory_space<hbm>>) dst(%dma_wait3A_188 : memref<1x128xi32, #tpu.memory_space<vmem>>)
        tpu.yield
      }) : () -> ()
    } else {
    }
    %broadcast_in_dim3A = arith.constant 0.000000e+00 : f32
    %broadcast_in_dim3A_9 = vector.broadcast %broadcast_in_dim3A : f32 to vector<16xf32>
    %parallel_loop3A = arith.constant 0 : i32
    %parallel_loop3A_10 = arith.constant 128 : i32
    %parallel_loop3A_11 = arith.constant 1 : i32
    scf.for %parallel_loop3A_168 = %parallel_loop3A to %parallel_loop3A_10 step %parallel_loop3A_11  : i32 {
      %parallel_loop3A_169 = arith.index_cast %parallel_loop3A_168 : i32 to index
      %parallel_loop3A_170 = arith.constant 0 : index
      %parallel_loop3A_171 = tpu.vector_load %arg10[%parallel_loop3A_169, %parallel_loop3A_170] {strides = array<i32>} : memref<128x64xf32, #tpu.memory_space<vmem>>, vector<16xf32>,
      tpu.vector_store %arg10[%parallel_loop3A_169, %parallel_loop3A_170], %broadcast_in_dim3A_9 {strides = array<i32>} : memref<128x64xf32, #tpu.memory_space<vmem>>, vector<16xf32>,
      %parallel_loop3A_172 = arith.index_cast %parallel_loop3A_168 : i32 to index
      %parallel_loop3A_173 = arith.constant 16 : index
      %parallel_loop3A_174 = tpu.vector_load %arg10[%parallel_loop3A_172, %parallel_loop3A_173] {strides = array<i32>} : memref<128x64xf32, #tpu.memory_space<vmem>>, vector<16xf32>,
      tpu.vector_store %arg10[%parallel_loop3A_172, %parallel_loop3A_173], %broadcast_in_dim3A_9 {strides = array<i32>} : memref<128x64xf32, #tpu.memory_space<vmem>>, vector<16xf32>,
      %parallel_loop3A_175 = arith.index_cast %parallel_loop3A_168 : i32 to index
      %parallel_loop3A_176 = arith.constant 32 : index
      %parallel_loop3A_177 = tpu.vector_load %arg10[%parallel_loop3A_175, %parallel_loop3A_176] {strides = array<i32>} : memref<128x64xf32, #tpu.memory_space<vmem>>, vector<16xf32>,
      tpu.vector_store %arg10[%parallel_loop3A_175, %parallel_loop3A_176], %broadcast_in_dim3A_9 {strides = array<i32>} : memref<128x64xf32, #tpu.memory_space<vmem>>, vector<16xf32>,
      %parallel_loop3A_178 = arith.index_cast %parallel_loop3A_168 : i32 to index
      %parallel_loop3A_179 = arith.constant 48 : index
      %parallel_loop3A_180 = tpu.vector_load %arg10[%parallel_loop3A_178, %parallel_loop3A_179] {strides = array<i32>} : memref<128x64xf32, #tpu.memory_space<vmem>>, vector<16xf32>,
      tpu.vector_store %arg10[%parallel_loop3A_178, %parallel_loop3A_179], %broadcast_in_dim3A_9 {strides = array<i32>} : memref<128x64xf32, #tpu.memory_space<vmem>>, vector<16xf32>,
    } {sc.loop_unroll_factor = 4 : i64, sc.parallel_access}
    %eq3A = arith.constant 0 : i32
    %eq3A_12 = arith.cmpi eq, %arg0, %eq3A : i32
    %convert_element_type3A_13 = arith.extui %eq3A_12 : i1 to i32
    %cond3A_14 = arith.constant 0 : i32
    %cond3A_15 = arith.cmpi ne, %convert_element_type3A_13, %cond3A_14 : i32
    scf.if %cond3A_15 {
      %parallel_loop3A_168 = arith.constant 0 : i32
      %parallel_loop3A_169 = arith.constant 640 : i32
      %parallel_loop3A_170 = arith.constant 1 : i32
      scf.for %parallel_loop3A_171 = %parallel_loop3A_168 to %parallel_loop3A_169 step %parallel_loop3A_170  : i32 {
        %parallel_loop3A_172 = arith.constant 16 : i32
        %parallel_loop3A_173 = arith.muli %parallel_loop3A_171, %parallel_loop3A_172 : i32
        %parallel_loop3A_174 = arith.index_cast %parallel_loop3A_173 : i32 to index
        %parallel_loop3A_175 = tpu.vector_load %arg14[%parallel_loop3A_174] {strides = array<i32>} : memref<10240xf32, #tpu.memory_space<vmem>>, vector<16xf32>,
        tpu.vector_store %arg14[%parallel_loop3A_174], %broadcast_in_dim3A_9 {strides = array<i32>} : memref<10240xf32, #tpu.memory_space<vmem>>, vector<16xf32>,
      } {sc.loop_unroll_factor = 8 : i64, sc.parallel_access}
    } else {
    }
    %mul3A_16 = arith.constant 640 : i32
    %mul3A_17 = arith.muli %arg1, %mul3A_16 : i32
    %add3A_18 = arith.constant 0 : i32
    %add3A_19 = arith.addi %mul3A_17, %add3A_18 : i32
    "tpu.region"() ({
      %run_scoped3A = tpu.sem_alloc : memref<!tpu.dma_semaphore, #tpu.memory_space<semaphore_mem>>
      %dma_start3A_168 = arith.constant 0 : i32
      %dma_start3A_169 = tpu.memref_slice %arg7[%add3A_19, %dma_start3A_168] : memref<10240x64xf32, #tpu.memory_space<vmem_shared>> -> memref<128x64xf32, #tpu.memory_space<vmem_shared>>
      %dma_start3A_170 = arith.constant 0 : i32
      %dma_start3A_171 = tpu.memref_slice %arg7[%add3A_19, %dma_start3A_170] : memref<10240x64xf32, #tpu.memory_space<vmem_shared>> -> memref<128x64xf32, #tpu.memory_space<vmem_shared>>
      tpu.enqueue_dma source(%arg10 : memref<128x64xf32, #tpu.memory_space<vmem>>) target(%dma_start3A_171 : memref<128x64xf32, #tpu.memory_space<vmem_shared>>) target_semaphore(%run_scoped3A : memref<!tpu.dma_semaphore, #tpu.memory_space<semaphore_mem>>)
      %dma_wait3A = arith.constant 0 : i32
      %dma_wait3A_172 = tpu.memref_slice %arg7[%add3A_19, %dma_wait3A] : memref<10240x64xf32, #tpu.memory_space<vmem_shared>> -> memref<128x64xf32, #tpu.memory_space<vmem_shared>>
      %dma_wait3A_173 = arith.constant 0 : i32
      %dma_wait3A_174 = tpu.memref_slice %arg7[%add3A_19, %dma_wait3A_173] : memref<10240x64xf32, #tpu.memory_space<vmem_shared>> -> memref<128x64xf32, #tpu.memory_space<vmem_shared>>
      tpu.wait_dma2 semaphore(%run_scoped3A : memref<!tpu.dma_semaphore, #tpu.memory_space<semaphore_mem>>) src(%arg10 : memref<128x64xf32, #tpu.memory_space<vmem>>) dst(%dma_wait3A_174 : memref<128x64xf32, #tpu.memory_space<vmem_shared>>)
      tpu.yield
    }) : () -> ()
    %mul3A_20 = arith.constant 640 : i32
    %mul3A_21 = arith.muli %arg1, %mul3A_20 : i32
    %add3A_22 = arith.constant 128 : i32
    %add3A_23 = arith.addi %mul3A_21, %add3A_22 : i32
    "tpu.region"() ({
      %run_scoped3A = tpu.sem_alloc : memref<!tpu.dma_semaphore, #tpu.memory_space<semaphore_mem>>
      %dma_start3A_168 = arith.constant 0 : i32
      %dma_start3A_169 = tpu.memref_slice %arg7[%add3A_23, %dma_start3A_168] : memref<10240x64xf32, #tpu.memory_space<vmem_shared>> -> memref<128x64xf32, #tpu.memory_space<vmem_shared>>
      %dma_start3A_170 = arith.constant 0 : i32
      %dma_start3A_171 = tpu.memref_slice %arg7[%add3A_23, %dma_start3A_170] : memref<10240x64xf32, #tpu.memory_space<vmem_shared>> -> memref<128x64xf32, #tpu.memory_space<vmem_shared>>
      tpu.enqueue_dma source(%arg10 : memref<128x64xf32, #tpu.memory_space<vmem>>) target(%dma_start3A_171 : memref<128x64xf32, #tpu.memory_space<vmem_shared>>) target_semaphore(%run_scoped3A : memref<!tpu.dma_semaphore, #tpu.memory_space<semaphore_mem>>)
      %dma_wait3A = arith.constant 0 : i32
      %dma_wait3A_172 = tpu.memref_slice %arg7[%add3A_23, %dma_wait3A] : memref<10240x64xf32, #tpu.memory_space<vmem_shared>> -> memref<128x64xf32, #tpu.memory_space<vmem_shared>>
      %dma_wait3A_173 = arith.constant 0 : i32
      %dma_wait3A_174 = tpu.memref_slice %arg7[%add3A_23, %dma_wait3A_173] : memref<10240x64xf32, #tpu.memory_space<vmem_shared>> -> memref<128x64xf32, #tpu.memory_space<vmem_shared>>
      tpu.wait_dma2 semaphore(%run_scoped3A : memref<!tpu.dma_semaphore, #tpu.memory_space<semaphore_mem>>) src(%arg10 : memref<128x64xf32, #tpu.memory_space<vmem>>) dst(%dma_wait3A_174 : memref<128x64xf32, #tpu.memory_space<vmem_shared>>)
      tpu.yield
    }) : () -> ()
    %mul3A_24 = arith.constant 640 : i32
    %mul3A_25 = arith.muli %arg1, %mul3A_24 : i32
    %add3A_26 = arith.constant 256 : i32
    %add3A_27 = arith.addi %mul3A_25, %add3A_26 : i32
    "tpu.region"() ({
      %run_scoped3A = tpu.sem_alloc : memref<!tpu.dma_semaphore, #tpu.memory_space<semaphore_mem>>
      %dma_start3A_168 = arith.constant 0 : i32
      %dma_start3A_169 = tpu.memref_slice %arg7[%add3A_27, %dma_start3A_168] : memref<10240x64xf32, #tpu.memory_space<vmem_shared>> -> memref<128x64xf32, #tpu.memory_space<vmem_shared>>
      %dma_start3A_170 = arith.constant 0 : i32
      %dma_start3A_171 = tpu.memref_slice %arg7[%add3A_27, %dma_start3A_170] : memref<10240x64xf32, #tpu.memory_space<vmem_shared>> -> memref<128x64xf32, #tpu.memory_space<vmem_shared>>
      tpu.enqueue_dma source(%arg10 : memref<128x64xf32, #tpu.memory_space<vmem>>) target(%dma_start3A_171 : memref<128x64xf32, #tpu.memory_space<vmem_shared>>) target_semaphore(%run_scoped3A : memref<!tpu.dma_semaphore, #tpu.memory_space<semaphore_mem>>)
      %dma_wait3A = arith.constant 0 : i32
      %dma_wait3A_172 = tpu.memref_slice %arg7[%add3A_27, %dma_wait3A] : memref<10240x64xf32, #tpu.memory_space<vmem_shared>> -> memref<128x64xf32, #tpu.memory_space<vmem_shared>>
      %dma_wait3A_173 = arith.constant 0 : i32
      %dma_wait3A_174 = tpu.memref_slice %arg7[%add3A_27, %dma_wait3A_173] : memref<10240x64xf32, #tpu.memory_space<vmem_shared>> -> memref<128x64xf32, #tpu.memory_space<vmem_shared>>
      tpu.wait_dma2 semaphore(%run_scoped3A : memref<!tpu.dma_semaphore, #tpu.memory_space<semaphore_mem>>) src(%arg10 : memref<128x64xf32, #tpu.memory_space<vmem>>) dst(%dma_wait3A_174 : memref<128x64xf32, #tpu.memory_space<vmem_shared>>)
      tpu.yield
    }) : () -> ()
    %mul3A_28 = arith.constant 640 : i32
    %mul3A_29 = arith.muli %arg1, %mul3A_28 : i32
    %add3A_30 = arith.constant 384 : i32
    %add3A_31 = arith.addi %mul3A_29, %add3A_30 : i32
    "tpu.region"() ({
      %run_scoped3A = tpu.sem_alloc : memref<!tpu.dma_semaphore, #tpu.memory_space<semaphore_mem>>
      %dma_start3A_168 = arith.constant 0 : i32
      %dma_start3A_169 = tpu.memref_slice %arg7[%add3A_31, %dma_start3A_168] : memref<10240x64xf32, #tpu.memory_space<vmem_shared>> -> memref<128x64xf32, #tpu.memory_space<vmem_shared>>
      %dma_start3A_170 = arith.constant 0 : i32
      %dma_start3A_171 = tpu.memref_slice %arg7[%add3A_31, %dma_start3A_170] : memref<10240x64xf32, #tpu.memory_space<vmem_shared>> -> memref<128x64xf32, #tpu.memory_space<vmem_shared>>
      tpu.enqueue_dma source(%arg10 : memref<128x64xf32, #tpu.memory_space<vmem>>) target(%dma_start3A_171 : memref<128x64xf32, #tpu.memory_space<vmem_shared>>) target_semaphore(%run_scoped3A : memref<!tpu.dma_semaphore, #tpu.memory_space<semaphore_mem>>)
      %dma_wait3A = arith.constant 0 : i32
      %dma_wait3A_172 = tpu.memref_slice %arg7[%add3A_31, %dma_wait3A] : memref<10240x64xf32, #tpu.memory_space<vmem_shared>> -> memref<128x64xf32, #tpu.memory_space<vmem_shared>>
      %dma_wait3A_173 = arith.constant 0 : i32
      %dma_wait3A_174 = tpu.memref_slice %arg7[%add3A_31, %dma_wait3A_173] : memref<10240x64xf32, #tpu.memory_space<vmem_shared>> -> memref<128x64xf32, #tpu.memory_space<vmem_shared>>
      tpu.wait_dma2 semaphore(%run_scoped3A : memref<!tpu.dma_semaphore, #tpu.memory_space<semaphore_mem>>) src(%arg10 : memref<128x64xf32, #tpu.memory_space<vmem>>) dst(%dma_wait3A_174 : memref<128x64xf32, #tpu.memory_space<vmem_shared>>)
      tpu.yield
    }) : () -> ()
    %mul3A_32 = arith.constant 640 : i32
    %mul3A_33 = arith.muli %arg1, %mul3A_32 : i32
    %add3A_34 = arith.constant 512 : i32
    %add3A_35 = arith.addi %mul3A_33, %add3A_34 : i32
    "tpu.region"() ({
      %run_scoped3A = tpu.sem_alloc : memref<!tpu.dma_semaphore, #tpu.memory_space<semaphore_mem>>
      %dma_start3A_168 = arith.constant 0 : i32
      %dma_start3A_169 = tpu.memref_slice %arg7[%add3A_35, %dma_start3A_168] : memref<10240x64xf32, #tpu.memory_space<vmem_shared>> -> memref<128x64xf32, #tpu.memory_space<vmem_shared>>
      %dma_start3A_170 = arith.constant 0 : i32
      %dma_start3A_171 = tpu.memref_slice %arg7[%add3A_35, %dma_start3A_170] : memref<10240x64xf32, #tpu.memory_space<vmem_shared>> -> memref<128x64xf32, #tpu.memory_space<vmem_shared>>
      tpu.enqueue_dma source(%arg10 : memref<128x64xf32, #tpu.memory_space<vmem>>) target(%dma_start3A_171 : memref<128x64xf32, #tpu.memory_space<vmem_shared>>) target_semaphore(%run_scoped3A : memref<!tpu.dma_semaphore, #tpu.memory_space<semaphore_mem>>)
      %dma_wait3A = arith.constant 0 : i32
      %dma_wait3A_172 = tpu.memref_slice %arg7[%add3A_35, %dma_wait3A] : memref<10240x64xf32, #tpu.memory_space<vmem_shared>> -> memref<128x64xf32, #tpu.memory_space<vmem_shared>>
      %dma_wait3A_173 = arith.constant 0 : i32
      %dma_wait3A_174 = tpu.memref_slice %arg7[%add3A_35, %dma_wait3A_173] : memref<10240x64xf32, #tpu.memory_space<vmem_shared>> -> memref<128x64xf32, #tpu.memory_space<vmem_shared>>
      tpu.wait_dma2 semaphore(%run_scoped3A : memref<!tpu.dma_semaphore, #tpu.memory_space<semaphore_mem>>) src(%arg10 : memref<128x64xf32, #tpu.memory_space<vmem>>) dst(%dma_wait3A_174 : memref<128x64xf32, #tpu.memory_space<vmem_shared>>)
      tpu.yield
    }) : () -> ()
    %barrier3A = arith.constant 0 : index
    tpu.barrier barrier_id(%barrier3A)
    %dma_start3A = arith.constant 0 : i32
    %dma_start3A_36 = arith.constant 0 : i32
    %dma_start3A_37 = tpu.memref_slice %arg8[%dma_start3A, %dma_start3A_36] : memref<157x128xi32, #tpu.memory_space<vmem>> -> memref<1x128xi32, #tpu.memory_space<vmem>>
    %dma_start3A_38 = tpu.memref_squeeze %dma_start3A_37 : memref<1x128xi32, #tpu.memory_space<vmem>> -> memref<128xi32, #tpu.memory_space<vmem>>
    %dma_start3A_39 = arith.constant 0 : i32
    %dma_start3A_40 = arith.constant 0 : i32
    %dma_start3A_41 = tpu.memref_slice %arg2[%arg0, %dma_start3A_39, %dma_start3A_40] : memref<2x10240x64xf32, #tpu.memory_space<hbm>> -> memref<1x10240x64xf32, #tpu.memory_space<hbm>>
    %dma_start3A_42 = tpu.memref_squeeze %dma_start3A_41 : memref<1x10240x64xf32, #tpu.memory_space<hbm>> -> memref<10240x64xf32, #tpu.memory_space<hbm>>
    %dma_start3A_43 = arith.constant 0 : i32
    %dma_start3A_44 = arith.constant 0 : i32
    %dma_start3A_45 = tpu.memref_slice %dma_start3A_42[%dma_start3A_43, %dma_start3A_44] : memref<10240x64xf32, #tpu.memory_space<hbm>> -> memref<10240x64xf32, #tpu.memory_space<hbm>>
    tpu.enqueue_indirect_dma source(%dma_start3A_45 : memref<10240x64xf32, #tpu.memory_space<hbm>>) target(%arg10 : memref<128x64xf32, #tpu.memory_space<vmem>>) offsets(%dma_start3A_38 : memref<128xi32, #tpu.memory_space<vmem>>) semaphore(%arg15 : memref<!tpu.dma_semaphore, #tpu.memory_space<semaphore_mem>>)
    %dma_start3A_46 = arith.constant 1 : i32
    %dma_start3A_47 = arith.constant 0 : i32
    %dma_start3A_48 = tpu.memref_slice %arg8[%dma_start3A_46, %dma_start3A_47] : memref<157x128xi32, #tpu.memory_space<vmem>> -> memref<1x128xi32, #tpu.memory_space<vmem>>
    %dma_start3A_49 = tpu.memref_squeeze %dma_start3A_48 : memref<1x128xi32, #tpu.memory_space<vmem>> -> memref<128xi32, #tpu.memory_space<vmem>>
    %dma_start3A_50 = arith.constant 0 : i32
    %dma_start3A_51 = arith.constant 0 : i32
    %dma_start3A_52 = tpu.memref_slice %arg2[%arg0, %dma_start3A_50, %dma_start3A_51] : memref<2x10240x64xf32, #tpu.memory_space<hbm>> -> memref<1x10240x64xf32, #tpu.memory_space<hbm>>
    %dma_start3A_53 = tpu.memref_squeeze %dma_start3A_52 : memref<1x10240x64xf32, #tpu.memory_space<hbm>> -> memref<10240x64xf32, #tpu.memory_space<hbm>>
    %dma_start3A_54 = arith.constant 0 : i32
    %dma_start3A_55 = arith.constant 0 : i32
    %dma_start3A_56 = tpu.memref_slice %dma_start3A_53[%dma_start3A_54, %dma_start3A_55] : memref<10240x64xf32, #tpu.memory_space<hbm>> -> memref<10240x64xf32, #tpu.memory_space<hbm>>
    tpu.enqueue_indirect_dma source(%dma_start3A_56 : memref<10240x64xf32, #tpu.memory_space<hbm>>) target(%arg11 : memref<128x64xf32, #tpu.memory_space<vmem>>) offsets(%dma_start3A_49 : memref<128xi32, #tpu.memory_space<vmem>>) semaphore(%arg16 : memref<!tpu.dma_semaphore, #tpu.memory_space<semaphore_mem>>)
    %dma_start3A_57 = arith.constant 2 : i32
    %dma_start3A_58 = arith.constant 0 : i32
    %dma_start3A_59 = tpu.memref_slice %arg8[%dma_start3A_57, %dma_start3A_58] : memref<157x128xi32, #tpu.memory_space<vmem>> -> memref<1x128xi32, #tpu.memory_space<vmem>>
    %dma_start3A_60 = tpu.memref_squeeze %dma_start3A_59 : memref<1x128xi32, #tpu.memory_space<vmem>> -> memref<128xi32, #tpu.memory_space<vmem>>
    %dma_start3A_61 = arith.constant 0 : i32
    %dma_start3A_62 = arith.constant 0 : i32
    %dma_start3A_63 = tpu.memref_slice %arg2[%arg0, %dma_start3A_61, %dma_start3A_62] : memref<2x10240x64xf32, #tpu.memory_space<hbm>> -> memref<1x10240x64xf32, #tpu.memory_space<hbm>>
    %dma_start3A_64 = tpu.memref_squeeze %dma_start3A_63 : memref<1x10240x64xf32, #tpu.memory_space<hbm>> -> memref<10240x64xf32, #tpu.memory_space<hbm>>
    %dma_start3A_65 = arith.constant 0 : i32
    %dma_start3A_66 = arith.constant 0 : i32
    %dma_start3A_67 = tpu.memref_slice %dma_start3A_64[%dma_start3A_65, %dma_start3A_66] : memref<10240x64xf32, #tpu.memory_space<hbm>> -> memref<10240x64xf32, #tpu.memory_space<hbm>>
    tpu.enqueue_indirect_dma source(%dma_start3A_67 : memref<10240x64xf32, #tpu.memory_space<hbm>>) target(%arg12 : memref<128x64xf32, #tpu.memory_space<vmem>>) offsets(%dma_start3A_60 : memref<128xi32, #tpu.memory_space<vmem>>) semaphore(%arg17 : memref<!tpu.dma_semaphore, #tpu.memory_space<semaphore_mem>>)
    %broadcast_in_dim3A_68 = arith.constant 1.000000e+00 : f32
    %broadcast_in_dim3A_69 = vector.broadcast %broadcast_in_dim3A_68 : f32 to vector<16xf32>
    %while3A = arith.constant 0 : i32
    %while3A_70 = arith.constant 0 : i32
    %while3A_71 = arith.subi %add3A_4, %while3A_70 : i32
    %while3A_72 = arith.addi %while3A_70, %while3A_71 : i32
    %while3A_73 = arith.constant 1 : i32
    %while3A_74 = arith.divsi %while3A_71, %while3A_73 : i32
    %while3A_75 = arith.muli %while3A_74, %while3A_73 : i32
    %while3A_76 = arith.addi %while3A_70, %while3A_75 : i32
    %while3A_77 = arith.constant 1 : i32
    scf.for %while3A_168 = %while3A_70 to %while3A_76 step %while3A_77  : i32 {
      %eq3A_169 = arith.constant 0 : i32
      %eq3A_170 = arith.cmpi eq, %arg0, %eq3A_169 : i32
      %convert_element_type3A_171 = arith.extui %eq3A_170 : i1 to i32
      %cond3A_172 = arith.constant 0 : i32
      %cond3A_173 = arith.cmpi ne, %convert_element_type3A_171, %cond3A_172 : i32
      scf.if %cond3A_173 {
        %get3A = arith.index_cast %while3A_168 : i32 to index
        %get3A_258 = arith.constant 0 : index
        %get3A_259 = tpu.vector_load %arg9[%get3A, %get3A_258] {strides = array<i32>} : memref<157x128xi32, #tpu.memory_space<vmem>>, vector<16xi32>,
        tpu.vector_store_idx %arg14[%get3A_259], %broadcast_in_dim3A_69 {add = true} : memref<10240xf32, #tpu.memory_space<vmem>>[vector<16xi32>], vector<16xf32>,
        %get3A_260 = arith.index_cast %while3A_168 : i32 to index
        %get3A_261 = arith.constant 16 : index
        %get3A_262 = tpu.vector_load %arg9[%get3A_260, %get3A_261] {strides = array<i32>} : memref<157x128xi32, #tpu.memory_space<vmem>>, vector<16xi32>,
        tpu.vector_store_idx %arg14[%get3A_262], %broadcast_in_dim3A_69 {add = true} : memref<10240xf32, #tpu.memory_space<vmem>>[vector<16xi32>], vector<16xf32>,
        %get3A_263 = arith.index_cast %while3A_168 : i32 to index
        %get3A_264 = arith.constant 32 : index
        %get3A_265 = tpu.vector_load %arg9[%get3A_263, %get3A_264] {strides = array<i32>} : memref<157x128xi32, #tpu.memory_space<vmem>>, vector<16xi32>,
        tpu.vector_store_idx %arg14[%get3A_265], %broadcast_in_dim3A_69 {add = true} : memref<10240xf32, #tpu.memory_space<vmem>>[vector<16xi32>], vector<16xf32>,
        %get3A_266 = arith.index_cast %while3A_168 : i32 to index
        %get3A_267 = arith.constant 48 : index
        %get3A_268 = tpu.vector_load %arg9[%get3A_266, %get3A_267] {strides = array<i32>} : memref<157x128xi32, #tpu.memory_space<vmem>>, vector<16xi32>,
        tpu.vector_store_idx %arg14[%get3A_268], %broadcast_in_dim3A_69 {add = true} : memref<10240xf32, #tpu.memory_space<vmem>>[vector<16xi32>], vector<16xf32>,
        %get3A_269 = arith.index_cast %while3A_168 : i32 to index
        %get3A_270 = arith.constant 64 : index
        %get3A_271 = tpu.vector_load %arg9[%get3A_269, %get3A_270] {strides = array<i32>} : memref<157x128xi32, #tpu.memory_space<vmem>>, vector<16xi32>,
        tpu.vector_store_idx %arg14[%get3A_271], %broadcast_in_dim3A_69 {add = true} : memref<10240xf32, #tpu.memory_space<vmem>>[vector<16xi32>], vector<16xf32>,
        %get3A_272 = arith.index_cast %while3A_168 : i32 to index
        %get3A_273 = arith.constant 80 : index
        %get3A_274 = tpu.vector_load %arg9[%get3A_272, %get3A_273] {strides = array<i32>} : memref<157x128xi32, #tpu.memory_space<vmem>>, vector<16xi32>,
        tpu.vector_store_idx %arg14[%get3A_274], %broadcast_in_dim3A_69 {add = true} : memref<10240xf32, #tpu.memory_space<vmem>>[vector<16xi32>], vector<16xf32>,
        %get3A_275 = arith.index_cast %while3A_168 : i32 to index
        %get3A_276 = arith.constant 96 : index
        %get3A_277 = tpu.vector_load %arg9[%get3A_275, %get3A_276] {strides = array<i32>} : memref<157x128xi32, #tpu.memory_space<vmem>>, vector<16xi32>,
        tpu.vector_store_idx %arg14[%get3A_277], %broadcast_in_dim3A_69 {add = true} : memref<10240xf32, #tpu.memory_space<vmem>>[vector<16xi32>], vector<16xf32>,
        %get3A_278 = arith.index_cast %while3A_168 : i32 to index
        %get3A_279 = arith.constant 112 : index
        %get3A_280 = tpu.vector_load %arg9[%get3A_278, %get3A_279] {strides = array<i32>} : memref<157x128xi32, #tpu.memory_space<vmem>>, vector<16xi32>,
        tpu.vector_store_idx %arg14[%get3A_280], %broadcast_in_dim3A_69 {add = true} : memref<10240xf32, #tpu.memory_space<vmem>>[vector<16xi32>], vector<16xf32>,
      } else {
      }
      %jit3A_174 = arith.constant 4 : i32
      %eq3A_175 = arith.constant 0 : i32
      %eq3A_176 = arith.cmpi eq, %jit3A_174, %eq3A_175 : i32
      %jit3A_177 = arith.constant 1 : i32
      %select_n3A_178 = arith.select %eq3A_176, %jit3A_177, %jit3A_174 : i32
      %rem3A_179 = arith.remsi %while3A_168, %select_n3A_178 : i32
      %ne3A_180 = arith.constant 0 : i32
      %ne3A_181 = arith.cmpi ne, %rem3A_179, %ne3A_180 : i32
      %lt3A_182 = arith.constant 0 : i32
      %lt3A_183 = arith.cmpi slt, %rem3A_179, %lt3A_182 : i32
      %lt3A_184 = arith.constant 0 : i32
      %lt3A_185 = arith.cmpi slt, %select_n3A_178, %lt3A_184 : i32
      %ne3A_186 = arith.xori %lt3A_183, %lt3A_185 : i1
      %and3A_187 = arith.andi %ne3A_186, %ne3A_181 : i1
      %add3A_188 = arith.addi %rem3A_179, %select_n3A_178 : i32
      %select_n3A_189 = arith.select %and3A_187, %add3A_188, %rem3A_179 : i32
      %eq3A_190 = arith.constant 0 : i32
      %eq3A_191 = arith.cmpi eq, %select_n3A_189, %eq3A_190 : i32
      %convert_element_type3A_192 = arith.extui %eq3A_191 : i1 to i32
      %cond3A_193 = arith.constant 0 : i32
      %cond3A_194 = arith.cmpi ne, %convert_element_type3A_192, %cond3A_193 : i32
      scf.if %cond3A_194 {
        %add3A_258 = arith.constant 4 : i32
        %add3A_259 = arith.addi %while3A_168, %add3A_258 : i32
        %sub3A = arith.constant 1 : i32
        %sub3A_260 = arith.subi %add3A_259, %sub3A : i32
        %lt3A_261 = arith.cmpi slt, %sub3A_260, %add3A_4 : i32
        %convert_element_type3A_262 = arith.extui %lt3A_261 : i1 to i32
        %cond3A_263 = arith.constant 0 : i32
        %cond3A_264 = arith.cmpi ne, %convert_element_type3A_262, %cond3A_263 : i32
        scf.if %cond3A_264 {
          %ge3A = arith.constant 1 : i32
          %ge3A_280 = arith.cmpi sge, %while3A_168, %ge3A : i32
          %convert_element_type3A_281 = arith.extui %ge3A_280 : i1 to i32
          %cond3A_282 = arith.constant 0 : i32
          %cond3A_283 = arith.cmpi ne, %convert_element_type3A_281, %cond3A_282 : i32
          scf.if %cond3A_283 {
            %sub3A_298 = arith.constant 1 : i32
            %sub3A_299 = arith.subi %while3A_168, %sub3A_298 : i32
            %dma_wait3A_300 = arith.constant 0 : i32
            %dma_wait3A_301 = tpu.memref_slice %arg9[%sub3A_299, %dma_wait3A_300] : memref<157x128xi32, #tpu.memory_space<vmem>> -> memref<1x128xi32, #tpu.memory_space<vmem>>
            %dma_wait3A_302 = tpu.memref_squeeze %dma_wait3A_301 : memref<1x128xi32, #tpu.memory_space<vmem>> -> memref<128xi32, #tpu.memory_space<vmem>>
            %dma_wait3A_303 = arith.constant 0 : i32
            %dma_wait3A_304 = arith.constant 0 : i32
            %dma_wait3A_305 = tpu.memref_slice %arg7[%dma_wait3A_303, %dma_wait3A_304] : memref<10240x64xf32, #tpu.memory_space<vmem_shared>> -> memref<10240x64xf32, #tpu.memory_space<vmem_shared>>
            tpu.wait_indirect_dma semaphore(%arg22 : memref<!tpu.dma_semaphore, #tpu.memory_space<semaphore_mem>>) src(%arg13 : memref<128x64xf32, #tpu.memory_space<vmem>>) dst(%dma_wait3A_305 : memref<10240x64xf32, #tpu.memory_space<vmem_shared>>)
          } else {
          }
          %add3A_284 = arith.constant 4 : i32
          %add3A_285 = arith.addi %while3A_168, %add3A_284 : i32
          %sub3A_286 = arith.constant 1 : i32
          %sub3A_287 = arith.subi %add3A_285, %sub3A_286 : i32
          %dma_start3A_288 = arith.constant 0 : i32
          %dma_start3A_289 = tpu.memref_slice %arg8[%sub3A_287, %dma_start3A_288] : memref<157x128xi32, #tpu.memory_space<vmem>> -> memref<1x128xi32, #tpu.memory_space<vmem>>
          %dma_start3A_290 = tpu.memref_squeeze %dma_start3A_289 : memref<1x128xi32, #tpu.memory_space<vmem>> -> memref<128xi32, #tpu.memory_space<vmem>>
          %dma_start3A_291 = arith.constant 0 : i32
          %dma_start3A_292 = arith.constant 0 : i32
          %dma_start3A_293 = tpu.memref_slice %arg2[%arg0, %dma_start3A_291, %dma_start3A_292] : memref<2x10240x64xf32, #tpu.memory_space<hbm>> -> memref<1x10240x64xf32, #tpu.memory_space<hbm>>
          %dma_start3A_294 = tpu.memref_squeeze %dma_start3A_293 : memref<1x10240x64xf32, #tpu.memory_space<hbm>> -> memref<10240x64xf32, #tpu.memory_space<hbm>>
          %dma_start3A_295 = arith.constant 0 : i32
          %dma_start3A_296 = arith.constant 0 : i32
          %dma_start3A_297 = tpu.memref_slice %dma_start3A_294[%dma_start3A_295, %dma_start3A_296] : memref<10240x64xf32, #tpu.memory_space<hbm>> -> memref<10240x64xf32, #tpu.memory_space<hbm>>
          tpu.enqueue_indirect_dma source(%dma_start3A_297 : memref<10240x64xf32, #tpu.memory_space<hbm>>) target(%arg13 : memref<128x64xf32, #tpu.memory_space<vmem>>) offsets(%dma_start3A_290 : memref<128xi32, #tpu.memory_space<vmem>>) semaphore(%arg18 : memref<!tpu.dma_semaphore, #tpu.memory_space<semaphore_mem>>)
        } else {
        }
        %dma_wait3A = arith.constant 0 : i32
        %dma_wait3A_265 = tpu.memref_slice %arg8[%while3A_168, %dma_wait3A] : memref<157x128xi32, #tpu.memory_space<vmem>> -> memref<1x128xi32, #tpu.memory_space<vmem>>
        %dma_wait3A_266 = tpu.memref_squeeze %dma_wait3A_265 : memref<1x128xi32, #tpu.memory_space<vmem>> -> memref<128xi32, #tpu.memory_space<vmem>>
        %dma_wait3A_267 = arith.constant 0 : i32
        %dma_wait3A_268 = arith.constant 0 : i32
        %dma_wait3A_269 = tpu.memref_slice %arg2[%arg0, %dma_wait3A_267, %dma_wait3A_268] : memref<2x10240x64xf32, #tpu.memory_space<hbm>> -> memref<1x10240x64xf32, #tpu.memory_space<hbm>>
        %dma_wait3A_270 = tpu.memref_squeeze %dma_wait3A_269 : memref<1x10240x64xf32, #tpu.memory_space<hbm>> -> memref<10240x64xf32, #tpu.memory_space<hbm>>
        %dma_wait3A_271 = arith.constant 0 : i32
        %dma_wait3A_272 = arith.constant 0 : i32
        %dma_wait3A_273 = tpu.memref_slice %dma_wait3A_270[%dma_wait3A_271, %dma_wait3A_272] : memref<10240x64xf32, #tpu.memory_space<hbm>> -> memref<10240x64xf32, #tpu.memory_space<hbm>>
        tpu.wait_indirect_dma semaphore(%arg15 : memref<!tpu.dma_semaphore, #tpu.memory_space<semaphore_mem>>) src(%dma_wait3A_273 : memref<10240x64xf32, #tpu.memory_space<hbm>>) dst(%arg10 : memref<128x64xf32, #tpu.memory_space<vmem>>)
        %dma_start3A_274 = arith.constant 0 : i32
        %dma_start3A_275 = tpu.memref_slice %arg9[%while3A_168, %dma_start3A_274] : memref<157x128xi32, #tpu.memory_space<vmem>> -> memref<1x128xi32, #tpu.memory_space<vmem>>
        %dma_start3A_276 = tpu.memref_squeeze %dma_start3A_275 : memref<1x128xi32, #tpu.memory_space<vmem>> -> memref<128xi32, #tpu.memory_space<vmem>>
        %dma_start3A_277 = arith.constant 0 : i32
        %dma_start3A_278 = arith.constant 0 : i32
        %dma_start3A_279 = tpu.memref_slice %arg7[%dma_start3A_277, %dma_start3A_278] : memref<10240x64xf32, #tpu.memory_space<vmem_shared>> -> memref<10240x64xf32, #tpu.memory_space<vmem_shared>>
        tpu.enqueue_indirect_dma source(%arg10 : memref<128x64xf32, #tpu.memory_space<vmem>>) target(%dma_start3A_279 : memref<10240x64xf32, #tpu.memory_space<vmem_shared>>) offsets(%dma_start3A_276 : memref<128xi32, #tpu.memory_space<vmem>>) semaphore(%arg19 : memref<!tpu.dma_semaphore, #tpu.memory_space<semaphore_mem>>) {add = true}
      } else {
      }
      %jit3A_195 = arith.constant 4 : i32
      %eq3A_196 = arith.constant 0 : i32
      %eq3A_197 = arith.cmpi eq, %jit3A_195, %eq3A_196 : i32
      %jit3A_198 = arith.constant 1 : i32
      %select_n3A_199 = arith.select %eq3A_197, %jit3A_198, %jit3A_195 : i32
      %rem3A_200 = arith.remsi %while3A_168, %select_n3A_199 : i32
      %ne3A_201 = arith.constant 0 : i32
      %ne3A_202 = arith.cmpi ne, %rem3A_200, %ne3A_201 : i32
      %lt3A_203 = arith.constant 0 : i32
      %lt3A_204 = arith.cmpi slt, %rem3A_200, %lt3A_203 : i32
      %lt3A_205 = arith.constant 0 : i32
      %lt3A_206 = arith.cmpi slt, %select_n3A_199, %lt3A_205 : i32
      %ne3A_207 = arith.xori %lt3A_204, %lt3A_206 : i1
      %and3A_208 = arith.andi %ne3A_207, %ne3A_202 : i1
      %add3A_209 = arith.addi %rem3A_200, %select_n3A_199 : i32
      %select_n3A_210 = arith.select %and3A_208, %add3A_209, %rem3A_200 : i32
      %eq3A_211 = arith.constant 1 : i32
      %eq3A_212 = arith.cmpi eq, %select_n3A_210, %eq3A_211 : i32
      %convert_element_type3A_213 = arith.extui %eq3A_212 : i1 to i32
      %cond3A_214 = arith.constant 0 : i32
      %cond3A_215 = arith.cmpi ne, %convert_element_type3A_213, %cond3A_214 : i32
      scf.if %cond3A_215 {
        %add3A_258 = arith.constant 4 : i32
        %add3A_259 = arith.addi %while3A_168, %add3A_258 : i32
        %sub3A = arith.constant 1 : i32
        %sub3A_260 = arith.subi %add3A_259, %sub3A : i32
        %lt3A_261 = arith.cmpi slt, %sub3A_260, %add3A_4 : i32
        %convert_element_type3A_262 = arith.extui %lt3A_261 : i1 to i32
        %cond3A_263 = arith.constant 0 : i32
        %cond3A_264 = arith.cmpi ne, %convert_element_type3A_262, %cond3A_263 : i32
        scf.if %cond3A_264 {
          %ge3A = arith.constant 1 : i32
          %ge3A_280 = arith.cmpi sge, %while3A_168, %ge3A : i32
          %convert_element_type3A_281 = arith.extui %ge3A_280 : i1 to i32
          %cond3A_282 = arith.constant 0 : i32
          %cond3A_283 = arith.cmpi ne, %convert_element_type3A_281, %cond3A_282 : i32
          scf.if %cond3A_283 {
            %sub3A_298 = arith.constant 1 : i32
            %sub3A_299 = arith.subi %while3A_168, %sub3A_298 : i32
            %dma_wait3A_300 = arith.constant 0 : i32
            %dma_wait3A_301 = tpu.memref_slice %arg9[%sub3A_299, %dma_wait3A_300] : memref<157x128xi32, #tpu.memory_space<vmem>> -> memref<1x128xi32, #tpu.memory_space<vmem>>
            %dma_wait3A_302 = tpu.memref_squeeze %dma_wait3A_301 : memref<1x128xi32, #tpu.memory_space<vmem>> -> memref<128xi32, #tpu.memory_space<vmem>>
            %dma_wait3A_303 = arith.constant 0 : i32
            %dma_wait3A_304 = arith.constant 0 : i32
            %dma_wait3A_305 = tpu.memref_slice %arg7[%dma_wait3A_303, %dma_wait3A_304] : memref<10240x64xf32, #tpu.memory_space<vmem_shared>> -> memref<10240x64xf32, #tpu.memory_space<vmem_shared>>
            tpu.wait_indirect_dma semaphore(%arg19 : memref<!tpu.dma_semaphore, #tpu.memory_space<semaphore_mem>>) src(%arg10 : memref<128x64xf32, #tpu.memory_space<vmem>>) dst(%dma_wait3A_305 : memref<10240x64xf32, #tpu.memory_space<vmem_shared>>)
          } else {
          }
          %add3A_284 = arith.constant 4 : i32
          %add3A_285 = arith.addi %while3A_168, %add3A_284 : i32
          %sub3A_286 = arith.constant 1 : i32
          %sub3A_287 = arith.subi %add3A_285, %sub3A_286 : i32
          %dma_start3A_288 = arith.constant 0 : i32
          %dma_start3A_289 = tpu.memref_slice %arg8[%sub3A_287, %dma_start3A_288] : memref<157x128xi32, #tpu.memory_space<vmem>> -> memref<1x128xi32, #tpu.memory_space<vmem>>
          %dma_start3A_290 = tpu.memref_squeeze %dma_start3A_289 : memref<1x128xi32, #tpu.memory_space<vmem>> -> memref<128xi32, #tpu.memory_space<vmem>>
          %dma_start3A_291 = arith.constant 0 : i32
          %dma_start3A_292 = arith.constant 0 : i32
          %dma_start3A_293 = tpu.memref_slice %arg2[%arg0, %dma_start3A_291, %dma_start3A_292] : memref<2x10240x64xf32, #tpu.memory_space<hbm>> -> memref<1x10240x64xf32, #tpu.memory_space<hbm>>
          %dma_start3A_294 = tpu.memref_squeeze %dma_start3A_293 : memref<1x10240x64xf32, #tpu.memory_space<hbm>> -> memref<10240x64xf32, #tpu.memory_space<hbm>>
          %dma_start3A_295 = arith.constant 0 : i32
          %dma_start3A_296 = arith.constant 0 : i32
          %dma_start3A_297 = tpu.memref_slice %dma_start3A_294[%dma_start3A_295, %dma_start3A_296] : memref<10240x64xf32, #tpu.memory_space<hbm>> -> memref<10240x64xf32, #tpu.memory_space<hbm>>
          tpu.enqueue_indirect_dma source(%dma_start3A_297 : memref<10240x64xf32, #tpu.memory_space<hbm>>) target(%arg10 : memref<128x64xf32, #tpu.memory_space<vmem>>) offsets(%dma_start3A_290 : memref<128xi32, #tpu.memory_space<vmem>>) semaphore(%arg15 : memref<!tpu.dma_semaphore, #tpu.memory_space<semaphore_mem>>)
        } else {
        }
        %dma_wait3A = arith.constant 0 : i32
        %dma_wait3A_265 = tpu.memref_slice %arg8[%while3A_168, %dma_wait3A] : memref<157x128xi32, #tpu.memory_space<vmem>> -> memref<1x128xi32, #tpu.memory_space<vmem>>
        %dma_wait3A_266 = tpu.memref_squeeze %dma_wait3A_265 : memref<1x128xi32, #tpu.memory_space<vmem>> -> memref<128xi32, #tpu.memory_space<vmem>>
        %dma_wait3A_267 = arith.constant 0 : i32
        %dma_wait3A_268 = arith.constant 0 : i32
        %dma_wait3A_269 = tpu.memref_slice %arg2[%arg0, %dma_wait3A_267, %dma_wait3A_268] : memref<2x10240x64xf32, #tpu.memory_space<hbm>> -> memref<1x10240x64xf32, #tpu.memory_space<hbm>>
        %dma_wait3A_270 = tpu.memref_squeeze %dma_wait3A_269 : memref<1x10240x64xf32, #tpu.memory_space<hbm>> -> memref<10240x64xf32, #tpu.memory_space<hbm>>
        %dma_wait3A_271 = arith.constant 0 : i32
        %dma_wait3A_272 = arith.constant 0 : i32
        %dma_wait3A_273 = tpu.memref_slice %dma_wait3A_270[%dma_wait3A_271, %dma_wait3A_272] : memref<10240x64xf32, #tpu.memory_space<hbm>> -> memref<10240x64xf32, #tpu.memory_space<hbm>>
        tpu.wait_indirect_dma semaphore(%arg16 : memref<!tpu.dma_semaphore, #tpu.memory_space<semaphore_mem>>) src(%dma_wait3A_273 : memref<10240x64xf32, #tpu.memory_space<hbm>>) dst(%arg11 : memref<128x64xf32, #tpu.memory_space<vmem>>)
        %dma_start3A_274 = arith.constant 0 : i32
        %dma_start3A_275 = tpu.memref_slice %arg9[%while3A_168, %dma_start3A_274] : memref<157x128xi32, #tpu.memory_space<vmem>> -> memref<1x128xi32, #tpu.memory_space<vmem>>
        %dma_start3A_276 = tpu.memref_squeeze %dma_start3A_275 : memref<1x128xi32, #tpu.memory_space<vmem>> -> memref<128xi32, #tpu.memory_space<vmem>>
        %dma_start3A_277 = arith.constant 0 : i32
        %dma_start3A_278 = arith.constant 0 : i32
        %dma_start3A_279 = tpu.memref_slice %arg7[%dma_start3A_277, %dma_start3A_278] : memref<10240x64xf32, #tpu.memory_space<vmem_shared>> -> memref<10240x64xf32, #tpu.memory_space<vmem_shared>>
        tpu.enqueue_indirect_dma source(%arg11 : memref<128x64xf32, #tpu.memory_space<vmem>>) target(%dma_start3A_279 : memref<10240x64xf32, #tpu.memory_space<vmem_shared>>) offsets(%dma_start3A_276 : memref<128xi32, #tpu.memory_space<vmem>>) semaphore(%arg20 : memref<!tpu.dma_semaphore, #tpu.memory_space<semaphore_mem>>) {add = true}
      } else {
      }
      %jit3A_216 = arith.constant 4 : i32
      %eq3A_217 = arith.constant 0 : i32
      %eq3A_218 = arith.cmpi eq, %jit3A_216, %eq3A_217 : i32
      %jit3A_219 = arith.constant 1 : i32
      %select_n3A_220 = arith.select %eq3A_218, %jit3A_219, %jit3A_216 : i32
      %rem3A_221 = arith.remsi %while3A_168, %select_n3A_220 : i32
      %ne3A_222 = arith.constant 0 : i32
      %ne3A_223 = arith.cmpi ne, %rem3A_221, %ne3A_222 : i32
      %lt3A_224 = arith.constant 0 : i32
      %lt3A_225 = arith.cmpi slt, %rem3A_221, %lt3A_224 : i32
      %lt3A_226 = arith.constant 0 : i32
      %lt3A_227 = arith.cmpi slt, %select_n3A_220, %lt3A_226 : i32
      %ne3A_228 = arith.xori %lt3A_225, %lt3A_227 : i1
      %and3A_229 = arith.andi %ne3A_228, %ne3A_223 : i1
      %add3A_230 = arith.addi %rem3A_221, %select_n3A_220 : i32
      %select_n3A_231 = arith.select %and3A_229, %add3A_230, %rem3A_221 : i32
      %eq3A_232 = arith.constant 2 : i32
      %eq3A_233 = arith.cmpi eq, %select_n3A_231, %eq3A_232 : i32
      %convert_element_type3A_234 = arith.extui %eq3A_233 : i1 to i32
      %cond3A_235 = arith.constant 0 : i32
      %cond3A_236 = arith.cmpi ne, %convert_element_type3A_234, %cond3A_235 : i32
      scf.if %cond3A_236 {
        %add3A_258 = arith.constant 4 : i32
        %add3A_259 = arith.addi %while3A_168, %add3A_258 : i32
        %sub3A = arith.constant 1 : i32
        %sub3A_260 = arith.subi %add3A_259, %sub3A : i32
        %lt3A_261 = arith.cmpi slt, %sub3A_260, %add3A_4 : i32
        %convert_element_type3A_262 = arith.extui %lt3A_261 : i1 to i32
        %cond3A_263 = arith.constant 0 : i32
        %cond3A_264 = arith.cmpi ne, %convert_element_type3A_262, %cond3A_263 : i32
        scf.if %cond3A_264 {
          %ge3A = arith.constant 1 : i32
          %ge3A_280 = arith.cmpi sge, %while3A_168, %ge3A : i32
          %convert_element_type3A_281 = arith.extui %ge3A_280 : i1 to i32
          %cond3A_282 = arith.constant 0 : i32
          %cond3A_283 = arith.cmpi ne, %convert_element_type3A_281, %cond3A_282 : i32
          scf.if %cond3A_283 {
            %sub3A_298 = arith.constant 1 : i32
            %sub3A_299 = arith.subi %while3A_168, %sub3A_298 : i32
            %dma_wait3A_300 = arith.constant 0 : i32
            %dma_wait3A_301 = tpu.memref_slice %arg9[%sub3A_299, %dma_wait3A_300] : memref<157x128xi32, #tpu.memory_space<vmem>> -> memref<1x128xi32, #tpu.memory_space<vmem>>
            %dma_wait3A_302 = tpu.memref_squeeze %dma_wait3A_301 : memref<1x128xi32, #tpu.memory_space<vmem>> -> memref<128xi32, #tpu.memory_space<vmem>>
            %dma_wait3A_303 = arith.constant 0 : i32
            %dma_wait3A_304 = arith.constant 0 : i32
            %dma_wait3A_305 = tpu.memref_slice %arg7[%dma_wait3A_303, %dma_wait3A_304] : memref<10240x64xf32, #tpu.memory_space<vmem_shared>> -> memref<10240x64xf32, #tpu.memory_space<vmem_shared>>
            tpu.wait_indirect_dma semaphore(%arg20 : memref<!tpu.dma_semaphore, #tpu.memory_space<semaphore_mem>>) src(%arg11 : memref<128x64xf32, #tpu.memory_space<vmem>>) dst(%dma_wait3A_305 : memref<10240x64xf32, #tpu.memory_space<vmem_shared>>)
          } else {
          }
          %add3A_284 = arith.constant 4 : i32
          %add3A_285 = arith.addi %while3A_168, %add3A_284 : i32
          %sub3A_286 = arith.constant 1 : i32
          %sub3A_287 = arith.subi %add3A_285, %sub3A_286 : i32
          %dma_start3A_288 = arith.constant 0 : i32
          %dma_start3A_289 = tpu.memref_slice %arg8[%sub3A_287, %dma_start3A_288] : memref<157x128xi32, #tpu.memory_space<vmem>> -> memref<1x128xi32, #tpu.memory_space<vmem>>
          %dma_start3A_290 = tpu.memref_squeeze %dma_start3A_289 : memref<1x128xi32, #tpu.memory_space<vmem>> -> memref<128xi32, #tpu.memory_space<vmem>>
          %dma_start3A_291 = arith.constant 0 : i32
          %dma_start3A_292 = arith.constant 0 : i32
          %dma_start3A_293 = tpu.memref_slice %arg2[%arg0, %dma_start3A_291, %dma_start3A_292] : memref<2x10240x64xf32, #tpu.memory_space<hbm>> -> memref<1x10240x64xf32, #tpu.memory_space<hbm>>
          %dma_start3A_294 = tpu.memref_squeeze %dma_start3A_293 : memref<1x10240x64xf32, #tpu.memory_space<hbm>> -> memref<10240x64xf32, #tpu.memory_space<hbm>>
          %dma_start3A_295 = arith.constant 0 : i32
          %dma_start3A_296 = arith.constant 0 : i32
          %dma_start3A_297 = tpu.memref_slice %dma_start3A_294[%dma_start3A_295, %dma_start3A_296] : memref<10240x64xf32, #tpu.memory_space<hbm>> -> memref<10240x64xf32, #tpu.memory_space<hbm>>
          tpu.enqueue_indirect_dma source(%dma_start3A_297 : memref<10240x64xf32, #tpu.memory_space<hbm>>) target(%arg11 : memref<128x64xf32, #tpu.memory_space<vmem>>) offsets(%dma_start3A_290 : memref<128xi32, #tpu.memory_space<vmem>>) semaphore(%arg16 : memref<!tpu.dma_semaphore, #tpu.memory_space<semaphore_mem>>)
        } else {
        }
        %dma_wait3A = arith.constant 0 : i32
        %dma_wait3A_265 = tpu.memref_slice %arg8[%while3A_168, %dma_wait3A] : memref<157x128xi32, #tpu.memory_space<vmem>> -> memref<1x128xi32, #tpu.memory_space<vmem>>
        %dma_wait3A_266 = tpu.memref_squeeze %dma_wait3A_265 : memref<1x128xi32, #tpu.memory_space<vmem>> -> memref<128xi32, #tpu.memory_space<vmem>>
        %dma_wait3A_267 = arith.constant 0 : i32
        %dma_wait3A_268 = arith.constant 0 : i32
        %dma_wait3A_269 = tpu.memref_slice %arg2[%arg0, %dma_wait3A_267, %dma_wait3A_268] : memref<2x10240x64xf32, #tpu.memory_space<hbm>> -> memref<1x10240x64xf32, #tpu.memory_space<hbm>>
        %dma_wait3A_270 = tpu.memref_squeeze %dma_wait3A_269 : memref<1x10240x64xf32, #tpu.memory_space<hbm>> -> memref<10240x64xf32, #tpu.memory_space<hbm>>
        %dma_wait3A_271 = arith.constant 0 : i32
        %dma_wait3A_272 = arith.constant 0 : i32
        %dma_wait3A_273 = tpu.memref_slice %dma_wait3A_270[%dma_wait3A_271, %dma_wait3A_272] : memref<10240x64xf32, #tpu.memory_space<hbm>> -> memref<10240x64xf32, #tpu.memory_space<hbm>>
        tpu.wait_indirect_dma semaphore(%arg17 : memref<!tpu.dma_semaphore, #tpu.memory_space<semaphore_mem>>) src(%dma_wait3A_273 : memref<10240x64xf32, #tpu.memory_space<hbm>>) dst(%arg12 : memref<128x64xf32, #tpu.memory_space<vmem>>)
        %dma_start3A_274 = arith.constant 0 : i32
        %dma_start3A_275 = tpu.memref_slice %arg9[%while3A_168, %dma_start3A_274] : memref<157x128xi32, #tpu.memory_space<vmem>> -> memref<1x128xi32, #tpu.memory_space<vmem>>
        %dma_start3A_276 = tpu.memref_squeeze %dma_start3A_275 : memref<1x128xi32, #tpu.memory_space<vmem>> -> memref<128xi32, #tpu.memory_space<vmem>>
        %dma_start3A_277 = arith.constant 0 : i32
        %dma_start3A_278 = arith.constant 0 : i32
        %dma_start3A_279 = tpu.memref_slice %arg7[%dma_start3A_277, %dma_start3A_278] : memref<10240x64xf32, #tpu.memory_space<vmem_shared>> -> memref<10240x64xf32, #tpu.memory_space<vmem_shared>>
        tpu.enqueue_indirect_dma source(%arg12 : memref<128x64xf32, #tpu.memory_space<vmem>>) target(%dma_start3A_279 : memref<10240x64xf32, #tpu.memory_space<vmem_shared>>) offsets(%dma_start3A_276 : memref<128xi32, #tpu.memory_space<vmem>>) semaphore(%arg21 : memref<!tpu.dma_semaphore, #tpu.memory_space<semaphore_mem>>) {add = true}
      } else {
      }
      %jit3A_237 = arith.constant 4 : i32
      %eq3A_238 = arith.constant 0 : i32
      %eq3A_239 = arith.cmpi eq, %jit3A_237, %eq3A_238 : i32
      %jit3A_240 = arith.constant 1 : i32
      %select_n3A_241 = arith.select %eq3A_239, %jit3A_240, %jit3A_237 : i32
      %rem3A_242 = arith.remsi %while3A_168, %select_n3A_241 : i32
      %ne3A_243 = arith.constant 0 : i32
      %ne3A_244 = arith.cmpi ne, %rem3A_242, %ne3A_243 : i32
      %lt3A_245 = arith.constant 0 : i32
      %lt3A_246 = arith.cmpi slt, %rem3A_242, %lt3A_245 : i32
      %lt3A_247 = arith.constant 0 : i32
      %lt3A_248 = arith.cmpi slt, %select_n3A_241, %lt3A_247 : i32
      %ne3A_249 = arith.xori %lt3A_246, %lt3A_248 : i1
      %and3A_250 = arith.andi %ne3A_249, %ne3A_244 : i1
      %add3A_251 = arith.addi %rem3A_242, %select_n3A_241 : i32
      %select_n3A_252 = arith.select %and3A_250, %add3A_251, %rem3A_242 : i32
      %eq3A_253 = arith.constant 3 : i32
      %eq3A_254 = arith.cmpi eq, %select_n3A_252, %eq3A_253 : i32
      %convert_element_type3A_255 = arith.extui %eq3A_254 : i1 to i32
      %cond3A_256 = arith.constant 0 : i32
      %cond3A_257 = arith.cmpi ne, %convert_element_type3A_255, %cond3A_256 : i32
      scf.if %cond3A_257 {
        %add3A_258 = arith.constant 4 : i32
        %add3A_259 = arith.addi %while3A_168, %add3A_258 : i32
        %sub3A = arith.constant 1 : i32
        %sub3A_260 = arith.subi %add3A_259, %sub3A : i32
        %lt3A_261 = arith.cmpi slt, %sub3A_260, %add3A_4 : i32
        %convert_element_type3A_262 = arith.extui %lt3A_261 : i1 to i32
        %cond3A_263 = arith.constant 0 : i32
        %cond3A_264 = arith.cmpi ne, %convert_element_type3A_262, %cond3A_263 : i32
        scf.if %cond3A_264 {
          %ge3A = arith.constant 1 : i32
          %ge3A_280 = arith.cmpi sge, %while3A_168, %ge3A : i32
          %convert_element_type3A_281 = arith.extui %ge3A_280 : i1 to i32
          %cond3A_282 = arith.constant 0 : i32
          %cond3A_283 = arith.cmpi ne, %convert_element_type3A_281, %cond3A_282 : i32
          scf.if %cond3A_283 {
            %sub3A_298 = arith.constant 1 : i32
            %sub3A_299 = arith.subi %while3A_168, %sub3A_298 : i32
            %dma_wait3A_300 = arith.constant 0 : i32
            %dma_wait3A_301 = tpu.memref_slice %arg9[%sub3A_299, %dma_wait3A_300] : memref<157x128xi32, #tpu.memory_space<vmem>> -> memref<1x128xi32, #tpu.memory_space<vmem>>
            %dma_wait3A_302 = tpu.memref_squeeze %dma_wait3A_301 : memref<1x128xi32, #tpu.memory_space<vmem>> -> memref<128xi32, #tpu.memory_space<vmem>>
            %dma_wait3A_303 = arith.constant 0 : i32
            %dma_wait3A_304 = arith.constant 0 : i32
            %dma_wait3A_305 = tpu.memref_slice %arg7[%dma_wait3A_303, %dma_wait3A_304] : memref<10240x64xf32, #tpu.memory_space<vmem_shared>> -> memref<10240x64xf32, #tpu.memory_space<vmem_shared>>
            tpu.wait_indirect_dma semaphore(%arg21 : memref<!tpu.dma_semaphore, #tpu.memory_space<semaphore_mem>>) src(%arg12 : memref<128x64xf32, #tpu.memory_space<vmem>>) dst(%dma_wait3A_305 : memref<10240x64xf32, #tpu.memory_space<vmem_shared>>)
          } else {
          }
          %add3A_284 = arith.constant 4 : i32
          %add3A_285 = arith.addi %while3A_168, %add3A_284 : i32
          %sub3A_286 = arith.constant 1 : i32
          %sub3A_287 = arith.subi %add3A_285, %sub3A_286 : i32
          %dma_start3A_288 = arith.constant 0 : i32
          %dma_start3A_289 = tpu.memref_slice %arg8[%sub3A_287, %dma_start3A_288] : memref<157x128xi32, #tpu.memory_space<vmem>> -> memref<1x128xi32, #tpu.memory_space<vmem>>
          %dma_start3A_290 = tpu.memref_squeeze %dma_start3A_289 : memref<1x128xi32, #tpu.memory_space<vmem>> -> memref<128xi32, #tpu.memory_space<vmem>>
          %dma_start3A_291 = arith.constant 0 : i32
          %dma_start3A_292 = arith.constant 0 : i32
          %dma_start3A_293 = tpu.memref_slice %arg2[%arg0, %dma_start3A_291, %dma_start3A_292] : memref<2x10240x64xf32, #tpu.memory_space<hbm>> -> memref<1x10240x64xf32, #tpu.memory_space<hbm>>
          %dma_start3A_294 = tpu.memref_squeeze %dma_start3A_293 : memref<1x10240x64xf32, #tpu.memory_space<hbm>> -> memref<10240x64xf32, #tpu.memory_space<hbm>>
          %dma_start3A_295 = arith.constant 0 : i32
          %dma_start3A_296 = arith.constant 0 : i32
          %dma_start3A_297 = tpu.memref_slice %dma_start3A_294[%dma_start3A_295, %dma_start3A_296] : memref<10240x64xf32, #tpu.memory_space<hbm>> -> memref<10240x64xf32, #tpu.memory_space<hbm>>
          tpu.enqueue_indirect_dma source(%dma_start3A_297 : memref<10240x64xf32, #tpu.memory_space<hbm>>) target(%arg12 : memref<128x64xf32, #tpu.memory_space<vmem>>) offsets(%dma_start3A_290 : memref<128xi32, #tpu.memory_space<vmem>>) semaphore(%arg17 : memref<!tpu.dma_semaphore, #tpu.memory_space<semaphore_mem>>)
        } else {
        }
        %dma_wait3A = arith.constant 0 : i32
        %dma_wait3A_265 = tpu.memref_slice %arg8[%while3A_168, %dma_wait3A] : memref<157x128xi32, #tpu.memory_space<vmem>> -> memref<1x128xi32, #tpu.memory_space<vmem>>
        %dma_wait3A_266 = tpu.memref_squeeze %dma_wait3A_265 : memref<1x128xi32, #tpu.memory_space<vmem>> -> memref<128xi32, #tpu.memory_space<vmem>>
        %dma_wait3A_267 = arith.constant 0 : i32
        %dma_wait3A_268 = arith.constant 0 : i32
        %dma_wait3A_269 = tpu.memref_slice %arg2[%arg0, %dma_wait3A_267, %dma_wait3A_268] : memref<2x10240x64xf32, #tpu.memory_space<hbm>> -> memref<1x10240x64xf32, #tpu.memory_space<hbm>>
        %dma_wait3A_270 = tpu.memref_squeeze %dma_wait3A_269 : memref<1x10240x64xf32, #tpu.memory_space<hbm>> -> memref<10240x64xf32, #tpu.memory_space<hbm>>
        %dma_wait3A_271 = arith.constant 0 : i32
        %dma_wait3A_272 = arith.constant 0 : i32
        %dma_wait3A_273 = tpu.memref_slice %dma_wait3A_270[%dma_wait3A_271, %dma_wait3A_272] : memref<10240x64xf32, #tpu.memory_space<hbm>> -> memref<10240x64xf32, #tpu.memory_space<hbm>>
        tpu.wait_indirect_dma semaphore(%arg18 : memref<!tpu.dma_semaphore, #tpu.memory_space<semaphore_mem>>) src(%dma_wait3A_273 : memref<10240x64xf32, #tpu.memory_space<hbm>>) dst(%arg13 : memref<128x64xf32, #tpu.memory_space<vmem>>)
        %dma_start3A_274 = arith.constant 0 : i32
        %dma_start3A_275 = tpu.memref_slice %arg9[%while3A_168, %dma_start3A_274] : memref<157x128xi32, #tpu.memory_space<vmem>> -> memref<1x128xi32, #tpu.memory_space<vmem>>
        %dma_start3A_276 = tpu.memref_squeeze %dma_start3A_275 : memref<1x128xi32, #tpu.memory_space<vmem>> -> memref<128xi32, #tpu.memory_space<vmem>>
        %dma_start3A_277 = arith.constant 0 : i32
        %dma_start3A_278 = arith.constant 0 : i32
        %dma_start3A_279 = tpu.memref_slice %arg7[%dma_start3A_277, %dma_start3A_278] : memref<10240x64xf32, #tpu.memory_space<vmem_shared>> -> memref<10240x64xf32, #tpu.memory_space<vmem_shared>>
        tpu.enqueue_indirect_dma source(%arg13 : memref<128x64xf32, #tpu.memory_space<vmem>>) target(%dma_start3A_279 : memref<10240x64xf32, #tpu.memory_space<vmem_shared>>) offsets(%dma_start3A_276 : memref<128xi32, #tpu.memory_space<vmem>>) semaphore(%arg22 : memref<!tpu.dma_semaphore, #tpu.memory_space<semaphore_mem>>) {add = true}
      } else {
      }
    }
    %while3A_78 = arith.constant 1 : i32
    scf.for %while3A_168 = %while3A_76 to %while3A_72 step %while3A_78  : i32 {
      %eq3A_169 = arith.constant 0 : i32
      %eq3A_170 = arith.cmpi eq, %arg0, %eq3A_169 : i32
      %convert_element_type3A_171 = arith.extui %eq3A_170 : i1 to i32
      %cond3A_172 = arith.constant 0 : i32
      %cond3A_173 = arith.cmpi ne, %convert_element_type3A_171, %cond3A_172 : i32
      scf.if %cond3A_173 {
        %get3A = arith.index_cast %while3A_168 : i32 to index
        %get3A_258 = arith.constant 0 : index
        %get3A_259 = tpu.vector_load %arg9[%get3A, %get3A_258] {strides = array<i32>} : memref<157x128xi32, #tpu.memory_space<vmem>>, vector<16xi32>,
        tpu.vector_store_idx %arg14[%get3A_259], %broadcast_in_dim3A_69 {add = true} : memref<10240xf32, #tpu.memory_space<vmem>>[vector<16xi32>], vector<16xf32>,
        %get3A_260 = arith.index_cast %while3A_168 : i32 to index
        %get3A_261 = arith.constant 16 : index
        %get3A_262 = tpu.vector_load %arg9[%get3A_260, %get3A_261] {strides = array<i32>} : memref<157x128xi32, #tpu.memory_space<vmem>>, vector<16xi32>,
        tpu.vector_store_idx %arg14[%get3A_262], %broadcast_in_dim3A_69 {add = true} : memref<10240xf32, #tpu.memory_space<vmem>>[vector<16xi32>], vector<16xf32>,
        %get3A_263 = arith.index_cast %while3A_168 : i32 to index
        %get3A_264 = arith.constant 32 : index
        %get3A_265 = tpu.vector_load %arg9[%get3A_263, %get3A_264] {strides = array<i32>} : memref<157x128xi32, #tpu.memory_space<vmem>>, vector<16xi32>,
        tpu.vector_store_idx %arg14[%get3A_265], %broadcast_in_dim3A_69 {add = true} : memref<10240xf32, #tpu.memory_space<vmem>>[vector<16xi32>], vector<16xf32>,
        %get3A_266 = arith.index_cast %while3A_168 : i32 to index
        %get3A_267 = arith.constant 48 : index
        %get3A_268 = tpu.vector_load %arg9[%get3A_266, %get3A_267] {strides = array<i32>} : memref<157x128xi32, #tpu.memory_space<vmem>>, vector<16xi32>,
        tpu.vector_store_idx %arg14[%get3A_268], %broadcast_in_dim3A_69 {add = true} : memref<10240xf32, #tpu.memory_space<vmem>>[vector<16xi32>], vector<16xf32>,
        %get3A_269 = arith.index_cast %while3A_168 : i32 to index
        %get3A_270 = arith.constant 64 : index
        %get3A_271 = tpu.vector_load %arg9[%get3A_269, %get3A_270] {strides = array<i32>} : memref<157x128xi32, #tpu.memory_space<vmem>>, vector<16xi32>,
        tpu.vector_store_idx %arg14[%get3A_271], %broadcast_in_dim3A_69 {add = true} : memref<10240xf32, #tpu.memory_space<vmem>>[vector<16xi32>], vector<16xf32>,
        %get3A_272 = arith.index_cast %while3A_168 : i32 to index
        %get3A_273 = arith.constant 80 : index
        %get3A_274 = tpu.vector_load %arg9[%get3A_272, %get3A_273] {strides = array<i32>} : memref<157x128xi32, #tpu.memory_space<vmem>>, vector<16xi32>,
        tpu.vector_store_idx %arg14[%get3A_274], %broadcast_in_dim3A_69 {add = true} : memref<10240xf32, #tpu.memory_space<vmem>>[vector<16xi32>], vector<16xf32>,
        %get3A_275 = arith.index_cast %while3A_168 : i32 to index
        %get3A_276 = arith.constant 96 : index
        %get3A_277 = tpu.vector_load %arg9[%get3A_275, %get3A_276] {strides = array<i32>} : memref<157x128xi32, #tpu.memory_space<vmem>>, vector<16xi32>,
        tpu.vector_store_idx %arg14[%get3A_277], %broadcast_in_dim3A_69 {add = true} : memref<10240xf32, #tpu.memory_space<vmem>>[vector<16xi32>], vector<16xf32>,
        %get3A_278 = arith.index_cast %while3A_168 : i32 to index
        %get3A_279 = arith.constant 112 : index
        %get3A_280 = tpu.vector_load %arg9[%get3A_278, %get3A_279] {strides = array<i32>} : memref<157x128xi32, #tpu.memory_space<vmem>>, vector<16xi32>,
        tpu.vector_store_idx %arg14[%get3A_280], %broadcast_in_dim3A_69 {add = true} : memref<10240xf32, #tpu.memory_space<vmem>>[vector<16xi32>], vector<16xf32>,
      } else {
      }
      %jit3A_174 = arith.constant 4 : i32
      %eq3A_175 = arith.constant 0 : i32
      %eq3A_176 = arith.cmpi eq, %jit3A_174, %eq3A_175 : i32
      %jit3A_177 = arith.constant 1 : i32
      %select_n3A_178 = arith.select %eq3A_176, %jit3A_177, %jit3A_174 : i32
      %rem3A_179 = arith.remsi %while3A_168, %select_n3A_178 : i32
      %ne3A_180 = arith.constant 0 : i32
      %ne3A_181 = arith.cmpi ne, %rem3A_179, %ne3A_180 : i32
      %lt3A_182 = arith.constant 0 : i32
      %lt3A_183 = arith.cmpi slt, %rem3A_179, %lt3A_182 : i32
      %lt3A_184 = arith.constant 0 : i32
      %lt3A_185 = arith.cmpi slt, %select_n3A_178, %lt3A_184 : i32
      %ne3A_186 = arith.xori %lt3A_183, %lt3A_185 : i1
      %and3A_187 = arith.andi %ne3A_186, %ne3A_181 : i1
      %add3A_188 = arith.addi %rem3A_179, %select_n3A_178 : i32
      %select_n3A_189 = arith.select %and3A_187, %add3A_188, %rem3A_179 : i32
      %eq3A_190 = arith.constant 0 : i32
      %eq3A_191 = arith.cmpi eq, %select_n3A_189, %eq3A_190 : i32
      %convert_element_type3A_192 = arith.extui %eq3A_191 : i1 to i32
      %cond3A_193 = arith.constant 0 : i32
      %cond3A_194 = arith.cmpi ne, %convert_element_type3A_192, %cond3A_193 : i32
      scf.if %cond3A_194 {
        %add3A_258 = arith.constant 4 : i32
        %add3A_259 = arith.addi %while3A_168, %add3A_258 : i32
        %sub3A = arith.constant 1 : i32
        %sub3A_260 = arith.subi %add3A_259, %sub3A : i32
        %lt3A_261 = arith.cmpi slt, %sub3A_260, %add3A_4 : i32
        %convert_element_type3A_262 = arith.extui %lt3A_261 : i1 to i32
        %cond3A_263 = arith.constant 0 : i32
        %cond3A_264 = arith.cmpi ne, %convert_element_type3A_262, %cond3A_263 : i32
        scf.if %cond3A_264 {
          %ge3A = arith.constant 1 : i32
          %ge3A_280 = arith.cmpi sge, %while3A_168, %ge3A : i32
          %convert_element_type3A_281 = arith.extui %ge3A_280 : i1 to i32
          %cond3A_282 = arith.constant 0 : i32
          %cond3A_283 = arith.cmpi ne, %convert_element_type3A_281, %cond3A_282 : i32
          scf.if %cond3A_283 {
            %sub3A_298 = arith.constant 1 : i32
            %sub3A_299 = arith.subi %while3A_168, %sub3A_298 : i32
            %dma_wait3A_300 = arith.constant 0 : i32
            %dma_wait3A_301 = tpu.memref_slice %arg9[%sub3A_299, %dma_wait3A_300] : memref<157x128xi32, #tpu.memory_space<vmem>> -> memref<1x128xi32, #tpu.memory_space<vmem>>
            %dma_wait3A_302 = tpu.memref_squeeze %dma_wait3A_301 : memref<1x128xi32, #tpu.memory_space<vmem>> -> memref<128xi32, #tpu.memory_space<vmem>>
            %dma_wait3A_303 = arith.constant 0 : i32
            %dma_wait3A_304 = arith.constant 0 : i32
            %dma_wait3A_305 = tpu.memref_slice %arg7[%dma_wait3A_303, %dma_wait3A_304] : memref<10240x64xf32, #tpu.memory_space<vmem_shared>> -> memref<10240x64xf32, #tpu.memory_space<vmem_shared>>
            tpu.wait_indirect_dma semaphore(%arg22 : memref<!tpu.dma_semaphore, #tpu.memory_space<semaphore_mem>>) src(%arg13 : memref<128x64xf32, #tpu.memory_space<vmem>>) dst(%dma_wait3A_305 : memref<10240x64xf32, #tpu.memory_space<vmem_shared>>)
          } else {
          }
          %add3A_284 = arith.constant 4 : i32
          %add3A_285 = arith.addi %while3A_168, %add3A_284 : i32
          %sub3A_286 = arith.constant 1 : i32
          %sub3A_287 = arith.subi %add3A_285, %sub3A_286 : i32
          %dma_start3A_288 = arith.constant 0 : i32
          %dma_start3A_289 = tpu.memref_slice %arg8[%sub3A_287, %dma_start3A_288] : memref<157x128xi32, #tpu.memory_space<vmem>> -> memref<1x128xi32, #tpu.memory_space<vmem>>
          %dma_start3A_290 = tpu.memref_squeeze %dma_start3A_289 : memref<1x128xi32, #tpu.memory_space<vmem>> -> memref<128xi32, #tpu.memory_space<vmem>>
          %dma_start3A_291 = arith.constant 0 : i32
          %dma_start3A_292 = arith.constant 0 : i32
          %dma_start3A_293 = tpu.memref_slice %arg2[%arg0, %dma_start3A_291, %dma_start3A_292] : memref<2x10240x64xf32, #tpu.memory_space<hbm>> -> memref<1x10240x64xf32, #tpu.memory_space<hbm>>
          %dma_start3A_294 = tpu.memref_squeeze %dma_start3A_293 : memref<1x10240x64xf32, #tpu.memory_space<hbm>> -> memref<10240x64xf32, #tpu.memory_space<hbm>>
          %dma_start3A_295 = arith.constant 0 : i32
          %dma_start3A_296 = arith.constant 0 : i32
          %dma_start3A_297 = tpu.memref_slice %dma_start3A_294[%dma_start3A_295, %dma_start3A_296] : memref<10240x64xf32, #tpu.memory_space<hbm>> -> memref<10240x64xf32, #tpu.memory_space<hbm>>
          tpu.enqueue_indirect_dma source(%dma_start3A_297 : memref<10240x64xf32, #tpu.memory_space<hbm>>) target(%arg13 : memref<128x64xf32, #tpu.memory_space<vmem>>) offsets(%dma_start3A_290 : memref<128xi32, #tpu.memory_space<vmem>>) semaphore(%arg18 : memref<!tpu.dma_semaphore, #tpu.memory_space<semaphore_mem>>)
        } else {
        }
        %dma_wait3A = arith.constant 0 : i32
        %dma_wait3A_265 = tpu.memref_slice %arg8[%while3A_168, %dma_wait3A] : memref<157x128xi32, #tpu.memory_space<vmem>> -> memref<1x128xi32, #tpu.memory_space<vmem>>
        %dma_wait3A_266 = tpu.memref_squeeze %dma_wait3A_265 : memref<1x128xi32, #tpu.memory_space<vmem>> -> memref<128xi32, #tpu.memory_space<vmem>>
        %dma_wait3A_267 = arith.constant 0 : i32
        %dma_wait3A_268 = arith.constant 0 : i32
        %dma_wait3A_269 = tpu.memref_slice %arg2[%arg0, %dma_wait3A_267, %dma_wait3A_268] : memref<2x10240x64xf32, #tpu.memory_space<hbm>> -> memref<1x10240x64xf32, #tpu.memory_space<hbm>>
        %dma_wait3A_270 = tpu.memref_squeeze %dma_wait3A_269 : memref<1x10240x64xf32, #tpu.memory_space<hbm>> -> memref<10240x64xf32, #tpu.memory_space<hbm>>
        %dma_wait3A_271 = arith.constant 0 : i32
        %dma_wait3A_272 = arith.constant 0 : i32
        %dma_wait3A_273 = tpu.memref_slice %dma_wait3A_270[%dma_wait3A_271, %dma_wait3A_272] : memref<10240x64xf32, #tpu.memory_space<hbm>> -> memref<10240x64xf32, #tpu.memory_space<hbm>>
        tpu.wait_indirect_dma semaphore(%arg15 : memref<!tpu.dma_semaphore, #tpu.memory_space<semaphore_mem>>) src(%dma_wait3A_273 : memref<10240x64xf32, #tpu.memory_space<hbm>>) dst(%arg10 : memref<128x64xf32, #tpu.memory_space<vmem>>)
        %dma_start3A_274 = arith.constant 0 : i32
        %dma_start3A_275 = tpu.memref_slice %arg9[%while3A_168, %dma_start3A_274] : memref<157x128xi32, #tpu.memory_space<vmem>> -> memref<1x128xi32, #tpu.memory_space<vmem>>
        %dma_start3A_276 = tpu.memref_squeeze %dma_start3A_275 : memref<1x128xi32, #tpu.memory_space<vmem>> -> memref<128xi32, #tpu.memory_space<vmem>>
        %dma_start3A_277 = arith.constant 0 : i32
        %dma_start3A_278 = arith.constant 0 : i32
        %dma_start3A_279 = tpu.memref_slice %arg7[%dma_start3A_277, %dma_start3A_278] : memref<10240x64xf32, #tpu.memory_space<vmem_shared>> -> memref<10240x64xf32, #tpu.memory_space<vmem_shared>>
        tpu.enqueue_indirect_dma source(%arg10 : memref<128x64xf32, #tpu.memory_space<vmem>>) target(%dma_start3A_279 : memref<10240x64xf32, #tpu.memory_space<vmem_shared>>) offsets(%dma_start3A_276 : memref<128xi32, #tpu.memory_space<vmem>>) semaphore(%arg19 : memref<!tpu.dma_semaphore, #tpu.memory_space<semaphore_mem>>) {add = true}
      } else {
      }
      %jit3A_195 = arith.constant 4 : i32
      %eq3A_196 = arith.constant 0 : i32
      %eq3A_197 = arith.cmpi eq, %jit3A_195, %eq3A_196 : i32
      %jit3A_198 = arith.constant 1 : i32
      %select_n3A_199 = arith.select %eq3A_197, %jit3A_198, %jit3A_195 : i32
      %rem3A_200 = arith.remsi %while3A_168, %select_n3A_199 : i32
      %ne3A_201 = arith.constant 0 : i32
      %ne3A_202 = arith.cmpi ne, %rem3A_200, %ne3A_201 : i32
      %lt3A_203 = arith.constant 0 : i32
      %lt3A_204 = arith.cmpi slt, %rem3A_200, %lt3A_203 : i32
      %lt3A_205 = arith.constant 0 : i32
      %lt3A_206 = arith.cmpi slt, %select_n3A_199, %lt3A_205 : i32
      %ne3A_207 = arith.xori %lt3A_204, %lt3A_206 : i1
      %and3A_208 = arith.andi %ne3A_207, %ne3A_202 : i1
      %add3A_209 = arith.addi %rem3A_200, %select_n3A_199 : i32
      %select_n3A_210 = arith.select %and3A_208, %add3A_209, %rem3A_200 : i32
      %eq3A_211 = arith.constant 1 : i32
      %eq3A_212 = arith.cmpi eq, %select_n3A_210, %eq3A_211 : i32
      %convert_element_type3A_213 = arith.extui %eq3A_212 : i1 to i32
      %cond3A_214 = arith.constant 0 : i32
      %cond3A_215 = arith.cmpi ne, %convert_element_type3A_213, %cond3A_214 : i32
      scf.if %cond3A_215 {
        %add3A_258 = arith.constant 4 : i32
        %add3A_259 = arith.addi %while3A_168, %add3A_258 : i32
        %sub3A = arith.constant 1 : i32
        %sub3A_260 = arith.subi %add3A_259, %sub3A : i32
        %lt3A_261 = arith.cmpi slt, %sub3A_260, %add3A_4 : i32
        %convert_element_type3A_262 = arith.extui %lt3A_261 : i1 to i32
        %cond3A_263 = arith.constant 0 : i32
        %cond3A_264 = arith.cmpi ne, %convert_element_type3A_262, %cond3A_263 : i32
        scf.if %cond3A_264 {
          %ge3A = arith.constant 1 : i32
          %ge3A_280 = arith.cmpi sge, %while3A_168, %ge3A : i32
          %convert_element_type3A_281 = arith.extui %ge3A_280 : i1 to i32
          %cond3A_282 = arith.constant 0 : i32
          %cond3A_283 = arith.cmpi ne, %convert_element_type3A_281, %cond3A_282 : i32
          scf.if %cond3A_283 {
            %sub3A_298 = arith.constant 1 : i32
            %sub3A_299 = arith.subi %while3A_168, %sub3A_298 : i32
            %dma_wait3A_300 = arith.constant 0 : i32
            %dma_wait3A_301 = tpu.memref_slice %arg9[%sub3A_299, %dma_wait3A_300] : memref<157x128xi32, #tpu.memory_space<vmem>> -> memref<1x128xi32, #tpu.memory_space<vmem>>
            %dma_wait3A_302 = tpu.memref_squeeze %dma_wait3A_301 : memref<1x128xi32, #tpu.memory_space<vmem>> -> memref<128xi32, #tpu.memory_space<vmem>>
            %dma_wait3A_303 = arith.constant 0 : i32
            %dma_wait3A_304 = arith.constant 0 : i32
            %dma_wait3A_305 = tpu.memref_slice %arg7[%dma_wait3A_303, %dma_wait3A_304] : memref<10240x64xf32, #tpu.memory_space<vmem_shared>> -> memref<10240x64xf32, #tpu.memory_space<vmem_shared>>
            tpu.wait_indirect_dma semaphore(%arg19 : memref<!tpu.dma_semaphore, #tpu.memory_space<semaphore_mem>>) src(%arg10 : memref<128x64xf32, #tpu.memory_space<vmem>>) dst(%dma_wait3A_305 : memref<10240x64xf32, #tpu.memory_space<vmem_shared>>)
          } else {
          }
          %add3A_284 = arith.constant 4 : i32
          %add3A_285 = arith.addi %while3A_168, %add3A_284 : i32
          %sub3A_286 = arith.constant 1 : i32
          %sub3A_287 = arith.subi %add3A_285, %sub3A_286 : i32
          %dma_start3A_288 = arith.constant 0 : i32
          %dma_start3A_289 = tpu.memref_slice %arg8[%sub3A_287, %dma_start3A_288] : memref<157x128xi32, #tpu.memory_space<vmem>> -> memref<1x128xi32, #tpu.memory_space<vmem>>
          %dma_start3A_290 = tpu.memref_squeeze %dma_start3A_289 : memref<1x128xi32, #tpu.memory_space<vmem>> -> memref<128xi32, #tpu.memory_space<vmem>>
          %dma_start3A_291 = arith.constant 0 : i32
          %dma_start3A_292 = arith.constant 0 : i32
          %dma_start3A_293 = tpu.memref_slice %arg2[%arg0, %dma_start3A_291, %dma_start3A_292] : memref<2x10240x64xf32, #tpu.memory_space<hbm>> -> memref<1x10240x64xf32, #tpu.memory_space<hbm>>
          %dma_start3A_294 = tpu.memref_squeeze %dma_start3A_293 : memref<1x10240x64xf32, #tpu.memory_space<hbm>> -> memref<10240x64xf32, #tpu.memory_space<hbm>>
          %dma_start3A_295 = arith.constant 0 : i32
          %dma_start3A_296 = arith.constant 0 : i32
          %dma_start3A_297 = tpu.memref_slice %dma_start3A_294[%dma_start3A_295, %dma_start3A_296] : memref<10240x64xf32, #tpu.memory_space<hbm>> -> memref<10240x64xf32, #tpu.memory_space<hbm>>
          tpu.enqueue_indirect_dma source(%dma_start3A_297 : memref<10240x64xf32, #tpu.memory_space<hbm>>) target(%arg10 : memref<128x64xf32, #tpu.memory_space<vmem>>) offsets(%dma_start3A_290 : memref<128xi32, #tpu.memory_space<vmem>>) semaphore(%arg15 : memref<!tpu.dma_semaphore, #tpu.memory_space<semaphore_mem>>)
        } else {
        }
        %dma_wait3A = arith.constant 0 : i32
        %dma_wait3A_265 = tpu.memref_slice %arg8[%while3A_168, %dma_wait3A] : memref<157x128xi32, #tpu.memory_space<vmem>> -> memref<1x128xi32, #tpu.memory_space<vmem>>
        %dma_wait3A_266 = tpu.memref_squeeze %dma_wait3A_265 : memref<1x128xi32, #tpu.memory_space<vmem>> -> memref<128xi32, #tpu.memory_space<vmem>>
        %dma_wait3A_267 = arith.constant 0 : i32
        %dma_wait3A_268 = arith.constant 0 : i32
        %dma_wait3A_269 = tpu.memref_slice %arg2[%arg0, %dma_wait3A_267, %dma_wait3A_268] : memref<2x10240x64xf32, #tpu.memory_space<hbm>> -> memref<1x10240x64xf32, #tpu.memory_space<hbm>>
        %dma_wait3A_270 = tpu.memref_squeeze %dma_wait3A_269 : memref<1x10240x64xf32, #tpu.memory_space<hbm>> -> memref<10240x64xf32, #tpu.memory_space<hbm>>
        %dma_wait3A_271 = arith.constant 0 : i32
        %dma_wait3A_272 = arith.constant 0 : i32
        %dma_wait3A_273 = tpu.memref_slice %dma_wait3A_270[%dma_wait3A_271, %dma_wait3A_272] : memref<10240x64xf32, #tpu.memory_space<hbm>> -> memref<10240x64xf32, #tpu.memory_space<hbm>>
        tpu.wait_indirect_dma semaphore(%arg16 : memref<!tpu.dma_semaphore, #tpu.memory_space<semaphore_mem>>) src(%dma_wait3A_273 : memref<10240x64xf32, #tpu.memory_space<hbm>>) dst(%arg11 : memref<128x64xf32, #tpu.memory_space<vmem>>)
        %dma_start3A_274 = arith.constant 0 : i32
        %dma_start3A_275 = tpu.memref_slice %arg9[%while3A_168, %dma_start3A_274] : memref<157x128xi32, #tpu.memory_space<vmem>> -> memref<1x128xi32, #tpu.memory_space<vmem>>
        %dma_start3A_276 = tpu.memref_squeeze %dma_start3A_275 : memref<1x128xi32, #tpu.memory_space<vmem>> -> memref<128xi32, #tpu.memory_space<vmem>>
        %dma_start3A_277 = arith.constant 0 : i32
        %dma_start3A_278 = arith.constant 0 : i32
        %dma_start3A_279 = tpu.memref_slice %arg7[%dma_start3A_277, %dma_start3A_278] : memref<10240x64xf32, #tpu.memory_space<vmem_shared>> -> memref<10240x64xf32, #tpu.memory_space<vmem_shared>>
        tpu.enqueue_indirect_dma source(%arg11 : memref<128x64xf32, #tpu.memory_space<vmem>>) target(%dma_start3A_279 : memref<10240x64xf32, #tpu.memory_space<vmem_shared>>) offsets(%dma_start3A_276 : memref<128xi32, #tpu.memory_space<vmem>>) semaphore(%arg20 : memref<!tpu.dma_semaphore, #tpu.memory_space<semaphore_mem>>) {add = true}
      } else {
      }
      %jit3A_216 = arith.constant 4 : i32
      %eq3A_217 = arith.constant 0 : i32
      %eq3A_218 = arith.cmpi eq, %jit3A_216, %eq3A_217 : i32
      %jit3A_219 = arith.constant 1 : i32
      %select_n3A_220 = arith.select %eq3A_218, %jit3A_219, %jit3A_216 : i32
      %rem3A_221 = arith.remsi %while3A_168, %select_n3A_220 : i32
      %ne3A_222 = arith.constant 0 : i32
      %ne3A_223 = arith.cmpi ne, %rem3A_221, %ne3A_222 : i32
      %lt3A_224 = arith.constant 0 : i32
      %lt3A_225 = arith.cmpi slt, %rem3A_221, %lt3A_224 : i32
      %lt3A_226 = arith.constant 0 : i32
      %lt3A_227 = arith.cmpi slt, %select_n3A_220, %lt3A_226 : i32
      %ne3A_228 = arith.xori %lt3A_225, %lt3A_227 : i1
      %and3A_229 = arith.andi %ne3A_228, %ne3A_223 : i1
      %add3A_230 = arith.addi %rem3A_221, %select_n3A_220 : i32
      %select_n3A_231 = arith.select %and3A_229, %add3A_230, %rem3A_221 : i32
      %eq3A_232 = arith.constant 2 : i32
      %eq3A_233 = arith.cmpi eq, %select_n3A_231, %eq3A_232 : i32
      %convert_element_type3A_234 = arith.extui %eq3A_233 : i1 to i32
      %cond3A_235 = arith.constant 0 : i32
      %cond3A_236 = arith.cmpi ne, %convert_element_type3A_234, %cond3A_235 : i32
      scf.if %cond3A_236 {
        %add3A_258 = arith.constant 4 : i32
        %add3A_259 = arith.addi %while3A_168, %add3A_258 : i32
        %sub3A = arith.constant 1 : i32
        %sub3A_260 = arith.subi %add3A_259, %sub3A : i32
        %lt3A_261 = arith.cmpi slt, %sub3A_260, %add3A_4 : i32
        %convert_element_type3A_262 = arith.extui %lt3A_261 : i1 to i32
        %cond3A_263 = arith.constant 0 : i32
        %cond3A_264 = arith.cmpi ne, %convert_element_type3A_262, %cond3A_263 : i32
        scf.if %cond3A_264 {
          %ge3A = arith.constant 1 : i32
          %ge3A_280 = arith.cmpi sge, %while3A_168, %ge3A : i32
          %convert_element_type3A_281 = arith.extui %ge3A_280 : i1 to i32
          %cond3A_282 = arith.constant 0 : i32
          %cond3A_283 = arith.cmpi ne, %convert_element_type3A_281, %cond3A_282 : i32
          scf.if %cond3A_283 {
            %sub3A_298 = arith.constant 1 : i32
            %sub3A_299 = arith.subi %while3A_168, %sub3A_298 : i32
            %dma_wait3A_300 = arith.constant 0 : i32
            %dma_wait3A_301 = tpu.memref_slice %arg9[%sub3A_299, %dma_wait3A_300] : memref<157x128xi32, #tpu.memory_space<vmem>> -> memref<1x128xi32, #tpu.memory_space<vmem>>
            %dma_wait3A_302 = tpu.memref_squeeze %dma_wait3A_301 : memref<1x128xi32, #tpu.memory_space<vmem>> -> memref<128xi32, #tpu.memory_space<vmem>>
            %dma_wait3A_303 = arith.constant 0 : i32
            %dma_wait3A_304 = arith.constant 0 : i32
            %dma_wait3A_305 = tpu.memref_slice %arg7[%dma_wait3A_303, %dma_wait3A_304] : memref<10240x64xf32, #tpu.memory_space<vmem_shared>> -> memref<10240x64xf32, #tpu.memory_space<vmem_shared>>
            tpu.wait_indirect_dma semaphore(%arg20 : memref<!tpu.dma_semaphore, #tpu.memory_space<semaphore_mem>>) src(%arg11 : memref<128x64xf32, #tpu.memory_space<vmem>>) dst(%dma_wait3A_305 : memref<10240x64xf32, #tpu.memory_space<vmem_shared>>)
          } else {
          }
          %add3A_284 = arith.constant 4 : i32
          %add3A_285 = arith.addi %while3A_168, %add3A_284 : i32
          %sub3A_286 = arith.constant 1 : i32
          %sub3A_287 = arith.subi %add3A_285, %sub3A_286 : i32
          %dma_start3A_288 = arith.constant 0 : i32
          %dma_start3A_289 = tpu.memref_slice %arg8[%sub3A_287, %dma_start3A_288] : memref<157x128xi32, #tpu.memory_space<vmem>> -> memref<1x128xi32, #tpu.memory_space<vmem>>
          %dma_start3A_290 = tpu.memref_squeeze %dma_start3A_289 : memref<1x128xi32, #tpu.memory_space<vmem>> -> memref<128xi32, #tpu.memory_space<vmem>>
          %dma_start3A_291 = arith.constant 0 : i32
          %dma_start3A_292 = arith.constant 0 : i32
          %dma_start3A_293 = tpu.memref_slice %arg2[%arg0, %dma_start3A_291, %dma_start3A_292] : memref<2x10240x64xf32, #tpu.memory_space<hbm>> -> memref<1x10240x64xf32, #tpu.memory_space<hbm>>
          %dma_start3A_294 = tpu.memref_squeeze %dma_start3A_293 : memref<1x10240x64xf32, #tpu.memory_space<hbm>> -> memref<10240x64xf32, #tpu.memory_space<hbm>>
          %dma_start3A_295 = arith.constant 0 : i32
          %dma_start3A_296 = arith.constant 0 : i32
          %dma_start3A_297 = tpu.memref_slice %dma_start3A_294[%dma_start3A_295, %dma_start3A_296] : memref<10240x64xf32, #tpu.memory_space<hbm>> -> memref<10240x64xf32, #tpu.memory_space<hbm>>
          tpu.enqueue_indirect_dma source(%dma_start3A_297 : memref<10240x64xf32, #tpu.memory_space<hbm>>) target(%arg11 : memref<128x64xf32, #tpu.memory_space<vmem>>) offsets(%dma_start3A_290 : memref<128xi32, #tpu.memory_space<vmem>>) semaphore(%arg16 : memref<!tpu.dma_semaphore, #tpu.memory_space<semaphore_mem>>)
        } else {
        }
        %dma_wait3A = arith.constant 0 : i32
        %dma_wait3A_265 = tpu.memref_slice %arg8[%while3A_168, %dma_wait3A] : memref<157x128xi32, #tpu.memory_space<vmem>> -> memref<1x128xi32, #tpu.memory_space<vmem>>
        %dma_wait3A_266 = tpu.memref_squeeze %dma_wait3A_265 : memref<1x128xi32, #tpu.memory_space<vmem>> -> memref<128xi32, #tpu.memory_space<vmem>>
        %dma_wait3A_267 = arith.constant 0 : i32
        %dma_wait3A_268 = arith.constant 0 : i32
        %dma_wait3A_269 = tpu.memref_slice %arg2[%arg0, %dma_wait3A_267, %dma_wait3A_268] : memref<2x10240x64xf32, #tpu.memory_space<hbm>> -> memref<1x10240x64xf32, #tpu.memory_space<hbm>>
        %dma_wait3A_270 = tpu.memref_squeeze %dma_wait3A_269 : memref<1x10240x64xf32, #tpu.memory_space<hbm>> -> memref<10240x64xf32, #tpu.memory_space<hbm>>
        %dma_wait3A_271 = arith.constant 0 : i32
        %dma_wait3A_272 = arith.constant 0 : i32
        %dma_wait3A_273 = tpu.memref_slice %dma_wait3A_270[%dma_wait3A_271, %dma_wait3A_272] : memref<10240x64xf32, #tpu.memory_space<hbm>> -> memref<10240x64xf32, #tpu.memory_space<hbm>>
        tpu.wait_indirect_dma semaphore(%arg17 : memref<!tpu.dma_semaphore, #tpu.memory_space<semaphore_mem>>) src(%dma_wait3A_273 : memref<10240x64xf32, #tpu.memory_space<hbm>>) dst(%arg12 : memref<128x64xf32, #tpu.memory_space<vmem>>)
        %dma_start3A_274 = arith.constant 0 : i32
        %dma_start3A_275 = tpu.memref_slice %arg9[%while3A_168, %dma_start3A_274] : memref<157x128xi32, #tpu.memory_space<vmem>> -> memref<1x128xi32, #tpu.memory_space<vmem>>
        %dma_start3A_276 = tpu.memref_squeeze %dma_start3A_275 : memref<1x128xi32, #tpu.memory_space<vmem>> -> memref<128xi32, #tpu.memory_space<vmem>>
        %dma_start3A_277 = arith.constant 0 : i32
        %dma_start3A_278 = arith.constant 0 : i32
        %dma_start3A_279 = tpu.memref_slice %arg7[%dma_start3A_277, %dma_start3A_278] : memref<10240x64xf32, #tpu.memory_space<vmem_shared>> -> memref<10240x64xf32, #tpu.memory_space<vmem_shared>>
        tpu.enqueue_indirect_dma source(%arg12 : memref<128x64xf32, #tpu.memory_space<vmem>>) target(%dma_start3A_279 : memref<10240x64xf32, #tpu.memory_space<vmem_shared>>) offsets(%dma_start3A_276 : memref<128xi32, #tpu.memory_space<vmem>>) semaphore(%arg21 : memref<!tpu.dma_semaphore, #tpu.memory_space<semaphore_mem>>) {add = true}
      } else {
      }
      %jit3A_237 = arith.constant 4 : i32
      %eq3A_238 = arith.constant 0 : i32
      %eq3A_239 = arith.cmpi eq, %jit3A_237, %eq3A_238 : i32
      %jit3A_240 = arith.constant 1 : i32
      %select_n3A_241 = arith.select %eq3A_239, %jit3A_240, %jit3A_237 : i32
      %rem3A_242 = arith.remsi %while3A_168, %select_n3A_241 : i32
      %ne3A_243 = arith.constant 0 : i32
      %ne3A_244 = arith.cmpi ne, %rem3A_242, %ne3A_243 : i32
      %lt3A_245 = arith.constant 0 : i32
      %lt3A_246 = arith.cmpi slt, %rem3A_242, %lt3A_245 : i32
      %lt3A_247 = arith.constant 0 : i32
      %lt3A_248 = arith.cmpi slt, %select_n3A_241, %lt3A_247 : i32
      %ne3A_249 = arith.xori %lt3A_246, %lt3A_248 : i1
      %and3A_250 = arith.andi %ne3A_249, %ne3A_244 : i1
      %add3A_251 = arith.addi %rem3A_242, %select_n3A_241 : i32
      %select_n3A_252 = arith.select %and3A_250, %add3A_251, %rem3A_242 : i32
      %eq3A_253 = arith.constant 3 : i32
      %eq3A_254 = arith.cmpi eq, %select_n3A_252, %eq3A_253 : i32
      %convert_element_type3A_255 = arith.extui %eq3A_254 : i1 to i32
      %cond3A_256 = arith.constant 0 : i32
      %cond3A_257 = arith.cmpi ne, %convert_element_type3A_255, %cond3A_256 : i32
      scf.if %cond3A_257 {
        %add3A_258 = arith.constant 4 : i32
        %add3A_259 = arith.addi %while3A_168, %add3A_258 : i32
        %sub3A = arith.constant 1 : i32
        %sub3A_260 = arith.subi %add3A_259, %sub3A : i32
        %lt3A_261 = arith.cmpi slt, %sub3A_260, %add3A_4 : i32
        %convert_element_type3A_262 = arith.extui %lt3A_261 : i1 to i32
        %cond3A_263 = arith.constant 0 : i32
        %cond3A_264 = arith.cmpi ne, %convert_element_type3A_262, %cond3A_263 : i32
        scf.if %cond3A_264 {
          %ge3A = arith.constant 1 : i32
          %ge3A_280 = arith.cmpi sge, %while3A_168, %ge3A : i32
          %convert_element_type3A_281 = arith.extui %ge3A_280 : i1 to i32
          %cond3A_282 = arith.constant 0 : i32
          %cond3A_283 = arith.cmpi ne, %convert_element_type3A_281, %cond3A_282 : i32
          scf.if %cond3A_283 {
            %sub3A_298 = arith.constant 1 : i32
            %sub3A_299 = arith.subi %while3A_168, %sub3A_298 : i32
            %dma_wait3A_300 = arith.constant 0 : i32
            %dma_wait3A_301 = tpu.memref_slice %arg9[%sub3A_299, %dma_wait3A_300] : memref<157x128xi32, #tpu.memory_space<vmem>> -> memref<1x128xi32, #tpu.memory_space<vmem>>
            %dma_wait3A_302 = tpu.memref_squeeze %dma_wait3A_301 : memref<1x128xi32, #tpu.memory_space<vmem>> -> memref<128xi32, #tpu.memory_space<vmem>>
            %dma_wait3A_303 = arith.constant 0 : i32
            %dma_wait3A_304 = arith.constant 0 : i32
            %dma_wait3A_305 = tpu.memref_slice %arg7[%dma_wait3A_303, %dma_wait3A_304] : memref<10240x64xf32, #tpu.memory_space<vmem_shared>> -> memref<10240x64xf32, #tpu.memory_space<vmem_shared>>
            tpu.wait_indirect_dma semaphore(%arg21 : memref<!tpu.dma_semaphore, #tpu.memory_space<semaphore_mem>>) src(%arg12 : memref<128x64xf32, #tpu.memory_space<vmem>>) dst(%dma_wait3A_305 : memref<10240x64xf32, #tpu.memory_space<vmem_shared>>)
          } else {
          }
          %add3A_284 = arith.constant 4 : i32
          %add3A_285 = arith.addi %while3A_168, %add3A_284 : i32
          %sub3A_286 = arith.constant 1 : i32
          %sub3A_287 = arith.subi %add3A_285, %sub3A_286 : i32
          %dma_start3A_288 = arith.constant 0 : i32
          %dma_start3A_289 = tpu.memref_slice %arg8[%sub3A_287, %dma_start3A_288] : memref<157x128xi32, #tpu.memory_space<vmem>> -> memref<1x128xi32, #tpu.memory_space<vmem>>
          %dma_start3A_290 = tpu.memref_squeeze %dma_start3A_289 : memref<1x128xi32, #tpu.memory_space<vmem>> -> memref<128xi32, #tpu.memory_space<vmem>>
          %dma_start3A_291 = arith.constant 0 : i32
          %dma_start3A_292 = arith.constant 0 : i32
          %dma_start3A_293 = tpu.memref_slice %arg2[%arg0, %dma_start3A_291, %dma_start3A_292] : memref<2x10240x64xf32, #tpu.memory_space<hbm>> -> memref<1x10240x64xf32, #tpu.memory_space<hbm>>
          %dma_start3A_294 = tpu.memref_squeeze %dma_start3A_293 : memref<1x10240x64xf32, #tpu.memory_space<hbm>> -> memref<10240x64xf32, #tpu.memory_space<hbm>>
          %dma_start3A_295 = arith.constant 0 : i32
          %dma_start3A_296 = arith.constant 0 : i32
          %dma_start3A_297 = tpu.memref_slice %dma_start3A_294[%dma_start3A_295, %dma_start3A_296] : memref<10240x64xf32, #tpu.memory_space<hbm>> -> memref<10240x64xf32, #tpu.memory_space<hbm>>
          tpu.enqueue_indirect_dma source(%dma_start3A_297 : memref<10240x64xf32, #tpu.memory_space<hbm>>) target(%arg12 : memref<128x64xf32, #tpu.memory_space<vmem>>) offsets(%dma_start3A_290 : memref<128xi32, #tpu.memory_space<vmem>>) semaphore(%arg17 : memref<!tpu.dma_semaphore, #tpu.memory_space<semaphore_mem>>)
        } else {
        }
        %dma_wait3A = arith.constant 0 : i32
        %dma_wait3A_265 = tpu.memref_slice %arg8[%while3A_168, %dma_wait3A] : memref<157x128xi32, #tpu.memory_space<vmem>> -> memref<1x128xi32, #tpu.memory_space<vmem>>
        %dma_wait3A_266 = tpu.memref_squeeze %dma_wait3A_265 : memref<1x128xi32, #tpu.memory_space<vmem>> -> memref<128xi32, #tpu.memory_space<vmem>>
        %dma_wait3A_267 = arith.constant 0 : i32
        %dma_wait3A_268 = arith.constant 0 : i32
        %dma_wait3A_269 = tpu.memref_slice %arg2[%arg0, %dma_wait3A_267, %dma_wait3A_268] : memref<2x10240x64xf32, #tpu.memory_space<hbm>> -> memref<1x10240x64xf32, #tpu.memory_space<hbm>>
        %dma_wait3A_270 = tpu.memref_squeeze %dma_wait3A_269 : memref<1x10240x64xf32, #tpu.memory_space<hbm>> -> memref<10240x64xf32, #tpu.memory_space<hbm>>
        %dma_wait3A_271 = arith.constant 0 : i32
        %dma_wait3A_272 = arith.constant 0 : i32
        %dma_wait3A_273 = tpu.memref_slice %dma_wait3A_270[%dma_wait3A_271, %dma_wait3A_272] : memref<10240x64xf32, #tpu.memory_space<hbm>> -> memref<10240x64xf32, #tpu.memory_space<hbm>>
        tpu.wait_indirect_dma semaphore(%arg18 : memref<!tpu.dma_semaphore, #tpu.memory_space<semaphore_mem>>) src(%dma_wait3A_273 : memref<10240x64xf32, #tpu.memory_space<hbm>>) dst(%arg13 : memref<128x64xf32, #tpu.memory_space<vmem>>)
        %dma_start3A_274 = arith.constant 0 : i32
        %dma_start3A_275 = tpu.memref_slice %arg9[%while3A_168, %dma_start3A_274] : memref<157x128xi32, #tpu.memory_space<vmem>> -> memref<1x128xi32, #tpu.memory_space<vmem>>
        %dma_start3A_276 = tpu.memref_squeeze %dma_start3A_275 : memref<1x128xi32, #tpu.memory_space<vmem>> -> memref<128xi32, #tpu.memory_space<vmem>>
        %dma_start3A_277 = arith.constant 0 : i32
        %dma_start3A_278 = arith.constant 0 : i32
        %dma_start3A_279 = tpu.memref_slice %arg7[%dma_start3A_277, %dma_start3A_278] : memref<10240x64xf32, #tpu.memory_space<vmem_shared>> -> memref<10240x64xf32, #tpu.memory_space<vmem_shared>>
        tpu.enqueue_indirect_dma source(%arg13 : memref<128x64xf32, #tpu.memory_space<vmem>>) target(%dma_start3A_279 : memref<10240x64xf32, #tpu.memory_space<vmem_shared>>) offsets(%dma_start3A_276 : memref<128xi32, #tpu.memory_space<vmem>>) semaphore(%arg22 : memref<!tpu.dma_semaphore, #tpu.memory_space<semaphore_mem>>) {add = true}
      } else {
      }
    }
    %jit3A = arith.constant 4 : i32
    %eq3A_79 = arith.constant 0 : i32
    %eq3A_80 = arith.cmpi eq, %jit3A, %eq3A_79 : i32
    %jit3A_81 = arith.constant 1 : i32
    %select_n3A = arith.select %eq3A_80, %jit3A_81, %jit3A : i32
    %rem3A = arith.remsi %add3A_4, %select_n3A : i32
    %ne3A = arith.constant 0 : i32
    %ne3A_82 = arith.cmpi ne, %rem3A, %ne3A : i32
    %lt3A_83 = arith.constant 0 : i32
    %lt3A_84 = arith.cmpi slt, %rem3A, %lt3A_83 : i32
    %lt3A_85 = arith.constant 0 : i32
    %lt3A_86 = arith.cmpi slt, %select_n3A, %lt3A_85 : i32
    %ne3A_87 = arith.xori %lt3A_84, %lt3A_86 : i1
    %and3A = arith.andi %ne3A_87, %ne3A_82 : i1
    %add3A_88 = arith.addi %rem3A, %select_n3A : i32
    %select_n3A_89 = arith.select %and3A, %add3A_88, %rem3A : i32
    %eq3A_90 = arith.constant 0 : i32
    %eq3A_91 = arith.cmpi eq, %select_n3A_89, %eq3A_90 : i32
    %convert_element_type3A_92 = arith.extui %eq3A_91 : i1 to i32
    %cond3A_93 = arith.constant 0 : i32
    %cond3A_94 = arith.cmpi ne, %convert_element_type3A_92, %cond3A_93 : i32
    scf.if %cond3A_94 {
      %sub3A = arith.constant 4 : i32
      %sub3A_168 = arith.subi %add3A_4, %sub3A : i32
      %dma_wait3A = arith.constant 0 : i32
      %dma_wait3A_169 = tpu.memref_slice %arg9[%sub3A_168, %dma_wait3A] : memref<157x128xi32, #tpu.memory_space<vmem>> -> memref<1x128xi32, #tpu.memory_space<vmem>>
      %dma_wait3A_170 = tpu.memref_squeeze %dma_wait3A_169 : memref<1x128xi32, #tpu.memory_space<vmem>> -> memref<128xi32, #tpu.memory_space<vmem>>
      %dma_wait3A_171 = arith.constant 0 : i32
      %dma_wait3A_172 = arith.constant 0 : i32
      %dma_wait3A_173 = tpu.memref_slice %arg7[%dma_wait3A_171, %dma_wait3A_172] : memref<10240x64xf32, #tpu.memory_space<vmem_shared>> -> memref<10240x64xf32, #tpu.memory_space<vmem_shared>>
      tpu.wait_indirect_dma semaphore(%arg19 : memref<!tpu.dma_semaphore, #tpu.memory_space<semaphore_mem>>) src(%arg10 : memref<128x64xf32, #tpu.memory_space<vmem>>) dst(%dma_wait3A_173 : memref<10240x64xf32, #tpu.memory_space<vmem_shared>>)
      %sub3A_174 = arith.constant 3 : i32
      %sub3A_175 = arith.subi %add3A_4, %sub3A_174 : i32
      %dma_wait3A_176 = arith.constant 0 : i32
      %dma_wait3A_177 = tpu.memref_slice %arg9[%sub3A_175, %dma_wait3A_176] : memref<157x128xi32, #tpu.memory_space<vmem>> -> memref<1x128xi32, #tpu.memory_space<vmem>>
      %dma_wait3A_178 = tpu.memref_squeeze %dma_wait3A_177 : memref<1x128xi32, #tpu.memory_space<vmem>> -> memref<128xi32, #tpu.memory_space<vmem>>
      %dma_wait3A_179 = arith.constant 0 : i32
      %dma_wait3A_180 = arith.constant 0 : i32
      %dma_wait3A_181 = tpu.memref_slice %arg7[%dma_wait3A_179, %dma_wait3A_180] : memref<10240x64xf32, #tpu.memory_space<vmem_shared>> -> memref<10240x64xf32, #tpu.memory_space<vmem_shared>>
      tpu.wait_indirect_dma semaphore(%arg20 : memref<!tpu.dma_semaphore, #tpu.memory_space<semaphore_mem>>) src(%arg11 : memref<128x64xf32, #tpu.memory_space<vmem>>) dst(%dma_wait3A_181 : memref<10240x64xf32, #tpu.memory_space<vmem_shared>>)
      %sub3A_182 = arith.constant 2 : i32
      %sub3A_183 = arith.subi %add3A_4, %sub3A_182 : i32
      %dma_wait3A_184 = arith.constant 0 : i32
      %dma_wait3A_185 = tpu.memref_slice %arg9[%sub3A_183, %dma_wait3A_184] : memref<157x128xi32, #tpu.memory_space<vmem>> -> memref<1x128xi32, #tpu.memory_space<vmem>>
      %dma_wait3A_186 = tpu.memref_squeeze %dma_wait3A_185 : memref<1x128xi32, #tpu.memory_space<vmem>> -> memref<128xi32, #tpu.memory_space<vmem>>
      %dma_wait3A_187 = arith.constant 0 : i32
      %dma_wait3A_188 = arith.constant 0 : i32
      %dma_wait3A_189 = tpu.memref_slice %arg7[%dma_wait3A_187, %dma_wait3A_188] : memref<10240x64xf32, #tpu.memory_space<vmem_shared>> -> memref<10240x64xf32, #tpu.memory_space<vmem_shared>>
      tpu.wait_indirect_dma semaphore(%arg21 : memref<!tpu.dma_semaphore, #tpu.memory_space<semaphore_mem>>) src(%arg12 : memref<128x64xf32, #tpu.memory_space<vmem>>) dst(%dma_wait3A_189 : memref<10240x64xf32, #tpu.memory_space<vmem_shared>>)
      %sub3A_190 = arith.constant 1 : i32
      %sub3A_191 = arith.subi %add3A_4, %sub3A_190 : i32
      %dma_wait3A_192 = arith.constant 0 : i32
      %dma_wait3A_193 = tpu.memref_slice %arg9[%sub3A_191, %dma_wait3A_192] : memref<157x128xi32, #tpu.memory_space<vmem>> -> memref<1x128xi32, #tpu.memory_space<vmem>>
      %dma_wait3A_194 = tpu.memref_squeeze %dma_wait3A_193 : memref<1x128xi32, #tpu.memory_space<vmem>> -> memref<128xi32, #tpu.memory_space<vmem>>
      %dma_wait3A_195 = arith.constant 0 : i32
      %dma_wait3A_196 = arith.constant 0 : i32
      %dma_wait3A_197 = tpu.memref_slice %arg7[%dma_wait3A_195, %dma_wait3A_196] : memref<10240x64xf32, #tpu.memory_space<vmem_shared>> -> memref<10240x64xf32, #tpu.memory_space<vmem_shared>>
      tpu.wait_indirect_dma semaphore(%arg22 : memref<!tpu.dma_semaphore, #tpu.memory_space<semaphore_mem>>) src(%arg13 : memref<128x64xf32, #tpu.memory_space<vmem>>) dst(%dma_wait3A_197 : memref<10240x64xf32, #tpu.memory_space<vmem_shared>>)
    } else {
    }
    %jit3A_95 = arith.constant 4 : i32
    %eq3A_96 = arith.constant 0 : i32
    %eq3A_97 = arith.cmpi eq, %jit3A_95, %eq3A_96 : i32
    %jit3A_98 = arith.constant 1 : i32
    %select_n3A_99 = arith.select %eq3A_97, %jit3A_98, %jit3A_95 : i32
    %rem3A_100 = arith.remsi %add3A_4, %select_n3A_99 : i32
    %ne3A_101 = arith.constant 0 : i32
    %ne3A_102 = arith.cmpi ne, %rem3A_100, %ne3A_101 : i32
    %lt3A_103 = arith.constant 0 : i32
    %lt3A_104 = arith.cmpi slt, %rem3A_100, %lt3A_103 : i32
    %lt3A_105 = arith.constant 0 : i32
    %lt3A_106 = arith.cmpi slt, %select_n3A_99, %lt3A_105 : i32
    %ne3A_107 = arith.xori %lt3A_104, %lt3A_106 : i1
    %and3A_108 = arith.andi %ne3A_107, %ne3A_102 : i1
    %add3A_109 = arith.addi %rem3A_100, %select_n3A_99 : i32
    %select_n3A_110 = arith.select %and3A_108, %add3A_109, %rem3A_100 : i32
    %eq3A_111 = arith.constant 1 : i32
    %eq3A_112 = arith.cmpi eq, %select_n3A_110, %eq3A_111 : i32
    %convert_element_type3A_113 = arith.extui %eq3A_112 : i1 to i32
    %cond3A_114 = arith.constant 0 : i32
    %cond3A_115 = arith.cmpi ne, %convert_element_type3A_113, %cond3A_114 : i32
    scf.if %cond3A_115 {
      %sub3A = arith.constant 4 : i32
      %sub3A_168 = arith.subi %add3A_4, %sub3A : i32
      %dma_wait3A = arith.constant 0 : i32
      %dma_wait3A_169 = tpu.memref_slice %arg9[%sub3A_168, %dma_wait3A] : memref<157x128xi32, #tpu.memory_space<vmem>> -> memref<1x128xi32, #tpu.memory_space<vmem>>
      %dma_wait3A_170 = tpu.memref_squeeze %dma_wait3A_169 : memref<1x128xi32, #tpu.memory_space<vmem>> -> memref<128xi32, #tpu.memory_space<vmem>>
      %dma_wait3A_171 = arith.constant 0 : i32
      %dma_wait3A_172 = arith.constant 0 : i32
      %dma_wait3A_173 = tpu.memref_slice %arg7[%dma_wait3A_171, %dma_wait3A_172] : memref<10240x64xf32, #tpu.memory_space<vmem_shared>> -> memref<10240x64xf32, #tpu.memory_space<vmem_shared>>
      tpu.wait_indirect_dma semaphore(%arg20 : memref<!tpu.dma_semaphore, #tpu.memory_space<semaphore_mem>>) src(%arg11 : memref<128x64xf32, #tpu.memory_space<vmem>>) dst(%dma_wait3A_173 : memref<10240x64xf32, #tpu.memory_space<vmem_shared>>)
      %sub3A_174 = arith.constant 3 : i32
      %sub3A_175 = arith.subi %add3A_4, %sub3A_174 : i32
      %dma_wait3A_176 = arith.constant 0 : i32
      %dma_wait3A_177 = tpu.memref_slice %arg9[%sub3A_175, %dma_wait3A_176] : memref<157x128xi32, #tpu.memory_space<vmem>> -> memref<1x128xi32, #tpu.memory_space<vmem>>
      %dma_wait3A_178 = tpu.memref_squeeze %dma_wait3A_177 : memref<1x128xi32, #tpu.memory_space<vmem>> -> memref<128xi32, #tpu.memory_space<vmem>>
      %dma_wait3A_179 = arith.constant 0 : i32
      %dma_wait3A_180 = arith.constant 0 : i32
      %dma_wait3A_181 = tpu.memref_slice %arg7[%dma_wait3A_179, %dma_wait3A_180] : memref<10240x64xf32, #tpu.memory_space<vmem_shared>> -> memref<10240x64xf32, #tpu.memory_space<vmem_shared>>
      tpu.wait_indirect_dma semaphore(%arg21 : memref<!tpu.dma_semaphore, #tpu.memory_space<semaphore_mem>>) src(%arg12 : memref<128x64xf32, #tpu.memory_space<vmem>>) dst(%dma_wait3A_181 : memref<10240x64xf32, #tpu.memory_space<vmem_shared>>)
      %sub3A_182 = arith.constant 2 : i32
      %sub3A_183 = arith.subi %add3A_4, %sub3A_182 : i32
      %dma_wait3A_184 = arith.constant 0 : i32
      %dma_wait3A_185 = tpu.memref_slice %arg9[%sub3A_183, %dma_wait3A_184] : memref<157x128xi32, #tpu.memory_space<vmem>> -> memref<1x128xi32, #tpu.memory_space<vmem>>
      %dma_wait3A_186 = tpu.memref_squeeze %dma_wait3A_185 : memref<1x128xi32, #tpu.memory_space<vmem>> -> memref<128xi32, #tpu.memory_space<vmem>>
      %dma_wait3A_187 = arith.constant 0 : i32
      %dma_wait3A_188 = arith.constant 0 : i32
      %dma_wait3A_189 = tpu.memref_slice %arg7[%dma_wait3A_187, %dma_wait3A_188] : memref<10240x64xf32, #tpu.memory_space<vmem_shared>> -> memref<10240x64xf32, #tpu.memory_space<vmem_shared>>
      tpu.wait_indirect_dma semaphore(%arg22 : memref<!tpu.dma_semaphore, #tpu.memory_space<semaphore_mem>>) src(%arg13 : memref<128x64xf32, #tpu.memory_space<vmem>>) dst(%dma_wait3A_189 : memref<10240x64xf32, #tpu.memory_space<vmem_shared>>)
      %sub3A_190 = arith.constant 1 : i32
      %sub3A_191 = arith.subi %add3A_4, %sub3A_190 : i32
      %dma_wait3A_192 = arith.constant 0 : i32
      %dma_wait3A_193 = tpu.memref_slice %arg9[%sub3A_191, %dma_wait3A_192] : memref<157x128xi32, #tpu.memory_space<vmem>> -> memref<1x128xi32, #tpu.memory_space<vmem>>
      %dma_wait3A_194 = tpu.memref_squeeze %dma_wait3A_193 : memref<1x128xi32, #tpu.memory_space<vmem>> -> memref<128xi32, #tpu.memory_space<vmem>>
      %dma_wait3A_195 = arith.constant 0 : i32
      %dma_wait3A_196 = arith.constant 0 : i32
      %dma_wait3A_197 = tpu.memref_slice %arg7[%dma_wait3A_195, %dma_wait3A_196] : memref<10240x64xf32, #tpu.memory_space<vmem_shared>> -> memref<10240x64xf32, #tpu.memory_space<vmem_shared>>
      tpu.wait_indirect_dma semaphore(%arg19 : memref<!tpu.dma_semaphore, #tpu.memory_space<semaphore_mem>>) src(%arg10 : memref<128x64xf32, #tpu.memory_space<vmem>>) dst(%dma_wait3A_197 : memref<10240x64xf32, #tpu.memory_space<vmem_shared>>)
    } else {
    }
    %jit3A_116 = arith.constant 4 : i32
    %eq3A_117 = arith.constant 0 : i32
    %eq3A_118 = arith.cmpi eq, %jit3A_116, %eq3A_117 : i32
    %jit3A_119 = arith.constant 1 : i32
    %select_n3A_120 = arith.select %eq3A_118, %jit3A_119, %jit3A_116 : i32
    %rem3A_121 = arith.remsi %add3A_4, %select_n3A_120 : i32
    %ne3A_122 = arith.constant 0 : i32
    %ne3A_123 = arith.cmpi ne, %rem3A_121, %ne3A_122 : i32
    %lt3A_124 = arith.constant 0 : i32
    %lt3A_125 = arith.cmpi slt, %rem3A_121, %lt3A_124 : i32
    %lt3A_126 = arith.constant 0 : i32
    %lt3A_127 = arith.cmpi slt, %select_n3A_120, %lt3A_126 : i32
    %ne3A_128 = arith.xori %lt3A_125, %lt3A_127 : i1
    %and3A_129 = arith.andi %ne3A_128, %ne3A_123 : i1
    %add3A_130 = arith.addi %rem3A_121, %select_n3A_120 : i32
    %select_n3A_131 = arith.select %and3A_129, %add3A_130, %rem3A_121 : i32
    %eq3A_132 = arith.constant 2 : i32
    %eq3A_133 = arith.cmpi eq, %select_n3A_131, %eq3A_132 : i32
    %convert_element_type3A_134 = arith.extui %eq3A_133 : i1 to i32
    %cond3A_135 = arith.constant 0 : i32
    %cond3A_136 = arith.cmpi ne, %convert_element_type3A_134, %cond3A_135 : i32
    scf.if %cond3A_136 {
      %sub3A = arith.constant 4 : i32
      %sub3A_168 = arith.subi %add3A_4, %sub3A : i32
      %dma_wait3A = arith.constant 0 : i32
      %dma_wait3A_169 = tpu.memref_slice %arg9[%sub3A_168, %dma_wait3A] : memref<157x128xi32, #tpu.memory_space<vmem>> -> memref<1x128xi32, #tpu.memory_space<vmem>>
      %dma_wait3A_170 = tpu.memref_squeeze %dma_wait3A_169 : memref<1x128xi32, #tpu.memory_space<vmem>> -> memref<128xi32, #tpu.memory_space<vmem>>
      %dma_wait3A_171 = arith.constant 0 : i32
      %dma_wait3A_172 = arith.constant 0 : i32
      %dma_wait3A_173 = tpu.memref_slice %arg7[%dma_wait3A_171, %dma_wait3A_172] : memref<10240x64xf32, #tpu.memory_space<vmem_shared>> -> memref<10240x64xf32, #tpu.memory_space<vmem_shared>>
      tpu.wait_indirect_dma semaphore(%arg21 : memref<!tpu.dma_semaphore, #tpu.memory_space<semaphore_mem>>) src(%arg12 : memref<128x64xf32, #tpu.memory_space<vmem>>) dst(%dma_wait3A_173 : memref<10240x64xf32, #tpu.memory_space<vmem_shared>>)
      %sub3A_174 = arith.constant 3 : i32
      %sub3A_175 = arith.subi %add3A_4, %sub3A_174 : i32
      %dma_wait3A_176 = arith.constant 0 : i32
      %dma_wait3A_177 = tpu.memref_slice %arg9[%sub3A_175, %dma_wait3A_176] : memref<157x128xi32, #tpu.memory_space<vmem>> -> memref<1x128xi32, #tpu.memory_space<vmem>>
      %dma_wait3A_178 = tpu.memref_squeeze %dma_wait3A_177 : memref<1x128xi32, #tpu.memory_space<vmem>> -> memref<128xi32, #tpu.memory_space<vmem>>
      %dma_wait3A_179 = arith.constant 0 : i32
      %dma_wait3A_180 = arith.constant 0 : i32
      %dma_wait3A_181 = tpu.memref_slice %arg7[%dma_wait3A_179, %dma_wait3A_180] : memref<10240x64xf32, #tpu.memory_space<vmem_shared>> -> memref<10240x64xf32, #tpu.memory_space<vmem_shared>>
      tpu.wait_indirect_dma semaphore(%arg22 : memref<!tpu.dma_semaphore, #tpu.memory_space<semaphore_mem>>) src(%arg13 : memref<128x64xf32, #tpu.memory_space<vmem>>) dst(%dma_wait3A_181 : memref<10240x64xf32, #tpu.memory_space<vmem_shared>>)
      %sub3A_182 = arith.constant 2 : i32
      %sub3A_183 = arith.subi %add3A_4, %sub3A_182 : i32
      %dma_wait3A_184 = arith.constant 0 : i32
      %dma_wait3A_185 = tpu.memref_slice %arg9[%sub3A_183, %dma_wait3A_184] : memref<157x128xi32, #tpu.memory_space<vmem>> -> memref<1x128xi32, #tpu.memory_space<vmem>>
      %dma_wait3A_186 = tpu.memref_squeeze %dma_wait3A_185 : memref<1x128xi32, #tpu.memory_space<vmem>> -> memref<128xi32, #tpu.memory_space<vmem>>
      %dma_wait3A_187 = arith.constant 0 : i32
      %dma_wait3A_188 = arith.constant 0 : i32
      %dma_wait3A_189 = tpu.memref_slice %arg7[%dma_wait3A_187, %dma_wait3A_188] : memref<10240x64xf32, #tpu.memory_space<vmem_shared>> -> memref<10240x64xf32, #tpu.memory_space<vmem_shared>>
      tpu.wait_indirect_dma semaphore(%arg19 : memref<!tpu.dma_semaphore, #tpu.memory_space<semaphore_mem>>) src(%arg10 : memref<128x64xf32, #tpu.memory_space<vmem>>) dst(%dma_wait3A_189 : memref<10240x64xf32, #tpu.memory_space<vmem_shared>>)
      %sub3A_190 = arith.constant 1 : i32
      %sub3A_191 = arith.subi %add3A_4, %sub3A_190 : i32
      %dma_wait3A_192 = arith.constant 0 : i32
      %dma_wait3A_193 = tpu.memref_slice %arg9[%sub3A_191, %dma_wait3A_192] : memref<157x128xi32, #tpu.memory_space<vmem>> -> memref<1x128xi32, #tpu.memory_space<vmem>>
      %dma_wait3A_194 = tpu.memref_squeeze %dma_wait3A_193 : memref<1x128xi32, #tpu.memory_space<vmem>> -> memref<128xi32, #tpu.memory_space<vmem>>
      %dma_wait3A_195 = arith.constant 0 : i32
      %dma_wait3A_196 = arith.constant 0 : i32
      %dma_wait3A_197 = tpu.memref_slice %arg7[%dma_wait3A_195, %dma_wait3A_196] : memref<10240x64xf32, #tpu.memory_space<vmem_shared>> -> memref<10240x64xf32, #tpu.memory_space<vmem_shared>>
      tpu.wait_indirect_dma semaphore(%arg20 : memref<!tpu.dma_semaphore, #tpu.memory_space<semaphore_mem>>) src(%arg11 : memref<128x64xf32, #tpu.memory_space<vmem>>) dst(%dma_wait3A_197 : memref<10240x64xf32, #tpu.memory_space<vmem_shared>>)
    } else {
    }
    %jit3A_137 = arith.constant 4 : i32
    %eq3A_138 = arith.constant 0 : i32
    %eq3A_139 = arith.cmpi eq, %jit3A_137, %eq3A_138 : i32
    %jit3A_140 = arith.constant 1 : i32
    %select_n3A_141 = arith.select %eq3A_139, %jit3A_140, %jit3A_137 : i32
    %rem3A_142 = arith.remsi %add3A_4, %select_n3A_141 : i32
    %ne3A_143 = arith.constant 0 : i32
    %ne3A_144 = arith.cmpi ne, %rem3A_142, %ne3A_143 : i32
    %lt3A_145 = arith.constant 0 : i32
    %lt3A_146 = arith.cmpi slt, %rem3A_142, %lt3A_145 : i32
    %lt3A_147 = arith.constant 0 : i32
    %lt3A_148 = arith.cmpi slt, %select_n3A_141, %lt3A_147 : i32
    %ne3A_149 = arith.xori %lt3A_146, %lt3A_148 : i1
    %and3A_150 = arith.andi %ne3A_149, %ne3A_144 : i1
    %add3A_151 = arith.addi %rem3A_142, %select_n3A_141 : i32
    %select_n3A_152 = arith.select %and3A_150, %add3A_151, %rem3A_142 : i32
    %eq3A_153 = arith.constant 3 : i32
    %eq3A_154 = arith.cmpi eq, %select_n3A_152, %eq3A_153 : i32
    %convert_element_type3A_155 = arith.extui %eq3A_154 : i1 to i32
    %cond3A_156 = arith.constant 0 : i32
    %cond3A_157 = arith.cmpi ne, %convert_element_type3A_155, %cond3A_156 : i32
    scf.if %cond3A_157 {
      %sub3A = arith.constant 4 : i32
      %sub3A_168 = arith.subi %add3A_4, %sub3A : i32
      %dma_wait3A = arith.constant 0 : i32
      %dma_wait3A_169 = tpu.memref_slice %arg9[%sub3A_168, %dma_wait3A] : memref<157x128xi32, #tpu.memory_space<vmem>> -> memref<1x128xi32, #tpu.memory_space<vmem>>
      %dma_wait3A_170 = tpu.memref_squeeze %dma_wait3A_169 : memref<1x128xi32, #tpu.memory_space<vmem>> -> memref<128xi32, #tpu.memory_space<vmem>>
      %dma_wait3A_171 = arith.constant 0 : i32
      %dma_wait3A_172 = arith.constant 0 : i32
      %dma_wait3A_173 = tpu.memref_slice %arg7[%dma_wait3A_171, %dma_wait3A_172] : memref<10240x64xf32, #tpu.memory_space<vmem_shared>> -> memref<10240x64xf32, #tpu.memory_space<vmem_shared>>
      tpu.wait_indirect_dma semaphore(%arg22 : memref<!tpu.dma_semaphore, #tpu.memory_space<semaphore_mem>>) src(%arg13 : memref<128x64xf32, #tpu.memory_space<vmem>>) dst(%dma_wait3A_173 : memref<10240x64xf32, #tpu.memory_space<vmem_shared>>)
      %sub3A_174 = arith.constant 3 : i32
      %sub3A_175 = arith.subi %add3A_4, %sub3A_174 : i32
      %dma_wait3A_176 = arith.constant 0 : i32
      %dma_wait3A_177 = tpu.memref_slice %arg9[%sub3A_175, %dma_wait3A_176] : memref<157x128xi32, #tpu.memory_space<vmem>> -> memref<1x128xi32, #tpu.memory_space<vmem>>
      %dma_wait3A_178 = tpu.memref_squeeze %dma_wait3A_177 : memref<1x128xi32, #tpu.memory_space<vmem>> -> memref<128xi32, #tpu.memory_space<vmem>>
      %dma_wait3A_179 = arith.constant 0 : i32
      %dma_wait3A_180 = arith.constant 0 : i32
      %dma_wait3A_181 = tpu.memref_slice %arg7[%dma_wait3A_179, %dma_wait3A_180] : memref<10240x64xf32, #tpu.memory_space<vmem_shared>> -> memref<10240x64xf32, #tpu.memory_space<vmem_shared>>
      tpu.wait_indirect_dma semaphore(%arg19 : memref<!tpu.dma_semaphore, #tpu.memory_space<semaphore_mem>>) src(%arg10 : memref<128x64xf32, #tpu.memory_space<vmem>>) dst(%dma_wait3A_181 : memref<10240x64xf32, #tpu.memory_space<vmem_shared>>)
      %sub3A_182 = arith.constant 2 : i32
      %sub3A_183 = arith.subi %add3A_4, %sub3A_182 : i32
      %dma_wait3A_184 = arith.constant 0 : i32
      %dma_wait3A_185 = tpu.memref_slice %arg9[%sub3A_183, %dma_wait3A_184] : memref<157x128xi32, #tpu.memory_space<vmem>> -> memref<1x128xi32, #tpu.memory_space<vmem>>
      %dma_wait3A_186 = tpu.memref_squeeze %dma_wait3A_185 : memref<1x128xi32, #tpu.memory_space<vmem>> -> memref<128xi32, #tpu.memory_space<vmem>>
      %dma_wait3A_187 = arith.constant 0 : i32
      %dma_wait3A_188 = arith.constant 0 : i32
      %dma_wait3A_189 = tpu.memref_slice %arg7[%dma_wait3A_187, %dma_wait3A_188] : memref<10240x64xf32, #tpu.memory_space<vmem_shared>> -> memref<10240x64xf32, #tpu.memory_space<vmem_shared>>
      tpu.wait_indirect_dma semaphore(%arg20 : memref<!tpu.dma_semaphore, #tpu.memory_space<semaphore_mem>>) src(%arg11 : memref<128x64xf32, #tpu.memory_space<vmem>>) dst(%dma_wait3A_189 : memref<10240x64xf32, #tpu.memory_space<vmem_shared>>)
      %sub3A_190 = arith.constant 1 : i32
      %sub3A_191 = arith.subi %add3A_4, %sub3A_190 : i32
      %dma_wait3A_192 = arith.constant 0 : i32
      %dma_wait3A_193 = tpu.memref_slice %arg9[%sub3A_191, %dma_wait3A_192] : memref<157x128xi32, #tpu.memory_space<vmem>> -> memref<1x128xi32, #tpu.memory_space<vmem>>
      %dma_wait3A_194 = tpu.memref_squeeze %dma_wait3A_193 : memref<1x128xi32, #tpu.memory_space<vmem>> -> memref<128xi32, #tpu.memory_space<vmem>>
      %dma_wait3A_195 = arith.constant 0 : i32
      %dma_wait3A_196 = arith.constant 0 : i32
      %dma_wait3A_197 = tpu.memref_slice %arg7[%dma_wait3A_195, %dma_wait3A_196] : memref<10240x64xf32, #tpu.memory_space<vmem_shared>> -> memref<10240x64xf32, #tpu.memory_space<vmem_shared>>
      tpu.wait_indirect_dma semaphore(%arg21 : memref<!tpu.dma_semaphore, #tpu.memory_space<semaphore_mem>>) src(%arg12 : memref<128x64xf32, #tpu.memory_space<vmem>>) dst(%dma_wait3A_197 : memref<10240x64xf32, #tpu.memory_space<vmem_shared>>)
    } else {
    }
    %barrier3A_158 = arith.constant 0 : index
    tpu.barrier barrier_id(%barrier3A_158)
    %mul3A_159 = arith.constant 640 : i32
    %mul3A_160 = arith.muli %arg1, %mul3A_159 : i32
    %mul3A_161 = arith.constant 640 : i32
    %mul3A_162 = arith.muli %arg1, %mul3A_161 : i32
    "tpu.region"() ({
      %run_scoped3A = tpu.sem_alloc : memref<!tpu.dma_semaphore, #tpu.memory_space<semaphore_mem>>
      %dma_start3A_168 = arith.constant 0 : i32
      %dma_start3A_169 = tpu.memref_slice %arg5[%arg0, %mul3A_162, %dma_start3A_168] : memref<2x10240x64xf32, #tpu.memory_space<hbm>> -> memref<1x640x64xf32, #tpu.memory_space<hbm>>
      %dma_start3A_170 = tpu.memref_squeeze %dma_start3A_169 : memref<1x640x64xf32, #tpu.memory_space<hbm>> -> memref<640x64xf32, #tpu.memory_space<hbm>>
      %dma_start3A_171 = arith.constant 0 : i32
      %dma_start3A_172 = tpu.memref_slice %arg7[%mul3A_160, %dma_start3A_171] : memref<10240x64xf32, #tpu.memory_space<vmem_shared>> -> memref<640x64xf32, #tpu.memory_space<vmem_shared>>
      tpu.enqueue_dma source(%dma_start3A_172 : memref<640x64xf32, #tpu.memory_space<vmem_shared>>) target(%dma_start3A_170 : memref<640x64xf32, #tpu.memory_space<hbm>>) target_semaphore(%run_scoped3A : memref<!tpu.dma_semaphore, #tpu.memory_space<semaphore_mem>>)
      %dma_wait3A = arith.constant 0 : i32
      %dma_wait3A_173 = tpu.memref_slice %arg5[%arg0, %mul3A_162, %dma_wait3A] : memref<2x10240x64xf32, #tpu.memory_space<hbm>> -> memref<1x640x64xf32, #tpu.memory_space<hbm>>
      %dma_wait3A_174 = tpu.memref_squeeze %dma_wait3A_173 : memref<1x640x64xf32, #tpu.memory_space<hbm>> -> memref<640x64xf32, #tpu.memory_space<hbm>>
      %dma_wait3A_175 = arith.constant 0 : i32
      %dma_wait3A_176 = tpu.memref_slice %arg7[%mul3A_160, %dma_wait3A_175] : memref<10240x64xf32, #tpu.memory_space<vmem_shared>> -> memref<640x64xf32, #tpu.memory_space<vmem_shared>>
      tpu.wait_dma2 semaphore(%run_scoped3A : memref<!tpu.dma_semaphore, #tpu.memory_space<semaphore_mem>>) src(%dma_wait3A_176 : memref<640x64xf32, #tpu.memory_space<vmem_shared>>) dst(%dma_wait3A_174 : memref<640x64xf32, #tpu.memory_space<hbm>>)
      tpu.yield
    }) : () -> ()
    %eq3A_163 = arith.constant 0 : i32
    %eq3A_164 = arith.cmpi eq, %arg0, %eq3A_163 : i32
    %convert_element_type3A_165 = arith.extui %eq3A_164 : i1 to i32
    %cond3A_166 = arith.constant 0 : i32
    %cond3A_167 = arith.cmpi ne, %convert_element_type3A_165, %cond3A_166 : i32
    scf.if %cond3A_167 {
      "tpu.region"() ({
        %run_scoped3A = tpu.sem_alloc : memref<!tpu.dma_semaphore, #tpu.memory_space<semaphore_mem>>
        %dma_start3A_168 = arith.constant 0 : i32
        %dma_start3A_169 = tpu.memref_slice %arg6[%arg1, %dma_start3A_168] : memref<16x10240xf32, #tpu.memory_space<hbm>> -> memref<1x10240xf32, #tpu.memory_space<hbm>>
        %dma_start3A_170 = tpu.memref_squeeze %dma_start3A_169 : memref<1x10240xf32, #tpu.memory_space<hbm>> -> memref<10240xf32, #tpu.memory_space<hbm>>
        %dma_start3A_171 = arith.constant 0 : i32
        %dma_start3A_172 = tpu.memref_slice %arg6[%arg1, %dma_start3A_171] : memref<16x10240xf32, #tpu.memory_space<hbm>> -> memref<1x10240xf32, #tpu.memory_space<hbm>>
        %dma_start3A_173 = tpu.memref_squeeze %dma_start3A_172 : memref<1x10240xf32, #tpu.memory_space<hbm>> -> memref<10240xf32, #tpu.memory_space<hbm>>
        tpu.enqueue_dma source(%arg14 : memref<10240xf32, #tpu.memory_space<vmem>>) target(%dma_start3A_173 : memref<10240xf32, #tpu.memory_space<hbm>>) target_semaphore(%run_scoped3A : memref<!tpu.dma_semaphore, #tpu.memory_space<semaphore_mem>>)
        %dma_wait3A = arith.constant 0 : i32
        %dma_wait3A_174 = tpu.memref_slice %arg6[%arg1, %dma_wait3A] : memref<16x10240xf32, #tpu.memory_space<hbm>> -> memref<1x10240xf32, #tpu.memory_space<hbm>>
        %dma_wait3A_175 = tpu.memref_squeeze %dma_wait3A_174 : memref<1x10240xf32, #tpu.memory_space<hbm>> -> memref<10240xf32, #tpu.memory_space<hbm>>
        %dma_wait3A_176 = arith.constant 0 : i32
        %dma_wait3A_177 = tpu.memref_slice %arg6[%arg1, %dma_wait3A_176] : memref<16x10240xf32, #tpu.memory_space<hbm>> -> memref<1x10240xf32, #tpu.memory_space<hbm>>
        %dma_wait3A_178 = tpu.memref_squeeze %dma_wait3A_177 : memref<1x10240xf32, #tpu.memory_space<hbm>> -> memref<10240xf32, #tpu.memory_space<hbm>>
        tpu.wait_dma2 semaphore(%run_scoped3A : memref<!tpu.dma_semaphore, #tpu.memory_space<semaphore_mem>>) src(%arg14 : memref<10240xf32, #tpu.memory_space<vmem>>) dst(%dma_wait3A_178 : memref<10240xf32, #tpu.memory_space<hbm>>)
        tpu.yield
      }) : () -> ()
    } else {
    }
    return
  }
}

#map = affine_map<(d0, d1) -> (0, 0, 0)>
#map1 = affine_map<(d0, d1) -> (0, 0)>
module attributes {stable_mosaic.version = 14 : i64} {
  func.func @_feat_segsum_body(%arg0: i32, %arg1: i32, %arg2: memref<2x10240x64xf32, #tpu.memory_space<hbm>>, %arg3: memref<2500x128xi32, #tpu.memory_space<hbm>>, %arg4: memref<2500x128xi32, #tpu.memory_space<hbm>>, %arg5: memref<2x10240x64xf32, #tpu.memory_space<hbm>>, %arg6: memref<16x10240xf32, #tpu.memory_space<hbm>>, %arg7: memref<10240x64xf32, #tpu.memory_space<vmem_shared>>, %arg8: memref<157x128xi32, #tpu.memory_space<vmem>>, %arg9: memref<157x128xi32, #tpu.memory_space<vmem>>, %arg10: memref<128x64xf32, #tpu.memory_space<vmem>>, %arg11: memref<128x64xf32, #tpu.memory_space<vmem>>, %arg12: memref<128x64xf32, #tpu.memory_space<vmem>>, %arg13: memref<128x64xf32, #tpu.memory_space<vmem>>, %arg14: memref<10240xf32, #tpu.memory_space<vmem>>, %arg15: memref<!tpu.dma_semaphore, #tpu.memory_space<semaphore_mem>>, %arg16: memref<!tpu.dma_semaphore, #tpu.memory_space<semaphore_mem>>, %arg17: memref<!tpu.dma_semaphore, #tpu.memory_space<semaphore_mem>>, %arg18: memref<!tpu.dma_semaphore, #tpu.memory_space<semaphore_mem>>, %arg19: memref<!tpu.dma_semaphore, #tpu.memory_space<semaphore_mem>>, %arg20: memref<!tpu.dma_semaphore, #tpu.memory_space<semaphore_mem>>, %arg21: memref<!tpu.dma_semaphore, #tpu.memory_space<semaphore_mem>>, %arg22: memref<!tpu.dma_semaphore, #tpu.memory_space<semaphore_mem>>) attributes {dimension_semantics = [#tpu.dimension_semantics<core_parallel>, #tpu.dimension_semantics<subcore_parallel>], iteration_bounds = array<i64: 2, 16>, scalar_prefetch = 0 : i64, scratch_operands = 16 : i64, tpu.core_type = #tpu.core_type<sc_vector_subcore>, window_params = [{transform_indices = #map}, {transform_indices = #map1}, {transform_indices = #map1}, {transform_indices = #map}, {transform_indices = #map1}]} {
    %mul3A = arith.constant 156 : i32
    %mul3A_0 = arith.muli %mul3A, %arg1 : i32
    %min3A = arith.constant 4 : i32
    %min3A_1 = arith.minsi %arg1, %min3A : i32
    %add3A = arith.addi %mul3A_0, %min3A_1 : i32
    %lt3A = arith.constant 4 : i32
    %lt3A_2 = arith.cmpi slt, %arg1, %lt3A : i32
    %convert_element_type3A = arith.extui %lt3A_2 : i1 to i32
    %add3A_3 = arith.constant 156 : i32
    %add3A_4 = arith.addi %add3A_3, %convert_element_type3A : i32
    "tpu.region"() ({
      %run_scoped3A = tpu.sem_alloc : memref<!tpu.dma_semaphore, #tpu.memory_space<semaphore_mem>>
      %dma_start3A_168 = arith.constant 0 : i32
      %dma_start3A_169 = arith.constant 0 : i32
      %dma_start3A_170 = tpu.memref_slice %arg8[%dma_start3A_168, %dma_start3A_169] : memref<157x128xi32, #tpu.memory_space<vmem>> -> memref<156x128xi32, #tpu.memory_space<vmem>>
      %dma_start3A_171 = arith.constant 0 : i32
      %dma_start3A_172 = tpu.memref_slice %arg3[%add3A, %dma_start3A_171] : memref<2500x128xi32, #tpu.memory_space<hbm>> -> memref<156x128xi32, #tpu.memory_space<hbm>>
      %dma_start3A_173 = arith.constant 0 : i32
      %dma_start3A_174 = arith.constant 0 : i32
      %dma_start3A_175 = tpu.memref_slice %arg8[%dma_start3A_173, %dma_start3A_174] : memref<157x128xi32, #tpu.memory_space<vmem>> -> memref<156x128xi32, #tpu.memory_space<vmem>>
      %dma_start3A_176 = arith.constant 0 : i32
      %dma_start3A_177 = tpu.memref_slice %arg3[%add3A, %dma_start3A_176] : memref<2500x128xi32, #tpu.memory_space<hbm>> -> memref<156x128xi32, #tpu.memory_space<hbm>>
      tpu.enqueue_dma source(%dma_start3A_177 : memref<156x128xi32, #tpu.memory_space<hbm>>) target(%dma_start3A_175 : memref<156x128xi32, #tpu.memory_space<vmem>>) target_semaphore(%run_scoped3A : memref<!tpu.dma_semaphore, #tpu.memory_space<semaphore_mem>>)
      %dma_wait3A = arith.constant 0 : i32
      %dma_wait3A_178 = arith.constant 0 : i32
      %dma_wait3A_179 = tpu.memref_slice %arg8[%dma_wait3A, %dma_wait3A_178] : memref<157x128xi32, #tpu.memory_space<vmem>> -> memref<156x128xi32, #tpu.memory_space<vmem>>
      %dma_wait3A_180 = arith.constant 0 : i32
      %dma_wait3A_181 = tpu.memref_slice %arg3[%add3A, %dma_wait3A_180] : memref<2500x128xi32, #tpu.memory_space<hbm>> -> memref<156x128xi32, #tpu.memory_space<hbm>>
      %dma_wait3A_182 = arith.constant 0 : i32
      %dma_wait3A_183 = arith.constant 0 : i32
      %dma_wait3A_184 = tpu.memref_slice %arg8[%dma_wait3A_182, %dma_wait3A_183] : memref<157x128xi32, #tpu.memory_space<vmem>> -> memref<156x128xi32, #tpu.memory_space<vmem>>
      %dma_wait3A_185 = arith.constant 0 : i32
      %dma_wait3A_186 = tpu.memref_slice %arg3[%add3A, %dma_wait3A_185] : memref<2500x128xi32, #tpu.memory_space<hbm>> -> memref<156x128xi32, #tpu.memory_space<hbm>>
      tpu.wait_dma2 semaphore(%run_scoped3A : memref<!tpu.dma_semaphore, #tpu.memory_space<semaphore_mem>>) src(%dma_wait3A_186 : memref<156x128xi32, #tpu.memory_space<hbm>>) dst(%dma_wait3A_184 : memref<156x128xi32, #tpu.memory_space<vmem>>)
      tpu.yield
    }) : () -> ()
    "tpu.region"() ({
      %run_scoped3A = tpu.sem_alloc : memref<!tpu.dma_semaphore, #tpu.memory_space<semaphore_mem>>
      %dma_start3A_168 = arith.constant 0 : i32
      %dma_start3A_169 = arith.constant 0 : i32
      %dma_start3A_170 = tpu.memref_slice %arg9[%dma_start3A_168, %dma_start3A_169] : memref<157x128xi32, #tpu.memory_space<vmem>> -> memref<156x128xi32, #tpu.memory_space<vmem>>
      %dma_start3A_171 = arith.constant 0 : i32
      %dma_start3A_172 = tpu.memref_slice %arg4[%add3A, %dma_start3A_171] : memref<2500x128xi32, #tpu.memory_space<hbm>> -> memref<156x128xi32, #tpu.memory_space<hbm>>
      %dma_start3A_173 = arith.constant 0 : i32
      %dma_start3A_174 = arith.constant 0 : i32
      %dma_start3A_175 = tpu.memref_slice %arg9[%dma_start3A_173, %dma_start3A_174] : memref<157x128xi32, #tpu.memory_space<vmem>> -> memref<156x128xi32, #tpu.memory_space<vmem>>
      %dma_start3A_176 = arith.constant 0 : i32
      %dma_start3A_177 = tpu.memref_slice %arg4[%add3A, %dma_start3A_176] : memref<2500x128xi32, #tpu.memory_space<hbm>> -> memref<156x128xi32, #tpu.memory_space<hbm>>
      tpu.enqueue_dma source(%dma_start3A_177 : memref<156x128xi32, #tpu.memory_space<hbm>>) target(%dma_start3A_175 : memref<156x128xi32, #tpu.memory_space<vmem>>) target_semaphore(%run_scoped3A : memref<!tpu.dma_semaphore, #tpu.memory_space<semaphore_mem>>)
      %dma_wait3A = arith.constant 0 : i32
      %dma_wait3A_178 = arith.constant 0 : i32
      %dma_wait3A_179 = tpu.memref_slice %arg9[%dma_wait3A, %dma_wait3A_178] : memref<157x128xi32, #tpu.memory_space<vmem>> -> memref<156x128xi32, #tpu.memory_space<vmem>>
      %dma_wait3A_180 = arith.constant 0 : i32
      %dma_wait3A_181 = tpu.memref_slice %arg4[%add3A, %dma_wait3A_180] : memref<2500x128xi32, #tpu.memory_space<hbm>> -> memref<156x128xi32, #tpu.memory_space<hbm>>
      %dma_wait3A_182 = arith.constant 0 : i32
      %dma_wait3A_183 = arith.constant 0 : i32
      %dma_wait3A_184 = tpu.memref_slice %arg9[%dma_wait3A_182, %dma_wait3A_183] : memref<157x128xi32, #tpu.memory_space<vmem>> -> memref<156x128xi32, #tpu.memory_space<vmem>>
      %dma_wait3A_185 = arith.constant 0 : i32
      %dma_wait3A_186 = tpu.memref_slice %arg4[%add3A, %dma_wait3A_185] : memref<2500x128xi32, #tpu.memory_space<hbm>> -> memref<156x128xi32, #tpu.memory_space<hbm>>
      tpu.wait_dma2 semaphore(%run_scoped3A : memref<!tpu.dma_semaphore, #tpu.memory_space<semaphore_mem>>) src(%dma_wait3A_186 : memref<156x128xi32, #tpu.memory_space<hbm>>) dst(%dma_wait3A_184 : memref<156x128xi32, #tpu.memory_space<vmem>>)
      tpu.yield
    }) : () -> ()
    %lt3A_5 = arith.constant 4 : i32
    %lt3A_6 = arith.cmpi slt, %arg1, %lt3A_5 : i32
    %convert_element_type3A_7 = arith.extui %lt3A_6 : i1 to i32
    %cond3A = arith.constant 0 : i32
    %cond3A_8 = arith.cmpi ne, %convert_element_type3A_7, %cond3A : i32
    scf.if %cond3A_8 {
      %add3A_168 = arith.constant 156 : i32
      %add3A_169 = arith.addi %add3A, %add3A_168 : i32
      "tpu.region"() ({
        %run_scoped3A = tpu.sem_alloc : memref<!tpu.dma_semaphore, #tpu.memory_space<semaphore_mem>>
        %dma_start3A_172 = arith.constant 156 : i32
        %dma_start3A_173 = arith.constant 0 : i32
        %dma_start3A_174 = tpu.memref_slice %arg8[%dma_start3A_172, %dma_start3A_173] : memref<157x128xi32, #tpu.memory_space<vmem>> -> memref<1x128xi32, #tpu.memory_space<vmem>>
        %dma_start3A_175 = arith.constant 0 : i32
        %dma_start3A_176 = tpu.memref_slice %arg3[%add3A_169, %dma_start3A_175] : memref<2500x128xi32, #tpu.memory_space<hbm>> -> memref<1x128xi32, #tpu.memory_space<hbm>>
        %dma_start3A_177 = arith.constant 156 : i32
        %dma_start3A_178 = arith.constant 0 : i32
        %dma_start3A_179 = tpu.memref_slice %arg8[%dma_start3A_177, %dma_start3A_178] : memref<157x128xi32, #tpu.memory_space<vmem>> -> memref<1x128xi32, #tpu.memory_space<vmem>>
        %dma_start3A_180 = arith.constant 0 : i32
        %dma_start3A_181 = tpu.memref_slice %arg3[%add3A_169, %dma_start3A_180] : memref<2500x128xi32, #tpu.memory_space<hbm>> -> memref<1x128xi32, #tpu.memory_space<hbm>>
        tpu.enqueue_dma source(%dma_start3A_181 : memref<1x128xi32, #tpu.memory_space<hbm>>) target(%dma_start3A_179 : memref<1x128xi32, #tpu.memory_space<vmem>>) target_semaphore(%run_scoped3A : memref<!tpu.dma_semaphore, #tpu.memory_space<semaphore_mem>>)
        %dma_wait3A = arith.constant 156 : i32
        %dma_wait3A_182 = arith.constant 0 : i32
        %dma_wait3A_183 = tpu.memref_slice %arg8[%dma_wait3A, %dma_wait3A_182] : memref<157x128xi32, #tpu.memory_space<vmem>> -> memref<1x128xi32, #tpu.memory_space<vmem>>
        %dma_wait3A_184 = arith.constant 0 : i32
        %dma_wait3A_185 = tpu.memref_slice %arg3[%add3A_169, %dma_wait3A_184] : memref<2500x128xi32, #tpu.memory_space<hbm>> -> memref<1x128xi32, #tpu.memory_space<hbm>>
        %dma_wait3A_186 = arith.constant 156 : i32
        %dma_wait3A_187 = arith.constant 0 : i32
        %dma_wait3A_188 = tpu.memref_slice %arg8[%dma_wait3A_186, %dma_wait3A_187] : memref<157x128xi32, #tpu.memory_space<vmem>> -> memref<1x128xi32, #tpu.memory_space<vmem>>
        %dma_wait3A_189 = arith.constant 0 : i32
        %dma_wait3A_190 = tpu.memref_slice %arg3[%add3A_169, %dma_wait3A_189] : memref<2500x128xi32, #tpu.memory_space<hbm>> -> memref<1x128xi32, #tpu.memory_space<hbm>>
        tpu.wait_dma2 semaphore(%run_scoped3A : memref<!tpu.dma_semaphore, #tpu.memory_space<semaphore_mem>>) src(%dma_wait3A_190 : memref<1x128xi32, #tpu.memory_space<hbm>>) dst(%dma_wait3A_188 : memref<1x128xi32, #tpu.memory_space<vmem>>)
        tpu.yield
      }) : () -> ()
      %add3A_170 = arith.constant 156 : i32
      %add3A_171 = arith.addi %add3A, %add3A_170 : i32
      "tpu.region"() ({
        %run_scoped3A = tpu.sem_alloc : memref<!tpu.dma_semaphore, #tpu.memory_space<semaphore_mem>>
        %dma_start3A_172 = arith.constant 156 : i32
        %dma_start3A_173 = arith.constant 0 : i32
        %dma_start3A_174 = tpu.memref_slice %arg9[%dma_start3A_172, %dma_start3A_173] : memref<157x128xi32, #tpu.memory_space<vmem>> -> memref<1x128xi32, #tpu.memory_space<vmem>>
        %dma_start3A_175 = arith.constant 0 : i32
        %dma_start3A_176 = tpu.memref_slice %arg4[%add3A_171, %dma_start3A_175] : memref<2500x128xi32, #tpu.memory_space<hbm>> -> memref<1x128xi32, #tpu.memory_space<hbm>>
        %dma_start3A_177 = arith.constant 156 : i32
        %dma_start3A_178 = arith.constant 0 : i32
        %dma_start3A_179 = tpu.memref_slice %arg9[%dma_start3A_177, %dma_start3A_178] : memref<157x128xi32, #tpu.memory_space<vmem>> -> memref<1x128xi32, #tpu.memory_space<vmem>>
        %dma_start3A_180 = arith.constant 0 : i32
        %dma_start3A_181 = tpu.memref_slice %arg4[%add3A_171, %dma_start3A_180] : memref<2500x128xi32, #tpu.memory_space<hbm>> -> memref<1x128xi32, #tpu.memory_space<hbm>>
        tpu.enqueue_dma source(%dma_start3A_181 : memref<1x128xi32, #tpu.memory_space<hbm>>) target(%dma_start3A_179 : memref<1x128xi32, #tpu.memory_space<vmem>>) target_semaphore(%run_scoped3A : memref<!tpu.dma_semaphore, #tpu.memory_space<semaphore_mem>>)
        %dma_wait3A = arith.constant 156 : i32
        %dma_wait3A_182 = arith.constant 0 : i32
        %dma_wait3A_183 = tpu.memref_slice %arg9[%dma_wait3A, %dma_wait3A_182] : memref<157x128xi32, #tpu.memory_space<vmem>> -> memref<1x128xi32, #tpu.memory_space<vmem>>
        %dma_wait3A_184 = arith.constant 0 : i32
        %dma_wait3A_185 = tpu.memref_slice %arg4[%add3A_171, %dma_wait3A_184] : memref<2500x128xi32, #tpu.memory_space<hbm>> -> memref<1x128xi32, #tpu.memory_space<hbm>>
        %dma_wait3A_186 = arith.constant 156 : i32
        %dma_wait3A_187 = arith.constant 0 : i32
        %dma_wait3A_188 = tpu.memref_slice %arg9[%dma_wait3A_186, %dma_wait3A_187] : memref<157x128xi32, #tpu.memory_space<vmem>> -> memref<1x128xi32, #tpu.memory_space<vmem>>
        %dma_wait3A_189 = arith.constant 0 : i32
        %dma_wait3A_190 = tpu.memref_slice %arg4[%add3A_171, %dma_wait3A_189] : memref<2500x128xi32, #tpu.memory_space<hbm>> -> memref<1x128xi32, #tpu.memory_space<hbm>>
        tpu.wait_dma2 semaphore(%run_scoped3A : memref<!tpu.dma_semaphore, #tpu.memory_space<semaphore_mem>>) src(%dma_wait3A_190 : memref<1x128xi32, #tpu.memory_space<hbm>>) dst(%dma_wait3A_188 : memref<1x128xi32, #tpu.memory_space<vmem>>)
        tpu.yield
      }) : () -> ()
    } else {
    }
    %broadcast_in_dim3A = arith.constant 0.000000e+00 : f32
    %broadcast_in_dim3A_9 = vector.broadcast %broadcast_in_dim3A : f32 to vector<16xf32>
    %parallel_loop3A = arith.constant 0 : i32
    %parallel_loop3A_10 = arith.constant 128 : i32
    %parallel_loop3A_11 = arith.constant 1 : i32
    scf.for %parallel_loop3A_168 = %parallel_loop3A to %parallel_loop3A_10 step %parallel_loop3A_11  : i32 {
      %parallel_loop3A_169 = arith.index_cast %parallel_loop3A_168 : i32 to index
      %parallel_loop3A_170 = arith.constant 0 : index
      %parallel_loop3A_171 = tpu.vector_load %arg10[%parallel_loop3A_169, %parallel_loop3A_170] {strides = array<i32>} : memref<128x64xf32, #tpu.memory_space<vmem>>, vector<16xf32>,
      tpu.vector_store %arg10[%parallel_loop3A_169, %parallel_loop3A_170], %broadcast_in_dim3A_9 {strides = array<i32>} : memref<128x64xf32, #tpu.memory_space<vmem>>, vector<16xf32>,
      %parallel_loop3A_172 = arith.index_cast %parallel_loop3A_168 : i32 to index
      %parallel_loop3A_173 = arith.constant 16 : index
      %parallel_loop3A_174 = tpu.vector_load %arg10[%parallel_loop3A_172, %parallel_loop3A_173] {strides = array<i32>} : memref<128x64xf32, #tpu.memory_space<vmem>>, vector<16xf32>,
      tpu.vector_store %arg10[%parallel_loop3A_172, %parallel_loop3A_173], %broadcast_in_dim3A_9 {strides = array<i32>} : memref<128x64xf32, #tpu.memory_space<vmem>>, vector<16xf32>,
      %parallel_loop3A_175 = arith.index_cast %parallel_loop3A_168 : i32 to index
      %parallel_loop3A_176 = arith.constant 32 : index
      %parallel_loop3A_177 = tpu.vector_load %arg10[%parallel_loop3A_175, %parallel_loop3A_176] {strides = array<i32>} : memref<128x64xf32, #tpu.memory_space<vmem>>, vector<16xf32>,
      tpu.vector_store %arg10[%parallel_loop3A_175, %parallel_loop3A_176], %broadcast_in_dim3A_9 {strides = array<i32>} : memref<128x64xf32, #tpu.memory_space<vmem>>, vector<16xf32>,
      %parallel_loop3A_178 = arith.index_cast %parallel_loop3A_168 : i32 to index
      %parallel_loop3A_179 = arith.constant 48 : index
      %parallel_loop3A_180 = tpu.vector_load %arg10[%parallel_loop3A_178, %parallel_loop3A_179] {strides = array<i32>} : memref<128x64xf32, #tpu.memory_space<vmem>>, vector<16xf32>,
      tpu.vector_store %arg10[%parallel_loop3A_178, %parallel_loop3A_179], %broadcast_in_dim3A_9 {strides = array<i32>} : memref<128x64xf32, #tpu.memory_space<vmem>>, vector<16xf32>,
    } {sc.loop_unroll_factor = 4 : i64, sc.parallel_access}
    %eq3A = arith.constant 0 : i32
    %eq3A_12 = arith.cmpi eq, %arg0, %eq3A : i32
    %convert_element_type3A_13 = arith.extui %eq3A_12 : i1 to i32
    %cond3A_14 = arith.constant 0 : i32
    %cond3A_15 = arith.cmpi ne, %convert_element_type3A_13, %cond3A_14 : i32
    scf.if %cond3A_15 {
      %parallel_loop3A_168 = arith.constant 0 : i32
      %parallel_loop3A_169 = arith.constant 640 : i32
      %parallel_loop3A_170 = arith.constant 1 : i32
      scf.for %parallel_loop3A_171 = %parallel_loop3A_168 to %parallel_loop3A_169 step %parallel_loop3A_170  : i32 {
        %parallel_loop3A_172 = arith.constant 16 : i32
        %parallel_loop3A_173 = arith.muli %parallel_loop3A_171, %parallel_loop3A_172 : i32
        %parallel_loop3A_174 = arith.index_cast %parallel_loop3A_173 : i32 to index
        %parallel_loop3A_175 = tpu.vector_load %arg14[%parallel_loop3A_174] {strides = array<i32>} : memref<10240xf32, #tpu.memory_space<vmem>>, vector<16xf32>,
        tpu.vector_store %arg14[%parallel_loop3A_174], %broadcast_in_dim3A_9 {strides = array<i32>} : memref<10240xf32, #tpu.memory_space<vmem>>, vector<16xf32>,
      } {sc.loop_unroll_factor = 8 : i64, sc.parallel_access}
    } else {
    }
    %mul3A_16 = arith.constant 640 : i32
    %mul3A_17 = arith.muli %arg1, %mul3A_16 : i32
    %add3A_18 = arith.constant 0 : i32
    %add3A_19 = arith.addi %mul3A_17, %add3A_18 : i32
    "tpu.region"() ({
      %run_scoped3A = tpu.sem_alloc : memref<!tpu.dma_semaphore, #tpu.memory_space<semaphore_mem>>
      %dma_start3A_168 = arith.constant 0 : i32
      %dma_start3A_169 = tpu.memref_slice %arg7[%add3A_19, %dma_start3A_168] : memref<10240x64xf32, #tpu.memory_space<vmem_shared>> -> memref<128x64xf32, #tpu.memory_space<vmem_shared>>
      %dma_start3A_170 = arith.constant 0 : i32
      %dma_start3A_171 = tpu.memref_slice %arg7[%add3A_19, %dma_start3A_170] : memref<10240x64xf32, #tpu.memory_space<vmem_shared>> -> memref<128x64xf32, #tpu.memory_space<vmem_shared>>
      tpu.enqueue_dma source(%arg10 : memref<128x64xf32, #tpu.memory_space<vmem>>) target(%dma_start3A_171 : memref<128x64xf32, #tpu.memory_space<vmem_shared>>) target_semaphore(%run_scoped3A : memref<!tpu.dma_semaphore, #tpu.memory_space<semaphore_mem>>)
      %dma_wait3A = arith.constant 0 : i32
      %dma_wait3A_172 = tpu.memref_slice %arg7[%add3A_19, %dma_wait3A] : memref<10240x64xf32, #tpu.memory_space<vmem_shared>> -> memref<128x64xf32, #tpu.memory_space<vmem_shared>>
      %dma_wait3A_173 = arith.constant 0 : i32
      %dma_wait3A_174 = tpu.memref_slice %arg7[%add3A_19, %dma_wait3A_173] : memref<10240x64xf32, #tpu.memory_space<vmem_shared>> -> memref<128x64xf32, #tpu.memory_space<vmem_shared>>
      tpu.wait_dma2 semaphore(%run_scoped3A : memref<!tpu.dma_semaphore, #tpu.memory_space<semaphore_mem>>) src(%arg10 : memref<128x64xf32, #tpu.memory_space<vmem>>) dst(%dma_wait3A_174 : memref<128x64xf32, #tpu.memory_space<vmem_shared>>)
      tpu.yield
    }) : () -> ()
    %mul3A_20 = arith.constant 640 : i32
    %mul3A_21 = arith.muli %arg1, %mul3A_20 : i32
    %add3A_22 = arith.constant 128 : i32
    %add3A_23 = arith.addi %mul3A_21, %add3A_22 : i32
    "tpu.region"() ({
      %run_scoped3A = tpu.sem_alloc : memref<!tpu.dma_semaphore, #tpu.memory_space<semaphore_mem>>
      %dma_start3A_168 = arith.constant 0 : i32
      %dma_start3A_169 = tpu.memref_slice %arg7[%add3A_23, %dma_start3A_168] : memref<10240x64xf32, #tpu.memory_space<vmem_shared>> -> memref<128x64xf32, #tpu.memory_space<vmem_shared>>
      %dma_start3A_170 = arith.constant 0 : i32
      %dma_start3A_171 = tpu.memref_slice %arg7[%add3A_23, %dma_start3A_170] : memref<10240x64xf32, #tpu.memory_space<vmem_shared>> -> memref<128x64xf32, #tpu.memory_space<vmem_shared>>
      tpu.enqueue_dma source(%arg10 : memref<128x64xf32, #tpu.memory_space<vmem>>) target(%dma_start3A_171 : memref<128x64xf32, #tpu.memory_space<vmem_shared>>) target_semaphore(%run_scoped3A : memref<!tpu.dma_semaphore, #tpu.memory_space<semaphore_mem>>)
      %dma_wait3A = arith.constant 0 : i32
      %dma_wait3A_172 = tpu.memref_slice %arg7[%add3A_23, %dma_wait3A] : memref<10240x64xf32, #tpu.memory_space<vmem_shared>> -> memref<128x64xf32, #tpu.memory_space<vmem_shared>>
      %dma_wait3A_173 = arith.constant 0 : i32
      %dma_wait3A_174 = tpu.memref_slice %arg7[%add3A_23, %dma_wait3A_173] : memref<10240x64xf32, #tpu.memory_space<vmem_shared>> -> memref<128x64xf32, #tpu.memory_space<vmem_shared>>
      tpu.wait_dma2 semaphore(%run_scoped3A : memref<!tpu.dma_semaphore, #tpu.memory_space<semaphore_mem>>) src(%arg10 : memref<128x64xf32, #tpu.memory_space<vmem>>) dst(%dma_wait3A_174 : memref<128x64xf32, #tpu.memory_space<vmem_shared>>)
      tpu.yield
    }) : () -> ()
    %mul3A_24 = arith.constant 640 : i32
    %mul3A_25 = arith.muli %arg1, %mul3A_24 : i32
    %add3A_26 = arith.constant 256 : i32
    %add3A_27 = arith.addi %mul3A_25, %add3A_26 : i32
    "tpu.region"() ({
      %run_scoped3A = tpu.sem_alloc : memref<!tpu.dma_semaphore, #tpu.memory_space<semaphore_mem>>
      %dma_start3A_168 = arith.constant 0 : i32
      %dma_start3A_169 = tpu.memref_slice %arg7[%add3A_27, %dma_start3A_168] : memref<10240x64xf32, #tpu.memory_space<vmem_shared>> -> memref<128x64xf32, #tpu.memory_space<vmem_shared>>
      %dma_start3A_170 = arith.constant 0 : i32
      %dma_start3A_171 = tpu.memref_slice %arg7[%add3A_27, %dma_start3A_170] : memref<10240x64xf32, #tpu.memory_space<vmem_shared>> -> memref<128x64xf32, #tpu.memory_space<vmem_shared>>
      tpu.enqueue_dma source(%arg10 : memref<128x64xf32, #tpu.memory_space<vmem>>) target(%dma_start3A_171 : memref<128x64xf32, #tpu.memory_space<vmem_shared>>) target_semaphore(%run_scoped3A : memref<!tpu.dma_semaphore, #tpu.memory_space<semaphore_mem>>)
      %dma_wait3A = arith.constant 0 : i32
      %dma_wait3A_172 = tpu.memref_slice %arg7[%add3A_27, %dma_wait3A] : memref<10240x64xf32, #tpu.memory_space<vmem_shared>> -> memref<128x64xf32, #tpu.memory_space<vmem_shared>>
      %dma_wait3A_173 = arith.constant 0 : i32
      %dma_wait3A_174 = tpu.memref_slice %arg7[%add3A_27, %dma_wait3A_173] : memref<10240x64xf32, #tpu.memory_space<vmem_shared>> -> memref<128x64xf32, #tpu.memory_space<vmem_shared>>
      tpu.wait_dma2 semaphore(%run_scoped3A : memref<!tpu.dma_semaphore, #tpu.memory_space<semaphore_mem>>) src(%arg10 : memref<128x64xf32, #tpu.memory_space<vmem>>) dst(%dma_wait3A_174 : memref<128x64xf32, #tpu.memory_space<vmem_shared>>)
      tpu.yield
    }) : () -> ()
    %mul3A_28 = arith.constant 640 : i32
    %mul3A_29 = arith.muli %arg1, %mul3A_28 : i32
    %add3A_30 = arith.constant 384 : i32
    %add3A_31 = arith.addi %mul3A_29, %add3A_30 : i32
    "tpu.region"() ({
      %run_scoped3A = tpu.sem_alloc : memref<!tpu.dma_semaphore, #tpu.memory_space<semaphore_mem>>
      %dma_start3A_168 = arith.constant 0 : i32
      %dma_start3A_169 = tpu.memref_slice %arg7[%add3A_31, %dma_start3A_168] : memref<10240x64xf32, #tpu.memory_space<vmem_shared>> -> memref<128x64xf32, #tpu.memory_space<vmem_shared>>
      %dma_start3A_170 = arith.constant 0 : i32
      %dma_start3A_171 = tpu.memref_slice %arg7[%add3A_31, %dma_start3A_170] : memref<10240x64xf32, #tpu.memory_space<vmem_shared>> -> memref<128x64xf32, #tpu.memory_space<vmem_shared>>
      tpu.enqueue_dma source(%arg10 : memref<128x64xf32, #tpu.memory_space<vmem>>) target(%dma_start3A_171 : memref<128x64xf32, #tpu.memory_space<vmem_shared>>) target_semaphore(%run_scoped3A : memref<!tpu.dma_semaphore, #tpu.memory_space<semaphore_mem>>)
      %dma_wait3A = arith.constant 0 : i32
      %dma_wait3A_172 = tpu.memref_slice %arg7[%add3A_31, %dma_wait3A] : memref<10240x64xf32, #tpu.memory_space<vmem_shared>> -> memref<128x64xf32, #tpu.memory_space<vmem_shared>>
      %dma_wait3A_173 = arith.constant 0 : i32
      %dma_wait3A_174 = tpu.memref_slice %arg7[%add3A_31, %dma_wait3A_173] : memref<10240x64xf32, #tpu.memory_space<vmem_shared>> -> memref<128x64xf32, #tpu.memory_space<vmem_shared>>
      tpu.wait_dma2 semaphore(%run_scoped3A : memref<!tpu.dma_semaphore, #tpu.memory_space<semaphore_mem>>) src(%arg10 : memref<128x64xf32, #tpu.memory_space<vmem>>) dst(%dma_wait3A_174 : memref<128x64xf32, #tpu.memory_space<vmem_shared>>)
      tpu.yield
    }) : () -> ()
    %mul3A_32 = arith.constant 640 : i32
    %mul3A_33 = arith.muli %arg1, %mul3A_32 : i32
    %add3A_34 = arith.constant 512 : i32
    %add3A_35 = arith.addi %mul3A_33, %add3A_34 : i32
    "tpu.region"() ({
      %run_scoped3A = tpu.sem_alloc : memref<!tpu.dma_semaphore, #tpu.memory_space<semaphore_mem>>
      %dma_start3A_168 = arith.constant 0 : i32
      %dma_start3A_169 = tpu.memref_slice %arg7[%add3A_35, %dma_start3A_168] : memref<10240x64xf32, #tpu.memory_space<vmem_shared>> -> memref<128x64xf32, #tpu.memory_space<vmem_shared>>
      %dma_start3A_170 = arith.constant 0 : i32
      %dma_start3A_171 = tpu.memref_slice %arg7[%add3A_35, %dma_start3A_170] : memref<10240x64xf32, #tpu.memory_space<vmem_shared>> -> memref<128x64xf32, #tpu.memory_space<vmem_shared>>
      tpu.enqueue_dma source(%arg10 : memref<128x64xf32, #tpu.memory_space<vmem>>) target(%dma_start3A_171 : memref<128x64xf32, #tpu.memory_space<vmem_shared>>) target_semaphore(%run_scoped3A : memref<!tpu.dma_semaphore, #tpu.memory_space<semaphore_mem>>)
      %dma_wait3A = arith.constant 0 : i32
      %dma_wait3A_172 = tpu.memref_slice %arg7[%add3A_35, %dma_wait3A] : memref<10240x64xf32, #tpu.memory_space<vmem_shared>> -> memref<128x64xf32, #tpu.memory_space<vmem_shared>>
      %dma_wait3A_173 = arith.constant 0 : i32
      %dma_wait3A_174 = tpu.memref_slice %arg7[%add3A_35, %dma_wait3A_173] : memref<10240x64xf32, #tpu.memory_space<vmem_shared>> -> memref<128x64xf32, #tpu.memory_space<vmem_shared>>
      tpu.wait_dma2 semaphore(%run_scoped3A : memref<!tpu.dma_semaphore, #tpu.memory_space<semaphore_mem>>) src(%arg10 : memref<128x64xf32, #tpu.memory_space<vmem>>) dst(%dma_wait3A_174 : memref<128x64xf32, #tpu.memory_space<vmem_shared>>)
      tpu.yield
    }) : () -> ()
    %barrier3A = arith.constant 0 : index
    tpu.barrier barrier_id(%barrier3A)
    %dma_start3A = arith.constant 0 : i32
    %dma_start3A_36 = arith.constant 0 : i32
    %dma_start3A_37 = tpu.memref_slice %arg8[%dma_start3A, %dma_start3A_36] : memref<157x128xi32, #tpu.memory_space<vmem>> -> memref<1x128xi32, #tpu.memory_space<vmem>>
    %dma_start3A_38 = tpu.memref_squeeze %dma_start3A_37 : memref<1x128xi32, #tpu.memory_space<vmem>> -> memref<128xi32, #tpu.memory_space<vmem>>
    %dma_start3A_39 = arith.constant 0 : i32
    %dma_start3A_40 = arith.constant 0 : i32
    %dma_start3A_41 = tpu.memref_slice %arg2[%arg0, %dma_start3A_39, %dma_start3A_40] : memref<2x10240x64xf32, #tpu.memory_space<hbm>> -> memref<1x10240x64xf32, #tpu.memory_space<hbm>>
    %dma_start3A_42 = tpu.memref_squeeze %dma_start3A_41 : memref<1x10240x64xf32, #tpu.memory_space<hbm>> -> memref<10240x64xf32, #tpu.memory_space<hbm>>
    %dma_start3A_43 = arith.constant 0 : i32
    %dma_start3A_44 = arith.constant 0 : i32
    %dma_start3A_45 = tpu.memref_slice %dma_start3A_42[%dma_start3A_43, %dma_start3A_44] : memref<10240x64xf32, #tpu.memory_space<hbm>> -> memref<10240x64xf32, #tpu.memory_space<hbm>>
    tpu.enqueue_indirect_dma source(%dma_start3A_45 : memref<10240x64xf32, #tpu.memory_space<hbm>>) target(%arg10 : memref<128x64xf32, #tpu.memory_space<vmem>>) offsets(%dma_start3A_38 : memref<128xi32, #tpu.memory_space<vmem>>) semaphore(%arg15 : memref<!tpu.dma_semaphore, #tpu.memory_space<semaphore_mem>>)
    %dma_start3A_46 = arith.constant 1 : i32
    %dma_start3A_47 = arith.constant 0 : i32
    %dma_start3A_48 = tpu.memref_slice %arg8[%dma_start3A_46, %dma_start3A_47] : memref<157x128xi32, #tpu.memory_space<vmem>> -> memref<1x128xi32, #tpu.memory_space<vmem>>
    %dma_start3A_49 = tpu.memref_squeeze %dma_start3A_48 : memref<1x128xi32, #tpu.memory_space<vmem>> -> memref<128xi32, #tpu.memory_space<vmem>>
    %dma_start3A_50 = arith.constant 0 : i32
    %dma_start3A_51 = arith.constant 0 : i32
    %dma_start3A_52 = tpu.memref_slice %arg2[%arg0, %dma_start3A_50, %dma_start3A_51] : memref<2x10240x64xf32, #tpu.memory_space<hbm>> -> memref<1x10240x64xf32, #tpu.memory_space<hbm>>
    %dma_start3A_53 = tpu.memref_squeeze %dma_start3A_52 : memref<1x10240x64xf32, #tpu.memory_space<hbm>> -> memref<10240x64xf32, #tpu.memory_space<hbm>>
    %dma_start3A_54 = arith.constant 0 : i32
    %dma_start3A_55 = arith.constant 0 : i32
    %dma_start3A_56 = tpu.memref_slice %dma_start3A_53[%dma_start3A_54, %dma_start3A_55] : memref<10240x64xf32, #tpu.memory_space<hbm>> -> memref<10240x64xf32, #tpu.memory_space<hbm>>
    tpu.enqueue_indirect_dma source(%dma_start3A_56 : memref<10240x64xf32, #tpu.memory_space<hbm>>) target(%arg11 : memref<128x64xf32, #tpu.memory_space<vmem>>) offsets(%dma_start3A_49 : memref<128xi32, #tpu.memory_space<vmem>>) semaphore(%arg16 : memref<!tpu.dma_semaphore, #tpu.memory_space<semaphore_mem>>)
    %dma_start3A_57 = arith.constant 2 : i32
    %dma_start3A_58 = arith.constant 0 : i32
    %dma_start3A_59 = tpu.memref_slice %arg8[%dma_start3A_57, %dma_start3A_58] : memref<157x128xi32, #tpu.memory_space<vmem>> -> memref<1x128xi32, #tpu.memory_space<vmem>>
    %dma_start3A_60 = tpu.memref_squeeze %dma_start3A_59 : memref<1x128xi32, #tpu.memory_space<vmem>> -> memref<128xi32, #tpu.memory_space<vmem>>
    %dma_start3A_61 = arith.constant 0 : i32
    %dma_start3A_62 = arith.constant 0 : i32
    %dma_start3A_63 = tpu.memref_slice %arg2[%arg0, %dma_start3A_61, %dma_start3A_62] : memref<2x10240x64xf32, #tpu.memory_space<hbm>> -> memref<1x10240x64xf32, #tpu.memory_space<hbm>>
    %dma_start3A_64 = tpu.memref_squeeze %dma_start3A_63 : memref<1x10240x64xf32, #tpu.memory_space<hbm>> -> memref<10240x64xf32, #tpu.memory_space<hbm>>
    %dma_start3A_65 = arith.constant 0 : i32
    %dma_start3A_66 = arith.constant 0 : i32
    %dma_start3A_67 = tpu.memref_slice %dma_start3A_64[%dma_start3A_65, %dma_start3A_66] : memref<10240x64xf32, #tpu.memory_space<hbm>> -> memref<10240x64xf32, #tpu.memory_space<hbm>>
    tpu.enqueue_indirect_dma source(%dma_start3A_67 : memref<10240x64xf32, #tpu.memory_space<hbm>>) target(%arg12 : memref<128x64xf32, #tpu.memory_space<vmem>>) offsets(%dma_start3A_60 : memref<128xi32, #tpu.memory_space<vmem>>) semaphore(%arg17 : memref<!tpu.dma_semaphore, #tpu.memory_space<semaphore_mem>>)
    %broadcast_in_dim3A_68 = arith.constant 1.000000e+00 : f32
    %broadcast_in_dim3A_69 = vector.broadcast %broadcast_in_dim3A_68 : f32 to vector<16xf32>
    %while3A = arith.constant 0 : i32
    %while3A_70 = arith.constant 0 : i32
    %while3A_71 = arith.subi %add3A_4, %while3A_70 : i32
    %while3A_72 = arith.addi %while3A_70, %while3A_71 : i32
    %while3A_73 = arith.constant 1 : i32
    %while3A_74 = arith.divsi %while3A_71, %while3A_73 : i32
    %while3A_75 = arith.muli %while3A_74, %while3A_73 : i32
    %while3A_76 = arith.addi %while3A_70, %while3A_75 : i32
    %while3A_77 = arith.constant 1 : i32
    scf.for %while3A_168 = %while3A_70 to %while3A_76 step %while3A_77  : i32 {
      %eq3A_169 = arith.constant 0 : i32
      %eq3A_170 = arith.cmpi eq, %arg0, %eq3A_169 : i32
      %convert_element_type3A_171 = arith.extui %eq3A_170 : i1 to i32
      %cond3A_172 = arith.constant 0 : i32
      %cond3A_173 = arith.cmpi ne, %convert_element_type3A_171, %cond3A_172 : i32
      scf.if %cond3A_173 {
        %get3A = arith.index_cast %while3A_168 : i32 to index
        %get3A_258 = arith.constant 0 : index
        %get3A_259 = tpu.vector_load %arg9[%get3A, %get3A_258] {strides = array<i32>} : memref<157x128xi32, #tpu.memory_space<vmem>>, vector<16xi32>,
        tpu.vector_store_idx %arg14[%get3A_259], %broadcast_in_dim3A_69 {add = true} : memref<10240xf32, #tpu.memory_space<vmem>>[vector<16xi32>], vector<16xf32>,
        %get3A_260 = arith.index_cast %while3A_168 : i32 to index
        %get3A_261 = arith.constant 16 : index
        %get3A_262 = tpu.vector_load %arg9[%get3A_260, %get3A_261] {strides = array<i32>} : memref<157x128xi32, #tpu.memory_space<vmem>>, vector<16xi32>,
        tpu.vector_store_idx %arg14[%get3A_262], %broadcast_in_dim3A_69 {add = true} : memref<10240xf32, #tpu.memory_space<vmem>>[vector<16xi32>], vector<16xf32>,
        %get3A_263 = arith.index_cast %while3A_168 : i32 to index
        %get3A_264 = arith.constant 32 : index
        %get3A_265 = tpu.vector_load %arg9[%get3A_263, %get3A_264] {strides = array<i32>} : memref<157x128xi32, #tpu.memory_space<vmem>>, vector<16xi32>,
        tpu.vector_store_idx %arg14[%get3A_265], %broadcast_in_dim3A_69 {add = true} : memref<10240xf32, #tpu.memory_space<vmem>>[vector<16xi32>], vector<16xf32>,
        %get3A_266 = arith.index_cast %while3A_168 : i32 to index
        %get3A_267 = arith.constant 48 : index
        %get3A_268 = tpu.vector_load %arg9[%get3A_266, %get3A_267] {strides = array<i32>} : memref<157x128xi32, #tpu.memory_space<vmem>>, vector<16xi32>,
        tpu.vector_store_idx %arg14[%get3A_268], %broadcast_in_dim3A_69 {add = true} : memref<10240xf32, #tpu.memory_space<vmem>>[vector<16xi32>], vector<16xf32>,
        %get3A_269 = arith.index_cast %while3A_168 : i32 to index
        %get3A_270 = arith.constant 64 : index
        %get3A_271 = tpu.vector_load %arg9[%get3A_269, %get3A_270] {strides = array<i32>} : memref<157x128xi32, #tpu.memory_space<vmem>>, vector<16xi32>,
        tpu.vector_store_idx %arg14[%get3A_271], %broadcast_in_dim3A_69 {add = true} : memref<10240xf32, #tpu.memory_space<vmem>>[vector<16xi32>], vector<16xf32>,
        %get3A_272 = arith.index_cast %while3A_168 : i32 to index
        %get3A_273 = arith.constant 80 : index
        %get3A_274 = tpu.vector_load %arg9[%get3A_272, %get3A_273] {strides = array<i32>} : memref<157x128xi32, #tpu.memory_space<vmem>>, vector<16xi32>,
        tpu.vector_store_idx %arg14[%get3A_274], %broadcast_in_dim3A_69 {add = true} : memref<10240xf32, #tpu.memory_space<vmem>>[vector<16xi32>], vector<16xf32>,
        %get3A_275 = arith.index_cast %while3A_168 : i32 to index
        %get3A_276 = arith.constant 96 : index
        %get3A_277 = tpu.vector_load %arg9[%get3A_275, %get3A_276] {strides = array<i32>} : memref<157x128xi32, #tpu.memory_space<vmem>>, vector<16xi32>,
        tpu.vector_store_idx %arg14[%get3A_277], %broadcast_in_dim3A_69 {add = true} : memref<10240xf32, #tpu.memory_space<vmem>>[vector<16xi32>], vector<16xf32>,
        %get3A_278 = arith.index_cast %while3A_168 : i32 to index
        %get3A_279 = arith.constant 112 : index
        %get3A_280 = tpu.vector_load %arg9[%get3A_278, %get3A_279] {strides = array<i32>} : memref<157x128xi32, #tpu.memory_space<vmem>>, vector<16xi32>,
        tpu.vector_store_idx %arg14[%get3A_280], %broadcast_in_dim3A_69 {add = true} : memref<10240xf32, #tpu.memory_space<vmem>>[vector<16xi32>], vector<16xf32>,
      } else {
      }
      %jit3A_174 = arith.constant 4 : i32
      %eq3A_175 = arith.constant 0 : i32
      %eq3A_176 = arith.cmpi eq, %jit3A_174, %eq3A_175 : i32
      %jit3A_177 = arith.constant 1 : i32
      %select_n3A_178 = arith.select %eq3A_176, %jit3A_177, %jit3A_174 : i32
      %rem3A_179 = arith.remsi %while3A_168, %select_n3A_178 : i32
      %ne3A_180 = arith.constant 0 : i32
      %ne3A_181 = arith.cmpi ne, %rem3A_179, %ne3A_180 : i32
      %lt3A_182 = arith.constant 0 : i32
      %lt3A_183 = arith.cmpi slt, %rem3A_179, %lt3A_182 : i32
      %lt3A_184 = arith.constant 0 : i32
      %lt3A_185 = arith.cmpi slt, %select_n3A_178, %lt3A_184 : i32
      %ne3A_186 = arith.xori %lt3A_183, %lt3A_185 : i1
      %and3A_187 = arith.andi %ne3A_186, %ne3A_181 : i1
      %add3A_188 = arith.addi %rem3A_179, %select_n3A_178 : i32
      %select_n3A_189 = arith.select %and3A_187, %add3A_188, %rem3A_179 : i32
      %eq3A_190 = arith.constant 0 : i32
      %eq3A_191 = arith.cmpi eq, %select_n3A_189, %eq3A_190 : i32
      %convert_element_type3A_192 = arith.extui %eq3A_191 : i1 to i32
      %cond3A_193 = arith.constant 0 : i32
      %cond3A_194 = arith.cmpi ne, %convert_element_type3A_192, %cond3A_193 : i32
      scf.if %cond3A_194 {
        %add3A_258 = arith.constant 4 : i32
        %add3A_259 = arith.addi %while3A_168, %add3A_258 : i32
        %sub3A = arith.constant 1 : i32
        %sub3A_260 = arith.subi %add3A_259, %sub3A : i32
        %lt3A_261 = arith.cmpi slt, %sub3A_260, %add3A_4 : i32
        %convert_element_type3A_262 = arith.extui %lt3A_261 : i1 to i32
        %cond3A_263 = arith.constant 0 : i32
        %cond3A_264 = arith.cmpi ne, %convert_element_type3A_262, %cond3A_263 : i32
        scf.if %cond3A_264 {
          %ge3A = arith.constant 1 : i32
          %ge3A_280 = arith.cmpi sge, %while3A_168, %ge3A : i32
          %convert_element_type3A_281 = arith.extui %ge3A_280 : i1 to i32
          %cond3A_282 = arith.constant 0 : i32
          %cond3A_283 = arith.cmpi ne, %convert_element_type3A_281, %cond3A_282 : i32
          scf.if %cond3A_283 {
            %sub3A_298 = arith.constant 1 : i32
            %sub3A_299 = arith.subi %while3A_168, %sub3A_298 : i32
            %dma_wait3A_300 = arith.constant 0 : i32
            %dma_wait3A_301 = tpu.memref_slice %arg9[%sub3A_299, %dma_wait3A_300] : memref<157x128xi32, #tpu.memory_space<vmem>> -> memref<1x128xi32, #tpu.memory_space<vmem>>
            %dma_wait3A_302 = tpu.memref_squeeze %dma_wait3A_301 : memref<1x128xi32, #tpu.memory_space<vmem>> -> memref<128xi32, #tpu.memory_space<vmem>>
            %dma_wait3A_303 = arith.constant 0 : i32
            %dma_wait3A_304 = arith.constant 0 : i32
            %dma_wait3A_305 = tpu.memref_slice %arg7[%dma_wait3A_303, %dma_wait3A_304] : memref<10240x64xf32, #tpu.memory_space<vmem_shared>> -> memref<10240x64xf32, #tpu.memory_space<vmem_shared>>
            tpu.wait_indirect_dma semaphore(%arg22 : memref<!tpu.dma_semaphore, #tpu.memory_space<semaphore_mem>>) src(%arg13 : memref<128x64xf32, #tpu.memory_space<vmem>>) dst(%dma_wait3A_305 : memref<10240x64xf32, #tpu.memory_space<vmem_shared>>)
          } else {
          }
          %add3A_284 = arith.constant 4 : i32
          %add3A_285 = arith.addi %while3A_168, %add3A_284 : i32
          %sub3A_286 = arith.constant 1 : i32
          %sub3A_287 = arith.subi %add3A_285, %sub3A_286 : i32
          %dma_start3A_288 = arith.constant 0 : i32
          %dma_start3A_289 = tpu.memref_slice %arg8[%sub3A_287, %dma_start3A_288] : memref<157x128xi32, #tpu.memory_space<vmem>> -> memref<1x128xi32, #tpu.memory_space<vmem>>
          %dma_start3A_290 = tpu.memref_squeeze %dma_start3A_289 : memref<1x128xi32, #tpu.memory_space<vmem>> -> memref<128xi32, #tpu.memory_space<vmem>>
          %dma_start3A_291 = arith.constant 0 : i32
          %dma_start3A_292 = arith.constant 0 : i32
          %dma_start3A_293 = tpu.memref_slice %arg2[%arg0, %dma_start3A_291, %dma_start3A_292] : memref<2x10240x64xf32, #tpu.memory_space<hbm>> -> memref<1x10240x64xf32, #tpu.memory_space<hbm>>
          %dma_start3A_294 = tpu.memref_squeeze %dma_start3A_293 : memref<1x10240x64xf32, #tpu.memory_space<hbm>> -> memref<10240x64xf32, #tpu.memory_space<hbm>>
          %dma_start3A_295 = arith.constant 0 : i32
          %dma_start3A_296 = arith.constant 0 : i32
          %dma_start3A_297 = tpu.memref_slice %dma_start3A_294[%dma_start3A_295, %dma_start3A_296] : memref<10240x64xf32, #tpu.memory_space<hbm>> -> memref<10240x64xf32, #tpu.memory_space<hbm>>
          tpu.enqueue_indirect_dma source(%dma_start3A_297 : memref<10240x64xf32, #tpu.memory_space<hbm>>) target(%arg13 : memref<128x64xf32, #tpu.memory_space<vmem>>) offsets(%dma_start3A_290 : memref<128xi32, #tpu.memory_space<vmem>>) semaphore(%arg18 : memref<!tpu.dma_semaphore, #tpu.memory_space<semaphore_mem>>)
        } else {
        }
        %dma_wait3A = arith.constant 0 : i32
        %dma_wait3A_265 = tpu.memref_slice %arg8[%while3A_168, %dma_wait3A] : memref<157x128xi32, #tpu.memory_space<vmem>> -> memref<1x128xi32, #tpu.memory_space<vmem>>
        %dma_wait3A_266 = tpu.memref_squeeze %dma_wait3A_265 : memref<1x128xi32, #tpu.memory_space<vmem>> -> memref<128xi32, #tpu.memory_space<vmem>>
        %dma_wait3A_267 = arith.constant 0 : i32
        %dma_wait3A_268 = arith.constant 0 : i32
        %dma_wait3A_269 = tpu.memref_slice %arg2[%arg0, %dma_wait3A_267, %dma_wait3A_268] : memref<2x10240x64xf32, #tpu.memory_space<hbm>> -> memref<1x10240x64xf32, #tpu.memory_space<hbm>>
        %dma_wait3A_270 = tpu.memref_squeeze %dma_wait3A_269 : memref<1x10240x64xf32, #tpu.memory_space<hbm>> -> memref<10240x64xf32, #tpu.memory_space<hbm>>
        %dma_wait3A_271 = arith.constant 0 : i32
        %dma_wait3A_272 = arith.constant 0 : i32
        %dma_wait3A_273 = tpu.memref_slice %dma_wait3A_270[%dma_wait3A_271, %dma_wait3A_272] : memref<10240x64xf32, #tpu.memory_space<hbm>> -> memref<10240x64xf32, #tpu.memory_space<hbm>>
        tpu.wait_indirect_dma semaphore(%arg15 : memref<!tpu.dma_semaphore, #tpu.memory_space<semaphore_mem>>) src(%dma_wait3A_273 : memref<10240x64xf32, #tpu.memory_space<hbm>>) dst(%arg10 : memref<128x64xf32, #tpu.memory_space<vmem>>)
        %dma_start3A_274 = arith.constant 0 : i32
        %dma_start3A_275 = tpu.memref_slice %arg9[%while3A_168, %dma_start3A_274] : memref<157x128xi32, #tpu.memory_space<vmem>> -> memref<1x128xi32, #tpu.memory_space<vmem>>
        %dma_start3A_276 = tpu.memref_squeeze %dma_start3A_275 : memref<1x128xi32, #tpu.memory_space<vmem>> -> memref<128xi32, #tpu.memory_space<vmem>>
        %dma_start3A_277 = arith.constant 0 : i32
        %dma_start3A_278 = arith.constant 0 : i32
        %dma_start3A_279 = tpu.memref_slice %arg7[%dma_start3A_277, %dma_start3A_278] : memref<10240x64xf32, #tpu.memory_space<vmem_shared>> -> memref<10240x64xf32, #tpu.memory_space<vmem_shared>>
        tpu.enqueue_indirect_dma source(%arg10 : memref<128x64xf32, #tpu.memory_space<vmem>>) target(%dma_start3A_279 : memref<10240x64xf32, #tpu.memory_space<vmem_shared>>) offsets(%dma_start3A_276 : memref<128xi32, #tpu.memory_space<vmem>>) semaphore(%arg19 : memref<!tpu.dma_semaphore, #tpu.memory_space<semaphore_mem>>) {add = true}
      } else {
      }
      %jit3A_195 = arith.constant 4 : i32
      %eq3A_196 = arith.constant 0 : i32
      %eq3A_197 = arith.cmpi eq, %jit3A_195, %eq3A_196 : i32
      %jit3A_198 = arith.constant 1 : i32
      %select_n3A_199 = arith.select %eq3A_197, %jit3A_198, %jit3A_195 : i32
      %rem3A_200 = arith.remsi %while3A_168, %select_n3A_199 : i32
      %ne3A_201 = arith.constant 0 : i32
      %ne3A_202 = arith.cmpi ne, %rem3A_200, %ne3A_201 : i32
      %lt3A_203 = arith.constant 0 : i32
      %lt3A_204 = arith.cmpi slt, %rem3A_200, %lt3A_203 : i32
      %lt3A_205 = arith.constant 0 : i32
      %lt3A_206 = arith.cmpi slt, %select_n3A_199, %lt3A_205 : i32
      %ne3A_207 = arith.xori %lt3A_204, %lt3A_206 : i1
      %and3A_208 = arith.andi %ne3A_207, %ne3A_202 : i1
      %add3A_209 = arith.addi %rem3A_200, %select_n3A_199 : i32
      %select_n3A_210 = arith.select %and3A_208, %add3A_209, %rem3A_200 : i32
      %eq3A_211 = arith.constant 1 : i32
      %eq3A_212 = arith.cmpi eq, %select_n3A_210, %eq3A_211 : i32
      %convert_element_type3A_213 = arith.extui %eq3A_212 : i1 to i32
      %cond3A_214 = arith.constant 0 : i32
      %cond3A_215 = arith.cmpi ne, %convert_element_type3A_213, %cond3A_214 : i32
      scf.if %cond3A_215 {
        %add3A_258 = arith.constant 4 : i32
        %add3A_259 = arith.addi %while3A_168, %add3A_258 : i32
        %sub3A = arith.constant 1 : i32
        %sub3A_260 = arith.subi %add3A_259, %sub3A : i32
        %lt3A_261 = arith.cmpi slt, %sub3A_260, %add3A_4 : i32
        %convert_element_type3A_262 = arith.extui %lt3A_261 : i1 to i32
        %cond3A_263 = arith.constant 0 : i32
        %cond3A_264 = arith.cmpi ne, %convert_element_type3A_262, %cond3A_263 : i32
        scf.if %cond3A_264 {
          %ge3A = arith.constant 1 : i32
          %ge3A_280 = arith.cmpi sge, %while3A_168, %ge3A : i32
          %convert_element_type3A_281 = arith.extui %ge3A_280 : i1 to i32
          %cond3A_282 = arith.constant 0 : i32
          %cond3A_283 = arith.cmpi ne, %convert_element_type3A_281, %cond3A_282 : i32
          scf.if %cond3A_283 {
            %sub3A_298 = arith.constant 1 : i32
            %sub3A_299 = arith.subi %while3A_168, %sub3A_298 : i32
            %dma_wait3A_300 = arith.constant 0 : i32
            %dma_wait3A_301 = tpu.memref_slice %arg9[%sub3A_299, %dma_wait3A_300] : memref<157x128xi32, #tpu.memory_space<vmem>> -> memref<1x128xi32, #tpu.memory_space<vmem>>
            %dma_wait3A_302 = tpu.memref_squeeze %dma_wait3A_301 : memref<1x128xi32, #tpu.memory_space<vmem>> -> memref<128xi32, #tpu.memory_space<vmem>>
            %dma_wait3A_303 = arith.constant 0 : i32
            %dma_wait3A_304 = arith.constant 0 : i32
            %dma_wait3A_305 = tpu.memref_slice %arg7[%dma_wait3A_303, %dma_wait3A_304] : memref<10240x64xf32, #tpu.memory_space<vmem_shared>> -> memref<10240x64xf32, #tpu.memory_space<vmem_shared>>
            tpu.wait_indirect_dma semaphore(%arg19 : memref<!tpu.dma_semaphore, #tpu.memory_space<semaphore_mem>>) src(%arg10 : memref<128x64xf32, #tpu.memory_space<vmem>>) dst(%dma_wait3A_305 : memref<10240x64xf32, #tpu.memory_space<vmem_shared>>)
          } else {
          }
          %add3A_284 = arith.constant 4 : i32
          %add3A_285 = arith.addi %while3A_168, %add3A_284 : i32
          %sub3A_286 = arith.constant 1 : i32
          %sub3A_287 = arith.subi %add3A_285, %sub3A_286 : i32
          %dma_start3A_288 = arith.constant 0 : i32
          %dma_start3A_289 = tpu.memref_slice %arg8[%sub3A_287, %dma_start3A_288] : memref<157x128xi32, #tpu.memory_space<vmem>> -> memref<1x128xi32, #tpu.memory_space<vmem>>
          %dma_start3A_290 = tpu.memref_squeeze %dma_start3A_289 : memref<1x128xi32, #tpu.memory_space<vmem>> -> memref<128xi32, #tpu.memory_space<vmem>>
          %dma_start3A_291 = arith.constant 0 : i32
          %dma_start3A_292 = arith.constant 0 : i32
          %dma_start3A_293 = tpu.memref_slice %arg2[%arg0, %dma_start3A_291, %dma_start3A_292] : memref<2x10240x64xf32, #tpu.memory_space<hbm>> -> memref<1x10240x64xf32, #tpu.memory_space<hbm>>
          %dma_start3A_294 = tpu.memref_squeeze %dma_start3A_293 : memref<1x10240x64xf32, #tpu.memory_space<hbm>> -> memref<10240x64xf32, #tpu.memory_space<hbm>>
          %dma_start3A_295 = arith.constant 0 : i32
          %dma_start3A_296 = arith.constant 0 : i32
          %dma_start3A_297 = tpu.memref_slice %dma_start3A_294[%dma_start3A_295, %dma_start3A_296] : memref<10240x64xf32, #tpu.memory_space<hbm>> -> memref<10240x64xf32, #tpu.memory_space<hbm>>
          tpu.enqueue_indirect_dma source(%dma_start3A_297 : memref<10240x64xf32, #tpu.memory_space<hbm>>) target(%arg10 : memref<128x64xf32, #tpu.memory_space<vmem>>) offsets(%dma_start3A_290 : memref<128xi32, #tpu.memory_space<vmem>>) semaphore(%arg15 : memref<!tpu.dma_semaphore, #tpu.memory_space<semaphore_mem>>)
        } else {
        }
        %dma_wait3A = arith.constant 0 : i32
        %dma_wait3A_265 = tpu.memref_slice %arg8[%while3A_168, %dma_wait3A] : memref<157x128xi32, #tpu.memory_space<vmem>> -> memref<1x128xi32, #tpu.memory_space<vmem>>
        %dma_wait3A_266 = tpu.memref_squeeze %dma_wait3A_265 : memref<1x128xi32, #tpu.memory_space<vmem>> -> memref<128xi32, #tpu.memory_space<vmem>>
        %dma_wait3A_267 = arith.constant 0 : i32
        %dma_wait3A_268 = arith.constant 0 : i32
        %dma_wait3A_269 = tpu.memref_slice %arg2[%arg0, %dma_wait3A_267, %dma_wait3A_268] : memref<2x10240x64xf32, #tpu.memory_space<hbm>> -> memref<1x10240x64xf32, #tpu.memory_space<hbm>>
        %dma_wait3A_270 = tpu.memref_squeeze %dma_wait3A_269 : memref<1x10240x64xf32, #tpu.memory_space<hbm>> -> memref<10240x64xf32, #tpu.memory_space<hbm>>
        %dma_wait3A_271 = arith.constant 0 : i32
        %dma_wait3A_272 = arith.constant 0 : i32
        %dma_wait3A_273 = tpu.memref_slice %dma_wait3A_270[%dma_wait3A_271, %dma_wait3A_272] : memref<10240x64xf32, #tpu.memory_space<hbm>> -> memref<10240x64xf32, #tpu.memory_space<hbm>>
        tpu.wait_indirect_dma semaphore(%arg16 : memref<!tpu.dma_semaphore, #tpu.memory_space<semaphore_mem>>) src(%dma_wait3A_273 : memref<10240x64xf32, #tpu.memory_space<hbm>>) dst(%arg11 : memref<128x64xf32, #tpu.memory_space<vmem>>)
        %dma_start3A_274 = arith.constant 0 : i32
        %dma_start3A_275 = tpu.memref_slice %arg9[%while3A_168, %dma_start3A_274] : memref<157x128xi32, #tpu.memory_space<vmem>> -> memref<1x128xi32, #tpu.memory_space<vmem>>
        %dma_start3A_276 = tpu.memref_squeeze %dma_start3A_275 : memref<1x128xi32, #tpu.memory_space<vmem>> -> memref<128xi32, #tpu.memory_space<vmem>>
        %dma_start3A_277 = arith.constant 0 : i32
        %dma_start3A_278 = arith.constant 0 : i32
        %dma_start3A_279 = tpu.memref_slice %arg7[%dma_start3A_277, %dma_start3A_278] : memref<10240x64xf32, #tpu.memory_space<vmem_shared>> -> memref<10240x64xf32, #tpu.memory_space<vmem_shared>>
        tpu.enqueue_indirect_dma source(%arg11 : memref<128x64xf32, #tpu.memory_space<vmem>>) target(%dma_start3A_279 : memref<10240x64xf32, #tpu.memory_space<vmem_shared>>) offsets(%dma_start3A_276 : memref<128xi32, #tpu.memory_space<vmem>>) semaphore(%arg20 : memref<!tpu.dma_semaphore, #tpu.memory_space<semaphore_mem>>) {add = true}
      } else {
      }
      %jit3A_216 = arith.constant 4 : i32
      %eq3A_217 = arith.constant 0 : i32
      %eq3A_218 = arith.cmpi eq, %jit3A_216, %eq3A_217 : i32
      %jit3A_219 = arith.constant 1 : i32
      %select_n3A_220 = arith.select %eq3A_218, %jit3A_219, %jit3A_216 : i32
      %rem3A_221 = arith.remsi %while3A_168, %select_n3A_220 : i32
      %ne3A_222 = arith.constant 0 : i32
      %ne3A_223 = arith.cmpi ne, %rem3A_221, %ne3A_222 : i32
      %lt3A_224 = arith.constant 0 : i32
      %lt3A_225 = arith.cmpi slt, %rem3A_221, %lt3A_224 : i32
      %lt3A_226 = arith.constant 0 : i32
      %lt3A_227 = arith.cmpi slt, %select_n3A_220, %lt3A_226 : i32
      %ne3A_228 = arith.xori %lt3A_225, %lt3A_227 : i1
      %and3A_229 = arith.andi %ne3A_228, %ne3A_223 : i1
      %add3A_230 = arith.addi %rem3A_221, %select_n3A_220 : i32
      %select_n3A_231 = arith.select %and3A_229, %add3A_230, %rem3A_221 : i32
      %eq3A_232 = arith.constant 2 : i32
      %eq3A_233 = arith.cmpi eq, %select_n3A_231, %eq3A_232 : i32
      %convert_element_type3A_234 = arith.extui %eq3A_233 : i1 to i32
      %cond3A_235 = arith.constant 0 : i32
      %cond3A_236 = arith.cmpi ne, %convert_element_type3A_234, %cond3A_235 : i32
      scf.if %cond3A_236 {
        %add3A_258 = arith.constant 4 : i32
        %add3A_259 = arith.addi %while3A_168, %add3A_258 : i32
        %sub3A = arith.constant 1 : i32
        %sub3A_260 = arith.subi %add3A_259, %sub3A : i32
        %lt3A_261 = arith.cmpi slt, %sub3A_260, %add3A_4 : i32
        %convert_element_type3A_262 = arith.extui %lt3A_261 : i1 to i32
        %cond3A_263 = arith.constant 0 : i32
        %cond3A_264 = arith.cmpi ne, %convert_element_type3A_262, %cond3A_263 : i32
        scf.if %cond3A_264 {
          %ge3A = arith.constant 1 : i32
          %ge3A_280 = arith.cmpi sge, %while3A_168, %ge3A : i32
          %convert_element_type3A_281 = arith.extui %ge3A_280 : i1 to i32
          %cond3A_282 = arith.constant 0 : i32
          %cond3A_283 = arith.cmpi ne, %convert_element_type3A_281, %cond3A_282 : i32
          scf.if %cond3A_283 {
            %sub3A_298 = arith.constant 1 : i32
            %sub3A_299 = arith.subi %while3A_168, %sub3A_298 : i32
            %dma_wait3A_300 = arith.constant 0 : i32
            %dma_wait3A_301 = tpu.memref_slice %arg9[%sub3A_299, %dma_wait3A_300] : memref<157x128xi32, #tpu.memory_space<vmem>> -> memref<1x128xi32, #tpu.memory_space<vmem>>
            %dma_wait3A_302 = tpu.memref_squeeze %dma_wait3A_301 : memref<1x128xi32, #tpu.memory_space<vmem>> -> memref<128xi32, #tpu.memory_space<vmem>>
            %dma_wait3A_303 = arith.constant 0 : i32
            %dma_wait3A_304 = arith.constant 0 : i32
            %dma_wait3A_305 = tpu.memref_slice %arg7[%dma_wait3A_303, %dma_wait3A_304] : memref<10240x64xf32, #tpu.memory_space<vmem_shared>> -> memref<10240x64xf32, #tpu.memory_space<vmem_shared>>
            tpu.wait_indirect_dma semaphore(%arg20 : memref<!tpu.dma_semaphore, #tpu.memory_space<semaphore_mem>>) src(%arg11 : memref<128x64xf32, #tpu.memory_space<vmem>>) dst(%dma_wait3A_305 : memref<10240x64xf32, #tpu.memory_space<vmem_shared>>)
          } else {
          }
          %add3A_284 = arith.constant 4 : i32
          %add3A_285 = arith.addi %while3A_168, %add3A_284 : i32
          %sub3A_286 = arith.constant 1 : i32
          %sub3A_287 = arith.subi %add3A_285, %sub3A_286 : i32
          %dma_start3A_288 = arith.constant 0 : i32
          %dma_start3A_289 = tpu.memref_slice %arg8[%sub3A_287, %dma_start3A_288] : memref<157x128xi32, #tpu.memory_space<vmem>> -> memref<1x128xi32, #tpu.memory_space<vmem>>
          %dma_start3A_290 = tpu.memref_squeeze %dma_start3A_289 : memref<1x128xi32, #tpu.memory_space<vmem>> -> memref<128xi32, #tpu.memory_space<vmem>>
          %dma_start3A_291 = arith.constant 0 : i32
          %dma_start3A_292 = arith.constant 0 : i32
          %dma_start3A_293 = tpu.memref_slice %arg2[%arg0, %dma_start3A_291, %dma_start3A_292] : memref<2x10240x64xf32, #tpu.memory_space<hbm>> -> memref<1x10240x64xf32, #tpu.memory_space<hbm>>
          %dma_start3A_294 = tpu.memref_squeeze %dma_start3A_293 : memref<1x10240x64xf32, #tpu.memory_space<hbm>> -> memref<10240x64xf32, #tpu.memory_space<hbm>>
          %dma_start3A_295 = arith.constant 0 : i32
          %dma_start3A_296 = arith.constant 0 : i32
          %dma_start3A_297 = tpu.memref_slice %dma_start3A_294[%dma_start3A_295, %dma_start3A_296] : memref<10240x64xf32, #tpu.memory_space<hbm>> -> memref<10240x64xf32, #tpu.memory_space<hbm>>
          tpu.enqueue_indirect_dma source(%dma_start3A_297 : memref<10240x64xf32, #tpu.memory_space<hbm>>) target(%arg11 : memref<128x64xf32, #tpu.memory_space<vmem>>) offsets(%dma_start3A_290 : memref<128xi32, #tpu.memory_space<vmem>>) semaphore(%arg16 : memref<!tpu.dma_semaphore, #tpu.memory_space<semaphore_mem>>)
        } else {
        }
        %dma_wait3A = arith.constant 0 : i32
        %dma_wait3A_265 = tpu.memref_slice %arg8[%while3A_168, %dma_wait3A] : memref<157x128xi32, #tpu.memory_space<vmem>> -> memref<1x128xi32, #tpu.memory_space<vmem>>
        %dma_wait3A_266 = tpu.memref_squeeze %dma_wait3A_265 : memref<1x128xi32, #tpu.memory_space<vmem>> -> memref<128xi32, #tpu.memory_space<vmem>>
        %dma_wait3A_267 = arith.constant 0 : i32
        %dma_wait3A_268 = arith.constant 0 : i32
        %dma_wait3A_269 = tpu.memref_slice %arg2[%arg0, %dma_wait3A_267, %dma_wait3A_268] : memref<2x10240x64xf32, #tpu.memory_space<hbm>> -> memref<1x10240x64xf32, #tpu.memory_space<hbm>>
        %dma_wait3A_270 = tpu.memref_squeeze %dma_wait3A_269 : memref<1x10240x64xf32, #tpu.memory_space<hbm>> -> memref<10240x64xf32, #tpu.memory_space<hbm>>
        %dma_wait3A_271 = arith.constant 0 : i32
        %dma_wait3A_272 = arith.constant 0 : i32
        %dma_wait3A_273 = tpu.memref_slice %dma_wait3A_270[%dma_wait3A_271, %dma_wait3A_272] : memref<10240x64xf32, #tpu.memory_space<hbm>> -> memref<10240x64xf32, #tpu.memory_space<hbm>>
        tpu.wait_indirect_dma semaphore(%arg17 : memref<!tpu.dma_semaphore, #tpu.memory_space<semaphore_mem>>) src(%dma_wait3A_273 : memref<10240x64xf32, #tpu.memory_space<hbm>>) dst(%arg12 : memref<128x64xf32, #tpu.memory_space<vmem>>)
        %dma_start3A_274 = arith.constant 0 : i32
        %dma_start3A_275 = tpu.memref_slice %arg9[%while3A_168, %dma_start3A_274] : memref<157x128xi32, #tpu.memory_space<vmem>> -> memref<1x128xi32, #tpu.memory_space<vmem>>
        %dma_start3A_276 = tpu.memref_squeeze %dma_start3A_275 : memref<1x128xi32, #tpu.memory_space<vmem>> -> memref<128xi32, #tpu.memory_space<vmem>>
        %dma_start3A_277 = arith.constant 0 : i32
        %dma_start3A_278 = arith.constant 0 : i32
        %dma_start3A_279 = tpu.memref_slice %arg7[%dma_start3A_277, %dma_start3A_278] : memref<10240x64xf32, #tpu.memory_space<vmem_shared>> -> memref<10240x64xf32, #tpu.memory_space<vmem_shared>>
        tpu.enqueue_indirect_dma source(%arg12 : memref<128x64xf32, #tpu.memory_space<vmem>>) target(%dma_start3A_279 : memref<10240x64xf32, #tpu.memory_space<vmem_shared>>) offsets(%dma_start3A_276 : memref<128xi32, #tpu.memory_space<vmem>>) semaphore(%arg21 : memref<!tpu.dma_semaphore, #tpu.memory_space<semaphore_mem>>) {add = true}
      } else {
      }
      %jit3A_237 = arith.constant 4 : i32
      %eq3A_238 = arith.constant 0 : i32
      %eq3A_239 = arith.cmpi eq, %jit3A_237, %eq3A_238 : i32
      %jit3A_240 = arith.constant 1 : i32
      %select_n3A_241 = arith.select %eq3A_239, %jit3A_240, %jit3A_237 : i32
      %rem3A_242 = arith.remsi %while3A_168, %select_n3A_241 : i32
      %ne3A_243 = arith.constant 0 : i32
      %ne3A_244 = arith.cmpi ne, %rem3A_242, %ne3A_243 : i32
      %lt3A_245 = arith.constant 0 : i32
      %lt3A_246 = arith.cmpi slt, %rem3A_242, %lt3A_245 : i32
      %lt3A_247 = arith.constant 0 : i32
      %lt3A_248 = arith.cmpi slt, %select_n3A_241, %lt3A_247 : i32
      %ne3A_249 = arith.xori %lt3A_246, %lt3A_248 : i1
      %and3A_250 = arith.andi %ne3A_249, %ne3A_244 : i1
      %add3A_251 = arith.addi %rem3A_242, %select_n3A_241 : i32
      %select_n3A_252 = arith.select %and3A_250, %add3A_251, %rem3A_242 : i32
      %eq3A_253 = arith.constant 3 : i32
      %eq3A_254 = arith.cmpi eq, %select_n3A_252, %eq3A_253 : i32
      %convert_element_type3A_255 = arith.extui %eq3A_254 : i1 to i32
      %cond3A_256 = arith.constant 0 : i32
      %cond3A_257 = arith.cmpi ne, %convert_element_type3A_255, %cond3A_256 : i32
      scf.if %cond3A_257 {
        %add3A_258 = arith.constant 4 : i32
        %add3A_259 = arith.addi %while3A_168, %add3A_258 : i32
        %sub3A = arith.constant 1 : i32
        %sub3A_260 = arith.subi %add3A_259, %sub3A : i32
        %lt3A_261 = arith.cmpi slt, %sub3A_260, %add3A_4 : i32
        %convert_element_type3A_262 = arith.extui %lt3A_261 : i1 to i32
        %cond3A_263 = arith.constant 0 : i32
        %cond3A_264 = arith.cmpi ne, %convert_element_type3A_262, %cond3A_263 : i32
        scf.if %cond3A_264 {
          %ge3A = arith.constant 1 : i32
          %ge3A_280 = arith.cmpi sge, %while3A_168, %ge3A : i32
          %convert_element_type3A_281 = arith.extui %ge3A_280 : i1 to i32
          %cond3A_282 = arith.constant 0 : i32
          %cond3A_283 = arith.cmpi ne, %convert_element_type3A_281, %cond3A_282 : i32
          scf.if %cond3A_283 {
            %sub3A_298 = arith.constant 1 : i32
            %sub3A_299 = arith.subi %while3A_168, %sub3A_298 : i32
            %dma_wait3A_300 = arith.constant 0 : i32
            %dma_wait3A_301 = tpu.memref_slice %arg9[%sub3A_299, %dma_wait3A_300] : memref<157x128xi32, #tpu.memory_space<vmem>> -> memref<1x128xi32, #tpu.memory_space<vmem>>
            %dma_wait3A_302 = tpu.memref_squeeze %dma_wait3A_301 : memref<1x128xi32, #tpu.memory_space<vmem>> -> memref<128xi32, #tpu.memory_space<vmem>>
            %dma_wait3A_303 = arith.constant 0 : i32
            %dma_wait3A_304 = arith.constant 0 : i32
            %dma_wait3A_305 = tpu.memref_slice %arg7[%dma_wait3A_303, %dma_wait3A_304] : memref<10240x64xf32, #tpu.memory_space<vmem_shared>> -> memref<10240x64xf32, #tpu.memory_space<vmem_shared>>
            tpu.wait_indirect_dma semaphore(%arg21 : memref<!tpu.dma_semaphore, #tpu.memory_space<semaphore_mem>>) src(%arg12 : memref<128x64xf32, #tpu.memory_space<vmem>>) dst(%dma_wait3A_305 : memref<10240x64xf32, #tpu.memory_space<vmem_shared>>)
          } else {
          }
          %add3A_284 = arith.constant 4 : i32
          %add3A_285 = arith.addi %while3A_168, %add3A_284 : i32
          %sub3A_286 = arith.constant 1 : i32
          %sub3A_287 = arith.subi %add3A_285, %sub3A_286 : i32
          %dma_start3A_288 = arith.constant 0 : i32
          %dma_start3A_289 = tpu.memref_slice %arg8[%sub3A_287, %dma_start3A_288] : memref<157x128xi32, #tpu.memory_space<vmem>> -> memref<1x128xi32, #tpu.memory_space<vmem>>
          %dma_start3A_290 = tpu.memref_squeeze %dma_start3A_289 : memref<1x128xi32, #tpu.memory_space<vmem>> -> memref<128xi32, #tpu.memory_space<vmem>>
          %dma_start3A_291 = arith.constant 0 : i32
          %dma_start3A_292 = arith.constant 0 : i32
          %dma_start3A_293 = tpu.memref_slice %arg2[%arg0, %dma_start3A_291, %dma_start3A_292] : memref<2x10240x64xf32, #tpu.memory_space<hbm>> -> memref<1x10240x64xf32, #tpu.memory_space<hbm>>
          %dma_start3A_294 = tpu.memref_squeeze %dma_start3A_293 : memref<1x10240x64xf32, #tpu.memory_space<hbm>> -> memref<10240x64xf32, #tpu.memory_space<hbm>>
          %dma_start3A_295 = arith.constant 0 : i32
          %dma_start3A_296 = arith.constant 0 : i32
          %dma_start3A_297 = tpu.memref_slice %dma_start3A_294[%dma_start3A_295, %dma_start3A_296] : memref<10240x64xf32, #tpu.memory_space<hbm>> -> memref<10240x64xf32, #tpu.memory_space<hbm>>
          tpu.enqueue_indirect_dma source(%dma_start3A_297 : memref<10240x64xf32, #tpu.memory_space<hbm>>) target(%arg12 : memref<128x64xf32, #tpu.memory_space<vmem>>) offsets(%dma_start3A_290 : memref<128xi32, #tpu.memory_space<vmem>>) semaphore(%arg17 : memref<!tpu.dma_semaphore, #tpu.memory_space<semaphore_mem>>)
        } else {
        }
        %dma_wait3A = arith.constant 0 : i32
        %dma_wait3A_265 = tpu.memref_slice %arg8[%while3A_168, %dma_wait3A] : memref<157x128xi32, #tpu.memory_space<vmem>> -> memref<1x128xi32, #tpu.memory_space<vmem>>
        %dma_wait3A_266 = tpu.memref_squeeze %dma_wait3A_265 : memref<1x128xi32, #tpu.memory_space<vmem>> -> memref<128xi32, #tpu.memory_space<vmem>>
        %dma_wait3A_267 = arith.constant 0 : i32
        %dma_wait3A_268 = arith.constant 0 : i32
        %dma_wait3A_269 = tpu.memref_slice %arg2[%arg0, %dma_wait3A_267, %dma_wait3A_268] : memref<2x10240x64xf32, #tpu.memory_space<hbm>> -> memref<1x10240x64xf32, #tpu.memory_space<hbm>>
        %dma_wait3A_270 = tpu.memref_squeeze %dma_wait3A_269 : memref<1x10240x64xf32, #tpu.memory_space<hbm>> -> memref<10240x64xf32, #tpu.memory_space<hbm>>
        %dma_wait3A_271 = arith.constant 0 : i32
        %dma_wait3A_272 = arith.constant 0 : i32
        %dma_wait3A_273 = tpu.memref_slice %dma_wait3A_270[%dma_wait3A_271, %dma_wait3A_272] : memref<10240x64xf32, #tpu.memory_space<hbm>> -> memref<10240x64xf32, #tpu.memory_space<hbm>>
        tpu.wait_indirect_dma semaphore(%arg18 : memref<!tpu.dma_semaphore, #tpu.memory_space<semaphore_mem>>) src(%dma_wait3A_273 : memref<10240x64xf32, #tpu.memory_space<hbm>>) dst(%arg13 : memref<128x64xf32, #tpu.memory_space<vmem>>)
        %dma_start3A_274 = arith.constant 0 : i32
        %dma_start3A_275 = tpu.memref_slice %arg9[%while3A_168, %dma_start3A_274] : memref<157x128xi32, #tpu.memory_space<vmem>> -> memref<1x128xi32, #tpu.memory_space<vmem>>
        %dma_start3A_276 = tpu.memref_squeeze %dma_start3A_275 : memref<1x128xi32, #tpu.memory_space<vmem>> -> memref<128xi32, #tpu.memory_space<vmem>>
        %dma_start3A_277 = arith.constant 0 : i32
        %dma_start3A_278 = arith.constant 0 : i32
        %dma_start3A_279 = tpu.memref_slice %arg7[%dma_start3A_277, %dma_start3A_278] : memref<10240x64xf32, #tpu.memory_space<vmem_shared>> -> memref<10240x64xf32, #tpu.memory_space<vmem_shared>>
        tpu.enqueue_indirect_dma source(%arg13 : memref<128x64xf32, #tpu.memory_space<vmem>>) target(%dma_start3A_279 : memref<10240x64xf32, #tpu.memory_space<vmem_shared>>) offsets(%dma_start3A_276 : memref<128xi32, #tpu.memory_space<vmem>>) semaphore(%arg22 : memref<!tpu.dma_semaphore, #tpu.memory_space<semaphore_mem>>) {add = true}
      } else {
      }
    }
    %while3A_78 = arith.constant 1 : i32
    scf.for %while3A_168 = %while3A_76 to %while3A_72 step %while3A_78  : i32 {
      %eq3A_169 = arith.constant 0 : i32
      %eq3A_170 = arith.cmpi eq, %arg0, %eq3A_169 : i32
      %convert_element_type3A_171 = arith.extui %eq3A_170 : i1 to i32
      %cond3A_172 = arith.constant 0 : i32
      %cond3A_173 = arith.cmpi ne, %convert_element_type3A_171, %cond3A_172 : i32
      scf.if %cond3A_173 {
        %get3A = arith.index_cast %while3A_168 : i32 to index
        %get3A_258 = arith.constant 0 : index
        %get3A_259 = tpu.vector_load %arg9[%get3A, %get3A_258] {strides = array<i32>} : memref<157x128xi32, #tpu.memory_space<vmem>>, vector<16xi32>,
        tpu.vector_store_idx %arg14[%get3A_259], %broadcast_in_dim3A_69 {add = true} : memref<10240xf32, #tpu.memory_space<vmem>>[vector<16xi32>], vector<16xf32>,
        %get3A_260 = arith.index_cast %while3A_168 : i32 to index
        %get3A_261 = arith.constant 16 : index
        %get3A_262 = tpu.vector_load %arg9[%get3A_260, %get3A_261] {strides = array<i32>} : memref<157x128xi32, #tpu.memory_space<vmem>>, vector<16xi32>,
        tpu.vector_store_idx %arg14[%get3A_262], %broadcast_in_dim3A_69 {add = true} : memref<10240xf32, #tpu.memory_space<vmem>>[vector<16xi32>], vector<16xf32>,
        %get3A_263 = arith.index_cast %while3A_168 : i32 to index
        %get3A_264 = arith.constant 32 : index
        %get3A_265 = tpu.vector_load %arg9[%get3A_263, %get3A_264] {strides = array<i32>} : memref<157x128xi32, #tpu.memory_space<vmem>>, vector<16xi32>,
        tpu.vector_store_idx %arg14[%get3A_265], %broadcast_in_dim3A_69 {add = true} : memref<10240xf32, #tpu.memory_space<vmem>>[vector<16xi32>], vector<16xf32>,
        %get3A_266 = arith.index_cast %while3A_168 : i32 to index
        %get3A_267 = arith.constant 48 : index
        %get3A_268 = tpu.vector_load %arg9[%get3A_266, %get3A_267] {strides = array<i32>} : memref<157x128xi32, #tpu.memory_space<vmem>>, vector<16xi32>,
        tpu.vector_store_idx %arg14[%get3A_268], %broadcast_in_dim3A_69 {add = true} : memref<10240xf32, #tpu.memory_space<vmem>>[vector<16xi32>], vector<16xf32>,
        %get3A_269 = arith.index_cast %while3A_168 : i32 to index
        %get3A_270 = arith.constant 64 : index
        %get3A_271 = tpu.vector_load %arg9[%get3A_269, %get3A_270] {strides = array<i32>} : memref<157x128xi32, #tpu.memory_space<vmem>>, vector<16xi32>,
        tpu.vector_store_idx %arg14[%get3A_271], %broadcast_in_dim3A_69 {add = true} : memref<10240xf32, #tpu.memory_space<vmem>>[vector<16xi32>], vector<16xf32>,
        %get3A_272 = arith.index_cast %while3A_168 : i32 to index
        %get3A_273 = arith.constant 80 : index
        %get3A_274 = tpu.vector_load %arg9[%get3A_272, %get3A_273] {strides = array<i32>} : memref<157x128xi32, #tpu.memory_space<vmem>>, vector<16xi32>,
        tpu.vector_store_idx %arg14[%get3A_274], %broadcast_in_dim3A_69 {add = true} : memref<10240xf32, #tpu.memory_space<vmem>>[vector<16xi32>], vector<16xf32>,
        %get3A_275 = arith.index_cast %while3A_168 : i32 to index
        %get3A_276 = arith.constant 96 : index
        %get3A_277 = tpu.vector_load %arg9[%get3A_275, %get3A_276] {strides = array<i32>} : memref<157x128xi32, #tpu.memory_space<vmem>>, vector<16xi32>,
        tpu.vector_store_idx %arg14[%get3A_277], %broadcast_in_dim3A_69 {add = true} : memref<10240xf32, #tpu.memory_space<vmem>>[vector<16xi32>], vector<16xf32>,
        %get3A_278 = arith.index_cast %while3A_168 : i32 to index
        %get3A_279 = arith.constant 112 : index
        %get3A_280 = tpu.vector_load %arg9[%get3A_278, %get3A_279] {strides = array<i32>} : memref<157x128xi32, #tpu.memory_space<vmem>>, vector<16xi32>,
        tpu.vector_store_idx %arg14[%get3A_280], %broadcast_in_dim3A_69 {add = true} : memref<10240xf32, #tpu.memory_space<vmem>>[vector<16xi32>], vector<16xf32>,
      } else {
      }
      %jit3A_174 = arith.constant 4 : i32
      %eq3A_175 = arith.constant 0 : i32
      %eq3A_176 = arith.cmpi eq, %jit3A_174, %eq3A_175 : i32
      %jit3A_177 = arith.constant 1 : i32
      %select_n3A_178 = arith.select %eq3A_176, %jit3A_177, %jit3A_174 : i32
      %rem3A_179 = arith.remsi %while3A_168, %select_n3A_178 : i32
      %ne3A_180 = arith.constant 0 : i32
      %ne3A_181 = arith.cmpi ne, %rem3A_179, %ne3A_180 : i32
      %lt3A_182 = arith.constant 0 : i32
      %lt3A_183 = arith.cmpi slt, %rem3A_179, %lt3A_182 : i32
      %lt3A_184 = arith.constant 0 : i32
      %lt3A_185 = arith.cmpi slt, %select_n3A_178, %lt3A_184 : i32
      %ne3A_186 = arith.xori %lt3A_183, %lt3A_185 : i1
      %and3A_187 = arith.andi %ne3A_186, %ne3A_181 : i1
      %add3A_188 = arith.addi %rem3A_179, %select_n3A_178 : i32
      %select_n3A_189 = arith.select %and3A_187, %add3A_188, %rem3A_179 : i32
      %eq3A_190 = arith.constant 0 : i32
      %eq3A_191 = arith.cmpi eq, %select_n3A_189, %eq3A_190 : i32
      %convert_element_type3A_192 = arith.extui %eq3A_191 : i1 to i32
      %cond3A_193 = arith.constant 0 : i32
      %cond3A_194 = arith.cmpi ne, %convert_element_type3A_192, %cond3A_193 : i32
      scf.if %cond3A_194 {
        %add3A_258 = arith.constant 4 : i32
        %add3A_259 = arith.addi %while3A_168, %add3A_258 : i32
        %sub3A = arith.constant 1 : i32
        %sub3A_260 = arith.subi %add3A_259, %sub3A : i32
        %lt3A_261 = arith.cmpi slt, %sub3A_260, %add3A_4 : i32
        %convert_element_type3A_262 = arith.extui %lt3A_261 : i1 to i32
        %cond3A_263 = arith.constant 0 : i32
        %cond3A_264 = arith.cmpi ne, %convert_element_type3A_262, %cond3A_263 : i32
        scf.if %cond3A_264 {
          %ge3A = arith.constant 1 : i32
          %ge3A_280 = arith.cmpi sge, %while3A_168, %ge3A : i32
          %convert_element_type3A_281 = arith.extui %ge3A_280 : i1 to i32
          %cond3A_282 = arith.constant 0 : i32
          %cond3A_283 = arith.cmpi ne, %convert_element_type3A_281, %cond3A_282 : i32
          scf.if %cond3A_283 {
            %sub3A_298 = arith.constant 1 : i32
            %sub3A_299 = arith.subi %while3A_168, %sub3A_298 : i32
            %dma_wait3A_300 = arith.constant 0 : i32
            %dma_wait3A_301 = tpu.memref_slice %arg9[%sub3A_299, %dma_wait3A_300] : memref<157x128xi32, #tpu.memory_space<vmem>> -> memref<1x128xi32, #tpu.memory_space<vmem>>
            %dma_wait3A_302 = tpu.memref_squeeze %dma_wait3A_301 : memref<1x128xi32, #tpu.memory_space<vmem>> -> memref<128xi32, #tpu.memory_space<vmem>>
            %dma_wait3A_303 = arith.constant 0 : i32
            %dma_wait3A_304 = arith.constant 0 : i32
            %dma_wait3A_305 = tpu.memref_slice %arg7[%dma_wait3A_303, %dma_wait3A_304] : memref<10240x64xf32, #tpu.memory_space<vmem_shared>> -> memref<10240x64xf32, #tpu.memory_space<vmem_shared>>
            tpu.wait_indirect_dma semaphore(%arg22 : memref<!tpu.dma_semaphore, #tpu.memory_space<semaphore_mem>>) src(%arg13 : memref<128x64xf32, #tpu.memory_space<vmem>>) dst(%dma_wait3A_305 : memref<10240x64xf32, #tpu.memory_space<vmem_shared>>)
          } else {
          }
          %add3A_284 = arith.constant 4 : i32
          %add3A_285 = arith.addi %while3A_168, %add3A_284 : i32
          %sub3A_286 = arith.constant 1 : i32
          %sub3A_287 = arith.subi %add3A_285, %sub3A_286 : i32
          %dma_start3A_288 = arith.constant 0 : i32
          %dma_start3A_289 = tpu.memref_slice %arg8[%sub3A_287, %dma_start3A_288] : memref<157x128xi32, #tpu.memory_space<vmem>> -> memref<1x128xi32, #tpu.memory_space<vmem>>
          %dma_start3A_290 = tpu.memref_squeeze %dma_start3A_289 : memref<1x128xi32, #tpu.memory_space<vmem>> -> memref<128xi32, #tpu.memory_space<vmem>>
          %dma_start3A_291 = arith.constant 0 : i32
          %dma_start3A_292 = arith.constant 0 : i32
          %dma_start3A_293 = tpu.memref_slice %arg2[%arg0, %dma_start3A_291, %dma_start3A_292] : memref<2x10240x64xf32, #tpu.memory_space<hbm>> -> memref<1x10240x64xf32, #tpu.memory_space<hbm>>
          %dma_start3A_294 = tpu.memref_squeeze %dma_start3A_293 : memref<1x10240x64xf32, #tpu.memory_space<hbm>> -> memref<10240x64xf32, #tpu.memory_space<hbm>>
          %dma_start3A_295 = arith.constant 0 : i32
          %dma_start3A_296 = arith.constant 0 : i32
          %dma_start3A_297 = tpu.memref_slice %dma_start3A_294[%dma_start3A_295, %dma_start3A_296] : memref<10240x64xf32, #tpu.memory_space<hbm>> -> memref<10240x64xf32, #tpu.memory_space<hbm>>
          tpu.enqueue_indirect_dma source(%dma_start3A_297 : memref<10240x64xf32, #tpu.memory_space<hbm>>) target(%arg13 : memref<128x64xf32, #tpu.memory_space<vmem>>) offsets(%dma_start3A_290 : memref<128xi32, #tpu.memory_space<vmem>>) semaphore(%arg18 : memref<!tpu.dma_semaphore, #tpu.memory_space<semaphore_mem>>)
        } else {
        }
        %dma_wait3A = arith.constant 0 : i32
        %dma_wait3A_265 = tpu.memref_slice %arg8[%while3A_168, %dma_wait3A] : memref<157x128xi32, #tpu.memory_space<vmem>> -> memref<1x128xi32, #tpu.memory_space<vmem>>
        %dma_wait3A_266 = tpu.memref_squeeze %dma_wait3A_265 : memref<1x128xi32, #tpu.memory_space<vmem>> -> memref<128xi32, #tpu.memory_space<vmem>>
        %dma_wait3A_267 = arith.constant 0 : i32
        %dma_wait3A_268 = arith.constant 0 : i32
        %dma_wait3A_269 = tpu.memref_slice %arg2[%arg0, %dma_wait3A_267, %dma_wait3A_268] : memref<2x10240x64xf32, #tpu.memory_space<hbm>> -> memref<1x10240x64xf32, #tpu.memory_space<hbm>>
        %dma_wait3A_270 = tpu.memref_squeeze %dma_wait3A_269 : memref<1x10240x64xf32, #tpu.memory_space<hbm>> -> memref<10240x64xf32, #tpu.memory_space<hbm>>
        %dma_wait3A_271 = arith.constant 0 : i32
        %dma_wait3A_272 = arith.constant 0 : i32
        %dma_wait3A_273 = tpu.memref_slice %dma_wait3A_270[%dma_wait3A_271, %dma_wait3A_272] : memref<10240x64xf32, #tpu.memory_space<hbm>> -> memref<10240x64xf32, #tpu.memory_space<hbm>>
        tpu.wait_indirect_dma semaphore(%arg15 : memref<!tpu.dma_semaphore, #tpu.memory_space<semaphore_mem>>) src(%dma_wait3A_273 : memref<10240x64xf32, #tpu.memory_space<hbm>>) dst(%arg10 : memref<128x64xf32, #tpu.memory_space<vmem>>)
        %dma_start3A_274 = arith.constant 0 : i32
        %dma_start3A_275 = tpu.memref_slice %arg9[%while3A_168, %dma_start3A_274] : memref<157x128xi32, #tpu.memory_space<vmem>> -> memref<1x128xi32, #tpu.memory_space<vmem>>
        %dma_start3A_276 = tpu.memref_squeeze %dma_start3A_275 : memref<1x128xi32, #tpu.memory_space<vmem>> -> memref<128xi32, #tpu.memory_space<vmem>>
        %dma_start3A_277 = arith.constant 0 : i32
        %dma_start3A_278 = arith.constant 0 : i32
        %dma_start3A_279 = tpu.memref_slice %arg7[%dma_start3A_277, %dma_start3A_278] : memref<10240x64xf32, #tpu.memory_space<vmem_shared>> -> memref<10240x64xf32, #tpu.memory_space<vmem_shared>>
        tpu.enqueue_indirect_dma source(%arg10 : memref<128x64xf32, #tpu.memory_space<vmem>>) target(%dma_start3A_279 : memref<10240x64xf32, #tpu.memory_space<vmem_shared>>) offsets(%dma_start3A_276 : memref<128xi32, #tpu.memory_space<vmem>>) semaphore(%arg19 : memref<!tpu.dma_semaphore, #tpu.memory_space<semaphore_mem>>) {add = true}
      } else {
      }
      %jit3A_195 = arith.constant 4 : i32
      %eq3A_196 = arith.constant 0 : i32
      %eq3A_197 = arith.cmpi eq, %jit3A_195, %eq3A_196 : i32
      %jit3A_198 = arith.constant 1 : i32
      %select_n3A_199 = arith.select %eq3A_197, %jit3A_198, %jit3A_195 : i32
      %rem3A_200 = arith.remsi %while3A_168, %select_n3A_199 : i32
      %ne3A_201 = arith.constant 0 : i32
      %ne3A_202 = arith.cmpi ne, %rem3A_200, %ne3A_201 : i32
      %lt3A_203 = arith.constant 0 : i32
      %lt3A_204 = arith.cmpi slt, %rem3A_200, %lt3A_203 : i32
      %lt3A_205 = arith.constant 0 : i32
      %lt3A_206 = arith.cmpi slt, %select_n3A_199, %lt3A_205 : i32
      %ne3A_207 = arith.xori %lt3A_204, %lt3A_206 : i1
      %and3A_208 = arith.andi %ne3A_207, %ne3A_202 : i1
      %add3A_209 = arith.addi %rem3A_200, %select_n3A_199 : i32
      %select_n3A_210 = arith.select %and3A_208, %add3A_209, %rem3A_200 : i32
      %eq3A_211 = arith.constant 1 : i32
      %eq3A_212 = arith.cmpi eq, %select_n3A_210, %eq3A_211 : i32
      %convert_element_type3A_213 = arith.extui %eq3A_212 : i1 to i32
      %cond3A_214 = arith.constant 0 : i32
      %cond3A_215 = arith.cmpi ne, %convert_element_type3A_213, %cond3A_214 : i32
      scf.if %cond3A_215 {
        %add3A_258 = arith.constant 4 : i32
        %add3A_259 = arith.addi %while3A_168, %add3A_258 : i32
        %sub3A = arith.constant 1 : i32
        %sub3A_260 = arith.subi %add3A_259, %sub3A : i32
        %lt3A_261 = arith.cmpi slt, %sub3A_260, %add3A_4 : i32
        %convert_element_type3A_262 = arith.extui %lt3A_261 : i1 to i32
        %cond3A_263 = arith.constant 0 : i32
        %cond3A_264 = arith.cmpi ne, %convert_element_type3A_262, %cond3A_263 : i32
        scf.if %cond3A_264 {
          %ge3A = arith.constant 1 : i32
          %ge3A_280 = arith.cmpi sge, %while3A_168, %ge3A : i32
          %convert_element_type3A_281 = arith.extui %ge3A_280 : i1 to i32
          %cond3A_282 = arith.constant 0 : i32
          %cond3A_283 = arith.cmpi ne, %convert_element_type3A_281, %cond3A_282 : i32
          scf.if %cond3A_283 {
            %sub3A_298 = arith.constant 1 : i32
            %sub3A_299 = arith.subi %while3A_168, %sub3A_298 : i32
            %dma_wait3A_300 = arith.constant 0 : i32
            %dma_wait3A_301 = tpu.memref_slice %arg9[%sub3A_299, %dma_wait3A_300] : memref<157x128xi32, #tpu.memory_space<vmem>> -> memref<1x128xi32, #tpu.memory_space<vmem>>
            %dma_wait3A_302 = tpu.memref_squeeze %dma_wait3A_301 : memref<1x128xi32, #tpu.memory_space<vmem>> -> memref<128xi32, #tpu.memory_space<vmem>>
            %dma_wait3A_303 = arith.constant 0 : i32
            %dma_wait3A_304 = arith.constant 0 : i32
            %dma_wait3A_305 = tpu.memref_slice %arg7[%dma_wait3A_303, %dma_wait3A_304] : memref<10240x64xf32, #tpu.memory_space<vmem_shared>> -> memref<10240x64xf32, #tpu.memory_space<vmem_shared>>
            tpu.wait_indirect_dma semaphore(%arg19 : memref<!tpu.dma_semaphore, #tpu.memory_space<semaphore_mem>>) src(%arg10 : memref<128x64xf32, #tpu.memory_space<vmem>>) dst(%dma_wait3A_305 : memref<10240x64xf32, #tpu.memory_space<vmem_shared>>)
          } else {
          }
          %add3A_284 = arith.constant 4 : i32
          %add3A_285 = arith.addi %while3A_168, %add3A_284 : i32
          %sub3A_286 = arith.constant 1 : i32
          %sub3A_287 = arith.subi %add3A_285, %sub3A_286 : i32
          %dma_start3A_288 = arith.constant 0 : i32
          %dma_start3A_289 = tpu.memref_slice %arg8[%sub3A_287, %dma_start3A_288] : memref<157x128xi32, #tpu.memory_space<vmem>> -> memref<1x128xi32, #tpu.memory_space<vmem>>
          %dma_start3A_290 = tpu.memref_squeeze %dma_start3A_289 : memref<1x128xi32, #tpu.memory_space<vmem>> -> memref<128xi32, #tpu.memory_space<vmem>>
          %dma_start3A_291 = arith.constant 0 : i32
          %dma_start3A_292 = arith.constant 0 : i32
          %dma_start3A_293 = tpu.memref_slice %arg2[%arg0, %dma_start3A_291, %dma_start3A_292] : memref<2x10240x64xf32, #tpu.memory_space<hbm>> -> memref<1x10240x64xf32, #tpu.memory_space<hbm>>
          %dma_start3A_294 = tpu.memref_squeeze %dma_start3A_293 : memref<1x10240x64xf32, #tpu.memory_space<hbm>> -> memref<10240x64xf32, #tpu.memory_space<hbm>>
          %dma_start3A_295 = arith.constant 0 : i32
          %dma_start3A_296 = arith.constant 0 : i32
          %dma_start3A_297 = tpu.memref_slice %dma_start3A_294[%dma_start3A_295, %dma_start3A_296] : memref<10240x64xf32, #tpu.memory_space<hbm>> -> memref<10240x64xf32, #tpu.memory_space<hbm>>
          tpu.enqueue_indirect_dma source(%dma_start3A_297 : memref<10240x64xf32, #tpu.memory_space<hbm>>) target(%arg10 : memref<128x64xf32, #tpu.memory_space<vmem>>) offsets(%dma_start3A_290 : memref<128xi32, #tpu.memory_space<vmem>>) semaphore(%arg15 : memref<!tpu.dma_semaphore, #tpu.memory_space<semaphore_mem>>)
        } else {
        }
        %dma_wait3A = arith.constant 0 : i32
        %dma_wait3A_265 = tpu.memref_slice %arg8[%while3A_168, %dma_wait3A] : memref<157x128xi32, #tpu.memory_space<vmem>> -> memref<1x128xi32, #tpu.memory_space<vmem>>
        %dma_wait3A_266 = tpu.memref_squeeze %dma_wait3A_265 : memref<1x128xi32, #tpu.memory_space<vmem>> -> memref<128xi32, #tpu.memory_space<vmem>>
        %dma_wait3A_267 = arith.constant 0 : i32
        %dma_wait3A_268 = arith.constant 0 : i32
        %dma_wait3A_269 = tpu.memref_slice %arg2[%arg0, %dma_wait3A_267, %dma_wait3A_268] : memref<2x10240x64xf32, #tpu.memory_space<hbm>> -> memref<1x10240x64xf32, #tpu.memory_space<hbm>>
        %dma_wait3A_270 = tpu.memref_squeeze %dma_wait3A_269 : memref<1x10240x64xf32, #tpu.memory_space<hbm>> -> memref<10240x64xf32, #tpu.memory_space<hbm>>
        %dma_wait3A_271 = arith.constant 0 : i32
        %dma_wait3A_272 = arith.constant 0 : i32
        %dma_wait3A_273 = tpu.memref_slice %dma_wait3A_270[%dma_wait3A_271, %dma_wait3A_272] : memref<10240x64xf32, #tpu.memory_space<hbm>> -> memref<10240x64xf32, #tpu.memory_space<hbm>>
        tpu.wait_indirect_dma semaphore(%arg16 : memref<!tpu.dma_semaphore, #tpu.memory_space<semaphore_mem>>) src(%dma_wait3A_273 : memref<10240x64xf32, #tpu.memory_space<hbm>>) dst(%arg11 : memref<128x64xf32, #tpu.memory_space<vmem>>)
        %dma_start3A_274 = arith.constant 0 : i32
        %dma_start3A_275 = tpu.memref_slice %arg9[%while3A_168, %dma_start3A_274] : memref<157x128xi32, #tpu.memory_space<vmem>> -> memref<1x128xi32, #tpu.memory_space<vmem>>
        %dma_start3A_276 = tpu.memref_squeeze %dma_start3A_275 : memref<1x128xi32, #tpu.memory_space<vmem>> -> memref<128xi32, #tpu.memory_space<vmem>>
        %dma_start3A_277 = arith.constant 0 : i32
        %dma_start3A_278 = arith.constant 0 : i32
        %dma_start3A_279 = tpu.memref_slice %arg7[%dma_start3A_277, %dma_start3A_278] : memref<10240x64xf32, #tpu.memory_space<vmem_shared>> -> memref<10240x64xf32, #tpu.memory_space<vmem_shared>>
        tpu.enqueue_indirect_dma source(%arg11 : memref<128x64xf32, #tpu.memory_space<vmem>>) target(%dma_start3A_279 : memref<10240x64xf32, #tpu.memory_space<vmem_shared>>) offsets(%dma_start3A_276 : memref<128xi32, #tpu.memory_space<vmem>>) semaphore(%arg20 : memref<!tpu.dma_semaphore, #tpu.memory_space<semaphore_mem>>) {add = true}
      } else {
      }
      %jit3A_216 = arith.constant 4 : i32
      %eq3A_217 = arith.constant 0 : i32
      %eq3A_218 = arith.cmpi eq, %jit3A_216, %eq3A_217 : i32
      %jit3A_219 = arith.constant 1 : i32
      %select_n3A_220 = arith.select %eq3A_218, %jit3A_219, %jit3A_216 : i32
      %rem3A_221 = arith.remsi %while3A_168, %select_n3A_220 : i32
      %ne3A_222 = arith.constant 0 : i32
      %ne3A_223 = arith.cmpi ne, %rem3A_221, %ne3A_222 : i32
      %lt3A_224 = arith.constant 0 : i32
      %lt3A_225 = arith.cmpi slt, %rem3A_221, %lt3A_224 : i32
      %lt3A_226 = arith.constant 0 : i32
      %lt3A_227 = arith.cmpi slt, %select_n3A_220, %lt3A_226 : i32
      %ne3A_228 = arith.xori %lt3A_225, %lt3A_227 : i1
      %and3A_229 = arith.andi %ne3A_228, %ne3A_223 : i1
      %add3A_230 = arith.addi %rem3A_221, %select_n3A_220 : i32
      %select_n3A_231 = arith.select %and3A_229, %add3A_230, %rem3A_221 : i32
      %eq3A_232 = arith.constant 2 : i32
      %eq3A_233 = arith.cmpi eq, %select_n3A_231, %eq3A_232 : i32
      %convert_element_type3A_234 = arith.extui %eq3A_233 : i1 to i32
      %cond3A_235 = arith.constant 0 : i32
      %cond3A_236 = arith.cmpi ne, %convert_element_type3A_234, %cond3A_235 : i32
      scf.if %cond3A_236 {
        %add3A_258 = arith.constant 4 : i32
        %add3A_259 = arith.addi %while3A_168, %add3A_258 : i32
        %sub3A = arith.constant 1 : i32
        %sub3A_260 = arith.subi %add3A_259, %sub3A : i32
        %lt3A_261 = arith.cmpi slt, %sub3A_260, %add3A_4 : i32
        %convert_element_type3A_262 = arith.extui %lt3A_261 : i1 to i32
        %cond3A_263 = arith.constant 0 : i32
        %cond3A_264 = arith.cmpi ne, %convert_element_type3A_262, %cond3A_263 : i32
        scf.if %cond3A_264 {
          %ge3A = arith.constant 1 : i32
          %ge3A_280 = arith.cmpi sge, %while3A_168, %ge3A : i32
          %convert_element_type3A_281 = arith.extui %ge3A_280 : i1 to i32
          %cond3A_282 = arith.constant 0 : i32
          %cond3A_283 = arith.cmpi ne, %convert_element_type3A_281, %cond3A_282 : i32
          scf.if %cond3A_283 {
            %sub3A_298 = arith.constant 1 : i32
            %sub3A_299 = arith.subi %while3A_168, %sub3A_298 : i32
            %dma_wait3A_300 = arith.constant 0 : i32
            %dma_wait3A_301 = tpu.memref_slice %arg9[%sub3A_299, %dma_wait3A_300] : memref<157x128xi32, #tpu.memory_space<vmem>> -> memref<1x128xi32, #tpu.memory_space<vmem>>
            %dma_wait3A_302 = tpu.memref_squeeze %dma_wait3A_301 : memref<1x128xi32, #tpu.memory_space<vmem>> -> memref<128xi32, #tpu.memory_space<vmem>>
            %dma_wait3A_303 = arith.constant 0 : i32
            %dma_wait3A_304 = arith.constant 0 : i32
            %dma_wait3A_305 = tpu.memref_slice %arg7[%dma_wait3A_303, %dma_wait3A_304] : memref<10240x64xf32, #tpu.memory_space<vmem_shared>> -> memref<10240x64xf32, #tpu.memory_space<vmem_shared>>
            tpu.wait_indirect_dma semaphore(%arg20 : memref<!tpu.dma_semaphore, #tpu.memory_space<semaphore_mem>>) src(%arg11 : memref<128x64xf32, #tpu.memory_space<vmem>>) dst(%dma_wait3A_305 : memref<10240x64xf32, #tpu.memory_space<vmem_shared>>)
          } else {
          }
          %add3A_284 = arith.constant 4 : i32
          %add3A_285 = arith.addi %while3A_168, %add3A_284 : i32
          %sub3A_286 = arith.constant 1 : i32
          %sub3A_287 = arith.subi %add3A_285, %sub3A_286 : i32
          %dma_start3A_288 = arith.constant 0 : i32
          %dma_start3A_289 = tpu.memref_slice %arg8[%sub3A_287, %dma_start3A_288] : memref<157x128xi32, #tpu.memory_space<vmem>> -> memref<1x128xi32, #tpu.memory_space<vmem>>
          %dma_start3A_290 = tpu.memref_squeeze %dma_start3A_289 : memref<1x128xi32, #tpu.memory_space<vmem>> -> memref<128xi32, #tpu.memory_space<vmem>>
          %dma_start3A_291 = arith.constant 0 : i32
          %dma_start3A_292 = arith.constant 0 : i32
          %dma_start3A_293 = tpu.memref_slice %arg2[%arg0, %dma_start3A_291, %dma_start3A_292] : memref<2x10240x64xf32, #tpu.memory_space<hbm>> -> memref<1x10240x64xf32, #tpu.memory_space<hbm>>
          %dma_start3A_294 = tpu.memref_squeeze %dma_start3A_293 : memref<1x10240x64xf32, #tpu.memory_space<hbm>> -> memref<10240x64xf32, #tpu.memory_space<hbm>>
          %dma_start3A_295 = arith.constant 0 : i32
          %dma_start3A_296 = arith.constant 0 : i32
          %dma_start3A_297 = tpu.memref_slice %dma_start3A_294[%dma_start3A_295, %dma_start3A_296] : memref<10240x64xf32, #tpu.memory_space<hbm>> -> memref<10240x64xf32, #tpu.memory_space<hbm>>
          tpu.enqueue_indirect_dma source(%dma_start3A_297 : memref<10240x64xf32, #tpu.memory_space<hbm>>) target(%arg11 : memref<128x64xf32, #tpu.memory_space<vmem>>) offsets(%dma_start3A_290 : memref<128xi32, #tpu.memory_space<vmem>>) semaphore(%arg16 : memref<!tpu.dma_semaphore, #tpu.memory_space<semaphore_mem>>)
        } else {
        }
        %dma_wait3A = arith.constant 0 : i32
        %dma_wait3A_265 = tpu.memref_slice %arg8[%while3A_168, %dma_wait3A] : memref<157x128xi32, #tpu.memory_space<vmem>> -> memref<1x128xi32, #tpu.memory_space<vmem>>
        %dma_wait3A_266 = tpu.memref_squeeze %dma_wait3A_265 : memref<1x128xi32, #tpu.memory_space<vmem>> -> memref<128xi32, #tpu.memory_space<vmem>>
        %dma_wait3A_267 = arith.constant 0 : i32
        %dma_wait3A_268 = arith.constant 0 : i32
        %dma_wait3A_269 = tpu.memref_slice %arg2[%arg0, %dma_wait3A_267, %dma_wait3A_268] : memref<2x10240x64xf32, #tpu.memory_space<hbm>> -> memref<1x10240x64xf32, #tpu.memory_space<hbm>>
        %dma_wait3A_270 = tpu.memref_squeeze %dma_wait3A_269 : memref<1x10240x64xf32, #tpu.memory_space<hbm>> -> memref<10240x64xf32, #tpu.memory_space<hbm>>
        %dma_wait3A_271 = arith.constant 0 : i32
        %dma_wait3A_272 = arith.constant 0 : i32
        %dma_wait3A_273 = tpu.memref_slice %dma_wait3A_270[%dma_wait3A_271, %dma_wait3A_272] : memref<10240x64xf32, #tpu.memory_space<hbm>> -> memref<10240x64xf32, #tpu.memory_space<hbm>>
        tpu.wait_indirect_dma semaphore(%arg17 : memref<!tpu.dma_semaphore, #tpu.memory_space<semaphore_mem>>) src(%dma_wait3A_273 : memref<10240x64xf32, #tpu.memory_space<hbm>>) dst(%arg12 : memref<128x64xf32, #tpu.memory_space<vmem>>)
        %dma_start3A_274 = arith.constant 0 : i32
        %dma_start3A_275 = tpu.memref_slice %arg9[%while3A_168, %dma_start3A_274] : memref<157x128xi32, #tpu.memory_space<vmem>> -> memref<1x128xi32, #tpu.memory_space<vmem>>
        %dma_start3A_276 = tpu.memref_squeeze %dma_start3A_275 : memref<1x128xi32, #tpu.memory_space<vmem>> -> memref<128xi32, #tpu.memory_space<vmem>>
        %dma_start3A_277 = arith.constant 0 : i32
        %dma_start3A_278 = arith.constant 0 : i32
        %dma_start3A_279 = tpu.memref_slice %arg7[%dma_start3A_277, %dma_start3A_278] : memref<10240x64xf32, #tpu.memory_space<vmem_shared>> -> memref<10240x64xf32, #tpu.memory_space<vmem_shared>>
        tpu.enqueue_indirect_dma source(%arg12 : memref<128x64xf32, #tpu.memory_space<vmem>>) target(%dma_start3A_279 : memref<10240x64xf32, #tpu.memory_space<vmem_shared>>) offsets(%dma_start3A_276 : memref<128xi32, #tpu.memory_space<vmem>>) semaphore(%arg21 : memref<!tpu.dma_semaphore, #tpu.memory_space<semaphore_mem>>) {add = true}
      } else {
      }
      %jit3A_237 = arith.constant 4 : i32
      %eq3A_238 = arith.constant 0 : i32
      %eq3A_239 = arith.cmpi eq, %jit3A_237, %eq3A_238 : i32
      %jit3A_240 = arith.constant 1 : i32
      %select_n3A_241 = arith.select %eq3A_239, %jit3A_240, %jit3A_237 : i32
      %rem3A_242 = arith.remsi %while3A_168, %select_n3A_241 : i32
      %ne3A_243 = arith.constant 0 : i32
      %ne3A_244 = arith.cmpi ne, %rem3A_242, %ne3A_243 : i32
      %lt3A_245 = arith.constant 0 : i32
      %lt3A_246 = arith.cmpi slt, %rem3A_242, %lt3A_245 : i32
      %lt3A_247 = arith.constant 0 : i32
      %lt3A_248 = arith.cmpi slt, %select_n3A_241, %lt3A_247 : i32
      %ne3A_249 = arith.xori %lt3A_246, %lt3A_248 : i1
      %and3A_250 = arith.andi %ne3A_249, %ne3A_244 : i1
      %add3A_251 = arith.addi %rem3A_242, %select_n3A_241 : i32
      %select_n3A_252 = arith.select %and3A_250, %add3A_251, %rem3A_242 : i32
      %eq3A_253 = arith.constant 3 : i32
      %eq3A_254 = arith.cmpi eq, %select_n3A_252, %eq3A_253 : i32
      %convert_element_type3A_255 = arith.extui %eq3A_254 : i1 to i32
      %cond3A_256 = arith.constant 0 : i32
      %cond3A_257 = arith.cmpi ne, %convert_element_type3A_255, %cond3A_256 : i32
      scf.if %cond3A_257 {
        %add3A_258 = arith.constant 4 : i32
        %add3A_259 = arith.addi %while3A_168, %add3A_258 : i32
        %sub3A = arith.constant 1 : i32
        %sub3A_260 = arith.subi %add3A_259, %sub3A : i32
        %lt3A_261 = arith.cmpi slt, %sub3A_260, %add3A_4 : i32
        %convert_element_type3A_262 = arith.extui %lt3A_261 : i1 to i32
        %cond3A_263 = arith.constant 0 : i32
        %cond3A_264 = arith.cmpi ne, %convert_element_type3A_262, %cond3A_263 : i32
        scf.if %cond3A_264 {
          %ge3A = arith.constant 1 : i32
          %ge3A_280 = arith.cmpi sge, %while3A_168, %ge3A : i32
          %convert_element_type3A_281 = arith.extui %ge3A_280 : i1 to i32
          %cond3A_282 = arith.constant 0 : i32
          %cond3A_283 = arith.cmpi ne, %convert_element_type3A_281, %cond3A_282 : i32
          scf.if %cond3A_283 {
            %sub3A_298 = arith.constant 1 : i32
            %sub3A_299 = arith.subi %while3A_168, %sub3A_298 : i32
            %dma_wait3A_300 = arith.constant 0 : i32
            %dma_wait3A_301 = tpu.memref_slice %arg9[%sub3A_299, %dma_wait3A_300] : memref<157x128xi32, #tpu.memory_space<vmem>> -> memref<1x128xi32, #tpu.memory_space<vmem>>
            %dma_wait3A_302 = tpu.memref_squeeze %dma_wait3A_301 : memref<1x128xi32, #tpu.memory_space<vmem>> -> memref<128xi32, #tpu.memory_space<vmem>>
            %dma_wait3A_303 = arith.constant 0 : i32
            %dma_wait3A_304 = arith.constant 0 : i32
            %dma_wait3A_305 = tpu.memref_slice %arg7[%dma_wait3A_303, %dma_wait3A_304] : memref<10240x64xf32, #tpu.memory_space<vmem_shared>> -> memref<10240x64xf32, #tpu.memory_space<vmem_shared>>
            tpu.wait_indirect_dma semaphore(%arg21 : memref<!tpu.dma_semaphore, #tpu.memory_space<semaphore_mem>>) src(%arg12 : memref<128x64xf32, #tpu.memory_space<vmem>>) dst(%dma_wait3A_305 : memref<10240x64xf32, #tpu.memory_space<vmem_shared>>)
          } else {
          }
          %add3A_284 = arith.constant 4 : i32
          %add3A_285 = arith.addi %while3A_168, %add3A_284 : i32
          %sub3A_286 = arith.constant 1 : i32
          %sub3A_287 = arith.subi %add3A_285, %sub3A_286 : i32
          %dma_start3A_288 = arith.constant 0 : i32
          %dma_start3A_289 = tpu.memref_slice %arg8[%sub3A_287, %dma_start3A_288] : memref<157x128xi32, #tpu.memory_space<vmem>> -> memref<1x128xi32, #tpu.memory_space<vmem>>
          %dma_start3A_290 = tpu.memref_squeeze %dma_start3A_289 : memref<1x128xi32, #tpu.memory_space<vmem>> -> memref<128xi32, #tpu.memory_space<vmem>>
          %dma_start3A_291 = arith.constant 0 : i32
          %dma_start3A_292 = arith.constant 0 : i32
          %dma_start3A_293 = tpu.memref_slice %arg2[%arg0, %dma_start3A_291, %dma_start3A_292] : memref<2x10240x64xf32, #tpu.memory_space<hbm>> -> memref<1x10240x64xf32, #tpu.memory_space<hbm>>
          %dma_start3A_294 = tpu.memref_squeeze %dma_start3A_293 : memref<1x10240x64xf32, #tpu.memory_space<hbm>> -> memref<10240x64xf32, #tpu.memory_space<hbm>>
          %dma_start3A_295 = arith.constant 0 : i32
          %dma_start3A_296 = arith.constant 0 : i32
          %dma_start3A_297 = tpu.memref_slice %dma_start3A_294[%dma_start3A_295, %dma_start3A_296] : memref<10240x64xf32, #tpu.memory_space<hbm>> -> memref<10240x64xf32, #tpu.memory_space<hbm>>
          tpu.enqueue_indirect_dma source(%dma_start3A_297 : memref<10240x64xf32, #tpu.memory_space<hbm>>) target(%arg12 : memref<128x64xf32, #tpu.memory_space<vmem>>) offsets(%dma_start3A_290 : memref<128xi32, #tpu.memory_space<vmem>>) semaphore(%arg17 : memref<!tpu.dma_semaphore, #tpu.memory_space<semaphore_mem>>)
        } else {
        }
        %dma_wait3A = arith.constant 0 : i32
        %dma_wait3A_265 = tpu.memref_slice %arg8[%while3A_168, %dma_wait3A] : memref<157x128xi32, #tpu.memory_space<vmem>> -> memref<1x128xi32, #tpu.memory_space<vmem>>
        %dma_wait3A_266 = tpu.memref_squeeze %dma_wait3A_265 : memref<1x128xi32, #tpu.memory_space<vmem>> -> memref<128xi32, #tpu.memory_space<vmem>>
        %dma_wait3A_267 = arith.constant 0 : i32
        %dma_wait3A_268 = arith.constant 0 : i32
        %dma_wait3A_269 = tpu.memref_slice %arg2[%arg0, %dma_wait3A_267, %dma_wait3A_268] : memref<2x10240x64xf32, #tpu.memory_space<hbm>> -> memref<1x10240x64xf32, #tpu.memory_space<hbm>>
        %dma_wait3A_270 = tpu.memref_squeeze %dma_wait3A_269 : memref<1x10240x64xf32, #tpu.memory_space<hbm>> -> memref<10240x64xf32, #tpu.memory_space<hbm>>
        %dma_wait3A_271 = arith.constant 0 : i32
        %dma_wait3A_272 = arith.constant 0 : i32
        %dma_wait3A_273 = tpu.memref_slice %dma_wait3A_270[%dma_wait3A_271, %dma_wait3A_272] : memref<10240x64xf32, #tpu.memory_space<hbm>> -> memref<10240x64xf32, #tpu.memory_space<hbm>>
        tpu.wait_indirect_dma semaphore(%arg18 : memref<!tpu.dma_semaphore, #tpu.memory_space<semaphore_mem>>) src(%dma_wait3A_273 : memref<10240x64xf32, #tpu.memory_space<hbm>>) dst(%arg13 : memref<128x64xf32, #tpu.memory_space<vmem>>)
        %dma_start3A_274 = arith.constant 0 : i32
        %dma_start3A_275 = tpu.memref_slice %arg9[%while3A_168, %dma_start3A_274] : memref<157x128xi32, #tpu.memory_space<vmem>> -> memref<1x128xi32, #tpu.memory_space<vmem>>
        %dma_start3A_276 = tpu.memref_squeeze %dma_start3A_275 : memref<1x128xi32, #tpu.memory_space<vmem>> -> memref<128xi32, #tpu.memory_space<vmem>>
        %dma_start3A_277 = arith.constant 0 : i32
        %dma_start3A_278 = arith.constant 0 : i32
        %dma_start3A_279 = tpu.memref_slice %arg7[%dma_start3A_277, %dma_start3A_278] : memref<10240x64xf32, #tpu.memory_space<vmem_shared>> -> memref<10240x64xf32, #tpu.memory_space<vmem_shared>>
        tpu.enqueue_indirect_dma source(%arg13 : memref<128x64xf32, #tpu.memory_space<vmem>>) target(%dma_start3A_279 : memref<10240x64xf32, #tpu.memory_space<vmem_shared>>) offsets(%dma_start3A_276 : memref<128xi32, #tpu.memory_space<vmem>>) semaphore(%arg22 : memref<!tpu.dma_semaphore, #tpu.memory_space<semaphore_mem>>) {add = true}
      } else {
      }
    }
    %jit3A = arith.constant 4 : i32
    %eq3A_79 = arith.constant 0 : i32
    %eq3A_80 = arith.cmpi eq, %jit3A, %eq3A_79 : i32
    %jit3A_81 = arith.constant 1 : i32
    %select_n3A = arith.select %eq3A_80, %jit3A_81, %jit3A : i32
    %rem3A = arith.remsi %add3A_4, %select_n3A : i32
    %ne3A = arith.constant 0 : i32
    %ne3A_82 = arith.cmpi ne, %rem3A, %ne3A : i32
    %lt3A_83 = arith.constant 0 : i32
    %lt3A_84 = arith.cmpi slt, %rem3A, %lt3A_83 : i32
    %lt3A_85 = arith.constant 0 : i32
    %lt3A_86 = arith.cmpi slt, %select_n3A, %lt3A_85 : i32
    %ne3A_87 = arith.xori %lt3A_84, %lt3A_86 : i1
    %and3A = arith.andi %ne3A_87, %ne3A_82 : i1
    %add3A_88 = arith.addi %rem3A, %select_n3A : i32
    %select_n3A_89 = arith.select %and3A, %add3A_88, %rem3A : i32
    %eq3A_90 = arith.constant 0 : i32
    %eq3A_91 = arith.cmpi eq, %select_n3A_89, %eq3A_90 : i32
    %convert_element_type3A_92 = arith.extui %eq3A_91 : i1 to i32
    %cond3A_93 = arith.constant 0 : i32
    %cond3A_94 = arith.cmpi ne, %convert_element_type3A_92, %cond3A_93 : i32
    scf.if %cond3A_94 {
      %sub3A = arith.constant 4 : i32
      %sub3A_168 = arith.subi %add3A_4, %sub3A : i32
      %dma_wait3A = arith.constant 0 : i32
      %dma_wait3A_169 = tpu.memref_slice %arg9[%sub3A_168, %dma_wait3A] : memref<157x128xi32, #tpu.memory_space<vmem>> -> memref<1x128xi32, #tpu.memory_space<vmem>>
      %dma_wait3A_170 = tpu.memref_squeeze %dma_wait3A_169 : memref<1x128xi32, #tpu.memory_space<vmem>> -> memref<128xi32, #tpu.memory_space<vmem>>
      %dma_wait3A_171 = arith.constant 0 : i32
      %dma_wait3A_172 = arith.constant 0 : i32
      %dma_wait3A_173 = tpu.memref_slice %arg7[%dma_wait3A_171, %dma_wait3A_172] : memref<10240x64xf32, #tpu.memory_space<vmem_shared>> -> memref<10240x64xf32, #tpu.memory_space<vmem_shared>>
      tpu.wait_indirect_dma semaphore(%arg19 : memref<!tpu.dma_semaphore, #tpu.memory_space<semaphore_mem>>) src(%arg10 : memref<128x64xf32, #tpu.memory_space<vmem>>) dst(%dma_wait3A_173 : memref<10240x64xf32, #tpu.memory_space<vmem_shared>>)
      %sub3A_174 = arith.constant 3 : i32
      %sub3A_175 = arith.subi %add3A_4, %sub3A_174 : i32
      %dma_wait3A_176 = arith.constant 0 : i32
      %dma_wait3A_177 = tpu.memref_slice %arg9[%sub3A_175, %dma_wait3A_176] : memref<157x128xi32, #tpu.memory_space<vmem>> -> memref<1x128xi32, #tpu.memory_space<vmem>>
      %dma_wait3A_178 = tpu.memref_squeeze %dma_wait3A_177 : memref<1x128xi32, #tpu.memory_space<vmem>> -> memref<128xi32, #tpu.memory_space<vmem>>
      %dma_wait3A_179 = arith.constant 0 : i32
      %dma_wait3A_180 = arith.constant 0 : i32
      %dma_wait3A_181 = tpu.memref_slice %arg7[%dma_wait3A_179, %dma_wait3A_180] : memref<10240x64xf32, #tpu.memory_space<vmem_shared>> -> memref<10240x64xf32, #tpu.memory_space<vmem_shared>>
      tpu.wait_indirect_dma semaphore(%arg20 : memref<!tpu.dma_semaphore, #tpu.memory_space<semaphore_mem>>) src(%arg11 : memref<128x64xf32, #tpu.memory_space<vmem>>) dst(%dma_wait3A_181 : memref<10240x64xf32, #tpu.memory_space<vmem_shared>>)
      %sub3A_182 = arith.constant 2 : i32
      %sub3A_183 = arith.subi %add3A_4, %sub3A_182 : i32
      %dma_wait3A_184 = arith.constant 0 : i32
      %dma_wait3A_185 = tpu.memref_slice %arg9[%sub3A_183, %dma_wait3A_184] : memref<157x128xi32, #tpu.memory_space<vmem>> -> memref<1x128xi32, #tpu.memory_space<vmem>>
      %dma_wait3A_186 = tpu.memref_squeeze %dma_wait3A_185 : memref<1x128xi32, #tpu.memory_space<vmem>> -> memref<128xi32, #tpu.memory_space<vmem>>
      %dma_wait3A_187 = arith.constant 0 : i32
      %dma_wait3A_188 = arith.constant 0 : i32
      %dma_wait3A_189 = tpu.memref_slice %arg7[%dma_wait3A_187, %dma_wait3A_188] : memref<10240x64xf32, #tpu.memory_space<vmem_shared>> -> memref<10240x64xf32, #tpu.memory_space<vmem_shared>>
      tpu.wait_indirect_dma semaphore(%arg21 : memref<!tpu.dma_semaphore, #tpu.memory_space<semaphore_mem>>) src(%arg12 : memref<128x64xf32, #tpu.memory_space<vmem>>) dst(%dma_wait3A_189 : memref<10240x64xf32, #tpu.memory_space<vmem_shared>>)
      %sub3A_190 = arith.constant 1 : i32
      %sub3A_191 = arith.subi %add3A_4, %sub3A_190 : i32
      %dma_wait3A_192 = arith.constant 0 : i32
      %dma_wait3A_193 = tpu.memref_slice %arg9[%sub3A_191, %dma_wait3A_192] : memref<157x128xi32, #tpu.memory_space<vmem>> -> memref<1x128xi32, #tpu.memory_space<vmem>>
      %dma_wait3A_194 = tpu.memref_squeeze %dma_wait3A_193 : memref<1x128xi32, #tpu.memory_space<vmem>> -> memref<128xi32, #tpu.memory_space<vmem>>
      %dma_wait3A_195 = arith.constant 0 : i32
      %dma_wait3A_196 = arith.constant 0 : i32
      %dma_wait3A_197 = tpu.memref_slice %arg7[%dma_wait3A_195, %dma_wait3A_196] : memref<10240x64xf32, #tpu.memory_space<vmem_shared>> -> memref<10240x64xf32, #tpu.memory_space<vmem_shared>>
      tpu.wait_indirect_dma semaphore(%arg22 : memref<!tpu.dma_semaphore, #tpu.memory_space<semaphore_mem>>) src(%arg13 : memref<128x64xf32, #tpu.memory_space<vmem>>) dst(%dma_wait3A_197 : memref<10240x64xf32, #tpu.memory_space<vmem_shared>>)
    } else {
    }
    %jit3A_95 = arith.constant 4 : i32
    %eq3A_96 = arith.constant 0 : i32
    %eq3A_97 = arith.cmpi eq, %jit3A_95, %eq3A_96 : i32
    %jit3A_98 = arith.constant 1 : i32
    %select_n3A_99 = arith.select %eq3A_97, %jit3A_98, %jit3A_95 : i32
    %rem3A_100 = arith.remsi %add3A_4, %select_n3A_99 : i32
    %ne3A_101 = arith.constant 0 : i32
    %ne3A_102 = arith.cmpi ne, %rem3A_100, %ne3A_101 : i32
    %lt3A_103 = arith.constant 0 : i32
    %lt3A_104 = arith.cmpi slt, %rem3A_100, %lt3A_103 : i32
    %lt3A_105 = arith.constant 0 : i32
    %lt3A_106 = arith.cmpi slt, %select_n3A_99, %lt3A_105 : i32
    %ne3A_107 = arith.xori %lt3A_104, %lt3A_106 : i1
    %and3A_108 = arith.andi %ne3A_107, %ne3A_102 : i1
    %add3A_109 = arith.addi %rem3A_100, %select_n3A_99 : i32
    %select_n3A_110 = arith.select %and3A_108, %add3A_109, %rem3A_100 : i32
    %eq3A_111 = arith.constant 1 : i32
    %eq3A_112 = arith.cmpi eq, %select_n3A_110, %eq3A_111 : i32
    %convert_element_type3A_113 = arith.extui %eq3A_112 : i1 to i32
    %cond3A_114 = arith.constant 0 : i32
    %cond3A_115 = arith.cmpi ne, %convert_element_type3A_113, %cond3A_114 : i32
    scf.if %cond3A_115 {
      %sub3A = arith.constant 4 : i32
      %sub3A_168 = arith.subi %add3A_4, %sub3A : i32
      %dma_wait3A = arith.constant 0 : i32
      %dma_wait3A_169 = tpu.memref_slice %arg9[%sub3A_168, %dma_wait3A] : memref<157x128xi32, #tpu.memory_space<vmem>> -> memref<1x128xi32, #tpu.memory_space<vmem>>
      %dma_wait3A_170 = tpu.memref_squeeze %dma_wait3A_169 : memref<1x128xi32, #tpu.memory_space<vmem>> -> memref<128xi32, #tpu.memory_space<vmem>>
      %dma_wait3A_171 = arith.constant 0 : i32
      %dma_wait3A_172 = arith.constant 0 : i32
      %dma_wait3A_173 = tpu.memref_slice %arg7[%dma_wait3A_171, %dma_wait3A_172] : memref<10240x64xf32, #tpu.memory_space<vmem_shared>> -> memref<10240x64xf32, #tpu.memory_space<vmem_shared>>
      tpu.wait_indirect_dma semaphore(%arg20 : memref<!tpu.dma_semaphore, #tpu.memory_space<semaphore_mem>>) src(%arg11 : memref<128x64xf32, #tpu.memory_space<vmem>>) dst(%dma_wait3A_173 : memref<10240x64xf32, #tpu.memory_space<vmem_shared>>)
      %sub3A_174 = arith.constant 3 : i32
      %sub3A_175 = arith.subi %add3A_4, %sub3A_174 : i32
      %dma_wait3A_176 = arith.constant 0 : i32
      %dma_wait3A_177 = tpu.memref_slice %arg9[%sub3A_175, %dma_wait3A_176] : memref<157x128xi32, #tpu.memory_space<vmem>> -> memref<1x128xi32, #tpu.memory_space<vmem>>
      %dma_wait3A_178 = tpu.memref_squeeze %dma_wait3A_177 : memref<1x128xi32, #tpu.memory_space<vmem>> -> memref<128xi32, #tpu.memory_space<vmem>>
      %dma_wait3A_179 = arith.constant 0 : i32
      %dma_wait3A_180 = arith.constant 0 : i32
      %dma_wait3A_181 = tpu.memref_slice %arg7[%dma_wait3A_179, %dma_wait3A_180] : memref<10240x64xf32, #tpu.memory_space<vmem_shared>> -> memref<10240x64xf32, #tpu.memory_space<vmem_shared>>
      tpu.wait_indirect_dma semaphore(%arg21 : memref<!tpu.dma_semaphore, #tpu.memory_space<semaphore_mem>>) src(%arg12 : memref<128x64xf32, #tpu.memory_space<vmem>>) dst(%dma_wait3A_181 : memref<10240x64xf32, #tpu.memory_space<vmem_shared>>)
      %sub3A_182 = arith.constant 2 : i32
      %sub3A_183 = arith.subi %add3A_4, %sub3A_182 : i32
      %dma_wait3A_184 = arith.constant 0 : i32
      %dma_wait3A_185 = tpu.memref_slice %arg9[%sub3A_183, %dma_wait3A_184] : memref<157x128xi32, #tpu.memory_space<vmem>> -> memref<1x128xi32, #tpu.memory_space<vmem>>
      %dma_wait3A_186 = tpu.memref_squeeze %dma_wait3A_185 : memref<1x128xi32, #tpu.memory_space<vmem>> -> memref<128xi32, #tpu.memory_space<vmem>>
      %dma_wait3A_187 = arith.constant 0 : i32
      %dma_wait3A_188 = arith.constant 0 : i32
      %dma_wait3A_189 = tpu.memref_slice %arg7[%dma_wait3A_187, %dma_wait3A_188] : memref<10240x64xf32, #tpu.memory_space<vmem_shared>> -> memref<10240x64xf32, #tpu.memory_space<vmem_shared>>
      tpu.wait_indirect_dma semaphore(%arg22 : memref<!tpu.dma_semaphore, #tpu.memory_space<semaphore_mem>>) src(%arg13 : memref<128x64xf32, #tpu.memory_space<vmem>>) dst(%dma_wait3A_189 : memref<10240x64xf32, #tpu.memory_space<vmem_shared>>)
      %sub3A_190 = arith.constant 1 : i32
      %sub3A_191 = arith.subi %add3A_4, %sub3A_190 : i32
      %dma_wait3A_192 = arith.constant 0 : i32
      %dma_wait3A_193 = tpu.memref_slice %arg9[%sub3A_191, %dma_wait3A_192] : memref<157x128xi32, #tpu.memory_space<vmem>> -> memref<1x128xi32, #tpu.memory_space<vmem>>
      %dma_wait3A_194 = tpu.memref_squeeze %dma_wait3A_193 : memref<1x128xi32, #tpu.memory_space<vmem>> -> memref<128xi32, #tpu.memory_space<vmem>>
      %dma_wait3A_195 = arith.constant 0 : i32
      %dma_wait3A_196 = arith.constant 0 : i32
      %dma_wait3A_197 = tpu.memref_slice %arg7[%dma_wait3A_195, %dma_wait3A_196] : memref<10240x64xf32, #tpu.memory_space<vmem_shared>> -> memref<10240x64xf32, #tpu.memory_space<vmem_shared>>
      tpu.wait_indirect_dma semaphore(%arg19 : memref<!tpu.dma_semaphore, #tpu.memory_space<semaphore_mem>>) src(%arg10 : memref<128x64xf32, #tpu.memory_space<vmem>>) dst(%dma_wait3A_197 : memref<10240x64xf32, #tpu.memory_space<vmem_shared>>)
    } else {
    }
    %jit3A_116 = arith.constant 4 : i32
    %eq3A_117 = arith.constant 0 : i32
    %eq3A_118 = arith.cmpi eq, %jit3A_116, %eq3A_117 : i32
    %jit3A_119 = arith.constant 1 : i32
    %select_n3A_120 = arith.select %eq3A_118, %jit3A_119, %jit3A_116 : i32
    %rem3A_121 = arith.remsi %add3A_4, %select_n3A_120 : i32
    %ne3A_122 = arith.constant 0 : i32
    %ne3A_123 = arith.cmpi ne, %rem3A_121, %ne3A_122 : i32
    %lt3A_124 = arith.constant 0 : i32
    %lt3A_125 = arith.cmpi slt, %rem3A_121, %lt3A_124 : i32
    %lt3A_126 = arith.constant 0 : i32
    %lt3A_127 = arith.cmpi slt, %select_n3A_120, %lt3A_126 : i32
    %ne3A_128 = arith.xori %lt3A_125, %lt3A_127 : i1
    %and3A_129 = arith.andi %ne3A_128, %ne3A_123 : i1
    %add3A_130 = arith.addi %rem3A_121, %select_n3A_120 : i32
    %select_n3A_131 = arith.select %and3A_129, %add3A_130, %rem3A_121 : i32
    %eq3A_132 = arith.constant 2 : i32
    %eq3A_133 = arith.cmpi eq, %select_n3A_131, %eq3A_132 : i32
    %convert_element_type3A_134 = arith.extui %eq3A_133 : i1 to i32
    %cond3A_135 = arith.constant 0 : i32
    %cond3A_136 = arith.cmpi ne, %convert_element_type3A_134, %cond3A_135 : i32
    scf.if %cond3A_136 {
      %sub3A = arith.constant 4 : i32
      %sub3A_168 = arith.subi %add3A_4, %sub3A : i32
      %dma_wait3A = arith.constant 0 : i32
      %dma_wait3A_169 = tpu.memref_slice %arg9[%sub3A_168, %dma_wait3A] : memref<157x128xi32, #tpu.memory_space<vmem>> -> memref<1x128xi32, #tpu.memory_space<vmem>>
      %dma_wait3A_170 = tpu.memref_squeeze %dma_wait3A_169 : memref<1x128xi32, #tpu.memory_space<vmem>> -> memref<128xi32, #tpu.memory_space<vmem>>
      %dma_wait3A_171 = arith.constant 0 : i32
      %dma_wait3A_172 = arith.constant 0 : i32
      %dma_wait3A_173 = tpu.memref_slice %arg7[%dma_wait3A_171, %dma_wait3A_172] : memref<10240x64xf32, #tpu.memory_space<vmem_shared>> -> memref<10240x64xf32, #tpu.memory_space<vmem_shared>>
      tpu.wait_indirect_dma semaphore(%arg21 : memref<!tpu.dma_semaphore, #tpu.memory_space<semaphore_mem>>) src(%arg12 : memref<128x64xf32, #tpu.memory_space<vmem>>) dst(%dma_wait3A_173 : memref<10240x64xf32, #tpu.memory_space<vmem_shared>>)
      %sub3A_174 = arith.constant 3 : i32
      %sub3A_175 = arith.subi %add3A_4, %sub3A_174 : i32
      %dma_wait3A_176 = arith.constant 0 : i32
      %dma_wait3A_177 = tpu.memref_slice %arg9[%sub3A_175, %dma_wait3A_176] : memref<157x128xi32, #tpu.memory_space<vmem>> -> memref<1x128xi32, #tpu.memory_space<vmem>>
      %dma_wait3A_178 = tpu.memref_squeeze %dma_wait3A_177 : memref<1x128xi32, #tpu.memory_space<vmem>> -> memref<128xi32, #tpu.memory_space<vmem>>
      %dma_wait3A_179 = arith.constant 0 : i32
      %dma_wait3A_180 = arith.constant 0 : i32
      %dma_wait3A_181 = tpu.memref_slice %arg7[%dma_wait3A_179, %dma_wait3A_180] : memref<10240x64xf32, #tpu.memory_space<vmem_shared>> -> memref<10240x64xf32, #tpu.memory_space<vmem_shared>>
      tpu.wait_indirect_dma semaphore(%arg22 : memref<!tpu.dma_semaphore, #tpu.memory_space<semaphore_mem>>) src(%arg13 : memref<128x64xf32, #tpu.memory_space<vmem>>) dst(%dma_wait3A_181 : memref<10240x64xf32, #tpu.memory_space<vmem_shared>>)
      %sub3A_182 = arith.constant 2 : i32
      %sub3A_183 = arith.subi %add3A_4, %sub3A_182 : i32
      %dma_wait3A_184 = arith.constant 0 : i32
      %dma_wait3A_185 = tpu.memref_slice %arg9[%sub3A_183, %dma_wait3A_184] : memref<157x128xi32, #tpu.memory_space<vmem>> -> memref<1x128xi32, #tpu.memory_space<vmem>>
      %dma_wait3A_186 = tpu.memref_squeeze %dma_wait3A_185 : memref<1x128xi32, #tpu.memory_space<vmem>> -> memref<128xi32, #tpu.memory_space<vmem>>
      %dma_wait3A_187 = arith.constant 0 : i32
      %dma_wait3A_188 = arith.constant 0 : i32
      %dma_wait3A_189 = tpu.memref_slice %arg7[%dma_wait3A_187, %dma_wait3A_188] : memref<10240x64xf32, #tpu.memory_space<vmem_shared>> -> memref<10240x64xf32, #tpu.memory_space<vmem_shared>>
      tpu.wait_indirect_dma semaphore(%arg19 : memref<!tpu.dma_semaphore, #tpu.memory_space<semaphore_mem>>) src(%arg10 : memref<128x64xf32, #tpu.memory_space<vmem>>) dst(%dma_wait3A_189 : memref<10240x64xf32, #tpu.memory_space<vmem_shared>>)
      %sub3A_190 = arith.constant 1 : i32
      %sub3A_191 = arith.subi %add3A_4, %sub3A_190 : i32
      %dma_wait3A_192 = arith.constant 0 : i32
      %dma_wait3A_193 = tpu.memref_slice %arg9[%sub3A_191, %dma_wait3A_192] : memref<157x128xi32, #tpu.memory_space<vmem>> -> memref<1x128xi32, #tpu.memory_space<vmem>>
      %dma_wait3A_194 = tpu.memref_squeeze %dma_wait3A_193 : memref<1x128xi32, #tpu.memory_space<vmem>> -> memref<128xi32, #tpu.memory_space<vmem>>
      %dma_wait3A_195 = arith.constant 0 : i32
      %dma_wait3A_196 = arith.constant 0 : i32
      %dma_wait3A_197 = tpu.memref_slice %arg7[%dma_wait3A_195, %dma_wait3A_196] : memref<10240x64xf32, #tpu.memory_space<vmem_shared>> -> memref<10240x64xf32, #tpu.memory_space<vmem_shared>>
      tpu.wait_indirect_dma semaphore(%arg20 : memref<!tpu.dma_semaphore, #tpu.memory_space<semaphore_mem>>) src(%arg11 : memref<128x64xf32, #tpu.memory_space<vmem>>) dst(%dma_wait3A_197 : memref<10240x64xf32, #tpu.memory_space<vmem_shared>>)
    } else {
    }
    %jit3A_137 = arith.constant 4 : i32
    %eq3A_138 = arith.constant 0 : i32
    %eq3A_139 = arith.cmpi eq, %jit3A_137, %eq3A_138 : i32
    %jit3A_140 = arith.constant 1 : i32
    %select_n3A_141 = arith.select %eq3A_139, %jit3A_140, %jit3A_137 : i32
    %rem3A_142 = arith.remsi %add3A_4, %select_n3A_141 : i32
    %ne3A_143 = arith.constant 0 : i32
    %ne3A_144 = arith.cmpi ne, %rem3A_142, %ne3A_143 : i32
    %lt3A_145 = arith.constant 0 : i32
    %lt3A_146 = arith.cmpi slt, %rem3A_142, %lt3A_145 : i32
    %lt3A_147 = arith.constant 0 : i32
    %lt3A_148 = arith.cmpi slt, %select_n3A_141, %lt3A_147 : i32
    %ne3A_149 = arith.xori %lt3A_146, %lt3A_148 : i1
    %and3A_150 = arith.andi %ne3A_149, %ne3A_144 : i1
    %add3A_151 = arith.addi %rem3A_142, %select_n3A_141 : i32
    %select_n3A_152 = arith.select %and3A_150, %add3A_151, %rem3A_142 : i32
    %eq3A_153 = arith.constant 3 : i32
    %eq3A_154 = arith.cmpi eq, %select_n3A_152, %eq3A_153 : i32
    %convert_element_type3A_155 = arith.extui %eq3A_154 : i1 to i32
    %cond3A_156 = arith.constant 0 : i32
    %cond3A_157 = arith.cmpi ne, %convert_element_type3A_155, %cond3A_156 : i32
    scf.if %cond3A_157 {
      %sub3A = arith.constant 4 : i32
      %sub3A_168 = arith.subi %add3A_4, %sub3A : i32
      %dma_wait3A = arith.constant 0 : i32
      %dma_wait3A_169 = tpu.memref_slice %arg9[%sub3A_168, %dma_wait3A] : memref<157x128xi32, #tpu.memory_space<vmem>> -> memref<1x128xi32, #tpu.memory_space<vmem>>
      %dma_wait3A_170 = tpu.memref_squeeze %dma_wait3A_169 : memref<1x128xi32, #tpu.memory_space<vmem>> -> memref<128xi32, #tpu.memory_space<vmem>>
      %dma_wait3A_171 = arith.constant 0 : i32
      %dma_wait3A_172 = arith.constant 0 : i32
      %dma_wait3A_173 = tpu.memref_slice %arg7[%dma_wait3A_171, %dma_wait3A_172] : memref<10240x64xf32, #tpu.memory_space<vmem_shared>> -> memref<10240x64xf32, #tpu.memory_space<vmem_shared>>
      tpu.wait_indirect_dma semaphore(%arg22 : memref<!tpu.dma_semaphore, #tpu.memory_space<semaphore_mem>>) src(%arg13 : memref<128x64xf32, #tpu.memory_space<vmem>>) dst(%dma_wait3A_173 : memref<10240x64xf32, #tpu.memory_space<vmem_shared>>)
      %sub3A_174 = arith.constant 3 : i32
      %sub3A_175 = arith.subi %add3A_4, %sub3A_174 : i32
      %dma_wait3A_176 = arith.constant 0 : i32
      %dma_wait3A_177 = tpu.memref_slice %arg9[%sub3A_175, %dma_wait3A_176] : memref<157x128xi32, #tpu.memory_space<vmem>> -> memref<1x128xi32, #tpu.memory_space<vmem>>
      %dma_wait3A_178 = tpu.memref_squeeze %dma_wait3A_177 : memref<1x128xi32, #tpu.memory_space<vmem>> -> memref<128xi32, #tpu.memory_space<vmem>>
      %dma_wait3A_179 = arith.constant 0 : i32
      %dma_wait3A_180 = arith.constant 0 : i32
      %dma_wait3A_181 = tpu.memref_slice %arg7[%dma_wait3A_179, %dma_wait3A_180] : memref<10240x64xf32, #tpu.memory_space<vmem_shared>> -> memref<10240x64xf32, #tpu.memory_space<vmem_shared>>
      tpu.wait_indirect_dma semaphore(%arg19 : memref<!tpu.dma_semaphore, #tpu.memory_space<semaphore_mem>>) src(%arg10 : memref<128x64xf32, #tpu.memory_space<vmem>>) dst(%dma_wait3A_181 : memref<10240x64xf32, #tpu.memory_space<vmem_shared>>)
      %sub3A_182 = arith.constant 2 : i32
      %sub3A_183 = arith.subi %add3A_4, %sub3A_182 : i32
      %dma_wait3A_184 = arith.constant 0 : i32
      %dma_wait3A_185 = tpu.memref_slice %arg9[%sub3A_183, %dma_wait3A_184] : memref<157x128xi32, #tpu.memory_space<vmem>> -> memref<1x128xi32, #tpu.memory_space<vmem>>
      %dma_wait3A_186 = tpu.memref_squeeze %dma_wait3A_185 : memref<1x128xi32, #tpu.memory_space<vmem>> -> memref<128xi32, #tpu.memory_space<vmem>>
      %dma_wait3A_187 = arith.constant 0 : i32
      %dma_wait3A_188 = arith.constant 0 : i32
      %dma_wait3A_189 = tpu.memref_slice %arg7[%dma_wait3A_187, %dma_wait3A_188] : memref<10240x64xf32, #tpu.memory_space<vmem_shared>> -> memref<10240x64xf32, #tpu.memory_space<vmem_shared>>
      tpu.wait_indirect_dma semaphore(%arg20 : memref<!tpu.dma_semaphore, #tpu.memory_space<semaphore_mem>>) src(%arg11 : memref<128x64xf32, #tpu.memory_space<vmem>>) dst(%dma_wait3A_189 : memref<10240x64xf32, #tpu.memory_space<vmem_shared>>)
      %sub3A_190 = arith.constant 1 : i32
      %sub3A_191 = arith.subi %add3A_4, %sub3A_190 : i32
      %dma_wait3A_192 = arith.constant 0 : i32
      %dma_wait3A_193 = tpu.memref_slice %arg9[%sub3A_191, %dma_wait3A_192] : memref<157x128xi32, #tpu.memory_space<vmem>> -> memref<1x128xi32, #tpu.memory_space<vmem>>
      %dma_wait3A_194 = tpu.memref_squeeze %dma_wait3A_193 : memref<1x128xi32, #tpu.memory_space<vmem>> -> memref<128xi32, #tpu.memory_space<vmem>>
      %dma_wait3A_195 = arith.constant 0 : i32
      %dma_wait3A_196 = arith.constant 0 : i32
      %dma_wait3A_197 = tpu.memref_slice %arg7[%dma_wait3A_195, %dma_wait3A_196] : memref<10240x64xf32, #tpu.memory_space<vmem_shared>> -> memref<10240x64xf32, #tpu.memory_space<vmem_shared>>
      tpu.wait_indirect_dma semaphore(%arg21 : memref<!tpu.dma_semaphore, #tpu.memory_space<semaphore_mem>>) src(%arg12 : memref<128x64xf32, #tpu.memory_space<vmem>>) dst(%dma_wait3A_197 : memref<10240x64xf32, #tpu.memory_space<vmem_shared>>)
    } else {
    }
    %barrier3A_158 = arith.constant 0 : index
    tpu.barrier barrier_id(%barrier3A_158)
    %mul3A_159 = arith.constant 640 : i32
    %mul3A_160 = arith.muli %arg1, %mul3A_159 : i32
    %mul3A_161 = arith.constant 640 : i32
    %mul3A_162 = arith.muli %arg1, %mul3A_161 : i32
    "tpu.region"() ({
      %run_scoped3A = tpu.sem_alloc : memref<!tpu.dma_semaphore, #tpu.memory_space<semaphore_mem>>
      %dma_start3A_168 = arith.constant 0 : i32
      %dma_start3A_169 = tpu.memref_slice %arg5[%arg0, %mul3A_162, %dma_start3A_168] : memref<2x10240x64xf32, #tpu.memory_space<hbm>> -> memref<1x640x64xf32, #tpu.memory_space<hbm>>
      %dma_start3A_170 = tpu.memref_squeeze %dma_start3A_169 : memref<1x640x64xf32, #tpu.memory_space<hbm>> -> memref<640x64xf32, #tpu.memory_space<hbm>>
      %dma_start3A_171 = arith.constant 0 : i32
      %dma_start3A_172 = tpu.memref_slice %arg7[%mul3A_160, %dma_start3A_171] : memref<10240x64xf32, #tpu.memory_space<vmem_shared>> -> memref<640x64xf32, #tpu.memory_space<vmem_shared>>
      tpu.enqueue_dma source(%dma_start3A_172 : memref<640x64xf32, #tpu.memory_space<vmem_shared>>) target(%dma_start3A_170 : memref<640x64xf32, #tpu.memory_space<hbm>>) target_semaphore(%run_scoped3A : memref<!tpu.dma_semaphore, #tpu.memory_space<semaphore_mem>>)
      %dma_wait3A = arith.constant 0 : i32
      %dma_wait3A_173 = tpu.memref_slice %arg5[%arg0, %mul3A_162, %dma_wait3A] : memref<2x10240x64xf32, #tpu.memory_space<hbm>> -> memref<1x640x64xf32, #tpu.memory_space<hbm>>
      %dma_wait3A_174 = tpu.memref_squeeze %dma_wait3A_173 : memref<1x640x64xf32, #tpu.memory_space<hbm>> -> memref<640x64xf32, #tpu.memory_space<hbm>>
      %dma_wait3A_175 = arith.constant 0 : i32
      %dma_wait3A_176 = tpu.memref_slice %arg7[%mul3A_160, %dma_wait3A_175] : memref<10240x64xf32, #tpu.memory_space<vmem_shared>> -> memref<640x64xf32, #tpu.memory_space<vmem_shared>>
      tpu.wait_dma2 semaphore(%run_scoped3A : memref<!tpu.dma_semaphore, #tpu.memory_space<semaphore_mem>>) src(%dma_wait3A_176 : memref<640x64xf32, #tpu.memory_space<vmem_shared>>) dst(%dma_wait3A_174 : memref<640x64xf32, #tpu.memory_space<hbm>>)
      tpu.yield
    }) : () -> ()
    %eq3A_163 = arith.constant 0 : i32
    %eq3A_164 = arith.cmpi eq, %arg0, %eq3A_163 : i32
    %convert_element_type3A_165 = arith.extui %eq3A_164 : i1 to i32
    %cond3A_166 = arith.constant 0 : i32
    %cond3A_167 = arith.cmpi ne, %convert_element_type3A_165, %cond3A_166 : i32
    scf.if %cond3A_167 {
      "tpu.region"() ({
        %run_scoped3A = tpu.sem_alloc : memref<!tpu.dma_semaphore, #tpu.memory_space<semaphore_mem>>
        %dma_start3A_168 = arith.constant 0 : i32
        %dma_start3A_169 = tpu.memref_slice %arg6[%arg1, %dma_start3A_168] : memref<16x10240xf32, #tpu.memory_space<hbm>> -> memref<1x10240xf32, #tpu.memory_space<hbm>>
        %dma_start3A_170 = tpu.memref_squeeze %dma_start3A_169 : memref<1x10240xf32, #tpu.memory_space<hbm>> -> memref<10240xf32, #tpu.memory_space<hbm>>
        %dma_start3A_171 = arith.constant 0 : i32
        %dma_start3A_172 = tpu.memref_slice %arg6[%arg1, %dma_start3A_171] : memref<16x10240xf32, #tpu.memory_space<hbm>> -> memref<1x10240xf32, #tpu.memory_space<hbm>>
        %dma_start3A_173 = tpu.memref_squeeze %dma_start3A_172 : memref<1x10240xf32, #tpu.memory_space<hbm>> -> memref<10240xf32, #tpu.memory_space<hbm>>
        tpu.enqueue_dma source(%arg14 : memref<10240xf32, #tpu.memory_space<vmem>>) target(%dma_start3A_173 : memref<10240xf32, #tpu.memory_space<hbm>>) target_semaphore(%run_scoped3A : memref<!tpu.dma_semaphore, #tpu.memory_space<semaphore_mem>>)
        %dma_wait3A = arith.constant 0 : i32
        %dma_wait3A_174 = tpu.memref_slice %arg6[%arg1, %dma_wait3A] : memref<16x10240xf32, #tpu.memory_space<hbm>> -> memref<1x10240xf32, #tpu.memory_space<hbm>>
        %dma_wait3A_175 = tpu.memref_squeeze %dma_wait3A_174 : memref<1x10240xf32, #tpu.memory_space<hbm>> -> memref<10240xf32, #tpu.memory_space<hbm>>
        %dma_wait3A_176 = arith.constant 0 : i32
        %dma_wait3A_177 = tpu.memref_slice %arg6[%arg1, %dma_wait3A_176] : memref<16x10240xf32, #tpu.memory_space<hbm>> -> memref<1x10240xf32, #tpu.memory_space<hbm>>
        %dma_wait3A_178 = tpu.memref_squeeze %dma_wait3A_177 : memref<1x10240xf32, #tpu.memory_space<hbm>> -> memref<10240xf32, #tpu.memory_space<hbm>>
        tpu.wait_dma2 semaphore(%run_scoped3A : memref<!tpu.dma_semaphore, #tpu.memory_space<semaphore_mem>>) src(%arg14 : memref<10240xf32, #tpu.memory_space<vmem>>) dst(%dma_wait3A_178 : memref<10240xf32, #tpu.memory_space<hbm>>)
        tpu.yield
      }) : () -> ()
    } else {
    }
    return
  }
}

module attributes {stable_mosaic.version = 14 : i64} {
  func.func @_l1_body(%arg0: i32, %arg1: memref<2048x128xf32, #tpu.memory_space<vmem>>, %arg2: memref<128x128xf32, #tpu.memory_space<vmem>>, %arg3: memref<128x128xf32, #tpu.memory_space<vmem>>, %arg4: memref<1x128xf32, #tpu.memory_space<vmem>>, %arg5: memref<2x2048x64xf32, #tpu.memory_space<vmem>>, %arg6: memref<2048x128xf32, #tpu.memory_space<vmem>>) attributes {dimension_semantics = [#tpu.dimension_semantics<arbitrary>], iteration_bounds = array<i64: 5>, scalar_prefetch = 0 : i64, scratch_operands = 0 : i64, tpu.core_type = #tpu.core_type<tc>, window_params = [{transform_indices = @transform_0, window_bounds = array<i64: 2048, 128>}, {pipeline_mode = #tpu.pipeline_mode<synchronous>, transform_indices = @transform_1, window_bounds = array<i64: 128, 128>}, {pipeline_mode = #tpu.pipeline_mode<synchronous>, transform_indices = @transform_2, window_bounds = array<i64: 128, 128>}, {pipeline_mode = #tpu.pipeline_mode<synchronous>, transform_indices = @transform_3, window_bounds = array<i64: 1, 128>}, {transform_indices = @transform_4, window_bounds = array<i64: 2, 2048, 64>}, {transform_indices = @transform_5, window_bounds = array<i64: 2048, 128>}]} {
    %get3A = arith.constant 0 : index
    %get3A_0 = arith.constant 0 : index
    %get3A_1 = vector.load %arg1[%get3A, %get3A_0] : memref<2048x128xf32, #tpu.memory_space<vmem>>, vector<2048x128xf32>
    %get3A_2 = arith.constant 0 : index
    %get3A_3 = arith.constant 0 : index
    %get3A_4 = vector.load %arg2[%get3A_2, %get3A_3] : memref<128x128xf32, #tpu.memory_space<vmem>>, vector<128x128xf32>
    %dot_general3A = arith.constant dense<0.000000e+00> : vector<2048x128xf32>
    %dot_general3A_5 = tpu.matmul %get3A_1, %get3A_4, %dot_general3A {dimension_numbers = #tpu.dot_dimension_numbers<[1], [1], [0], [0], [0, 0, 1, 0], [], []>, transpose_lhs_hint = false} : vector<2048x128xf32>, vector<128x128xf32>, vector<2048x128xf32> -> vector<2048x128xf32>
    %slice3A = vector.extract_strided_slice %dot_general3A_5 {offsets = [0, 0], sizes = [2048, 64], strides = [1, 1]} : vector<2048x128xf32> to vector<2048x64xf32>
    %swap3A = arith.constant 0 : index
    %swap3A_6 = arith.constant 0 : index
    %swap3A_7 = arith.constant 0 : index
    %swap3A_8 = vector.load %arg5[%swap3A, %swap3A_6, %swap3A_7] : memref<2x2048x64xf32, #tpu.memory_space<vmem>>, vector<1x2048x64xf32>
    %swap3A_9 = vector.shape_cast %swap3A_8 : vector<1x2048x64xf32> to vector<2048x64xf32>
    %swap3A_10 = vector.shape_cast %slice3A : vector<2048x64xf32> to vector<1x2048x64xf32>
    tpu.vector_store %arg5[%swap3A, %swap3A_6, %swap3A_7], %swap3A_10 {strides = array<i32>} : memref<2x2048x64xf32, #tpu.memory_space<vmem>>, vector<1x2048x64xf32>,
    %slice3A_11 = vector.extract_strided_slice %dot_general3A_5 {offsets = [0, 64], sizes = [2048, 64], strides = [1, 1]} : vector<2048x128xf32> to vector<2048x64xf32>
    %swap3A_12 = arith.constant 1 : index
    %swap3A_13 = arith.constant 0 : index
    %swap3A_14 = arith.constant 0 : index
    %swap3A_15 = vector.load %arg5[%swap3A_12, %swap3A_13, %swap3A_14] : memref<2x2048x64xf32, #tpu.memory_space<vmem>>, vector<1x2048x64xf32>
    %swap3A_16 = vector.shape_cast %swap3A_15 : vector<1x2048x64xf32> to vector<2048x64xf32>
    %swap3A_17 = vector.shape_cast %slice3A_11 : vector<2048x64xf32> to vector<1x2048x64xf32>
    tpu.vector_store %arg5[%swap3A_12, %swap3A_13, %swap3A_14], %swap3A_17 {strides = array<i32>} : memref<2x2048x64xf32, #tpu.memory_space<vmem>>, vector<1x2048x64xf32>,
    %get3A_18 = arith.constant 0 : index
    %get3A_19 = arith.constant 0 : index
    %get3A_20 = vector.load %arg3[%get3A_18, %get3A_19] : memref<128x128xf32, #tpu.memory_space<vmem>>, vector<128x128xf32>
    %dot_general3A_21 = arith.constant dense<0.000000e+00> : vector<2048x128xf32>
    %dot_general3A_22 = tpu.matmul %get3A_1, %get3A_20, %dot_general3A_21 {dimension_numbers = #tpu.dot_dimension_numbers<[1], [1], [0], [0], [0, 0, 1, 0], [], []>, transpose_lhs_hint = false} : vector<2048x128xf32>, vector<128x128xf32>, vector<2048x128xf32> -> vector<2048x128xf32>
    %get3A_23 = arith.constant 0 : index
    %get3A_24 = arith.constant 0 : index
    %get3A_25 = vector.load %arg4[%get3A_23, %get3A_24] : memref<1x128xf32, #tpu.memory_space<vmem>>, vector<1x128xf32>
    %add3A = vector.broadcast %get3A_25 : vector<1x128xf32> to vector<2048x128xf32>
    %add3A_26 = arith.addf %dot_general3A_22, %add3A : vector<2048x128xf32>
    %swap3A_27 = arith.constant 0 : index
    %swap3A_28 = arith.constant 0 : index
    %swap3A_29 = vector.load %arg6[%swap3A_27, %swap3A_28] : memref<2048x128xf32, #tpu.memory_space<vmem>>, vector<2048x128xf32>
    tpu.vector_store %arg6[%swap3A_27, %swap3A_28], %add3A_26 {strides = array<i32>} : memref<2048x128xf32, #tpu.memory_space<vmem>>, vector<2048x128xf32>,
    return
  }
  func.func @transform_0(%arg0: i32) -> (i32, i32) {
    %c0_i32 = arith.constant 0 : i32
    %c0_i32_0 = arith.constant 0 : i32
    return %arg0, %c0_i32 : i32, i32
  }
  func.func @transform_1(%arg0: i32) -> (i32, i32) {
    %c0_i32 = arith.constant 0 : i32
    %c0_i32_0 = arith.constant 0 : i32
    %c0_i32_1 = arith.constant 0 : i32
    return %c0_i32, %c0_i32_0 : i32, i32
  }
  func.func @transform_2(%arg0: i32) -> (i32, i32) {
    %c0_i32 = arith.constant 0 : i32
    %c0_i32_0 = arith.constant 0 : i32
    %c0_i32_1 = arith.constant 0 : i32
    return %c0_i32, %c0_i32_0 : i32, i32
  }
  func.func @transform_3(%arg0: i32) -> (i32, i32) {
    %c0_i32 = arith.constant 0 : i32
    %c0_i32_0 = arith.constant 0 : i32
    %c0_i32_1 = arith.constant 0 : i32
    return %c0_i32, %c0_i32_0 : i32, i32
  }
  func.func @transform_4(%arg0: i32) -> (i32, i32, i32) {
    %c0_i32 = arith.constant 0 : i32
    %c0_i32_0 = arith.constant 0 : i32
    %c0_i32_1 = arith.constant 0 : i32
    return %c0_i32, %arg0, %c0_i32_0 : i32, i32, i32
  }
  func.func @transform_5(%arg0: i32) -> (i32, i32) {
    %c0_i32 = arith.constant 0 : i32
    %c0_i32_0 = arith.constant 0 : i32
    return %arg0, %c0_i32 : i32, i32
  }
}

module attributes {stable_mosaic.version = 14 : i64} {
  func.func @_mid_body(%arg0: i32, %arg1: memref<2x2048x64xf32, #tpu.memory_space<vmem>>, %arg2: memref<2048x128xf32, #tpu.memory_space<vmem>>, %arg3: memref<16x2048xf32, #tpu.memory_space<vmem>>, %arg4: memref<1x1xf32, #tpu.memory_space<vmem>>, %arg5: memref<128x128xf32, #tpu.memory_space<vmem>>, %arg6: memref<128x128xf32, #tpu.memory_space<vmem>>, %arg7: memref<1x128xf32, #tpu.memory_space<vmem>>, %arg8: memref<2x2048x64xf32, #tpu.memory_space<vmem>>, %arg9: memref<2048x128xf32, #tpu.memory_space<vmem>>) attributes {dimension_semantics = [#tpu.dimension_semantics<arbitrary>], iteration_bounds = array<i64: 5>, scalar_prefetch = 0 : i64, scratch_operands = 0 : i64, tpu.core_type = #tpu.core_type<tc>, window_params = [{transform_indices = @transform_0, window_bounds = array<i64: 2, 2048, 64>}, {transform_indices = @transform_1, window_bounds = array<i64: 2048, 128>}, {transform_indices = @transform_2, window_bounds = array<i64: 16, 2048>}, {pipeline_mode = #tpu.pipeline_mode<synchronous>, transform_indices = @transform_3, window_bounds = array<i64: 1, 1>}, {pipeline_mode = #tpu.pipeline_mode<synchronous>, transform_indices = @transform_4, window_bounds = array<i64: 128, 128>}, {pipeline_mode = #tpu.pipeline_mode<synchronous>, transform_indices = @transform_5, window_bounds = array<i64: 128, 128>}, {pipeline_mode = #tpu.pipeline_mode<synchronous>, transform_indices = @transform_6, window_bounds = array<i64: 1, 128>}, {transform_indices = @transform_7, window_bounds = array<i64: 2, 2048, 64>}, {transform_indices = @transform_8, window_bounds = array<i64: 2048, 128>}]} {
    %get3A = arith.constant 0 : index
    %get3A_0 = arith.constant 0 : index
    %get3A_1 = arith.constant 0 : index
    %get3A_2 = vector.load %arg1[%get3A, %get3A_0, %get3A_1] : memref<2x2048x64xf32, #tpu.memory_space<vmem>>, vector<1x2048x64xf32>
    %get3A_3 = vector.shape_cast %get3A_2 : vector<1x2048x64xf32> to vector<2048x64xf32>
    %get3A_4 = arith.constant 1 : index
    %get3A_5 = arith.constant 0 : index
    %get3A_6 = arith.constant 0 : index
    %get3A_7 = vector.load %arg1[%get3A_4, %get3A_5, %get3A_6] : memref<2x2048x64xf32, #tpu.memory_space<vmem>>, vector<1x2048x64xf32>
    %get3A_8 = vector.shape_cast %get3A_7 : vector<1x2048x64xf32> to vector<2048x64xf32>
    %concatenate3A = tpu.concatenate %get3A_3, %get3A_8 in 1 : vector<2048x64xf32>, vector<2048x64xf32> -> vector<2048x128xf32>
    %get3A_9 = arith.constant 0 : index
    %get3A_10 = arith.constant 0 : index
    %get3A_11 = vector.load %arg3[%get3A_9, %get3A_10] : memref<16x2048xf32, #tpu.memory_space<vmem>>, vector<16x2048xf32>
    %reduce_sum3A = arith.constant dense<0.000000e+00> : vector<2048xf32>
    %reduce_sum3A_12 = vector.multi_reduction <add>, %get3A_11, %reduce_sum3A [0] : vector<16x2048xf32> to vector<2048xf32>
    %broadcast_in_dim3A = vector.shape_cast %reduce_sum3A_12 : vector<2048xf32> to vector<1x2048xf32>
    %max3A = arith.constant 1.000000e+00 : f32
    %max3A_13 = vector.broadcast %max3A : f32 to vector<1x2048xf32>
    %max3A_14 = arith.maximumf %broadcast_in_dim3A, %max3A_13 : vector<1x2048xf32>
    %div3A = arith.constant 1.000000e+00 : f32
    %div3A_15 = vector.broadcast %div3A : f32 to vector<1x2048xf32>
    %div3A_16 = arith.divf %div3A_15, %max3A_14 : vector<1x2048xf32>
    %transpose3A = tpu.transpose %div3A_16, [1, 0] : vector<1x2048xf32> -> vector<2048x1xf32>
    %mul3A = vector.broadcast %transpose3A : vector<2048x1xf32> to vector<2048x128xf32>
    %mul3A_17 = arith.mulf %concatenate3A, %mul3A : vector<2048x128xf32>
    %get3A_18 = arith.constant 0 : index
    %get3A_19 = arith.constant 0 : index
    %get3A_20 = vector.load %arg2[%get3A_18, %get3A_19] : memref<2048x128xf32, #tpu.memory_space<vmem>>, vector<2048x128xf32>
    %add3A = arith.addf %mul3A_17, %get3A_20 : vector<2048x128xf32>
    %ge3A = arith.constant 0.000000e+00 : f32
    %ge3A_21 = vector.broadcast %ge3A : f32 to vector<2048x128xf32>
    %ge3A_22 = arith.cmpf oge, %add3A, %ge3A_21 : vector<2048x128xf32>
    %get3A_23 = arith.constant 0 : index
    %get3A_24 = arith.constant 0 : index
    %get3A_25 = vector.load %arg4[%get3A_23, %get3A_24] : memref<1x1xf32, #tpu.memory_space<vmem>>, vector<1x1xf32>
    %mul3A_26 = vector.broadcast %get3A_25 : vector<1x1xf32> to vector<2048x128xf32>
    %mul3A_27 = arith.mulf %mul3A_26, %add3A : vector<2048x128xf32>
    %select_n3A = arith.select %ge3A_22, %add3A, %mul3A_27 : vector<2048x128xi1>, vector<2048x128xf32>
    %get3A_28 = arith.constant 0 : index
    %get3A_29 = arith.constant 0 : index
    %get3A_30 = vector.load %arg5[%get3A_28, %get3A_29] : memref<128x128xf32, #tpu.memory_space<vmem>>, vector<128x128xf32>
    %dot_general3A = arith.constant dense<0.000000e+00> : vector<2048x128xf32>
    %dot_general3A_31 = tpu.matmul %select_n3A, %get3A_30, %dot_general3A {dimension_numbers = #tpu.dot_dimension_numbers<[1], [1], [0], [0], [0, 0, 1, 0], [], []>, transpose_lhs_hint = false} : vector<2048x128xf32>, vector<128x128xf32>, vector<2048x128xf32> -> vector<2048x128xf32>
    %slice3A = vector.extract_strided_slice %dot_general3A_31 {offsets = [0, 0], sizes = [2048, 64], strides = [1, 1]} : vector<2048x128xf32> to vector<2048x64xf32>
    %swap3A = arith.constant 0 : index
    %swap3A_32 = arith.constant 0 : index
    %swap3A_33 = arith.constant 0 : index
    %swap3A_34 = vector.load %arg8[%swap3A, %swap3A_32, %swap3A_33] : memref<2x2048x64xf32, #tpu.memory_space<vmem>>, vector<1x2048x64xf32>
    %swap3A_35 = vector.shape_cast %swap3A_34 : vector<1x2048x64xf32> to vector<2048x64xf32>
    %swap3A_36 = vector.shape_cast %slice3A : vector<2048x64xf32> to vector<1x2048x64xf32>
    tpu.vector_store %arg8[%swap3A, %swap3A_32, %swap3A_33], %swap3A_36 {strides = array<i32>} : memref<2x2048x64xf32, #tpu.memory_space<vmem>>, vector<1x2048x64xf32>,
    %slice3A_37 = vector.extract_strided_slice %dot_general3A_31 {offsets = [0, 64], sizes = [2048, 64], strides = [1, 1]} : vector<2048x128xf32> to vector<2048x64xf32>
    %swap3A_38 = arith.constant 1 : index
    %swap3A_39 = arith.constant 0 : index
    %swap3A_40 = arith.constant 0 : index
    %swap3A_41 = vector.load %arg8[%swap3A_38, %swap3A_39, %swap3A_40] : memref<2x2048x64xf32, #tpu.memory_space<vmem>>, vector<1x2048x64xf32>
    %swap3A_42 = vector.shape_cast %swap3A_41 : vector<1x2048x64xf32> to vector<2048x64xf32>
    %swap3A_43 = vector.shape_cast %slice3A_37 : vector<2048x64xf32> to vector<1x2048x64xf32>
    tpu.vector_store %arg8[%swap3A_38, %swap3A_39, %swap3A_40], %swap3A_43 {strides = array<i32>} : memref<2x2048x64xf32, #tpu.memory_space<vmem>>, vector<1x2048x64xf32>,
    %get3A_44 = arith.constant 0 : index
    %get3A_45 = arith.constant 0 : index
    %get3A_46 = vector.load %arg6[%get3A_44, %get3A_45] : memref<128x128xf32, #tpu.memory_space<vmem>>, vector<128x128xf32>
    %dot_general3A_47 = arith.constant dense<0.000000e+00> : vector<2048x128xf32>
    %dot_general3A_48 = tpu.matmul %select_n3A, %get3A_46, %dot_general3A_47 {dimension_numbers = #tpu.dot_dimension_numbers<[1], [1], [0], [0], [0, 0, 1, 0], [], []>, transpose_lhs_hint = false} : vector<2048x128xf32>, vector<128x128xf32>, vector<2048x128xf32> -> vector<2048x128xf32>
    %get3A_49 = arith.constant 0 : index
    %get3A_50 = arith.constant 0 : index
    %get3A_51 = vector.load %arg7[%get3A_49, %get3A_50] : memref<1x128xf32, #tpu.memory_space<vmem>>, vector<1x128xf32>
    %add3A_52 = vector.broadcast %get3A_51 : vector<1x128xf32> to vector<2048x128xf32>
    %add3A_53 = arith.addf %dot_general3A_48, %add3A_52 : vector<2048x128xf32>
    %swap3A_54 = arith.constant 0 : index
    %swap3A_55 = arith.constant 0 : index
    %swap3A_56 = vector.load %arg9[%swap3A_54, %swap3A_55] : memref<2048x128xf32, #tpu.memory_space<vmem>>, vector<2048x128xf32>
    tpu.vector_store %arg9[%swap3A_54, %swap3A_55], %add3A_53 {strides = array<i32>} : memref<2048x128xf32, #tpu.memory_space<vmem>>, vector<2048x128xf32>,
    return
  }
  func.func @transform_0(%arg0: i32) -> (i32, i32, i32) {
    %c0_i32 = arith.constant 0 : i32
    %c0_i32_0 = arith.constant 0 : i32
    %c0_i32_1 = arith.constant 0 : i32
    return %c0_i32, %arg0, %c0_i32_0 : i32, i32, i32
  }
  func.func @transform_1(%arg0: i32) -> (i32, i32) {
    %c0_i32 = arith.constant 0 : i32
    %c0_i32_0 = arith.constant 0 : i32
    return %arg0, %c0_i32 : i32, i32
  }
  func.func @transform_2(%arg0: i32) -> (i32, i32) {
    %c0_i32 = arith.constant 0 : i32
    %c0_i32_0 = arith.constant 0 : i32
    return %c0_i32, %arg0 : i32, i32
  }
  func.func @transform_3(%arg0: i32) -> (i32, i32) {
    %c0_i32 = arith.constant 0 : i32
    %c0_i32_0 = arith.constant 0 : i32
    %c0_i32_1 = arith.constant 0 : i32
    return %c0_i32, %c0_i32_0 : i32, i32
  }
  func.func @transform_4(%arg0: i32) -> (i32, i32) {
    %c0_i32 = arith.constant 0 : i32
    %c0_i32_0 = arith.constant 0 : i32
    %c0_i32_1 = arith.constant 0 : i32
    return %c0_i32, %c0_i32_0 : i32, i32
  }
  func.func @transform_5(%arg0: i32) -> (i32, i32) {
    %c0_i32 = arith.constant 0 : i32
    %c0_i32_0 = arith.constant 0 : i32
    %c0_i32_1 = arith.constant 0 : i32
    return %c0_i32, %c0_i32_0 : i32, i32
  }
  func.func @transform_6(%arg0: i32) -> (i32, i32) {
    %c0_i32 = arith.constant 0 : i32
    %c0_i32_0 = arith.constant 0 : i32
    %c0_i32_1 = arith.constant 0 : i32
    return %c0_i32, %c0_i32_0 : i32, i32
  }
  func.func @transform_7(%arg0: i32) -> (i32, i32, i32) {
    %c0_i32 = arith.constant 0 : i32
    %c0_i32_0 = arith.constant 0 : i32
    %c0_i32_1 = arith.constant 0 : i32
    return %c0_i32, %arg0, %c0_i32_0 : i32, i32, i32
  }
  func.func @transform_8(%arg0: i32) -> (i32, i32) {
    %c0_i32 = arith.constant 0 : i32
    %c0_i32_0 = arith.constant 0 : i32
    return %arg0, %c0_i32 : i32, i32
  }
}

module attributes {stable_mosaic.version = 14 : i64} {
  func.func @_head_body(%arg0: i32, %arg1: memref<2x2048x64xf32, #tpu.memory_space<vmem>>, %arg2: memref<2048x128xf32, #tpu.memory_space<vmem>>, %arg3: memref<16x2048xf32, #tpu.memory_space<vmem>>, %arg4: memref<1x1xf32, #tpu.memory_space<vmem>>, %arg5: memref<2x128xf32, #tpu.memory_space<vmem>>, %arg6: memref<2x2048xf32, #tpu.memory_space<vmem>>) attributes {dimension_semantics = [#tpu.dimension_semantics<arbitrary>], iteration_bounds = array<i64: 5>, scalar_prefetch = 0 : i64, scratch_operands = 0 : i64, tpu.core_type = #tpu.core_type<tc>, window_params = [{transform_indices = @transform_0, window_bounds = array<i64: 2, 2048, 64>}, {transform_indices = @transform_1, window_bounds = array<i64: 2048, 128>}, {transform_indices = @transform_2, window_bounds = array<i64: 16, 2048>}, {pipeline_mode = #tpu.pipeline_mode<synchronous>, transform_indices = @transform_3, window_bounds = array<i64: 1, 1>}, {pipeline_mode = #tpu.pipeline_mode<synchronous>, transform_indices = @transform_4, window_bounds = array<i64: 2, 128>}, {transform_indices = @transform_5, window_bounds = array<i64: 2, 2048>}]} {
    %get3A = arith.constant 0 : index
    %get3A_0 = arith.constant 0 : index
    %get3A_1 = arith.constant 0 : index
    %get3A_2 = vector.load %arg1[%get3A, %get3A_0, %get3A_1] : memref<2x2048x64xf32, #tpu.memory_space<vmem>>, vector<1x2048x64xf32>
    %get3A_3 = vector.shape_cast %get3A_2 : vector<1x2048x64xf32> to vector<2048x64xf32>
    %get3A_4 = arith.constant 1 : index
    %get3A_5 = arith.constant 0 : index
    %get3A_6 = arith.constant 0 : index
    %get3A_7 = vector.load %arg1[%get3A_4, %get3A_5, %get3A_6] : memref<2x2048x64xf32, #tpu.memory_space<vmem>>, vector<1x2048x64xf32>
    %get3A_8 = vector.shape_cast %get3A_7 : vector<1x2048x64xf32> to vector<2048x64xf32>
    %concatenate3A = tpu.concatenate %get3A_3, %get3A_8 in 1 : vector<2048x64xf32>, vector<2048x64xf32> -> vector<2048x128xf32>
    %get3A_9 = arith.constant 0 : index
    %get3A_10 = arith.constant 0 : index
    %get3A_11 = vector.load %arg3[%get3A_9, %get3A_10] : memref<16x2048xf32, #tpu.memory_space<vmem>>, vector<16x2048xf32>
    %reduce_sum3A = arith.constant dense<0.000000e+00> : vector<2048xf32>
    %reduce_sum3A_12 = vector.multi_reduction <add>, %get3A_11, %reduce_sum3A [0] : vector<16x2048xf32> to vector<2048xf32>
    %broadcast_in_dim3A = vector.shape_cast %reduce_sum3A_12 : vector<2048xf32> to vector<1x2048xf32>
    %max3A = arith.constant 1.000000e+00 : f32
    %max3A_13 = vector.broadcast %max3A : f32 to vector<1x2048xf32>
    %max3A_14 = arith.maximumf %broadcast_in_dim3A, %max3A_13 : vector<1x2048xf32>
    %div3A = arith.constant 1.000000e+00 : f32
    %div3A_15 = vector.broadcast %div3A : f32 to vector<1x2048xf32>
    %div3A_16 = arith.divf %div3A_15, %max3A_14 : vector<1x2048xf32>
    %transpose3A = tpu.transpose %div3A_16, [1, 0] : vector<1x2048xf32> -> vector<2048x1xf32>
    %mul3A = vector.broadcast %transpose3A : vector<2048x1xf32> to vector<2048x128xf32>
    %mul3A_17 = arith.mulf %concatenate3A, %mul3A : vector<2048x128xf32>
    %get3A_18 = arith.constant 0 : index
    %get3A_19 = arith.constant 0 : index
    %get3A_20 = vector.load %arg2[%get3A_18, %get3A_19] : memref<2048x128xf32, #tpu.memory_space<vmem>>, vector<2048x128xf32>
    %add3A = arith.addf %mul3A_17, %get3A_20 : vector<2048x128xf32>
    %ge3A = arith.constant 0.000000e+00 : f32
    %ge3A_21 = vector.broadcast %ge3A : f32 to vector<2048x128xf32>
    %ge3A_22 = arith.cmpf oge, %add3A, %ge3A_21 : vector<2048x128xf32>
    %get3A_23 = arith.constant 0 : index
    %get3A_24 = arith.constant 0 : index
    %get3A_25 = vector.load %arg4[%get3A_23, %get3A_24] : memref<1x1xf32, #tpu.memory_space<vmem>>, vector<1x1xf32>
    %mul3A_26 = vector.broadcast %get3A_25 : vector<1x1xf32> to vector<2048x128xf32>
    %mul3A_27 = arith.mulf %mul3A_26, %add3A : vector<2048x128xf32>
    %select_n3A = arith.select %ge3A_22, %add3A, %mul3A_27 : vector<2048x128xi1>, vector<2048x128xf32>
    %get3A_28 = arith.constant 0 : index
    %get3A_29 = arith.constant 0 : index
    %get3A_30 = vector.load %arg5[%get3A_28, %get3A_29] : memref<2x128xf32, #tpu.memory_space<vmem>>, vector<2x128xf32>
    %dot_general3A = arith.constant dense<0.000000e+00> : vector<2x2048xf32>
    %dot_general3A_31 = tpu.matmul %get3A_30, %select_n3A, %dot_general3A {dimension_numbers = #tpu.dot_dimension_numbers<[1], [1], [0], [0], [0, 0, 1, 0], [], []>, transpose_lhs_hint = false} : vector<2x128xf32>, vector<2048x128xf32>, vector<2x2048xf32> -> vector<2x2048xf32>
    %swap3A = arith.constant 0 : index
    %swap3A_32 = arith.constant 0 : index
    %swap3A_33 = vector.load %arg6[%swap3A, %swap3A_32] : memref<2x2048xf32, #tpu.memory_space<vmem>>, vector<2x2048xf32>
    tpu.vector_store %arg6[%swap3A, %swap3A_32], %dot_general3A_31 {strides = array<i32>} : memref<2x2048xf32, #tpu.memory_space<vmem>>, vector<2x2048xf32>,
    return
  }
  func.func @transform_0(%arg0: i32) -> (i32, i32, i32) {
    %c0_i32 = arith.constant 0 : i32
    %c0_i32_0 = arith.constant 0 : i32
    %c0_i32_1 = arith.constant 0 : i32
    return %c0_i32, %arg0, %c0_i32_0 : i32, i32, i32
  }
  func.func @transform_1(%arg0: i32) -> (i32, i32) {
    %c0_i32 = arith.constant 0 : i32
    %c0_i32_0 = arith.constant 0 : i32
    return %arg0, %c0_i32 : i32, i32
  }
  func.func @transform_2(%arg0: i32) -> (i32, i32) {
    %c0_i32 = arith.constant 0 : i32
    %c0_i32_0 = arith.constant 0 : i32
    return %c0_i32, %arg0 : i32, i32
  }
  func.func @transform_3(%arg0: i32) -> (i32, i32) {
    %c0_i32 = arith.constant 0 : i32
    %c0_i32_0 = arith.constant 0 : i32
    %c0_i32_1 = arith.constant 0 : i32
    return %c0_i32, %c0_i32_0 : i32, i32
  }
  func.func @transform_4(%arg0: i32) -> (i32, i32) {
    %c0_i32 = arith.constant 0 : i32
    %c0_i32_0 = arith.constant 0 : i32
    %c0_i32_1 = arith.constant 0 : i32
    return %c0_i32, %c0_i32_0 : i32, i32
  }
  func.func @transform_5(%arg0: i32) -> (i32, i32) {
    %c0_i32 = arith.constant 0 : i32
    %c0_i32_0 = arith.constant 0 : i32
    return %c0_i32, %arg0 : i32, i32
  }
}

module attributes {stable_mosaic.version = 14 : i64} {
  func.func @_final_body(%arg0: i32, %arg1: memref<32x2048xf32, #tpu.memory_space<vmem>>, %arg2: memref<1x2048xf32, #tpu.memory_space<vmem>>, %arg3: memref<16x2048xf32, #tpu.memory_space<vmem>>, %arg4: memref<1x1xf32, #tpu.memory_space<vmem>>, %arg5: memref<1x2048xf32, #tpu.memory_space<vmem>>) attributes {dimension_semantics = [#tpu.dimension_semantics<arbitrary>], iteration_bounds = array<i64: 5>, scalar_prefetch = 0 : i64, scratch_operands = 0 : i64, tpu.core_type = #tpu.core_type<tc>, window_params = [{transform_indices = @transform_0, window_bounds = array<i64: 32, 2048>}, {transform_indices = @transform_1, window_bounds = array<i64: 1, 2048>}, {transform_indices = @transform_2, window_bounds = array<i64: 16, 2048>}, {pipeline_mode = #tpu.pipeline_mode<synchronous>, transform_indices = @transform_3, window_bounds = array<i64: 1, 1>}, {transform_indices = @transform_4, window_bounds = array<i64: 1, 2048>}]} {
    %get3A = arith.constant 0 : index
    %get3A_0 = arith.constant 0 : index
    %get3A_1 = vector.load %arg1[%get3A, %get3A_0] : memref<32x2048xf32, #tpu.memory_space<vmem>>, vector<32x2048xf32>
    %reduce_sum3A = arith.constant dense<0.000000e+00> : vector<2048xf32>
    %reduce_sum3A_2 = vector.multi_reduction <add>, %get3A_1, %reduce_sum3A [0] : vector<32x2048xf32> to vector<2048xf32>
    %broadcast_in_dim3A = vector.shape_cast %reduce_sum3A_2 : vector<2048xf32> to vector<1x2048xf32>
    %get3A_3 = arith.constant 0 : index
    %get3A_4 = arith.constant 0 : index
    %get3A_5 = vector.load %arg3[%get3A_3, %get3A_4] : memref<16x2048xf32, #tpu.memory_space<vmem>>, vector<16x2048xf32>
    %reduce_sum3A_6 = arith.constant dense<0.000000e+00> : vector<2048xf32>
    %reduce_sum3A_7 = vector.multi_reduction <add>, %get3A_5, %reduce_sum3A_6 [0] : vector<16x2048xf32> to vector<2048xf32>
    %broadcast_in_dim3A_8 = vector.shape_cast %reduce_sum3A_7 : vector<2048xf32> to vector<1x2048xf32>
    %max3A = arith.constant 1.000000e+00 : f32
    %max3A_9 = vector.broadcast %max3A : f32 to vector<1x2048xf32>
    %max3A_10 = arith.maximumf %broadcast_in_dim3A_8, %max3A_9 : vector<1x2048xf32>
    %div3A = arith.constant 1.000000e+00 : f32
    %div3A_11 = vector.broadcast %div3A : f32 to vector<1x2048xf32>
    %div3A_12 = arith.divf %div3A_11, %max3A_10 : vector<1x2048xf32>
    %mul3A = arith.mulf %broadcast_in_dim3A, %div3A_12 : vector<1x2048xf32>
    %get3A_13 = arith.constant 0 : index
    %get3A_14 = arith.constant 0 : index
    %get3A_15 = vector.load %arg2[%get3A_13, %get3A_14] : memref<1x2048xf32, #tpu.memory_space<vmem>>, vector<1x2048xf32>
    %add3A = arith.addf %mul3A, %get3A_15 : vector<1x2048xf32>
    %get3A_16 = arith.constant 0 : index
    %get3A_17 = arith.constant 0 : index
    %get3A_18 = vector.load %arg4[%get3A_16, %get3A_17] : memref<1x1xf32, #tpu.memory_space<vmem>>, vector<1x1xf32>
    %add3A_19 = vector.broadcast %get3A_18 : vector<1x1xf32> to vector<1x2048xf32>
    %add3A_20 = arith.addf %add3A, %add3A_19 : vector<1x2048xf32>
    %swap3A = arith.constant 0 : index
    %swap3A_21 = arith.constant 0 : index
    %swap3A_22 = vector.load %arg5[%swap3A, %swap3A_21] : memref<1x2048xf32, #tpu.memory_space<vmem>>, vector<1x2048xf32>
    tpu.vector_store %arg5[%swap3A, %swap3A_21], %add3A_20 {strides = array<i32>} : memref<1x2048xf32, #tpu.memory_space<vmem>>, vector<1x2048xf32>,
    return
  }
  func.func @transform_0(%arg0: i32) -> (i32, i32) {
    %c0_i32 = arith.constant 0 : i32
    %c0_i32_0 = arith.constant 0 : i32
    return %c0_i32, %arg0 : i32, i32
  }
  func.func @transform_1(%arg0: i32) -> (i32, i32) {
    %c0_i32 = arith.constant 0 : i32
    %c0_i32_0 = arith.constant 0 : i32
    return %c0_i32, %arg0 : i32, i32
  }
  func.func @transform_2(%arg0: i32) -> (i32, i32) {
    %c0_i32 = arith.constant 0 : i32
    %c0_i32_0 = arith.constant 0 : i32
    return %c0_i32, %arg0 : i32, i32
  }
  func.func @transform_3(%arg0: i32) -> (i32, i32) {
    %c0_i32 = arith.constant 0 : i32
    %c0_i32_0 = arith.constant 0 : i32
    %c0_i32_1 = arith.constant 0 : i32
    return %c0_i32, %c0_i32_0 : i32, i32
  }
  func.func @transform_4(%arg0: i32) -> (i32, i32) {
    %c0_i32 = arith.constant 0 : i32
    %c0_i32_0 = arith.constant 0 : i32
    return %c0_i32, %arg0 : i32, i32
  }
}

</mosaic_0001>

<sc_bundles>
// kernel: kernel.12.cloned.1.call-start
scs
__scs_entry_jumppad:
0x0: {  	(pc) =	sbr.rel $0x88, $3  }
0x1: {  	(tag) =	ssettag $0x0;
	lr =	simm.s32 $0x1  }
0x2: {  	[smem:$0x3F93] =	sst lr;
	_ =	strace $0xD0000000  }
0x3: {  	_ = 	snop  }
0x4: {  	_ = 	snop  }
0x5: {  	_ = 	snop  }
0x6: {  	_ = 	snop  }
0x7: {  	_ = 	snop  }
__scs_overlays_trampoline_lowered:
0x8: {  	[smem:$0x3FA2] =	sst s0  }
0x9: {  	[smem:$0x3FA3] =	sst s1  }
0xa: {  	[smem:$0x3FA4] =	sst s2  }
0xb: {  	[smem:$0x3FA5] =	sst s3  }
0xc: {  	[smem:$0x3FA6] =	sst s4  }
0xd: {  	[smem:$0x3FA7] =	sst s5  }
0xe: {  	[smem:$0x3FA8] =	sst s6  }
0xf: {  	[smem:$0x3FA9] =	sst s7  }
0x10: {  	[smem:$0x3FAA] =	sst s8  }
0x11: {  	[smem:$0x3FAB] =	sst s9;
	s0 =	simm.s32 @!p0 $0x0  }
0x12: {  	s1 =	sld [smem:$0x3F91];
	s0 =	simm.s32 @p0 $0x1  }
0x13: {  	[smem:$0x3FAC] =	sst s0;
	s0 =	simm.s32 @!p1 $0x0  }
0x14: {  	s2 =	sld [smem:$0x3F90];
	s0 =	simm.s32 @p1 $0x1  }
0x15: {  	[smem:$0x3FAD] =	sst s0;
	s0 =	simm.s32 @!p2 $0x0  }
0x16: {  	s3 =	sld [smem:$0x3FDB];
	s0 =	simm.s32 @p2 $0x1  }
0x17: {  	s4 =	simm.s32 $0x1BF5;
	[smem:$0x3FAF] =	sst s0  }
0x18: {  	s0 =	sld [smem:$0x3F92];
	_ =	swait.ge [sflag:s4], $0x0  }
0x19: {  	s7 =	sld [smem:$0x3F93]  }
0x1a: {  	s8 =	sadd.s32 $0xFFFFE003, lr  }
0x1b: {  	s9 =	sadd.s32 $0xFFFFFEF7, lr;
	s5 =	simm.s32 $0xFFFFFFFF;
	p2 =	slt.u32 s8, $0xFFFFF086  }
0x1c: {  	p1 =	slt.u32 s9, $0xF7A;
	s5 =	simm.s32 @!p2 $0x0  }
0x1d: {  	s5 =	simm.s32 @p1 $0x1;
	p0 =	seq.s32 s7, s2  }
0x1e: {  	s7 =	smul.u32 @!p0 $0xF7A, s2;
	p2 =	seq.s32 @!p0 s5, $0x0  }
0x1f: {  	s9 =	smul.u32 $0xF7A, s1;
	s8 =	simm.s32 @!p0 $0x1BF5;
	p2 =	por !p2, p0  }
0x20: {  	[sflag:s8] =	ssyncset.s32 @!p0 $0xFFFFF086;
	s6 =	sadd.s32 @!p0 s3, s7;
	s7 =	simm.s32 @!p0 $0x108  }
0x21: {  	s3 =	sadd.s32 s3, s9;
	s6 =	sadd.s32 @!p0 $0x88, s6;
	s7 =	simm.s32 @p2 $0x1082  }
0x22: {  	[simem:s7], [sflag:s8] =	dma.local @!p0 [hbm:s6], $0xF7A  }
0x23: {  	s9 =	sor.u32 $0xD0000000, s2;
	s6 =	simm.s32 $0x108;
	_ =	swait.ge @!p0 [sflag:s8], $0x0  }
0x24: {  	s3 =	sadd.s32 $0x88, s3;
	s6 =	simm.s32 @!p1 $0x1082;
	[sflag:s4] =	ssyncset.s32 $0xFFFFF086  }
0x25: {  	[simem:s6], [sflag:s4] =	dma.local [hbm:s3], $0xF7A  }
0x26: {  	[smem:$0x3F93] =	sst s1;
	(tag) =	ssettag s2;
	_ =	strace s9  }
0x27: {  	s1 =	sld [smem:$0x3FA3]  }
0x28: {  	s2 =	sld [smem:$0x3FA4]  }
0x29: {  	s4 =	sld [smem:$0x3FA6]  }
0x2a: {  	p0 =	seq.s32 s5, $0x0;
	s5 =	sld [smem:$0x3FA7]  }
0x2b: {  	s6 =	sld [smem:$0x3FA8]  }
0x2c: {  	s7 =	sld [smem:$0x3FA9]  }
0x2d: {  	s3 =	simm.s32 $0x108;
	s8 =	sld [smem:$0x3FAA]  }
0x2e: {  	s3 =	simm.s32 @!p0 $0x1082;
	s9 =	sld [smem:$0x3FAB]  }
0x2f: {  	lr =	sadd.s32 s0, s3;
	s0 =	sld [smem:$0x3FA2]  }
0x30: {  	s3 =	sld [smem:$0x3FA5]  }
0x31: {  	[smem:$0x3FAE] =	sst s10  }
0x32: {  	s10 =	sld [smem:$0x3FAC];
	_ =	sdelay $0x3  }
0x33: {  	p0 =	seq.s32 s10, $0x1;
	s10 =	sld [smem:$0x3FAE];
	_ =	sdelay $0x3  }
0x34: {  	[smem:$0x3FAE] =	sst s10  }
0x35: {  	s10 =	sld [smem:$0x3FAD];
	_ =	sdelay $0x3  }
0x36: {  	p1 =	seq.s32 s10, $0x1;
	s10 =	sld [smem:$0x3FAE];
	_ =	sdelay $0x3  }
0x37: {  	[smem:$0x3FAE] =	sst s10  }
0x38: {  	s10 =	sld [smem:$0x3FAF]  }
0x39: {  	_ = 	snop;
	(pc) =	sbr.ind lr, $3  }
0x3a: {  	_ = 	snop  }
0x3b: {  	_ = 	snop  }
0x3c: {  	p2 =	seq.s32 s10, $0x1;
	s10 =	sld [smem:$0x3FAE]  }
0x3d: {  	_ =	shalt  }
0x3e: {  	_ =	shalt  }
0x3f: {  	_ =	shalt  }
0x40: {  	_ =	shalt  }
0x41: {  	_ =	shalt  }
0x42: {  	_ =	shalt  }
0x43: {  	_ =	shalt  }
0x44: {  	_ =	shalt  }
0x45: {  	_ =	shalt  }
0x46: {  	_ =	shalt  }
0x47: {  	_ =	shalt  }
0x48: {  	_ =	shalt  }
0x49: {  	_ =	shalt  }
0x4a: {  	_ =	shalt  }
0x4b: {  	_ =	shalt  }
0x4c: {  	_ =	shalt  }
0x4d: {  	_ =	shalt  }
0x4e: {  	_ =	shalt  }
0x4f: {  	_ =	shalt  }
0x50: {  	_ =	shalt  }
0x51: {  	_ =	shalt  }
0x52: {  	_ =	shalt  }
0x53: {  	_ =	shalt  }
0x54: {  	_ =	shalt  }
0x55: {  	_ =	shalt  }
0x56: {  	_ =	shalt  }
0x57: {  	_ =	shalt  }
0x58: {  	_ =	shalt  }
0x59: {  	_ =	shalt  }
0x5a: {  	_ =	shalt  }
0x5b: {  	_ =	shalt  }
0x5c: {  	_ =	shalt  }
0x5d: {  	_ =	shalt  }
0x5e: {  	_ =	shalt  }
0x5f: {  	_ =	shalt  }
0x60: {  	_ =	shalt  }
0x61: {  	_ =	shalt  }
0x62: {  	_ =	shalt  }
0x63: {  	_ =	shalt  }
0x64: {  	_ =	shalt  }
0x65: {  	_ =	shalt  }
0x66: {  	_ =	shalt  }
0x67: {  	_ =	shalt  }
0x68: {  	_ =	shalt  }
0x69: {  	_ =	shalt  }
0x6a: {  	_ =	shalt  }
0x6b: {  	_ =	shalt  }
0x6c: {  	_ =	shalt  }
0x6d: {  	_ =	shalt  }
0x6e: {  	_ =	shalt  }
0x6f: {  	_ =	shalt  }
0x70: {  	_ =	shalt  }
0x71: {  	_ =	shalt  }
0x72: {  	_ =	shalt  }
0x73: {  	_ =	shalt  }
0x74: {  	_ =	shalt  }
0x75: {  	_ =	shalt  }
0x76: {  	_ =	shalt  }
0x77: {  	_ =	shalt  }
0x78: {  	_ =	shalt  }
0x79: {  	_ =	shalt  }
0x7a: {  	_ =	shalt  }
0x7b: {  	_ =	shalt  }
0x7c: {  	_ =	shalt  }
0x7d: {  	_ =	shalt  }
0x7e: {  	_ =	shalt  }
0x7f: {  	_ =	shalt  }
0x80: {  	_ =	shalt  }
0x81: {  	_ =	shalt  }
0x82: {  	_ =	shalt  }
0x83: {  	_ =	shalt  }
0x84: {  	_ =	shalt  }
0x85: {  	_ =	shalt  }
0x86: {  	_ =	shalt  }
0x87: {  	_ =	shalt  }
.Lfunc_end0:
.L_simem_size_0:
called_computation.1_lowered:
.L_overlay_start_0:
0x88: {  	s2 =	sld [smem:$0x3FD9]  }
0x89: {  	s3 =	sld [smem:$0x3FFE];
	_ =	sdelay $0x1  }
0x8a: {  	s1 =	srdreg.scid  }
0x8b: {  	s0 =	sand.u32 $0x1, s1  }
0x8c: {  	s16 =	sshll.u32 s0, $0xA;
	s2 =	sadd.s32 s3, s2  }
0x8d: {  	s2 =	sadd.s32 s2, s16  }
0x8e: {  	[smem:$0x3FBA] =	sst s2  }
0x8f: {  	_ = 	snop  }
0x90: {  	(tm) =	ssettm $0x1  }
0x91: {  	s17 =	sld [smem:$0x3FFB];
	_ =	sdelay $0x3  }
0x92: {  	_ =	strace s17  }
0x93: {  	s2 =	sld [smem:$0x3FFC];
	_ =	sdelay $0x3  }
0x94: {  	_ =	strace s2  }
0x95: {  	s2 =	sld [smem:$0x3FFD];
	_ =	sdelay $0x3  }
0x96: {  	_ =	strace s2  }
0x97: {  	_ =	strace $0x8FFFFFFF  }
0x98: {  	s18 =	sld [smem:$0x3FDB];
	_ =	sdelay $0x1  }
0x99: {  	s19 =	simm.s32 $_scs_section_size  }
0x9a: {  	s4 =	simm.s32 $_size__tile_overlayer_lowered;
	s5 =	simm.s32 $_tile_overlayer_lowered  }
0x9b: {  	s22 =	simm.s32 $0x1BFF;
	s21 =	sshll.u32 s5, $0x1;
	s2 =	sadd.s32 s19, s18  }
0x9c: {  	s6 =	simm.s32 $0x0;
	s20 =	sshll.u32 s4, $0x1;
	s4 =	sadd.s32 s21, s2  }
0x9d: {  	[timem:s6], [sflag:s22] =	dma.local [hbm:s4], s20  }
0x9e: {  	_ =	swait.ge [sflag:s22], s20  }
0x9f: {  	s3 =	ssub.s32 $0x0, s20;
	[sflag:s22] =	ssyncset.done $0x0  }
0xa0: {  	[sflag:s22] =	ssyncadd.s32 s3;
	_ =	sdelay $0x1  }
0xa1: {  	s23 =	simm.s32 $0x1B8B  }
0xa2: {  	_ =	swait.ge [sflag:s23], $0x1  }
0xa3: {  	[sflag:s23] =	ssyncset.done $0x0  }
0xa4: {  	s25 =	simm.s32 $0x1B8E;
	s24 =	sld [smem:$0x3FFE];
	[sflag:s23] =	ssyncadd.s32 $0xFFFFFFFF  }
0xa5: {  	s26 =	simm.s32 $execute0_lowered;
	[smem:$0x3FD2] =	sst s25  }
0xa6: {  	s4 =	sshll.u32 s26, $0x1;
	_ =	strace $0x80000049;
	[dreg:$0x1] =	wrdreg $0xFFFFFFFF  }
0xa7: {  	s28 =	simm.s32 $_size_execute0_lowered;
	s2 =	sadd.s32 s2, s4;
	[dreg:$0x0] =	wrdreg $0x0  }
0xa8: {  	s4 =	sshll.u32 s28, $0x1;
	[dreg:$0x2] =	wrdreg s2  }
0xa9: {  	[dreg:$0x3] =	wrdreg s4  }
0xaa: {  	[dreg:$0x4] =	wrdreg $0xC0  }
0xab: {  	_ =	task [dreg:s6], $0x5FFFF  }
0xac: {  	[dreg:$0x1] =	wrdreg $0xFFFFFFFF  }
0xad: {  	[dreg:$0x0] =	wrdreg $0x60  }
0xae: {  	[dreg:$0x2] =	wrdreg s24  }
0xaf: {  	[dreg:$0x3] =	wrdreg $0x0  }
0xb0: {  	[dreg:$0x4] =	wrdreg $0x9  }
0xb1: {  	_ =	task.clear_ibuf [dreg:s6], $0x5FFFF;
	_ =	strace $0x90000049  }
0xb2: {  	s29 =	simm.s32 $0x9;
	_ =	strace $0x8000004B  }
0xb3: {  	_ =	swait.ge [sflag:s29], $0x1  }
0xb4: {  	[sflag:s29] =	ssyncadd.s32 $0xFFFFFFFF  }
0xb5: {  	_ =	strace $0x9000004B  }
0xb6: {  	_ =	sfence  }
0xb7: {  	s30 =	sld [smem:$0x0];
	_ =	sdelay $0x2  }
0xb8: {  	s31 =	sshll.u32 s1, $0xD;
	s1 =	sshrl.u32 s1, $0x2  }
0xb9: {  	s3 =	sand.u32 $0x4000, s31;
	s1 =	sadd.s32 s1, s30  }
0xba: {  	s0 =	sor.u32 s3, s0;
	s1 =	sshll.u32 s1, $0x11  }
0xbb: {  	s0 =	sor.u32 s1, s0  }
0xbc: {  	s0 =	sadd.s32 $0x8F2B, s0  }
0xbd: {  	[sflag:s0] =	ssyncadd.remote.s32 $0x1  }
0xbe: {  	_ =	sfence.sel $0xFFFF  }
0xbf: {  	[dreg:$0x0] =	wrdreg $0xFFFFFFFF;
	(pc) =	sbr.abs _section_cstart, $3  }
0xc0: {  	[dreg:$0x1] =	wrdreg $0xFFFFFFFF  }
0xc1: {  	_ =	task.clear_ibuf [dreg:s6], $0x2FFFF;
	_ =	strace $0x9FFFFFFF  }
0xc2: {  	(tm) =	ssettm $0x7FFFFFFF  }
0xc3: {  	_ =	shalt  }
tec
execute0_lowered:
.L_overlay_start_1:
0x0: {  	(tag) =	ssettag $0x1  }
0x1: {  	s0 =	rddreg [dreg:$0x0]  }
0x2: {  	s1 =	rddreg [dreg:$0x1];
	s2 =	srdreg.scid;
	s3 =	simm.s32 $0x0  }
0x3: {  	s25 =	stileid.u32;
	s18 =	simm.s32 $0x7;
	s19 =	simm.s32 $0x8  }
0x4: {  	s20 =	simm.s32 $0x5;
	s22 =	simm.s32 $0xA000;
	s9 =	smul.u32 $0xA000, s25  }
0x5: {  	s23 =	simm.s32 $0x9;
	s24 =	sand.u32 $0x1, s2;
	s26 =	smul.u32 $0x500, s25  }
0x6: {  	[smem:$0x7FF] =	sst s3;
	s7 =	sadd.s32 $0xBC00, s0;
	s6 =	smul.u32 $0x9C, s25  }
0x7: {  	s8 =	sadd.s32 $0x1E00, s0;
	s10 =	smin.u32 s25, $0x4;
	s31 =	smul.u32 $0x28000, s25  }
0x8: {  	p0 =	slt.u32 s25, $0x4;
	s4 =	smul.u32 $0xA0000, s24;
	s28 =	ssub.s32 $0x2, s24  }
0x9: {  	_ =	strace $0x8000004A;
	p1 =	sne.s32 s24, $0x0;
	s29 =	sshrl.u32 s28, $0x1  }
0xa: {  	s30 =	sadd.s32 s10, s6;
	s10 =	sshrl.u32 s31, $0x2;
	s5 =	sshrl.u32 s4, $0x3  }
0xb: {  	s4 =	sadd.s32 s9, s4;
	s21 =	ssub.s32 s28, s29;
	s6 =	sshll.u32 s30, $0x4  }
0xc: {  	s9 =	sadd.s32 s9, s1;
	s13 =	sadd.s32 s10, s1;
	s14 =	sadd.s32 s5, s0  }
0xd: {  	s4 =	sshrl.u32 s4, $0x3;
	s5 =	sadd.s32 s7, s6;
	s11 =	sadd.s32 $0x9C0, s6  }
0xe: {  	s6 =	sadd.s32 s8, s6;
	s10 =	sadd.s32 $0x2000, s13;
	s12 =	sadd.s32 $0x6000, s13  }
0xf: {  	s21 =	smax.u32 s21, $0x1;
	s15 =	sadd.s32 s4, s0;
	s0 =	sadd.s32 s26, s0  }
0x10: {  	s4 =	simm.s32 $0x9D;
	s7 =	sadd.s32 s7, s11;
	s8 =	sadd.s32 s8, s11  }
0x11: {  	s11 =	sadd.s32 $0x4000, s13;
	s13 =	sadd.s32 $0x8000, s13;
	s14 =	sadd.s32 $0x15A00, s14  }
.Ltmp0:
0x12: {  	s26 =	simm.s32 $0x80;
	s4 =	simm.s32 @!p0 $0x9C;
	(pc) =	sbr.rel .LBB2_1-.Ltmp0, $4  }
0x13: {  	s15 =	sadd.s32 $0x42A00, s15;
	s17 =	sadd.s32 $0x3DA00, s0;
	s16 =	sand.u32 $0x1, s4  }
0x14: {  	s0 =	simm.s32 $0x0;
	p0 =	seq.s32 s16, $0x1;
	s16 =	simm.s32 $0x6  }
0x15: {  	s16 =	simm.s32 @!p0 $0x5;
	s18 =	simm.s32 @!p0 $0x6;
	s19 =	simm.s32 @!p0 $0x7  }
0x16: {  	v0 =	vimm.f32 $0.0e+00;
	s20 =	simm.s32 @!p0 $0x8;
	p0 =	sgt.u32 s25, $0x3;
	s25 =	simm.s32 $0x13D00  }
.LBB2_12:
0x17: {  	_ =	swait.ge [sflag:s16], $0x2000  }
0x18: {  	[sflag:s16] =	ssyncset.done $0x0  }
0x19: {  	[sflag:s16] =	ssyncadd.s32 $0xFFFFE000  }
0x1a: {  	_ =	swait.ge [sflag:s18], $0x2000  }
0x1b: {  	[sflag:s18] =	ssyncset.done $0x0  }
0x1c: {  	[sflag:s18] =	ssyncadd.s32 $0xFFFFE000  }
0x1d: {  	_ =	swait.ge [sflag:s19], $0x2000  }
0x1e: {  	[sflag:s19] =	ssyncset.done $0x0  }
0x1f: {  	[sflag:s19] =	ssyncadd.s32 $0xFFFFE000  }
0x20: {  	_ =	swait.ge [sflag:s20], $0x2000  }
0x21: {  	s2 =	stileid.u32;
	[sflag:s20] =	ssyncset.done $0x0  }
0x22: {  	s2 =	sshll.u32 s2, $0x6;
	[sflag:s20] =	ssyncadd.s32 $0xFFFFE000  }
0x23: {  	s24 =	sshrl.u32 s9, $0x3;
	s2 =	sor.u32 $0x1C09, s2;
	[bflag:$0x0] =	sbarrier.arrive $0xFFFF  }
0x24: {  	[hbm:s15], [sflag:s2] =	dma.local [spmem:s24], $0x1400  }
0x25: {  	s0 =	sadd.s32 $0x1, s0;
	_ =	swait.ge [sflag:s23], $0x1400  }
0x26: {  	p2 =	sne.s32 s0, s21;
	[sflag:s23] =	ssyncset.done $0x0  }
0x27: {  	s2 =	simm.s32 @!p1 $0x0;
	s24 =	simm.s32 @!p1 $0x1BD00;
	[sflag:s23] =	ssyncadd.s32 $0xFFFFEC00  }
0x28: {  	[hbm4b:s17+s2] =	stream.linear.scatter @!p1 [tilespmem:s24], [sflag:$0x9], $0x2800, $0x38;
	[tilespmem:$0x1E500] =	vst v63  }
.Ltmp1:
0x29: {  	_ = 	snop;
	(pc) =	sbr.rel @!p2 .LBB2_13-.Ltmp1, $4  }
0x2a: {  	s2 =	simm.s32 @!p1 $0x9  }
0x2b: {  	_ =	swait.ge @!p1 [sflag:s2], $0x2800  }
0x2c: {  	[sflag:s2] =	ssyncset.done @!p1 $0x0  }
0x2d: {  	[sflag:s2] =	ssyncadd.s32 @!p1 $0xFFFFD800  }
.LBB2_1:
0x2e: {  	[tilespmem:s22], [sflag:$0x9] =	stream.linear.gather [hbm4b:s5+s3], $0x4E00, $0x38;
	[tilespmem:$0x1E500] =	vst v63  }
0x2f: {  	_ =	swait.ge [sflag:s23], $0x4E00  }
0x30: {  	[sflag:s23] =	ssyncset.done $0x0  }
0x31: {  	s2 =	simm.s32 $0xEE80;
	[sflag:s23] =	ssyncadd.s32 $0xFFFFB200  }
0x32: {  	[tilespmem:s2], [sflag:$0x9] =	stream.linear.gather [hbm4b:s6+s3], $0x4E00, $0x38;
	[tilespmem:$0x1E500] =	vst v63  }
0x33: {  	_ =	swait.ge [sflag:s23], $0x4E00  }
0x34: {  	[sflag:s23] =	ssyncset.done $0x0  }
0x35: {  	s24 =	simm.s32 @!p0 $0x0;
	s28 =	simm.s32 @!p0 $0xEE00;
	[sflag:s23] =	ssyncadd.s32 $0xFFFFB200  }
0x36: {  	[tilespmem:s28], [sflag:$0x9] =	stream.linear.gather @!p0 [hbm4b:s7+s24], $0x80, $0x38;
	[tilespmem:$0x1E500] =	vst v63  }
0x37: {  	s28 =	simm.s32 @!p0 $0x9  }
0x38: {  	_ =	swait.ge @!p0 [sflag:s28], $0x80  }
0x39: {  	[sflag:s28] =	ssyncset.done @!p0 $0x0  }
0x3a: {  	s29 =	simm.s32 @!p0 $0x13C80;
	[sflag:s28] =	ssyncadd.s32 @!p0 $0xFFFFFF80  }
0x3b: {  	[tilespmem:s29], [sflag:$0x9] =	stream.linear.gather @!p0 [hbm4b:s8+s24], $0x80, $0x38;
	[tilespmem:$0x1E500] =	vst v63  }
0x3c: {  	_ =	swait.ge @!p0 [sflag:s28], $0x80  }
0x3d: {  	[sflag:s28] =	ssyncset.done @!p0 $0x0  }
0x3e: {  	s24 =	simm.s32 $0x13D80;
	[sflag:s28] =	ssyncadd.s32 @!p0 $0xFFFFFF80  }
0x3f: {  	[tilespmem:s24+$0xFFFFFF80] =	vst v0  }
0x40: {  	[tilespmem:s24+$0x70] =	vst v0  }
0x41: {  	[tilespmem:s24+$0x60] =	vst v0  }
0x42: {  	[tilespmem:s24+$0x50] =	vst v0  }
0x43: {  	[tilespmem:s24+$0x40] =	vst v0  }
0x44: {  	[tilespmem:s24+$0x30] =	vst v0  }
0x45: {  	[tilespmem:s24+$0x20] =	vst v0  }
0x46: {  	[tilespmem:s24+$0x10] =	vst v0  }
0x47: {  	[tilespmem:s24+$0x0] =	vst v0  }
0x48: {  	[tilespmem:s24+$0xFFFFFFF0] =	vst v0  }
0x49: {  	[tilespmem:s24+$0xFFFFFFE0] =	vst v0  }
0x4a: {  	[tilespmem:s24+$0xFFFFFFD0] =	vst v0  }
0x4b: {  	[tilespmem:s24+$0xFFFFFFC0] =	vst v0  }
0x4c: {  	[tilespmem:s24+$0xFFFFFFB0] =	vst v0  }
0x4d: {  	s28 =	simm.s32 $0x0;
	[tilespmem:s24+$0xFFFFFFA0] =	vst v0  }
.LBB2_2:
0x4e: {  	s28 =	sadd.s32 $0x4, s28;
	[tilespmem:s24+$0xFFFFFF90] =	vst v0;
	s24 =	sadd.s32 $0x100, s24  }
0x4f: {  	[tilespmem:s24+$0xFFFFFF80] =	vst v0;
	p2 =	slt.u32 s28, $0x7C  }
0x50: {  	[tilespmem:s24+$0x70] =	vst v0  }
0x51: {  	[tilespmem:s24+$0x60] =	vst v0  }
0x52: {  	[tilespmem:s24+$0x50] =	vst v0  }
0x53: {  	[tilespmem:s24+$0x40] =	vst v0  }
0x54: {  	[tilespmem:s24+$0x30] =	vst v0  }
0x55: {  	[tilespmem:s24+$0x20] =	vst v0  }
0x56: {  	[tilespmem:s24+$0x10] =	vst v0  }
0x57: {  	[tilespmem:s24+$0x0] =	vst v0  }
0x58: {  	[tilespmem:s24+$0xFFFFFFF0] =	vst v0  }
.Ltmp2:
0x59: {  	[tilespmem:s24+$0xFFFFFFE0] =	vst v0;
	(pc) =	sbr.rel @p2 .LBB2_2-.Ltmp2, $4  }
0x5a: {  	[tilespmem:s24+$0xFFFFFFD0] =	vst v0  }
0x5b: {  	[tilespmem:s24+$0xFFFFFFC0] =	vst v0  }
0x5c: {  	[tilespmem:s24+$0xFFFFFFB0] =	vst v0  }
0x5d: {  	[tilespmem:s24+$0xFFFFFFA0] =	vst v0  }
.Ltmp3:
0x5e: {  	(pc) =	sbr.rel @p1 .LBB2_7-.Ltmp3, $2  }
0x5f: {  	_ =	sdelay $0x2  }
0x60: {  	[tilespmem:s24+$0xFFFFFF90] =	vst v0  }
0x61: {  	s24 =	simm.s32 $0x1BD40  }
0x62: {  	[tilespmem:s24+$0xFFFFFFC0] =	vst v0  }
0x63: {  	[tilespmem:s24+$0x30] =	vst v0  }
0x64: {  	[tilespmem:s24+$0x20] =	vst v0  }
0x65: {  	[tilespmem:s24+$0x10] =	vst v0  }
0x66: {  	[tilespmem:s24+$0x0] =	vst v0  }
0x67: {  	[tilespmem:s24+$0xFFFFFFF0] =	vst v0  }
0x68: {  	s28 =	simm.s32 $0x0;
	[tilespmem:s24+$0xFFFFFFE0] =	vst v0  }
.LBB2_5:
0x69: {  	s28 =	sadd.s32 $0x8, s28;
	[tilespmem:s24+$0xFFFFFFD0] =	vst v0;
	s24 =	sadd.s32 $0x80, s24  }
0x6a: {  	[tilespmem:s24+$0xFFFFFFC0] =	vst v0;
	p2 =	slt.u32 s28, $0x278  }
0x6b: {  	[tilespmem:s24+$0x30] =	vst v0  }
.Ltmp4:
0x6c: {  	[tilespmem:s24+$0x20] =	vst v0;
	(pc) =	sbr.rel @p2 .LBB2_5-.Ltmp4, $4  }
0x6d: {  	[tilespmem:s24+$0x10] =	vst v0  }
0x6e: {  	[tilespmem:s24+$0x0] =	vst v0  }
0x6f: {  	[tilespmem:s24+$0xFFFFFFF0] =	vst v0  }
0x70: {  	[tilespmem:s24+$0xFFFFFFE0] =	vst v0  }
0x71: {  	[tilespmem:s24+$0xFFFFFFD0] =	vst v0  }
.LBB2_7:
0x72: {  	[spmem:s9] =	stream.linear.scatter [tilespmem:s25], [sflag:$0x9], $0x2000, $0x38;
	[tilespmem:$0x1E500] =	vst v63  }
0x73: {  	_ =	swait.ge [sflag:s23], $0x2000  }
0x74: {  	[sflag:s23] =	ssyncset.done $0x0  }
0x75: {  	[sflag:s23] =	ssyncadd.s32 $0xFFFFE000  }
0x76: {  	[spmem:s10] =	stream.linear.scatter [tilespmem:s25], [sflag:$0x9], $0x2000, $0x38;
	[tilespmem:$0x1E500] =	vst v63  }
0x77: {  	_ =	swait.ge [sflag:s23], $0x2000  }
0x78: {  	[sflag:s23] =	ssyncset.done $0x0  }
0x79: {  	[sflag:s23] =	ssyncadd.s32 $0xFFFFE000  }
0x7a: {  	[spmem:s11] =	stream.linear.scatter [tilespmem:s25], [sflag:$0x9], $0x2000, $0x38;
	[tilespmem:$0x1E500] =	vst v63  }
0x7b: {  	_ =	swait.ge [sflag:s23], $0x2000  }
0x7c: {  	[sflag:s23] =	ssyncset.done $0x0  }
0x7d: {  	[sflag:s23] =	ssyncadd.s32 $0xFFFFE000  }
0x7e: {  	[spmem:s12] =	stream.linear.scatter [tilespmem:s25], [sflag:$0x9], $0x2000, $0x38;
	[tilespmem:$0x1E500] =	vst v63  }
0x7f: {  	_ =	swait.ge [sflag:s23], $0x2000  }
0x80: {  	[sflag:s23] =	ssyncset.done $0x0  }
0x81: {  	[sflag:s23] =	ssyncadd.s32 $0xFFFFE000  }
0x82: {  	[spmem:s13] =	stream.linear.scatter [tilespmem:s25], [sflag:$0x9], $0x2000, $0x38;
	[tilespmem:$0x1E500] =	vst v63  }
0x83: {  	_ =	swait.ge [sflag:s23], $0x2000  }
0x84: {  	[sflag:s23] =	ssyncset.done $0x0  }
0x85: {  	[sflag:s23] =	ssyncadd.s32 $0xFFFFE000  }
0x86: {  	[bflag:$0x0] =	sbarrier.arrive $0xFFFF  }
0x87: {  	[tilespmem:s25], [sflag:$0x1] =	stream.indirect.gather [hbm4b:s14+s26], $0x40, s22, s26, $0xb8;
	[tilespmem:$0x1E500] =	vst v63  }
.Ltmp5:
0x88: {  	s2 =	simm.s32 $0xA080;
	(pc) =	sbr.rel .LBB2_8-.Ltmp5, $4  }
0x89: {  	s24 =	simm.s32 $0x15D00;
	s30 =	simm.s32 $0xA100;
	s31 =	simm.s32 $0x17D00  }
0x8a: {  	[tilespmem:s24], [sflag:$0x2] =	stream.indirect.gather [hbm4b:s14+s26], $0x40, s2, s26, $0xb8;
	[tilespmem:$0x1E500] =	vst v63  }
0x8b: {  	s28 =	simm.s32 $0xEE80;
	s29 =	simm.s32 $0xA180;
	s24 =	simm.s32 $0x0  }
0x8c: {  	[tilespmem:s31], [sflag:$0x3] =	stream.indirect.gather [hbm4b:s14+s26], $0x40, s30, s26, $0xb8;
	[tilespmem:$0x1E500] =	vst v63  }
.LBB2_10:
0x8d: {  	p2 =	seq.s32 s31, $0x2  }
0x8e: {  	p3 =	sge.u32 @p2 s30, s4  }
0x8f: {  	p4 =	por p3, !p2  }
0x90: {  	p5 =	seq.s32 @!p4 s24, $0x0  }
0x91: {  	p3 =	por @p2 p5, p3  }
0x92: {  	p3 =	por p3, !p2  }
0x93: {  	s2 =	simm.s32 @!p3 $0x6  }
0x94: {  	_ =	swait.ge @!p3 [sflag:s2], $0x2000  }
0x95: {  	s31 =	simm.s32 @!p4 $0x15D00;
	[sflag:s2] =	ssyncset.done @!p3 $0x0  }
0x96: {  	[sflag:s2] =	ssyncadd.s32 @!p3 $0xFFFFE000;
	s2 =	simm.s32 @!p4 $0x80;
	p3 =	sge.u32 @!p2 s30, s4  }
0x97: {  	[tilespmem:s31], [sflag:$0x2] =	stream.indirect.gather @!p4 [hbm4b:s14+s2], $0x40, s29, s2, $0xb8;
	[tilespmem:$0x1E500] =	vst v63  }
0x98: {  	s2 =	simm.s32 @p2 $0x3;
	p4 =	por p3, p2  }
0x99: {  	_ =	swait.ge @p2 [sflag:s2], $0x2000;
	p5 =	seq.s32 @!p4 s24, $0x0  }
0x9a: {  	s31 =	simm.s32 @p2 $0x17D00;
	[sflag:s2] =	ssyncset.done @p2 $0x0;
	p3 =	por @!p2 p5, p3  }
0x9b: {  	[sflag:s2] =	ssyncadd.s32 @p2 $0xFFFFE000;
	s2 =	simm.s32 @p2 $0x80;
	p3 =	por p3, p2  }
0x9c: {  	[spmem:s1] =	stream.indirect.scatter.add.f32 @p2 [tilespmem:s31], [sflag:$0x7], $0x40, s28, s2, $0xb8;
	[tilespmem:$0x1E500] =	vst v63  }
0x9d: {  	s2 =	simm.s32 @!p3 $0x7  }
0x9e: {  	_ =	swait.ge @!p3 [sflag:s2], $0x2000  }
0x9f: {  	[sflag:s2] =	ssyncset.done @!p3 $0x0  }
0xa0: {  	s30 =	simm.s32 @!p4 $0x17D00;
	[sflag:s2] =	ssyncadd.s32 @!p3 $0xFFFFE000;
	s2 =	simm.s32 @!p4 $0x80  }
0xa1: {  	[tilespmem:s30], [sflag:$0x3] =	stream.indirect.gather @!p4 [hbm4b:s14+s2], $0x40, s29, s2, $0xb8;
	[tilespmem:$0x1E500] =	vst v63  }
0xa2: {  	s2 =	simm.s32 @!p2 $0x4  }
0xa3: {  	_ =	swait.ge @!p2 [sflag:s2], $0x2000  }
0xa4: {  	[sflag:s2] =	ssyncset.done @!p2 $0x0  }
0xa5: {  	s30 =	simm.s32 @!p2 $0x19D00;
	[sflag:s2] =	ssyncadd.s32 @!p2 $0xFFFFE000;
	s2 =	simm.s32 @!p2 $0x80  }
0xa6: {  	[spmem:s1] =	stream.indirect.scatter.add.f32 @!p2 [tilespmem:s30], [sflag:$0x8], $0x40, s28, s2, $0xb8;
	[tilespmem:$0x1E500] =	vst v63  }
.LBB2_11:
0xa7: {  	s24 =	sadd.s32 $0x1, s24  }
0xa8: {  	p2 =	sne.s32 s4, s24  }
.Ltmp6:
0xa9: {  	_ = 	snop;
	(pc) =	sbr.rel @!p2 .LBB2_12-.Ltmp6, $2  }
0xaa: {  	_ =	sdelay $0x2  }
0xab: {  	s28 =	sadd.s32 $0x80, s28;
	s29 =	sadd.s32 $0x80, s29  }
.LBB2_8:
0xac: {  	v1 =	vld @!p1 [tilespmem:s28+$0x0];
	_ =	sdelay $0x6  }
0xad: {  	v2 =	vimm.f32 @!p1 $1.000000000e+00;
	s30 =	simm.s32 @!p1 $0x1BD00  }
0xae: {  	[tilespmem:v1+s30+$0x0] =	vst.idx.add.f32.msk @!p1 $0xffff, v2  }
0xaf: {  	v1 =	vld @!p1 [tilespmem:s28+$0x10];
	_ =	sdelay $0x7  }
0xb0: {  	[tilespmem:v1+s30+$0x0] =	vst.idx.add.f32.msk @!p1 $0xffff, v2  }
0xb1: {  	v1 =	vld @!p1 [tilespmem:s28+$0x20];
	_ =	sdelay $0x7  }
0xb2: {  	[tilespmem:v1+s30+$0x0] =	vst.idx.add.f32.msk @!p1 $0xffff, v2  }
0xb3: {  	v1 =	vld @!p1 [tilespmem:s28+$0x30];
	_ =	sdelay $0x7  }
0xb4: {  	[tilespmem:v1+s30+$0x0] =	vst.idx.add.f32.msk @!p1 $0xffff, v2  }
0xb5: {  	v1 =	vld @!p1 [tilespmem:s28+$0x40];
	_ =	sdelay $0x7  }
0xb6: {  	[tilespmem:v1+s30+$0x0] =	vst.idx.add.f32.msk @!p1 $0xffff, v2  }
0xb7: {  	v1 =	vld @!p1 [tilespmem:s28+$0x50];
	_ =	sdelay $0x7  }
0xb8: {  	[tilespmem:v1+s30+$0x0] =	vst.idx.add.f32.msk @!p1 $0xffff, v2  }
0xb9: {  	v1 =	vld @!p1 [tilespmem:s28+$0x60];
	_ =	sdelay $0x7  }
0xba: {  	[tilespmem:v1+s30+$0x0] =	vst.idx.add.f32.msk @!p1 $0xffff, v2  }
0xbb: {  	v1 =	vld @!p1 [tilespmem:s28+$0x70];
	_ =	sdelay $0x1  }
0xbc: {  	s31 =	sand.u32 $0x3, s24  }
0xbd: {  	p2 =	sgt.s32 s31, $0x1  }
.Ltmp7:
0xbe: {  	_ = 	snop;
	(pc) =	sbr.rel @p2 .LBB2_10-.Ltmp7, $2  }
0xbf: {  	_ =	sdelay $0x2  }
0xc0: {  	[tilespmem:v1+s30+$0x0] =	vst.idx.add.f32.msk @!p1 $0xffff, v2;
	s30 =	sadd.s32 $0x3, s24  }
0xc1: {  	p2 =	seq.s32 s31, $0x0  }
0xc2: {  	p3 =	sge.u32 @p2 s30, s4  }
0xc3: {  	p4 =	por p3, !p2  }
0xc4: {  	p5 =	seq.s32 @!p4 s24, $0x0  }
0xc5: {  	p3 =	por @p2 p5, p3  }
0xc6: {  	p3 =	por p3, !p2  }
0xc7: {  	s31 =	simm.s32 @!p3 $0x8  }
0xc8: {  	_ =	swait.ge @!p3 [sflag:s31], $0x2000  }
0xc9: {  	s2 =	simm.s32 @!p4 $0x19D00;
	[sflag:s31] =	ssyncset.done @!p3 $0x0  }
0xca: {  	[sflag:s31] =	ssyncadd.s32 @!p3 $0xFFFFE000;
	s31 =	simm.s32 @!p4 $0x80;
	p3 =	slt.u32 @!p2 s30, s4  }
0xcb: {  	[tilespmem:s2], [sflag:$0x4] =	stream.indirect.gather @!p4 [hbm4b:s14+s31], $0x40, s29, s31, $0xb8;
	[tilespmem:$0x1E500] =	vst v63  }
0xcc: {  	s2 =	simm.s32 @p2 $0x1;
	p4 =	por !p3, p2  }
0xcd: {  	_ =	swait.ge @p2 [sflag:s2], $0x2000;
	p5 =	seq.s32 @!p4 s24, $0x0  }
0xce: {  	s31 =	simm.s32 @p2 $0x13D00;
	[sflag:s2] =	ssyncset.done @p2 $0x0;
	p5 =	por @!p2 p5, !p3  }
0xcf: {  	[sflag:s2] =	ssyncadd.s32 @p2 $0xFFFFE000;
	s2 =	simm.s32 @p2 $0x80;
	p5 =	por p5, p2  }
0xd0: {  	[spmem:s1] =	stream.indirect.scatter.add.f32 @p2 [tilespmem:s31], [sflag:$0x5], $0x40, s28, s2, $0xb8;
	[tilespmem:$0x1E500] =	vst v63  }
0xd1: {  	s2 =	simm.s32 @!p5 $0x5  }
0xd2: {  	_ =	swait.ge @!p5 [sflag:s2], $0x2000  }
0xd3: {  	[sflag:s2] =	ssyncset.done @!p5 $0x0  }
0xd4: {  	s30 =	simm.s32 @!p4 $0x13D00;
	[sflag:s2] =	ssyncadd.s32 @!p5 $0xFFFFE000;
	s2 =	simm.s32 @!p4 $0x80  }
0xd5: {  	[tilespmem:s30], [sflag:$0x1] =	stream.indirect.gather @!p4 [hbm4b:s14+s2], $0x40, s29, s2, $0xb8;
	[tilespmem:$0x1E500] =	vst v63  }
0xd6: {  	s30 =	simm.s32 @!p4 $0x2  }
0xd7: {  	_ =	swait.ge @!p4 [sflag:s30], $0x2000  }
0xd8: {  	[sflag:s30] =	ssyncset.done @!p4 $0x0  }
0xd9: {  	p2 =	por p3, p2;
	[sflag:s30] =	ssyncadd.s32 @!p4 $0xFFFFE000;
	s30 =	simm.s32 @!p4 $0x15D00  }
0xda: {  	[spmem:s1] =	stream.indirect.scatter.add.f32 @!p4 [tilespmem:s30], [sflag:$0x6], $0x40, s28, s2, $0xb8;
	[tilespmem:$0x1E500] =	vst v63  }
.Ltmp8:
0xdb: {  	s2 =	simm.s32 @!p2 $0x2;
	(pc) =	sbr.rel .LBB2_11-.Ltmp8, $4  }
0xdc: {  	_ =	swait.ge @!p2 [sflag:s2], $0x2000  }
0xdd: {  	[sflag:s2] =	ssyncset.done @!p2 $0x0  }
0xde: {  	s30 =	simm.s32 @!p2 $0x15D00;
	[sflag:s2] =	ssyncadd.s32 @!p2 $0xFFFFE000;
	s2 =	simm.s32 @!p2 $0x80  }
0xdf: {  	[spmem:s1] =	stream.indirect.scatter.add.f32 @!p2 [tilespmem:s30], [sflag:$0x6], $0x40, s28, s2, $0xb8;
	[tilespmem:$0x1E500] =	vst v63  }
.LBB2_13:
0xe0: {  	_ =	sfence.sel $0x180000  }
0xe1: {  	[bflag:$0x0] =	sbarrier.arrive $0xFFFF  }
0xe2: {  	_ =	strace $0x9000004A  }
0xe3: {  	s0 =	stileid.u32;
	[bflag:$0x2] =	sbarrier.arrive $0xFFFF  }
0xe4: {  	p0 =	sne.s32 s0, $0x0;
	s0 =	rddreg [dreg:$0x2]  }
0xe5: {  	s0 =	sadd.s32 @!p0 $0x100000, s0  }
0xe6: {  	[sflag:s0] =	ssyncadd.tile.s32 @!p0 $0x1;
	_ =	shalt  }
.Lfunc_end2:
_tile_overlayer_lowered:
.L_overlay_start_2:
0xe7: {  	(tag) =	ssettag $0x2  }
0xe8: {  	s0 =	rddreg [dreg:$0x0];
	s2 =	stileid.u32  }
0xe9: {  	s1 =	rddreg [dreg:$0x1];
	p0 =	sne.s32 s2, $0x0  }
0xea: {  	s3 =	rddreg [dreg:$0x2];
	[bflag:$0x3] =	sbarrier.arrive $0xFFFF;
	s2 =	simm.s32 @!p0 $0x1C09  }
0xeb: {  	[timem:s3], [sflag:s2] =	dma.local @!p0 [hbm:s0], s1  }
0xec: {  	s0 =	simm.s32 @!p0 $0x9  }
0xed: {  	_ =	swait.ge @!p0 [sflag:s0], s1  }
0xee: {  	s1 =	ssub.s32 @!p0 $0x0, s1;
	[sflag:s0] =	ssyncset.done @!p0 $0x0  }
0xef: {  	[sflag:s0] =	ssyncadd.s32 @!p0 s1  }
0xf0: {  	[bflag:$0x3] =	sbarrier.arrive $0xFFFF  }
0xf1: {  	_ =	shalt  }

// kernel: kernel.15.cloned.1.call-start
scs
__scs_entry_jumppad:
0x0: {  	(pc) =	sbr.rel $0x88, $3  }
0x1: {  	(tag) =	ssettag $0x0;
	lr =	simm.s32 $0x1  }
0x2: {  	[smem:$0x3F93] =	sst lr;
	_ =	strace $0xD0000000  }
0x3: {  	_ = 	snop  }
0x4: {  	_ = 	snop  }
0x5: {  	_ = 	snop  }
0x6: {  	_ = 	snop  }
0x7: {  	_ = 	snop  }
__scs_overlays_trampoline_lowered:
0x8: {  	[smem:$0x3FA2] =	sst s0  }
0x9: {  	[smem:$0x3FA3] =	sst s1  }
0xa: {  	[smem:$0x3FA4] =	sst s2  }
0xb: {  	[smem:$0x3FA5] =	sst s3  }
0xc: {  	[smem:$0x3FA6] =	sst s4  }
0xd: {  	[smem:$0x3FA7] =	sst s5  }
0xe: {  	[smem:$0x3FA8] =	sst s6  }
0xf: {  	[smem:$0x3FA9] =	sst s7  }
0x10: {  	[smem:$0x3FAA] =	sst s8  }
0x11: {  	[smem:$0x3FAB] =	sst s9;
	s0 =	simm.s32 @!p0 $0x0  }
0x12: {  	s1 =	sld [smem:$0x3F91];
	s0 =	simm.s32 @p0 $0x1  }
0x13: {  	[smem:$0x3FAC] =	sst s0;
	s0 =	simm.s32 @!p1 $0x0  }
0x14: {  	s2 =	sld [smem:$0x3F90];
	s0 =	simm.s32 @p1 $0x1  }
0x15: {  	[smem:$0x3FAD] =	sst s0;
	s0 =	simm.s32 @!p2 $0x0  }
0x16: {  	s3 =	sld [smem:$0x3FDB];
	s0 =	simm.s32 @p2 $0x1  }
0x17: {  	s4 =	simm.s32 $0x1BF5;
	[smem:$0x3FAF] =	sst s0  }
0x18: {  	s0 =	sld [smem:$0x3F92];
	_ =	swait.ge [sflag:s4], $0x0  }
0x19: {  	s7 =	sld [smem:$0x3F93]  }
0x1a: {  	s8 =	sadd.s32 $0xFFFFE003, lr  }
0x1b: {  	s9 =	sadd.s32 $0xFFFFFEF7, lr;
	s5 =	simm.s32 $0xFFFFFFFF;
	p2 =	slt.u32 s8, $0xFFFFF086  }
0x1c: {  	p1 =	slt.u32 s9, $0xF7A;
	s5 =	simm.s32 @!p2 $0x0  }
0x1d: {  	s5 =	simm.s32 @p1 $0x1;
	p0 =	seq.s32 s7, s2  }
0x1e: {  	s7 =	smul.u32 @!p0 $0xF7A, s2;
	p2 =	seq.s32 @!p0 s5, $0x0  }
0x1f: {  	s9 =	smul.u32 $0xF7A, s1;
	s8 =	simm.s32 @!p0 $0x1BF5;
	p2 =	por !p2, p0  }
0x20: {  	[sflag:s8] =	ssyncset.s32 @!p0 $0xFFFFF086;
	s6 =	sadd.s32 @!p0 s3, s7;
	s7 =	simm.s32 @!p0 $0x108  }
0x21: {  	s3 =	sadd.s32 s3, s9;
	s6 =	sadd.s32 @!p0 $0x88, s6;
	s7 =	simm.s32 @p2 $0x1082  }
0x22: {  	[simem:s7], [sflag:s8] =	dma.local @!p0 [hbm:s6], $0xF7A  }
0x23: {  	s9 =	sor.u32 $0xD0000000, s2;
	s6 =	simm.s32 $0x108;
	_ =	swait.ge @!p0 [sflag:s8], $0x0  }
0x24: {  	s3 =	sadd.s32 $0x88, s3;
	s6 =	simm.s32 @!p1 $0x1082;
	[sflag:s4] =	ssyncset.s32 $0xFFFFF086  }
0x25: {  	[simem:s6], [sflag:s4] =	dma.local [hbm:s3], $0xF7A  }
0x26: {  	[smem:$0x3F93] =	sst s1;
	(tag) =	ssettag s2;
	_ =	strace s9  }
0x27: {  	s1 =	sld [smem:$0x3FA3]  }
0x28: {  	s2 =	sld [smem:$0x3FA4]  }
0x29: {  	s4 =	sld [smem:$0x3FA6]  }
0x2a: {  	p0 =	seq.s32 s5, $0x0;
	s5 =	sld [smem:$0x3FA7]  }
0x2b: {  	s6 =	sld [smem:$0x3FA8]  }
0x2c: {  	s7 =	sld [smem:$0x3FA9]  }
0x2d: {  	s3 =	simm.s32 $0x108;
	s8 =	sld [smem:$0x3FAA]  }
0x2e: {  	s3 =	simm.s32 @!p0 $0x1082;
	s9 =	sld [smem:$0x3FAB]  }
0x2f: {  	lr =	sadd.s32 s0, s3;
	s0 =	sld [smem:$0x3FA2]  }
0x30: {  	s3 =	sld [smem:$0x3FA5]  }
0x31: {  	[smem:$0x3FAE] =	sst s10  }
0x32: {  	s10 =	sld [smem:$0x3FAC];
	_ =	sdelay $0x3  }
0x33: {  	p0 =	seq.s32 s10, $0x1;
	s10 =	sld [smem:$0x3FAE];
	_ =	sdelay $0x3  }
0x34: {  	[smem:$0x3FAE] =	sst s10  }
0x35: {  	s10 =	sld [smem:$0x3FAD];
	_ =	sdelay $0x3  }
0x36: {  	p1 =	seq.s32 s10, $0x1;
	s10 =	sld [smem:$0x3FAE];
	_ =	sdelay $0x3  }
0x37: {  	[smem:$0x3FAE] =	sst s10  }
0x38: {  	s10 =	sld [smem:$0x3FAF]  }
0x39: {  	_ = 	snop;
	(pc) =	sbr.ind lr, $3  }
0x3a: {  	_ = 	snop  }
0x3b: {  	_ = 	snop  }
0x3c: {  	p2 =	seq.s32 s10, $0x1;
	s10 =	sld [smem:$0x3FAE]  }
0x3d: {  	_ =	shalt  }
0x3e: {  	_ =	shalt  }
0x3f: {  	_ =	shalt  }
0x40: {  	_ =	shalt  }
0x41: {  	_ =	shalt  }
0x42: {  	_ =	shalt  }
0x43: {  	_ =	shalt  }
0x44: {  	_ =	shalt  }
0x45: {  	_ =	shalt  }
0x46: {  	_ =	shalt  }
0x47: {  	_ =	shalt  }
0x48: {  	_ =	shalt  }
0x49: {  	_ =	shalt  }
0x4a: {  	_ =	shalt  }
0x4b: {  	_ =	shalt  }
0x4c: {  	_ =	shalt  }
0x4d: {  	_ =	shalt  }
0x4e: {  	_ =	shalt  }
0x4f: {  	_ =	shalt  }
0x50: {  	_ =	shalt  }
0x51: {  	_ =	shalt  }
0x52: {  	_ =	shalt  }
0x53: {  	_ =	shalt  }
0x54: {  	_ =	shalt  }
0x55: {  	_ =	shalt  }
0x56: {  	_ =	shalt  }
0x57: {  	_ =	shalt  }
0x58: {  	_ =	shalt  }
0x59: {  	_ =	shalt  }
0x5a: {  	_ =	shalt  }
0x5b: {  	_ =	shalt  }
0x5c: {  	_ =	shalt  }
0x5d: {  	_ =	shalt  }
0x5e: {  	_ =	shalt  }
0x5f: {  	_ =	shalt  }
0x60: {  	_ =	shalt  }
0x61: {  	_ =	shalt  }
0x62: {  	_ =	shalt  }
0x63: {  	_ =	shalt  }
0x64: {  	_ =	shalt  }
0x65: {  	_ =	shalt  }
0x66: {  	_ =	shalt  }
0x67: {  	_ =	shalt  }
0x68: {  	_ =	shalt  }
0x69: {  	_ =	shalt  }
0x6a: {  	_ =	shalt  }
0x6b: {  	_ =	shalt  }
0x6c: {  	_ =	shalt  }
0x6d: {  	_ =	shalt  }
0x6e: {  	_ =	shalt  }
0x6f: {  	_ =	shalt  }
0x70: {  	_ =	shalt  }
0x71: {  	_ =	shalt  }
0x72: {  	_ =	shalt  }
0x73: {  	_ =	shalt  }
0x74: {  	_ =	shalt  }
0x75: {  	_ =	shalt  }
0x76: {  	_ =	shalt  }
0x77: {  	_ =	shalt  }
0x78: {  	_ =	shalt  }
0x79: {  	_ =	shalt  }
0x7a: {  	_ =	shalt  }
0x7b: {  	_ =	shalt  }
0x7c: {  	_ =	shalt  }
0x7d: {  	_ =	shalt  }
0x7e: {  	_ =	shalt  }
0x7f: {  	_ =	shalt  }
0x80: {  	_ =	shalt  }
0x81: {  	_ =	shalt  }
0x82: {  	_ =	shalt  }
0x83: {  	_ =	shalt  }
0x84: {  	_ =	shalt  }
0x85: {  	_ =	shalt  }
0x86: {  	_ =	shalt  }
0x87: {  	_ =	shalt  }
.Lfunc_end0:
.L_simem_size_0:
called_computation.2_lowered:
.L_overlay_start_0:
0x88: {  	s2 =	sld [smem:$0x3FD9]  }
0x89: {  	s3 =	sld [smem:$0x3FFE];
	_ =	sdelay $0x1  }
0x8a: {  	s1 =	srdreg.scid  }
0x8b: {  	s0 =	sand.u32 $0x1, s1  }
0x8c: {  	s17 =	sshll.u32 s0, $0xA;
	s2 =	sadd.s32 s3, s2  }
0x8d: {  	s2 =	sadd.s32 s2, s17  }
0x8e: {  	[smem:$0x3FBA] =	sst s2  }
0x8f: {  	_ = 	snop  }
0x90: {  	s2 =	sld [smem:$0x3FD0];
	(tm) =	ssettm $0x1  }
0x91: {  	s18 =	sld [smem:$0x3FFB];
	_ =	sdelay $0x3  }
0x92: {  	_ =	strace s18  }
0x93: {  	s3 =	sld [smem:$0x3FFC];
	_ =	sdelay $0x3  }
0x94: {  	_ =	strace s3  }
0x95: {  	s3 =	sld [smem:$0x3FFD];
	_ =	sdelay $0x3  }
0x96: {  	_ =	strace s3  }
0x97: {  	_ =	strace $0x8FFFFFFF  }
0x98: {  	s19 =	sld [smem:$0x3FDB];
	_ =	sdelay $0x1  }
0x99: {  	s4 =	simm.s32 $_scs_section_size  }
0x9a: {  	s5 =	simm.s32 $_size__tile_overlayer_lowered;
	s6 =	simm.s32 $_tile_overlayer_lowered  }
0x9b: {  	s22 =	simm.s32 $0x1BFF;
	s21 =	sshll.u32 s6, $0x1;
	s3 =	sadd.s32 s4, s19  }
0x9c: {  	s7 =	simm.s32 $0x0;
	s20 =	sshll.u32 s5, $0x1;
	s5 =	sadd.s32 s21, s3  }
0x9d: {  	[timem:s7], [sflag:s22] =	dma.local [hbm:s5], s20  }
0x9e: {  	_ =	swait.ge [sflag:s22], s20  }
0x9f: {  	s4 =	ssub.s32 $0x0, s20;
	[sflag:s22] =	ssyncset.done $0x0  }
0xa0: {  	[sflag:s22] =	ssyncadd.s32 s4;
	_ =	sdelay $0x1  }
0xa1: {  	s23 =	simm.s32 $0x1B8B  }
0xa2: {  	_ =	swait.ge [sflag:s23], $0x1  }
0xa3: {  	[sflag:s23] =	ssyncset.done $0x0  }
0xa4: {  	s25 =	simm.s32 $0x1B8E;
	s24 =	sld [smem:$0x3FFE];
	[sflag:s23] =	ssyncadd.s32 $0xFFFFFFFF  }
0xa5: {  	s26 =	simm.s32 $execute0_lowered;
	[smem:$0x3FD2] =	sst s25  }
0xa6: {  	s5 =	sshll.u32 s26, $0x1;
	_ =	strace $0x8000004C;
	[dreg:$0x1] =	wrdreg $0xFFFFFFFF  }
0xa7: {  	s28 =	simm.s32 $_size_execute0_lowered;
	s3 =	sadd.s32 s3, s5;
	[dreg:$0x0] =	wrdreg $0x0  }
0xa8: {  	s5 =	sshll.u32 s28, $0x1;
	[dreg:$0x2] =	wrdreg s3  }
0xa9: {  	[dreg:$0x3] =	wrdreg s5  }
0xaa: {  	[dreg:$0x4] =	wrdreg $0xC0  }
0xab: {  	_ =	task [dreg:s7], $0x5FFFF  }
0xac: {  	[dreg:$0x1] =	wrdreg $0xFFFFFFFF  }
0xad: {  	[dreg:$0x0] =	wrdreg $0x60  }
0xae: {  	[dreg:$0x2] =	wrdreg s2  }
0xaf: {  	[dreg:$0x3] =	wrdreg s24  }
0xb0: {  	[dreg:$0x4] =	wrdreg $0x9  }
0xb1: {  	_ =	task.clear_ibuf [dreg:s7], $0x5FFFF;
	_ =	strace $0x9000004C  }
0xb2: {  	s29 =	simm.s32 $0x9;
	_ =	strace $0x8000004E  }
0xb3: {  	_ =	swait.ge [sflag:s29], $0x1  }
0xb4: {  	[sflag:s29] =	ssyncadd.s32 $0xFFFFFFFF  }
0xb5: {  	_ =	strace $0x9000004E  }
0xb6: {  	_ =	sfence  }
0xb7: {  	s30 =	sld [smem:$0x0];
	_ =	sdelay $0x2  }
0xb8: {  	s31 =	sshll.u32 s1, $0xD;
	s1 =	sshrl.u32 s1, $0x2  }
0xb9: {  	s3 =	sand.u32 $0x4000, s31;
	s1 =	sadd.s32 s1, s30  }
0xba: {  	s0 =	sor.u32 s3, s0;
	s1 =	sshll.u32 s1, $0x11  }
0xbb: {  	s0 =	sor.u32 s1, s0  }
0xbc: {  	s0 =	sadd.s32 $0x8F2B, s0  }
0xbd: {  	[sflag:s0] =	ssyncadd.remote.s32 $0x1  }
0xbe: {  	_ =	sfence.sel $0xFFFF  }
0xbf: {  	[dreg:$0x0] =	wrdreg $0xFFFFFFFF;
	(pc) =	sbr.abs _section_cstart, $3  }
0xc0: {  	[dreg:$0x1] =	wrdreg $0xFFFFFFFF  }
0xc1: {  	_ =	task.clear_ibuf [dreg:s7], $0x2FFFF;
	_ =	strace $0x9FFFFFFF  }
0xc2: {  	(tm) =	ssettm $0x7FFFFFFF  }
0xc3: {  	_ =	shalt  }
tec
execute0_lowered:
.L_overlay_start_1:
0x0: {  	(tag) =	ssettag $0x1  }
0x1: {  	s1 =	srdreg.scid;
	s2 =	rddreg [dreg:$0x0]  }
0x2: {  	s0 =	stileid.u32;
	s6 =	rddreg [dreg:$0x1]  }
0x3: {  	s3 =	simm.s32 $0x0;
	s9 =	simm.s32 $0x5000;
	s10 =	simm.s32 $0x7780  }
0x4: {  	s11 =	simm.s32 $0x2800;
	s12 =	simm.s32 $0x80;
	s13 =	simm.s32 $0x400  }
0x5: {  	s14 =	simm.s32 $0x0;
	s4 =	sand.u32 $0x1, s1;
	s29 =	sshll.u32 s0, $0x1  }
0x6: {  	s30 =	sshrl.u32 s0, $0x2;
	s1 =	rddreg [dreg:$0x2];
	s5 =	sor.u32 s4, s29  }
0x7: {  	[smem:$0x7FF] =	sst s3;
	s7 =	smul.u32 $0x14000, s30;
	s8 =	sshll.u32 s5, $0x7  }
0x8: {  	s4 =	ssub.s32 $0x2, s4;
	s5 =	smul.u32 $0x4E2, s5;
	s8 =	sand.u32 $0x380, s8  }
0x9: {  	_ =	strace $0x8000004D;
	s31 =	sshrl.u32 s4, $0x1;
	s7 =	sor.u32 s7, s8  }
0xa: {  	s5 =	sadd.s32 s5, s6;
	s8 =	simm.s32 $0x1;
	s7 =	sshrl.u32 s7, $0x3  }
0xb: {  	s6 =	sadd.s32 s7, s6;
	s7 =	ssub.s32 s4, s31;
	s4 =	sadd.s32 $0xBC00, s5  }
0xc: {  	v0 =	vimm.f32 $0.0e+00;
	s5 =	sadd.s32 $0x1E00, s5;
	s6 =	sadd.s32 $0x15A00, s6;
	s7 =	smax.u32 s7, $0x1  }
.LBB2_1:
0xd: {  	[tilespmem:s3], [sflag:$0x1] =	stream.linear.gather [hbm4b:s2+s3], $0x2800, $0x38;
	[tilespmem:$0x9F00] =	vst v63  }
0xe: {  	_ =	swait.ge [sflag:s8], $0x2800  }
0xf: {  	[sflag:s8] =	ssyncset.done $0x0  }
0x10: {  	[sflag:s8] =	ssyncadd.s32 $0xFFFFD800  }
0x11: {  	[tilespmem:s9], [sflag:$0x1] =	stream.linear.gather [hbm4b:s4+s3], $0x2710, $0x38;
	[tilespmem:$0x9F00] =	vst v63  }
0x12: {  	_ =	swait.ge [sflag:s8], $0x2710  }
0x13: {  	[sflag:s8] =	ssyncset.done $0x0  }
0x14: {  	[sflag:s8] =	ssyncadd.s32 $0xFFFFD8F0  }
0x15: {  	[tilespmem:s10], [sflag:$0x1] =	stream.linear.gather [hbm4b:s5+s3], $0x2710, $0x38;
	[tilespmem:$0x9F00] =	vst v63  }
0x16: {  	_ =	swait.ge [sflag:s8], $0x2710  }
0x17: {  	[sflag:s8] =	ssyncset.done $0x0  }
0x18: {  	s16 =	simm.s32 $0x2840;
	[sflag:s8] =	ssyncadd.s32 $0xFFFFD8F0  }
0x19: {  	[tilespmem:s16+$0xFFFFFFC0] =	vst v0  }
0x1a: {  	[tilespmem:s16+$0x30] =	vst v0  }
0x1b: {  	[tilespmem:s16+$0x20] =	vst v0  }
0x1c: {  	[tilespmem:s16+$0x10] =	vst v0  }
0x1d: {  	[tilespmem:s16+$0x0] =	vst v0  }
0x1e: {  	[tilespmem:s16+$0xFFFFFFF0] =	vst v0  }
0x1f: {  	s18 =	simm.s32 $0x0;
	s15 =	simm.s32 $0x77C0;
	[tilespmem:s16+$0xFFFFFFE0] =	vst v0  }
.LBB2_2:
0x20: {  	s18 =	sadd.s32 $0x8, s18;
	[tilespmem:s16+$0xFFFFFFD0] =	vst v0;
	s16 =	sadd.s32 $0x80, s16;
	s17 =	simm.s32 $0x5040  }
0x21: {  	[tilespmem:s16+$0xFFFFFFC0] =	vst v0;
	p0 =	slt.u32 s18, $0x278  }
0x22: {  	[tilespmem:s16+$0x30] =	vst v0  }
.Ltmp0:
0x23: {  	[tilespmem:s16+$0x20] =	vst v0;
	(pc) =	sbr.rel @p0 .LBB2_2-.Ltmp0, $4  }
0x24: {  	[tilespmem:s16+$0x10] =	vst v0  }
0x25: {  	[tilespmem:s16+$0x0] =	vst v0  }
0x26: {  	[tilespmem:s16+$0xFFFFFFF0] =	vst v0  }
0x27: {  	[tilespmem:s16+$0xFFFFFFE0] =	vst v0  }
0x28: {  	[tilespmem:s16+$0xFFFFFFD0] =	vst v0  }
0x29: {  	v1 =	vld [tilespmem:s17+$0x30]  }
0x2a: {  	v2 =	vld [tilespmem:s17+$0xFFFFFFD0]  }
0x2b: {  	v3 =	vld [tilespmem:s17+$0xFFFFFFE0]  }
0x2c: {  	v4 =	vld [tilespmem:s17+$0xFFFFFFF0]  }
0x2d: {  	v5 =	vld [tilespmem:s17+$0x0]  }
0x2e: {  	v6 =	vld [tilespmem:s17+$0x10]  }
0x2f: {  	v7 =	vld [tilespmem:s15+$0x30]  }
0x30: {  	v8 =	vld [tilespmem:s17+$0x20]  }
0x31: {  	v9 =	vld [tilespmem:s17+$0xFFFFFFC0]  }
0x32: {  	v63 =	vld [tilespmem:s15+$0xFFFFFFC0]  }
0x33: {  	v11 =	vld [tilespmem:s15+$0xFFFFFFD0]  }
0x34: {  	v12 =	vld [tilespmem:s15+$0xFFFFFFE0]  }
0x35: {  	v13 =	vld [tilespmem:s15+$0xFFFFFFF0]  }
0x36: {  	v14 =	vld [tilespmem:s15+$0x0]  }
0x37: {  	v15 =	vld [tilespmem:s15+$0x10]  }
0x38: {  	v1 =	vld.idx.msk [tilespmem:v1+s3+$0x0], $0xffff  }
0x39: {  	v10 =	vld.idx.msk [tilespmem:v2+s3+$0x0], $0xffff  }
0x3a: {  	v3 =	vld.idx.msk [tilespmem:v3+s3+$0x0], $0xffff  }
0x3b: {  	v4 =	vld.idx.msk [tilespmem:v4+s3+$0x0], $0xffff  }
0x3c: {  	v5 =	vld.idx.msk [tilespmem:v5+s3+$0x0], $0xffff  }
0x3d: {  	v62 =	vld.idx.msk [tilespmem:v9+s3+$0x0], $0xffff  }
0x3e: {  	v6 =	vld.idx.msk [tilespmem:v6+s3+$0x0], $0xffff  }
0x3f: {  	v2 =	vld [tilespmem:s15+$0x20]  }
0x40: {  	[tilespmem:v7+s11+$0x0] =	vst.idx.add.f32.msk $0xffff, v1  }
0x41: {  	v1 =	vld.idx.msk [tilespmem:v8+s3+$0x0], $0xffff  }
0x42: {  	[tilespmem:v63+s11+$0x0] =	vst.idx.add.f32.msk $0xffff, v62  }
0x43: {  	[tilespmem:v11+s11+$0x0] =	vst.idx.add.f32.msk $0xffff, v10  }
0x44: {  	[tilespmem:v12+s11+$0x0] =	vst.idx.add.f32.msk $0xffff, v3  }
0x45: {  	[tilespmem:v13+s11+$0x0] =	vst.idx.add.f32.msk $0xffff, v4  }
0x46: {  	[tilespmem:v14+s11+$0x0] =	vst.idx.add.f32.msk $0xffff, v5  }
0x47: {  	s16 =	simm.s32 $0x0;
	s17 =	simm.s32 $0x50C0;
	[tilespmem:v15+s11+$0x0] =	vst.idx.add.f32.msk $0xffff, v6  }
.LBB2_4:
0x48: {  	v3 =	vld [tilespmem:s17+$0x30];
	s16 =	sadd.s32 $0x8, s16  }
0x49: {  	v4 =	vld [tilespmem:s17+$0xFFFFFFD0];
	p0 =	slt.u32 s16, $0x268  }
0x4a: {  	v5 =	vld [tilespmem:s17+$0xFFFFFFE0]  }
0x4b: {  	v6 =	vld [tilespmem:s17+$0xFFFFFFF0]  }
0x4c: {  	v7 =	vld [tilespmem:s17+$0x0]  }
0x4d: {  	s15 =	sadd.s32 $0x80, s15;
	v8 =	vld [tilespmem:s17+$0x10]  }
0x4e: {  	v9 =	vld [tilespmem:s15+$0x30]  }
0x4f: {  	v10 =	vld [tilespmem:s17+$0x20]  }
0x50: {  	v3 =	vld.idx.msk [tilespmem:v3+s3+$0x0], $0xffff  }
0x51: {  	v11 =	vld [tilespmem:s17+$0xFFFFFFC0]  }
0x52: {  	v4 =	vld.idx.msk [tilespmem:v4+s3+$0x0], $0xffff  }
0x53: {  	v5 =	vld.idx.msk [tilespmem:v5+s3+$0x0], $0xffff  }
0x54: {  	v6 =	vld.idx.msk [tilespmem:v6+s3+$0x0], $0xffff  }
0x55: {  	v7 =	vld.idx.msk [tilespmem:v7+s3+$0x0], $0xffff  }
0x56: {  	[tilespmem:v9+s11+$0x0] =	vst.idx.add.f32.msk $0xffff, v3  }
0x57: {  	v3 =	vld.idx.msk [tilespmem:v8+s3+$0x0], $0xffff  }
0x58: {  	v8 =	vld.idx.msk [tilespmem:v10+s3+$0x0], $0xffff  }
0x59: {  	v9 =	vld.idx.msk [tilespmem:v11+s3+$0x0], $0xffff  }
0x5a: {  	v10 =	vld [tilespmem:s15+$0xFFFFFFC0]  }
0x5b: {  	v11 =	vld [tilespmem:s15+$0xFFFFFFD0]  }
0x5c: {  	v12 =	vld [tilespmem:s15+$0xFFFFFFE0]  }
0x5d: {  	v13 =	vld [tilespmem:s15+$0xFFFFFFF0]  }
0x5e: {  	v14 =	vld [tilespmem:s15+$0x0]  }
0x5f: {  	v15 =	vld [tilespmem:s15+$0x10]  }
0x60: {  	v16 =	vld [tilespmem:s15+$0x20]  }
0x61: {  	[tilespmem:v2+s11+$0x0] =	vst.idx.add.f32.msk $0xffff, v1;
	v1 =	vmov v8  }
0x62: {  	[tilespmem:v10+s11+$0x0] =	vst.idx.add.f32.msk $0xffff, v9  }
.Ltmp1:
0x63: {  	[tilespmem:v11+s11+$0x0] =	vst.idx.add.f32.msk $0xffff, v4;
	(pc) =	sbr.rel @p0 .LBB2_4-.Ltmp1, $4  }
0x64: {  	[tilespmem:v12+s11+$0x0] =	vst.idx.add.f32.msk $0xffff, v5  }
0x65: {  	[tilespmem:v13+s11+$0x0] =	vst.idx.add.f32.msk $0xffff, v6;
	v2 =	vmov v16  }
0x66: {  	[tilespmem:v14+s11+$0x0] =	vst.idx.add.f32.msk $0xffff, v7  }
0x67: {  	s17 =	sadd.s32 $0x80, s17;
	[tilespmem:v15+s11+$0x0] =	vst.idx.add.f32.msk $0xffff, v3  }
0x68: {  	_ =	sdelay $0x3  }
0x69: {  	[tilespmem:v2+s11+$0x0] =	vst.idx.add.f32.msk $0xffff, v1  }
0x6a: {  	v1 =	vld [tilespmem:$0x7700];
	_ =	sdelay $0x4  }
0x6b: {  	v2 =	vld [tilespmem:$0x9E80];
	_ =	sdelay $0x2  }
0x6c: {  	v1 =	vld.idx.msk [tilespmem:v1+s3+$0x0], $0xffff;
	_ =	sdelay $0x2  }
0x6d: {  	s14 =	sadd.s32 $0x1, s14  }
0x6e: {  	p0 =	sne.s32 s14, s7  }
.Ltmp2:
0x6f: {  	[tilespmem:v2+s11+$0x0] =	vst.idx.add.f32.msk $0xffff, v1;
	(pc) =	sbr.rel @p0 .LBB2_1-.Ltmp2, $4  }
0x70: {  	[hbm4b:s6+s12] =	stream.strided.scatter [tilespmem:s11], [sflag:$0x1], $0x2800, s13, s12, $0x38;
	[tilespmem:$0x9F00] =	vst v63  }
0x71: {  	_ =	swait.ge [sflag:s8], $0x2800  }
0x72: {  	[sflag:s8] =	ssyncset.done $0x0  }
0x73: {  	[sflag:s8] =	ssyncadd.s32 $0xFFFFD800  }
0x74: {  	_ =	sfence.sel $0x180000  }
0x75: {  	[bflag:$0x0] =	sbarrier.arrive $0xFFFF  }
0x76: {  	p0 =	sne.s32 s0, $0x0;
	_ =	strace $0x9000004D  }
0x77: {  	s0 =	sadd.s32 @!p0 $0x100000, s1;
	[bflag:$0x2] =	sbarrier.arrive $0xFFFF  }
0x78: {  	[sflag:s0] =	ssyncadd.tile.s32 @!p0 $0x1;
	_ =	shalt  }
.Lfunc_end2:
_tile_overlayer_lowered:
.L_overlay_start_2:
0x79: {  	(tag) =	ssettag $0x2  }
0x7a: {  	s0 =	rddreg [dreg:$0x0];
	s2 =	stileid.u32  }
0x7b: {  	s1 =	rddreg [dreg:$0x1];
	p0 =	sne.s32 s2, $0x0  }
0x7c: {  	s3 =	rddreg [dreg:$0x2];
	[bflag:$0x3] =	sbarrier.arrive $0xFFFF;
	s2 =	simm.s32 @!p0 $0x1C01  }
0x7d: {  	[timem:s3], [sflag:s2] =	dma.local @!p0 [hbm:s0], s1  }
0x7e: {  	s0 =	simm.s32 @!p0 $0x1  }
0x7f: {  	_ =	swait.ge @!p0 [sflag:s0], s1  }
0x80: {  	s1 =	ssub.s32 @!p0 $0x0, s1;
	[sflag:s0] =	ssyncset.done @!p0 $0x0  }
0x81: {  	[sflag:s0] =	ssyncadd.s32 @!p0 s1  }
0x82: {  	[bflag:$0x3] =	sbarrier.arrive $0xFFFF  }
0x83: {  	_ =	shalt  }

// kernel: kernel.9.cloned.1.call-start
scs
__scs_entry_jumppad:
0x0: {  	(pc) =	sbr.rel $0x88, $3  }
0x1: {  	(tag) =	ssettag $0x0;
	lr =	simm.s32 $0x1  }
0x2: {  	[smem:$0x3F93] =	sst lr;
	_ =	strace $0xD0000000  }
0x3: {  	_ = 	snop  }
0x4: {  	_ = 	snop  }
0x5: {  	_ = 	snop  }
0x6: {  	_ = 	snop  }
0x7: {  	_ = 	snop  }
__scs_overlays_trampoline_lowered:
0x8: {  	[smem:$0x3FA2] =	sst s0  }
0x9: {  	[smem:$0x3FA3] =	sst s1  }
0xa: {  	[smem:$0x3FA4] =	sst s2  }
0xb: {  	[smem:$0x3FA5] =	sst s3  }
0xc: {  	[smem:$0x3FA6] =	sst s4  }
0xd: {  	[smem:$0x3FA7] =	sst s5  }
0xe: {  	[smem:$0x3FA8] =	sst s6  }
0xf: {  	[smem:$0x3FA9] =	sst s7  }
0x10: {  	[smem:$0x3FAA] =	sst s8  }
0x11: {  	[smem:$0x3FAB] =	sst s9;
	s0 =	simm.s32 @!p0 $0x0  }
0x12: {  	s1 =	sld [smem:$0x3F91];
	s0 =	simm.s32 @p0 $0x1  }
0x13: {  	[smem:$0x3FAC] =	sst s0;
	s0 =	simm.s32 @!p1 $0x0  }
0x14: {  	s2 =	sld [smem:$0x3F90];
	s0 =	simm.s32 @p1 $0x1  }
0x15: {  	[smem:$0x3FAD] =	sst s0;
	s0 =	simm.s32 @!p2 $0x0  }
0x16: {  	s3 =	sld [smem:$0x3FDB];
	s0 =	simm.s32 @p2 $0x1  }
0x17: {  	s4 =	simm.s32 $0x1BF5;
	[smem:$0x3FAF] =	sst s0  }
0x18: {  	s0 =	sld [smem:$0x3F92];
	_ =	swait.ge [sflag:s4], $0x0  }
0x19: {  	s7 =	sld [smem:$0x3F93]  }
0x1a: {  	s8 =	sadd.s32 $0xFFFFE003, lr  }
0x1b: {  	s9 =	sadd.s32 $0xFFFFFEF7, lr;
	s5 =	simm.s32 $0xFFFFFFFF;
	p2 =	slt.u32 s8, $0xFFFFF086  }
0x1c: {  	p1 =	slt.u32 s9, $0xF7A;
	s5 =	simm.s32 @!p2 $0x0  }
0x1d: {  	s5 =	simm.s32 @p1 $0x1;
	p0 =	seq.s32 s7, s2  }
0x1e: {  	s7 =	smul.u32 @!p0 $0xF7A, s2;
	p2 =	seq.s32 @!p0 s5, $0x0  }
0x1f: {  	s9 =	smul.u32 $0xF7A, s1;
	s8 =	simm.s32 @!p0 $0x1BF5;
	p2 =	por !p2, p0  }
0x20: {  	[sflag:s8] =	ssyncset.s32 @!p0 $0xFFFFF086;
	s6 =	sadd.s32 @!p0 s3, s7;
	s7 =	simm.s32 @!p0 $0x108  }
0x21: {  	s3 =	sadd.s32 s3, s9;
	s6 =	sadd.s32 @!p0 $0x88, s6;
	s7 =	simm.s32 @p2 $0x1082  }
0x22: {  	[simem:s7], [sflag:s8] =	dma.local @!p0 [hbm:s6], $0xF7A  }
0x23: {  	s9 =	sor.u32 $0xD0000000, s2;
	s6 =	simm.s32 $0x108;
	_ =	swait.ge @!p0 [sflag:s8], $0x0  }
0x24: {  	s3 =	sadd.s32 $0x88, s3;
	s6 =	simm.s32 @!p1 $0x1082;
	[sflag:s4] =	ssyncset.s32 $0xFFFFF086  }
0x25: {  	[simem:s6], [sflag:s4] =	dma.local [hbm:s3], $0xF7A  }
0x26: {  	[smem:$0x3F93] =	sst s1;
	(tag) =	ssettag s2;
	_ =	strace s9  }
0x27: {  	s1 =	sld [smem:$0x3FA3]  }
0x28: {  	s2 =	sld [smem:$0x3FA4]  }
0x29: {  	s4 =	sld [smem:$0x3FA6]  }
0x2a: {  	p0 =	seq.s32 s5, $0x0;
	s5 =	sld [smem:$0x3FA7]  }
0x2b: {  	s6 =	sld [smem:$0x3FA8]  }
0x2c: {  	s7 =	sld [smem:$0x3FA9]  }
0x2d: {  	s3 =	simm.s32 $0x108;
	s8 =	sld [smem:$0x3FAA]  }
0x2e: {  	s3 =	simm.s32 @!p0 $0x1082;
	s9 =	sld [smem:$0x3FAB]  }
0x2f: {  	lr =	sadd.s32 s0, s3;
	s0 =	sld [smem:$0x3FA2]  }
0x30: {  	s3 =	sld [smem:$0x3FA5]  }
0x31: {  	[smem:$0x3FAE] =	sst s10  }
0x32: {  	s10 =	sld [smem:$0x3FAC];
	_ =	sdelay $0x3  }
0x33: {  	p0 =	seq.s32 s10, $0x1;
	s10 =	sld [smem:$0x3FAE];
	_ =	sdelay $0x3  }
0x34: {  	[smem:$0x3FAE] =	sst s10  }
0x35: {  	s10 =	sld [smem:$0x3FAD];
	_ =	sdelay $0x3  }
0x36: {  	p1 =	seq.s32 s10, $0x1;
	s10 =	sld [smem:$0x3FAE];
	_ =	sdelay $0x3  }
0x37: {  	[smem:$0x3FAE] =	sst s10  }
0x38: {  	s10 =	sld [smem:$0x3FAF]  }
0x39: {  	_ = 	snop;
	(pc) =	sbr.ind lr, $3  }
0x3a: {  	_ = 	snop  }
0x3b: {  	_ = 	snop  }
0x3c: {  	p2 =	seq.s32 s10, $0x1;
	s10 =	sld [smem:$0x3FAE]  }
0x3d: {  	_ =	shalt  }
0x3e: {  	_ =	shalt  }
0x3f: {  	_ =	shalt  }
0x40: {  	_ =	shalt  }
0x41: {  	_ =	shalt  }
0x42: {  	_ =	shalt  }
0x43: {  	_ =	shalt  }
0x44: {  	_ =	shalt  }
0x45: {  	_ =	shalt  }
0x46: {  	_ =	shalt  }
0x47: {  	_ =	shalt  }
0x48: {  	_ =	shalt  }
0x49: {  	_ =	shalt  }
0x4a: {  	_ =	shalt  }
0x4b: {  	_ =	shalt  }
0x4c: {  	_ =	shalt  }
0x4d: {  	_ =	shalt  }
0x4e: {  	_ =	shalt  }
0x4f: {  	_ =	shalt  }
0x50: {  	_ =	shalt  }
0x51: {  	_ =	shalt  }
0x52: {  	_ =	shalt  }
0x53: {  	_ =	shalt  }
0x54: {  	_ =	shalt  }
0x55: {  	_ =	shalt  }
0x56: {  	_ =	shalt  }
0x57: {  	_ =	shalt  }
0x58: {  	_ =	shalt  }
0x59: {  	_ =	shalt  }
0x5a: {  	_ =	shalt  }
0x5b: {  	_ =	shalt  }
0x5c: {  	_ =	shalt  }
0x5d: {  	_ =	shalt  }
0x5e: {  	_ =	shalt  }
0x5f: {  	_ =	shalt  }
0x60: {  	_ =	shalt  }
0x61: {  	_ =	shalt  }
0x62: {  	_ =	shalt  }
0x63: {  	_ =	shalt  }
0x64: {  	_ =	shalt  }
0x65: {  	_ =	shalt  }
0x66: {  	_ =	shalt  }
0x67: {  	_ =	shalt  }
0x68: {  	_ =	shalt  }
0x69: {  	_ =	shalt  }
0x6a: {  	_ =	shalt  }
0x6b: {  	_ =	shalt  }
0x6c: {  	_ =	shalt  }
0x6d: {  	_ =	shalt  }
0x6e: {  	_ =	shalt  }
0x6f: {  	_ =	shalt  }
0x70: {  	_ =	shalt  }
0x71: {  	_ =	shalt  }
0x72: {  	_ =	shalt  }
0x73: {  	_ =	shalt  }
0x74: {  	_ =	shalt  }
0x75: {  	_ =	shalt  }
0x76: {  	_ =	shalt  }
0x77: {  	_ =	shalt  }
0x78: {  	_ =	shalt  }
0x79: {  	_ =	shalt  }
0x7a: {  	_ =	shalt  }
0x7b: {  	_ =	shalt  }
0x7c: {  	_ =	shalt  }
0x7d: {  	_ =	shalt  }
0x7e: {  	_ =	shalt  }
0x7f: {  	_ =	shalt  }
0x80: {  	_ =	shalt  }
0x81: {  	_ =	shalt  }
0x82: {  	_ =	shalt  }
0x83: {  	_ =	shalt  }
0x84: {  	_ =	shalt  }
0x85: {  	_ =	shalt  }
0x86: {  	_ =	shalt  }
0x87: {  	_ =	shalt  }
.Lfunc_end0:
.L_simem_size_0:
called_computation_lowered:
.L_overlay_start_0:
0x88: {  	s2 =	sld [smem:$0x3FD9]  }
0x89: {  	s3 =	sld [smem:$0x3FFE];
	_ =	sdelay $0x1  }
0x8a: {  	s1 =	srdreg.scid  }
0x8b: {  	s0 =	sand.u32 $0x1, s1  }
0x8c: {  	s16 =	sshll.u32 s0, $0xA;
	s2 =	sadd.s32 s3, s2  }
0x8d: {  	s2 =	sadd.s32 s2, s16  }
0x8e: {  	[smem:$0x3FBA] =	sst s2  }
0x8f: {  	_ = 	snop  }
0x90: {  	(tm) =	ssettm $0x1  }
0x91: {  	s17 =	sld [smem:$0x3FFB];
	_ =	sdelay $0x3  }
0x92: {  	_ =	strace s17  }
0x93: {  	s2 =	sld [smem:$0x3FFC];
	_ =	sdelay $0x3  }
0x94: {  	_ =	strace s2  }
0x95: {  	s2 =	sld [smem:$0x3FFD];
	_ =	sdelay $0x3  }
0x96: {  	_ =	strace s2  }
0x97: {  	_ =	strace $0x8FFFFFFF  }
0x98: {  	s18 =	sld [smem:$0x3FDB];
	_ =	sdelay $0x1  }
0x99: {  	s19 =	simm.s32 $_scs_section_size  }
0x9a: {  	s4 =	simm.s32 $_size__tile_overlayer_lowered;
	s5 =	simm.s32 $_tile_overlayer_lowered  }
0x9b: {  	s22 =	simm.s32 $0x1BFF;
	s21 =	sshll.u32 s5, $0x1;
	s2 =	sadd.s32 s19, s18  }
0x9c: {  	s6 =	simm.s32 $0x0;
	s20 =	sshll.u32 s4, $0x1;
	s4 =	sadd.s32 s21, s2  }
0x9d: {  	[timem:s6], [sflag:s22] =	dma.local [hbm:s4], s20  }
0x9e: {  	_ =	swait.ge [sflag:s22], s20  }
0x9f: {  	s3 =	ssub.s32 $0x0, s20;
	[sflag:s22] =	ssyncset.done $0x0  }
0xa0: {  	[sflag:s22] =	ssyncadd.s32 s3;
	_ =	sdelay $0x1  }
0xa1: {  	s23 =	simm.s32 $0x1B8B  }
0xa2: {  	_ =	swait.ge [sflag:s23], $0x1  }
0xa3: {  	[sflag:s23] =	ssyncset.done $0x0  }
0xa4: {  	s25 =	simm.s32 $0x1B8E;
	s24 =	sld [smem:$0x3FFE];
	[sflag:s23] =	ssyncadd.s32 $0xFFFFFFFF  }
0xa5: {  	s26 =	simm.s32 $execute0_lowered;
	[smem:$0x3FD2] =	sst s25  }
0xa6: {  	s4 =	sshll.u32 s26, $0x1;
	_ =	strace $0x80000046;
	[dreg:$0x1] =	wrdreg $0xFFFFFFFF  }
0xa7: {  	s28 =	simm.s32 $_size_execute0_lowered;
	s2 =	sadd.s32 s2, s4;
	[dreg:$0x0] =	wrdreg $0x0  }
0xa8: {  	s4 =	sshll.u32 s28, $0x1;
	[dreg:$0x2] =	wrdreg s2  }
0xa9: {  	[dreg:$0x3] =	wrdreg s4  }
0xaa: {  	[dreg:$0x4] =	wrdreg $0xC0  }
0xab: {  	_ =	task [dreg:s6], $0x5FFFF  }
0xac: {  	[dreg:$0x1] =	wrdreg $0xFFFFFFFF  }
0xad: {  	[dreg:$0x0] =	wrdreg $0x60  }
0xae: {  	[dreg:$0x2] =	wrdreg s24  }
0xaf: {  	[dreg:$0x3] =	wrdreg $0x0  }
0xb0: {  	[dreg:$0x4] =	wrdreg $0x9  }
0xb1: {  	_ =	task.clear_ibuf [dreg:s6], $0x5FFFF;
	_ =	strace $0x90000046  }
0xb2: {  	s29 =	simm.s32 $0x9;
	_ =	strace $0x80000048  }
0xb3: {  	_ =	swait.ge [sflag:s29], $0x1  }
0xb4: {  	[sflag:s29] =	ssyncadd.s32 $0xFFFFFFFF  }
0xb5: {  	_ =	strace $0x90000048  }
0xb6: {  	_ =	sfence  }
0xb7: {  	s30 =	sld [smem:$0x0];
	_ =	sdelay $0x2  }
0xb8: {  	s31 =	sshll.u32 s1, $0xD;
	s1 =	sshrl.u32 s1, $0x2  }
0xb9: {  	s3 =	sand.u32 $0x4000, s31;
	s1 =	sadd.s32 s1, s30  }
0xba: {  	s0 =	sor.u32 s3, s0;
	s1 =	sshll.u32 s1, $0x11  }
0xbb: {  	s0 =	sor.u32 s1, s0  }
0xbc: {  	s0 =	sadd.s32 $0x8F2B, s0  }
0xbd: {  	[sflag:s0] =	ssyncadd.remote.s32 $0x1  }
0xbe: {  	_ =	sfence.sel $0xFFFF  }
0xbf: {  	[dreg:$0x0] =	wrdreg $0xFFFFFFFF;
	(pc) =	sbr.abs _section_cstart, $3  }
0xc0: {  	[dreg:$0x1] =	wrdreg $0xFFFFFFFF  }
0xc1: {  	_ =	task.clear_ibuf [dreg:s6], $0x2FFFF;
	_ =	strace $0x9FFFFFFF  }
0xc2: {  	(tm) =	ssettm $0x7FFFFFFF  }
0xc3: {  	_ =	shalt  }
tec
execute0_lowered:
.L_overlay_start_1:
0x0: {  	(tag) =	ssettag $0x1  }
0x1: {  	s0 =	rddreg [dreg:$0x0]  }
0x2: {  	s1 =	rddreg [dreg:$0x1];
	s2 =	srdreg.scid;
	s3 =	simm.s32 $0x0  }
0x3: {  	s25 =	stileid.u32;
	s18 =	simm.s32 $0x7;
	s19 =	simm.s32 $0x8  }
0x4: {  	s20 =	simm.s32 $0x5;
	s22 =	simm.s32 $0xA000;
	s9 =	smul.u32 $0xA000, s25  }
0x5: {  	s23 =	simm.s32 $0x9;
	s24 =	sand.u32 $0x1, s2;
	s26 =	smul.u32 $0x500, s25  }
0x6: {  	[smem:$0x7FF] =	sst s3;
	s7 =	sadd.s32 $0xBC00, s0;
	s6 =	smul.u32 $0x9C, s25  }
0x7: {  	s8 =	sadd.s32 $0x1E00, s0;
	s10 =	smin.u32 s25, $0x4;
	s31 =	smul.u32 $0x28000, s25  }
0x8: {  	p0 =	slt.u32 s25, $0x4;
	s4 =	smul.u32 $0xA0000, s24;
	s28 =	ssub.s32 $0x2, s24  }
0x9: {  	_ =	strace $0x80000047;
	p1 =	sne.s32 s24, $0x0;
	s29 =	sshrl.u32 s28, $0x1  }
0xa: {  	s30 =	sadd.s32 s10, s6;
	s10 =	sshrl.u32 s31, $0x2;
	s5 =	sshrl.u32 s4, $0x3  }
0xb: {  	s4 =	sadd.s32 s9, s4;
	s21 =	ssub.s32 s28, s29;
	s6 =	sshll.u32 s30, $0x4  }
0xc: {  	s9 =	sadd.s32 s9, s1;
	s13 =	sadd.s32 s10, s1;
	s14 =	sadd.s32 s5, s0  }
0xd: {  	s4 =	sshrl.u32 s4, $0x3;
	s5 =	sadd.s32 s7, s6;
	s11 =	sadd.s32 $0x9C0, s6  }
0xe: {  	s6 =	sadd.s32 s8, s6;
	s10 =	sadd.s32 $0x2000, s13;
	s12 =	sadd.s32 $0x6000, s13  }
0xf: {  	s21 =	smax.u32 s21, $0x1;
	s15 =	sadd.s32 s4, s0;
	s0 =	sadd.s32 s26, s0  }
0x10: {  	s4 =	simm.s32 $0x9D;
	s7 =	sadd.s32 s7, s11;
	s8 =	sadd.s32 s8, s11  }
0x11: {  	s11 =	sadd.s32 $0x4000, s13;
	s13 =	sadd.s32 $0x8000, s13;
	s14 =	sadd.s32 $0x15A00, s14  }
.Ltmp0:
0x12: {  	s26 =	simm.s32 $0x80;
	s4 =	simm.s32 @!p0 $0x9C;
	(pc) =	sbr.rel .LBB2_1-.Ltmp0, $4  }
0x13: {  	s15 =	sadd.s32 $0x42A00, s15;
	s17 =	sadd.s32 $0x3DA00, s0;
	s16 =	sand.u32 $0x1, s4  }
0x14: {  	s0 =	simm.s32 $0x0;
	p0 =	seq.s32 s16, $0x1;
	s16 =	simm.s32 $0x6  }
0x15: {  	s16 =	simm.s32 @!p0 $0x5;
	s18 =	simm.s32 @!p0 $0x6;
	s19 =	simm.s32 @!p0 $0x7  }
0x16: {  	v0 =	vimm.f32 $0.0e+00;
	s20 =	simm.s32 @!p0 $0x8;
	p0 =	sgt.u32 s25, $0x3;
	s25 =	simm.s32 $0x13D00  }
.LBB2_12:
0x17: {  	_ =	swait.ge [sflag:s16], $0x2000  }
0x18: {  	[sflag:s16] =	ssyncset.done $0x0  }
0x19: {  	[sflag:s16] =	ssyncadd.s32 $0xFFFFE000  }
0x1a: {  	_ =	swait.ge [sflag:s18], $0x2000  }
0x1b: {  	[sflag:s18] =	ssyncset.done $0x0  }
0x1c: {  	[sflag:s18] =	ssyncadd.s32 $0xFFFFE000  }
0x1d: {  	_ =	swait.ge [sflag:s19], $0x2000  }
0x1e: {  	[sflag:s19] =	ssyncset.done $0x0  }
0x1f: {  	[sflag:s19] =	ssyncadd.s32 $0xFFFFE000  }
0x20: {  	_ =	swait.ge [sflag:s20], $0x2000  }
0x21: {  	s2 =	stileid.u32;
	[sflag:s20] =	ssyncset.done $0x0  }
0x22: {  	s2 =	sshll.u32 s2, $0x6;
	[sflag:s20] =	ssyncadd.s32 $0xFFFFE000  }
0x23: {  	s24 =	sshrl.u32 s9, $0x3;
	s2 =	sor.u32 $0x1C09, s2;
	[bflag:$0x0] =	sbarrier.arrive $0xFFFF  }
0x24: {  	[hbm:s15], [sflag:s2] =	dma.local [spmem:s24], $0x1400  }
0x25: {  	s0 =	sadd.s32 $0x1, s0;
	_ =	swait.ge [sflag:s23], $0x1400  }
0x26: {  	p2 =	sne.s32 s0, s21;
	[sflag:s23] =	ssyncset.done $0x0  }
0x27: {  	s2 =	simm.s32 @!p1 $0x0;
	s24 =	simm.s32 @!p1 $0x1BD00;
	[sflag:s23] =	ssyncadd.s32 $0xFFFFEC00  }
0x28: {  	[hbm4b:s17+s2] =	stream.linear.scatter @!p1 [tilespmem:s24], [sflag:$0x9], $0x2800, $0x38;
	[tilespmem:$0x1E500] =	vst v63  }
.Ltmp1:
0x29: {  	_ = 	snop;
	(pc) =	sbr.rel @!p2 .LBB2_13-.Ltmp1, $4  }
0x2a: {  	s2 =	simm.s32 @!p1 $0x9  }
0x2b: {  	_ =	swait.ge @!p1 [sflag:s2], $0x2800  }
0x2c: {  	[sflag:s2] =	ssyncset.done @!p1 $0x0  }
0x2d: {  	[sflag:s2] =	ssyncadd.s32 @!p1 $0xFFFFD800  }
.LBB2_1:
0x2e: {  	[tilespmem:s22], [sflag:$0x9] =	stream.linear.gather [hbm4b:s5+s3], $0x4E00, $0x38;
	[tilespmem:$0x1E500] =	vst v63  }
0x2f: {  	_ =	swait.ge [sflag:s23], $0x4E00  }
0x30: {  	[sflag:s23] =	ssyncset.done $0x0  }
0x31: {  	s2 =	simm.s32 $0xEE80;
	[sflag:s23] =	ssyncadd.s32 $0xFFFFB200  }
0x32: {  	[tilespmem:s2], [sflag:$0x9] =	stream.linear.gather [hbm4b:s6+s3], $0x4E00, $0x38;
	[tilespmem:$0x1E500] =	vst v63  }
0x33: {  	_ =	swait.ge [sflag:s23], $0x4E00  }
0x34: {  	[sflag:s23] =	ssyncset.done $0x0  }
0x35: {  	s24 =	simm.s32 @!p0 $0x0;
	s28 =	simm.s32 @!p0 $0xEE00;
	[sflag:s23] =	ssyncadd.s32 $0xFFFFB200  }
0x36: {  	[tilespmem:s28], [sflag:$0x9] =	stream.linear.gather @!p0 [hbm4b:s7+s24], $0x80, $0x38;
	[tilespmem:$0x1E500] =	vst v63  }
0x37: {  	s28 =	simm.s32 @!p0 $0x9  }
0x38: {  	_ =	swait.ge @!p0 [sflag:s28], $0x80  }
0x39: {  	[sflag:s28] =	ssyncset.done @!p0 $0x0  }
0x3a: {  	s29 =	simm.s32 @!p0 $0x13C80;
	[sflag:s28] =	ssyncadd.s32 @!p0 $0xFFFFFF80  }
0x3b: {  	[tilespmem:s29], [sflag:$0x9] =	stream.linear.gather @!p0 [hbm4b:s8+s24], $0x80, $0x38;
	[tilespmem:$0x1E500] =	vst v63  }
0x3c: {  	_ =	swait.ge @!p0 [sflag:s28], $0x80  }
0x3d: {  	[sflag:s28] =	ssyncset.done @!p0 $0x0  }
0x3e: {  	s24 =	simm.s32 $0x13D80;
	[sflag:s28] =	ssyncadd.s32 @!p0 $0xFFFFFF80  }
0x3f: {  	[tilespmem:s24+$0xFFFFFF80] =	vst v0  }
0x40: {  	[tilespmem:s24+$0x70] =	vst v0  }
0x41: {  	[tilespmem:s24+$0x60] =	vst v0  }
0x42: {  	[tilespmem:s24+$0x50] =	vst v0  }
0x43: {  	[tilespmem:s24+$0x40] =	vst v0  }
0x44: {  	[tilespmem:s24+$0x30] =	vst v0  }
0x45: {  	[tilespmem:s24+$0x20] =	vst v0  }
0x46: {  	[tilespmem:s24+$0x10] =	vst v0  }
0x47: {  	[tilespmem:s24+$0x0] =	vst v0  }
0x48: {  	[tilespmem:s24+$0xFFFFFFF0] =	vst v0  }
0x49: {  	[tilespmem:s24+$0xFFFFFFE0] =	vst v0  }
0x4a: {  	[tilespmem:s24+$0xFFFFFFD0] =	vst v0  }
0x4b: {  	[tilespmem:s24+$0xFFFFFFC0] =	vst v0  }
0x4c: {  	[tilespmem:s24+$0xFFFFFFB0] =	vst v0  }
0x4d: {  	s28 =	simm.s32 $0x0;
	[tilespmem:s24+$0xFFFFFFA0] =	vst v0  }
.LBB2_2:
0x4e: {  	s28 =	sadd.s32 $0x4, s28;
	[tilespmem:s24+$0xFFFFFF90] =	vst v0;
	s24 =	sadd.s32 $0x100, s24  }
0x4f: {  	[tilespmem:s24+$0xFFFFFF80] =	vst v0;
	p2 =	slt.u32 s28, $0x7C  }
0x50: {  	[tilespmem:s24+$0x70] =	vst v0  }
0x51: {  	[tilespmem:s24+$0x60] =	vst v0  }
0x52: {  	[tilespmem:s24+$0x50] =	vst v0  }
0x53: {  	[tilespmem:s24+$0x40] =	vst v0  }
0x54: {  	[tilespmem:s24+$0x30] =	vst v0  }
0x55: {  	[tilespmem:s24+$0x20] =	vst v0  }
0x56: {  	[tilespmem:s24+$0x10] =	vst v0  }
0x57: {  	[tilespmem:s24+$0x0] =	vst v0  }
0x58: {  	[tilespmem:s24+$0xFFFFFFF0] =	vst v0  }
.Ltmp2:
0x59: {  	[tilespmem:s24+$0xFFFFFFE0] =	vst v0;
	(pc) =	sbr.rel @p2 .LBB2_2-.Ltmp2, $4  }
0x5a: {  	[tilespmem:s24+$0xFFFFFFD0] =	vst v0  }
0x5b: {  	[tilespmem:s24+$0xFFFFFFC0] =	vst v0  }
0x5c: {  	[tilespmem:s24+$0xFFFFFFB0] =	vst v0  }
0x5d: {  	[tilespmem:s24+$0xFFFFFFA0] =	vst v0  }
.Ltmp3:
0x5e: {  	(pc) =	sbr.rel @p1 .LBB2_7-.Ltmp3, $2  }
0x5f: {  	_ =	sdelay $0x2  }
0x60: {  	[tilespmem:s24+$0xFFFFFF90] =	vst v0  }
0x61: {  	s24 =	simm.s32 $0x1BD40  }
0x62: {  	[tilespmem:s24+$0xFFFFFFC0] =	vst v0  }
0x63: {  	[tilespmem:s24+$0x30] =	vst v0  }
0x64: {  	[tilespmem:s24+$0x20] =	vst v0  }
0x65: {  	[tilespmem:s24+$0x10] =	vst v0  }
0x66: {  	[tilespmem:s24+$0x0] =	vst v0  }
0x67: {  	[tilespmem:s24+$0xFFFFFFF0] =	vst v0  }
0x68: {  	s28 =	simm.s32 $0x0;
	[tilespmem:s24+$0xFFFFFFE0] =	vst v0  }
.LBB2_5:
0x69: {  	s28 =	sadd.s32 $0x8, s28;
	[tilespmem:s24+$0xFFFFFFD0] =	vst v0;
	s24 =	sadd.s32 $0x80, s24  }
0x6a: {  	[tilespmem:s24+$0xFFFFFFC0] =	vst v0;
	p2 =	slt.u32 s28, $0x278  }
0x6b: {  	[tilespmem:s24+$0x30] =	vst v0  }
.Ltmp4:
0x6c: {  	[tilespmem:s24+$0x20] =	vst v0;
	(pc) =	sbr.rel @p2 .LBB2_5-.Ltmp4, $4  }
0x6d: {  	[tilespmem:s24+$0x10] =	vst v0  }
0x6e: {  	[tilespmem:s24+$0x0] =	vst v0  }
0x6f: {  	[tilespmem:s24+$0xFFFFFFF0] =	vst v0  }
0x70: {  	[tilespmem:s24+$0xFFFFFFE0] =	vst v0  }
0x71: {  	[tilespmem:s24+$0xFFFFFFD0] =	vst v0  }
.LBB2_7:
0x72: {  	[spmem:s9] =	stream.linear.scatter [tilespmem:s25], [sflag:$0x9], $0x2000, $0x38;
	[tilespmem:$0x1E500] =	vst v63  }
0x73: {  	_ =	swait.ge [sflag:s23], $0x2000  }
0x74: {  	[sflag:s23] =	ssyncset.done $0x0  }
0x75: {  	[sflag:s23] =	ssyncadd.s32 $0xFFFFE000  }
0x76: {  	[spmem:s10] =	stream.linear.scatter [tilespmem:s25], [sflag:$0x9], $0x2000, $0x38;
	[tilespmem:$0x1E500] =	vst v63  }
0x77: {  	_ =	swait.ge [sflag:s23], $0x2000  }
0x78: {  	[sflag:s23] =	ssyncset.done $0x0  }
0x79: {  	[sflag:s23] =	ssyncadd.s32 $0xFFFFE000  }
0x7a: {  	[spmem:s11] =	stream.linear.scatter [tilespmem:s25], [sflag:$0x9], $0x2000, $0x38;
	[tilespmem:$0x1E500] =	vst v63  }
0x7b: {  	_ =	swait.ge [sflag:s23], $0x2000  }
0x7c: {  	[sflag:s23] =	ssyncset.done $0x0  }
0x7d: {  	[sflag:s23] =	ssyncadd.s32 $0xFFFFE000  }
0x7e: {  	[spmem:s12] =	stream.linear.scatter [tilespmem:s25], [sflag:$0x9], $0x2000, $0x38;
	[tilespmem:$0x1E500] =	vst v63  }
0x7f: {  	_ =	swait.ge [sflag:s23], $0x2000  }
0x80: {  	[sflag:s23] =	ssyncset.done $0x0  }
0x81: {  	[sflag:s23] =	ssyncadd.s32 $0xFFFFE000  }
0x82: {  	[spmem:s13] =	stream.linear.scatter [tilespmem:s25], [sflag:$0x9], $0x2000, $0x38;
	[tilespmem:$0x1E500] =	vst v63  }
0x83: {  	_ =	swait.ge [sflag:s23], $0x2000  }
0x84: {  	[sflag:s23] =	ssyncset.done $0x0  }
0x85: {  	[sflag:s23] =	ssyncadd.s32 $0xFFFFE000  }
0x86: {  	[bflag:$0x0] =	sbarrier.arrive $0xFFFF  }
0x87: {  	[tilespmem:s25], [sflag:$0x1] =	stream.indirect.gather [hbm4b:s14+s26], $0x40, s22, s26, $0xb8;
	[tilespmem:$0x1E500] =	vst v63  }
.Ltmp5:
0x88: {  	s2 =	simm.s32 $0xA080;
	(pc) =	sbr.rel .LBB2_8-.Ltmp5, $4  }
0x89: {  	s24 =	simm.s32 $0x15D00;
	s30 =	simm.s32 $0xA100;
	s31 =	simm.s32 $0x17D00  }
0x8a: {  	[tilespmem:s24], [sflag:$0x2] =	stream.indirect.gather [hbm4b:s14+s26], $0x40, s2, s26, $0xb8;
	[tilespmem:$0x1E500] =	vst v63  }
0x8b: {  	s28 =	simm.s32 $0xEE80;
	s29 =	simm.s32 $0xA180;
	s24 =	simm.s32 $0x0  }
0x8c: {  	[tilespmem:s31], [sflag:$0x3] =	stream.indirect.gather [hbm4b:s14+s26], $0x40, s30, s26, $0xb8;
	[tilespmem:$0x1E500] =	vst v63  }
.LBB2_10:
0x8d: {  	p2 =	seq.s32 s31, $0x2  }
0x8e: {  	p3 =	sge.u32 @p2 s30, s4  }
0x8f: {  	p4 =	por p3, !p2  }
0x90: {  	p5 =	seq.s32 @!p4 s24, $0x0  }
0x91: {  	p3 =	por @p2 p5, p3  }
0x92: {  	p3 =	por p3, !p2  }
0x93: {  	s2 =	simm.s32 @!p3 $0x6  }
0x94: {  	_ =	swait.ge @!p3 [sflag:s2], $0x2000  }
0x95: {  	s31 =	simm.s32 @!p4 $0x15D00;
	[sflag:s2] =	ssyncset.done @!p3 $0x0  }
0x96: {  	[sflag:s2] =	ssyncadd.s32 @!p3 $0xFFFFE000;
	s2 =	simm.s32 @!p4 $0x80;
	p3 =	sge.u32 @!p2 s30, s4  }
0x97: {  	[tilespmem:s31], [sflag:$0x2] =	stream.indirect.gather @!p4 [hbm4b:s14+s2], $0x40, s29, s2, $0xb8;
	[tilespmem:$0x1E500] =	vst v63  }
0x98: {  	s2 =	simm.s32 @p2 $0x3;
	p4 =	por p3, p2  }
0x99: {  	_ =	swait.ge @p2 [sflag:s2], $0x2000;
	p5 =	seq.s32 @!p4 s24, $0x0  }
0x9a: {  	s31 =	simm.s32 @p2 $0x17D00;
	[sflag:s2] =	ssyncset.done @p2 $0x0;
	p3 =	por @!p2 p5, p3  }
0x9b: {  	[sflag:s2] =	ssyncadd.s32 @p2 $0xFFFFE000;
	s2 =	simm.s32 @p2 $0x80;
	p3 =	por p3, p2  }
0x9c: {  	[spmem:s1] =	stream.indirect.scatter.add.f32 @p2 [tilespmem:s31], [sflag:$0x7], $0x40, s28, s2, $0xb8;
	[tilespmem:$0x1E500] =	vst v63  }
0x9d: {  	s2 =	simm.s32 @!p3 $0x7  }
0x9e: {  	_ =	swait.ge @!p3 [sflag:s2], $0x2000  }
0x9f: {  	[sflag:s2] =	ssyncset.done @!p3 $0x0  }
0xa0: {  	s30 =	simm.s32 @!p4 $0x17D00;
	[sflag:s2] =	ssyncadd.s32 @!p3 $0xFFFFE000;
	s2 =	simm.s32 @!p4 $0x80  }
0xa1: {  	[tilespmem:s30], [sflag:$0x3] =	stream.indirect.gather @!p4 [hbm4b:s14+s2], $0x40, s29, s2, $0xb8;
	[tilespmem:$0x1E500] =	vst v63  }
0xa2: {  	s2 =	simm.s32 @!p2 $0x4  }
0xa3: {  	_ =	swait.ge @!p2 [sflag:s2], $0x2000  }
0xa4: {  	[sflag:s2] =	ssyncset.done @!p2 $0x0  }
0xa5: {  	s30 =	simm.s32 @!p2 $0x19D00;
	[sflag:s2] =	ssyncadd.s32 @!p2 $0xFFFFE000;
	s2 =	simm.s32 @!p2 $0x80  }
0xa6: {  	[spmem:s1] =	stream.indirect.scatter.add.f32 @!p2 [tilespmem:s30], [sflag:$0x8], $0x40, s28, s2, $0xb8;
	[tilespmem:$0x1E500] =	vst v63  }
.LBB2_11:
0xa7: {  	s24 =	sadd.s32 $0x1, s24  }
0xa8: {  	p2 =	sne.s32 s4, s24  }
.Ltmp6:
0xa9: {  	_ = 	snop;
	(pc) =	sbr.rel @!p2 .LBB2_12-.Ltmp6, $2  }
0xaa: {  	_ =	sdelay $0x2  }
0xab: {  	s28 =	sadd.s32 $0x80, s28;
	s29 =	sadd.s32 $0x80, s29  }
.LBB2_8:
0xac: {  	v1 =	vld @!p1 [tilespmem:s28+$0x0];
	_ =	sdelay $0x6  }
0xad: {  	v2 =	vimm.f32 @!p1 $1.000000000e+00;
	s30 =	simm.s32 @!p1 $0x1BD00  }
0xae: {  	[tilespmem:v1+s30+$0x0] =	vst.idx.add.f32.msk @!p1 $0xffff, v2  }
0xaf: {  	v1 =	vld @!p1 [tilespmem:s28+$0x10];
	_ =	sdelay $0x7  }
0xb0: {  	[tilespmem:v1+s30+$0x0] =	vst.idx.add.f32.msk @!p1 $0xffff, v2  }
0xb1: {  	v1 =	vld @!p1 [tilespmem:s28+$0x20];
	_ =	sdelay $0x7  }
0xb2: {  	[tilespmem:v1+s30+$0x0] =	vst.idx.add.f32.msk @!p1 $0xffff, v2  }
0xb3: {  	v1 =	vld @!p1 [tilespmem:s28+$0x30];
	_ =	sdelay $0x7  }
0xb4: {  	[tilespmem:v1+s30+$0x0] =	vst.idx.add.f32.msk @!p1 $0xffff, v2  }
0xb5: {  	v1 =	vld @!p1 [tilespmem:s28+$0x40];
	_ =	sdelay $0x7  }
0xb6: {  	[tilespmem:v1+s30+$0x0] =	vst.idx.add.f32.msk @!p1 $0xffff, v2  }
0xb7: {  	v1 =	vld @!p1 [tilespmem:s28+$0x50];
	_ =	sdelay $0x7  }
0xb8: {  	[tilespmem:v1+s30+$0x0] =	vst.idx.add.f32.msk @!p1 $0xffff, v2  }
0xb9: {  	v1 =	vld @!p1 [tilespmem:s28+$0x60];
	_ =	sdelay $0x7  }
0xba: {  	[tilespmem:v1+s30+$0x0] =	vst.idx.add.f32.msk @!p1 $0xffff, v2  }
0xbb: {  	v1 =	vld @!p1 [tilespmem:s28+$0x70];
	_ =	sdelay $0x1  }
0xbc: {  	s31 =	sand.u32 $0x3, s24  }
0xbd: {  	p2 =	sgt.s32 s31, $0x1  }
.Ltmp7:
0xbe: {  	_ = 	snop;
	(pc) =	sbr.rel @p2 .LBB2_10-.Ltmp7, $2  }
0xbf: {  	_ =	sdelay $0x2  }
0xc0: {  	[tilespmem:v1+s30+$0x0] =	vst.idx.add.f32.msk @!p1 $0xffff, v2;
	s30 =	sadd.s32 $0x3, s24  }
0xc1: {  	p2 =	seq.s32 s31, $0x0  }
0xc2: {  	p3 =	sge.u32 @p2 s30, s4  }
0xc3: {  	p4 =	por p3, !p2  }
0xc4: {  	p5 =	seq.s32 @!p4 s24, $0x0  }
0xc5: {  	p3 =	por @p2 p5, p3  }
0xc6: {  	p3 =	por p3, !p2  }
0xc7: {  	s31 =	simm.s32 @!p3 $0x8  }
0xc8: {  	_ =	swait.ge @!p3 [sflag:s31], $0x2000  }
0xc9: {  	s2 =	simm.s32 @!p4 $0x19D00;
	[sflag:s31] =	ssyncset.done @!p3 $0x0  }
0xca: {  	[sflag:s31] =	ssyncadd.s32 @!p3 $0xFFFFE000;
	s31 =	simm.s32 @!p4 $0x80;
	p3 =	slt.u32 @!p2 s30, s4  }
0xcb: {  	[tilespmem:s2], [sflag:$0x4] =	stream.indirect.gather @!p4 [hbm4b:s14+s31], $0x40, s29, s31, $0xb8;
	[tilespmem:$0x1E500] =	vst v63  }
0xcc: {  	s2 =	simm.s32 @p2 $0x1;
	p4 =	por !p3, p2  }
0xcd: {  	_ =	swait.ge @p2 [sflag:s2], $0x2000;
	p5 =	seq.s32 @!p4 s24, $0x0  }
0xce: {  	s31 =	simm.s32 @p2 $0x13D00;
	[sflag:s2] =	ssyncset.done @p2 $0x0;
	p5 =	por @!p2 p5, !p3  }
0xcf: {  	[sflag:s2] =	ssyncadd.s32 @p2 $0xFFFFE000;
	s2 =	simm.s32 @p2 $0x80;
	p5 =	por p5, p2  }
0xd0: {  	[spmem:s1] =	stream.indirect.scatter.add.f32 @p2 [tilespmem:s31], [sflag:$0x5], $0x40, s28, s2, $0xb8;
	[tilespmem:$0x1E500] =	vst v63  }
0xd1: {  	s2 =	simm.s32 @!p5 $0x5  }
0xd2: {  	_ =	swait.ge @!p5 [sflag:s2], $0x2000  }
0xd3: {  	[sflag:s2] =	ssyncset.done @!p5 $0x0  }
0xd4: {  	s30 =	simm.s32 @!p4 $0x13D00;
	[sflag:s2] =	ssyncadd.s32 @!p5 $0xFFFFE000;
	s2 =	simm.s32 @!p4 $0x80  }
0xd5: {  	[tilespmem:s30], [sflag:$0x1] =	stream.indirect.gather @!p4 [hbm4b:s14+s2], $0x40, s29, s2, $0xb8;
	[tilespmem:$0x1E500] =	vst v63  }
0xd6: {  	s30 =	simm.s32 @!p4 $0x2  }
0xd7: {  	_ =	swait.ge @!p4 [sflag:s30], $0x2000  }
0xd8: {  	[sflag:s30] =	ssyncset.done @!p4 $0x0  }
0xd9: {  	p2 =	por p3, p2;
	[sflag:s30] =	ssyncadd.s32 @!p4 $0xFFFFE000;
	s30 =	simm.s32 @!p4 $0x15D00  }
0xda: {  	[spmem:s1] =	stream.indirect.scatter.add.f32 @!p4 [tilespmem:s30], [sflag:$0x6], $0x40, s28, s2, $0xb8;
	[tilespmem:$0x1E500] =	vst v63  }
.Ltmp8:
0xdb: {  	s2 =	simm.s32 @!p2 $0x2;
	(pc) =	sbr.rel .LBB2_11-.Ltmp8, $4  }
0xdc: {  	_ =	swait.ge @!p2 [sflag:s2], $0x2000  }
0xdd: {  	[sflag:s2] =	ssyncset.done @!p2 $0x0  }
0xde: {  	s30 =	simm.s32 @!p2 $0x15D00;
	[sflag:s2] =	ssyncadd.s32 @!p2 $0xFFFFE000;
	s2 =	simm.s32 @!p2 $0x80  }
0xdf: {  	[spmem:s1] =	stream.indirect.scatter.add.f32 @!p2 [tilespmem:s30], [sflag:$0x6], $0x40, s28, s2, $0xb8;
	[tilespmem:$0x1E500] =	vst v63  }
.LBB2_13:
0xe0: {  	_ =	sfence.sel $0x180000  }
0xe1: {  	[bflag:$0x0] =	sbarrier.arrive $0xFFFF  }
0xe2: {  	_ =	strace $0x90000047  }
0xe3: {  	s0 =	stileid.u32;
	[bflag:$0x2] =	sbarrier.arrive $0xFFFF  }
0xe4: {  	p0 =	sne.s32 s0, $0x0;
	s0 =	rddreg [dreg:$0x2]  }
0xe5: {  	s0 =	sadd.s32 @!p0 $0x100000, s0  }
0xe6: {  	[sflag:s0] =	ssyncadd.tile.s32 @!p0 $0x1;
	_ =	shalt  }
.Lfunc_end2:
_tile_overlayer_lowered:
.L_overlay_start_2:
0xe7: {  	(tag) =	ssettag $0x2  }
0xe8: {  	s0 =	rddreg [dreg:$0x0];
	s2 =	stileid.u32  }
0xe9: {  	s1 =	rddreg [dreg:$0x1];
	p0 =	sne.s32 s2, $0x0  }
0xea: {  	s3 =	rddreg [dreg:$0x2];
	[bflag:$0x3] =	sbarrier.arrive $0xFFFF;
	s2 =	simm.s32 @!p0 $0x1C09  }
0xeb: {  	[timem:s3], [sflag:s2] =	dma.local @!p0 [hbm:s0], s1  }
0xec: {  	s0 =	simm.s32 @!p0 $0x9  }
0xed: {  	_ =	swait.ge @!p0 [sflag:s0], s1  }
0xee: {  	s1 =	ssub.s32 @!p0 $0x0, s1;
	[sflag:s0] =	ssyncset.done @!p0 $0x0  }
0xef: {  	[sflag:s0] =	ssyncadd.s32 @!p0 s1  }
0xf0: {  	[bflag:$0x3] =	sbarrier.arrive $0xFFFF  }
0xf1: {  	_ =	shalt  }

</sc_bundles>
